<compile_context>
chip_gen: v7x
topology: tpu7x:2x2x1
jax: 0.10.2.dev20260603
libtpu: 0.0.44.dev20260713+nightly
codegen_flags: <defaults>
</compile_context>

<pallas_src>
import functools

import jax
import jax.numpy as jnp
from jax import lax
from jax.experimental import pallas as pl
from jax.experimental.pallas import tpu as pltpu
from jax.experimental.pallas import tpu_sc as plsc

NC = 2
NS = 16
NW = NC * NS
LANES = 16

_MESH = dict(core_axis_name="c", subcore_axis_name="s", num_cores=NC,
             num_subcores=NS)


def _wid():
    return lax.axis_index("s") * NC + lax.axis_index("c")


def _make_deg_kernel(n_hist, epw_pad):
    mesh = plsc.VectorSubcoreMesh(**_MESH)

    @functools.partial(
        pl.kernel,
        out_type=jax.ShapeDtypeStruct((NW, n_hist), jnp.float32),
        mesh=mesh,
        compiler_params=pltpu.CompilerParams(needs_layout_passes=False),
        scratch_types=[
            pltpu.VMEM((n_hist,), jnp.float32),
            pltpu.VMEM((epw_pad,), jnp.int32),
        ],
    )
    def deg_kernel(dst_hbm, out_hbm, hist_v, dst_v):
        wid = _wid()
        pltpu.sync_copy(dst_hbm.at[wid], dst_v)
        zeros16 = jnp.zeros((LANES,), jnp.float32)
        ones16 = jnp.ones((LANES,), jnp.float32)

        def zero_body(i, c):
            hist_v[pl.ds(i * LANES, LANES)] = zeros16
            return c

        lax.fori_loop(0, n_hist // LANES, zero_body, 0)

        def hist_body(i, c):
            idx = dst_v[pl.ds(i * LANES, LANES)]
            plsc.addupdate_scatter(hist_v, [idx], ones16)
            return c

        lax.fori_loop(0, epw_pad // LANES, hist_body, 0)
        pltpu.sync_copy(hist_v, out_hbm.at[wid])

    return deg_kernel


def _dinv_tc(degparts):
    nw, n_hist = degparts.shape

    def body(d_ref, o_ref):
        s = jnp.sum(d_ref[...], axis=0, keepdims=True)
        o_ref[...] = lax.rsqrt(s + 1.0)

    return pl.pallas_call(
        body,
        out_shape=jax.ShapeDtypeStruct((1, n_hist), jnp.float32),
    )(degparts)


def _make_agg_kernel(n_pad, half, nchunk, k):
    mesh = plsc.VectorSubcoreMesh(**_MESH)
    rows_per_tile = n_pad // NS
    zrows = 128

    @functools.partial(
        pl.kernel,
        out_type=jax.ShapeDtypeStruct((NC, n_pad, half), jnp.float32),
        mesh=mesh,
        compiler_params=pltpu.CompilerParams(use_tc_tiling_on_sc=False),
        scratch_types=[
            pltpu.VMEM((nchunk, k), jnp.int32),
            pltpu.VMEM((nchunk, k), jnp.int32),
            pltpu.VMEM((k, half), jnp.float32),
            pltpu.VMEM((k, half), jnp.float32),
            pltpu.VMEM((k, half), jnp.float32),
            pltpu.VMEM((k, half), jnp.float32),
            pltpu.VMEM((zrows, half), jnp.float32),
            pltpu.VMEM_SHARED((n_pad, half), jnp.float32),
            pltpu.SemaphoreType.DMA,
            pltpu.SemaphoreType.DMA,
            pltpu.SemaphoreType.DMA,
            pltpu.SemaphoreType.DMA,
            pltpu.SemaphoreType.DMA,
            pltpu.SemaphoreType.DMA,
            pltpu.SemaphoreType.DMA,
            pltpu.SemaphoreType.DMA,
        ],
    )
    def agg_kernel(ulo_hbm, uhi_hbm, src_hbm, dst_hbm, out_hbm,
                   src_v, dst_v, rows_a, rows_b, rows_c, rows_d, zbuf_v,
                   agg_s, gsem_a, gsem_b, gsem_c, gsem_d,
                   ssem_a, ssem_b, ssem_c, ssem_d):
        cid = lax.axis_index("c")
        sid = lax.axis_index("s")
        pltpu.sync_copy(src_hbm.at[sid], src_v)
        pltpu.sync_copy(dst_hbm.at[sid], dst_v)

        zeros16 = jnp.zeros((LANES,), jnp.float32)

        def zb(i, c):
            for j in range(half // LANES):
                zbuf_v[i, pl.ds(j * LANES, LANES)] = zeros16
            return c

        lax.fori_loop(0, zrows, zb, 0)

        def zcopy(j, c):
            pltpu.sync_copy(
                zbuf_v, agg_s.at[pl.ds(sid * rows_per_tile + j * zrows, zrows)])
            return c

        lax.fori_loop(0, rows_per_tile // zrows, zcopy, 0)
        plsc.subcore_barrier()

        nb = 4
        rows = (rows_a, rows_b, rows_c, rows_d)
        gsem = (gsem_a, gsem_b, gsem_c, gsem_d)
        ssem = (ssem_a, ssem_b, ssem_c, ssem_d)

        def run(u_hbm):
            for b in range(nb):
                pltpu.async_copy(u_hbm.at[src_v.at[b]], rows[b], gsem[b])

            def step(j, c):
                for b in range(nb):
                    i = nb * j + b
                    pltpu.make_async_copy(
                        u_hbm.at[src_v.at[i]], rows[b], gsem[b]).wait()
                    pltpu.async_copy(
                        rows[b], agg_s.at[dst_v.at[i]], ssem[b],
                        add=True).wait()

                    @pl.when(i + nb < nchunk)
                    def _():
                        pltpu.async_copy(
                            u_hbm.at[src_v.at[i + nb]], rows[b], gsem[b])
                return c

            lax.fori_loop(0, nchunk // nb, step, 0)
            for b in range(nchunk % nb):
                i = (nchunk // nb) * nb + b
                pltpu.make_async_copy(
                    u_hbm.at[src_v.at[i]], rows[b], gsem[b]).wait()
                pltpu.sync_copy(rows[b], agg_s.at[dst_v.at[i]], add=True)

        @pl.when(cid == 0)
        def _():
            run(ulo_hbm)

        @pl.when(cid == 1)
        def _():
            run(uhi_hbm)

        plsc.subcore_barrier()
        pltpu.sync_copy(agg_s.at[pl.ds(sid * rows_per_tile, rows_per_tile)],
                        out_hbm.at[cid, pl.ds(sid * rows_per_tile,
                                              rows_per_tile)])

    return agg_kernel


def _make_decode_kernel(hid, nchunk, k):
    mesh = plsc.VectorSubcoreMesh(**_MESH)
    per_tile = nchunk * k

    @functools.partial(
        pl.kernel,
        out_type=jax.ShapeDtypeStruct((NW, per_tile), jnp.float32),
        mesh=mesh,
        compiler_params=pltpu.CompilerParams(needs_layout_passes=False),
        scratch_types=[
            pltpu.VMEM((nchunk, k), jnp.int32),
            pltpu.VMEM((nchunk, k), jnp.int32),
            pltpu.VMEM((k, hid), jnp.float32),
            pltpu.VMEM((k, hid), jnp.float32),
            pltpu.VMEM((k, hid), jnp.float32),
            pltpu.VMEM((k, hid), jnp.float32),
            pltpu.VMEM((per_tile,), jnp.float32),
            pltpu.SemaphoreType.DMA,
            pltpu.SemaphoreType.DMA,
        ],
    )
    def decode_kernel(z_hbm, sl_hbm, dl_hbm, out_hbm,
                      sidx_v, didx_v, srows_a, drows_a, srows_b, drows_b,
                      out_v, sem_a, sem_b):
        wid = _wid()
        pltpu.sync_copy(sl_hbm.at[wid], sidx_v)
        pltpu.sync_copy(dl_hbm.at[wid], didx_v)

        lane = lax.broadcasted_iota(jnp.int32, (LANES,), 0)
        srows = (srows_a, srows_b)
        drows = (drows_a, drows_b)
        sems = (sem_a, sem_b)

        def start(i, b):
            pltpu.async_copy(z_hbm.at[sidx_v.at[i]], srows[b], sems[b])
            pltpu.async_copy(z_hbm.at[didx_v.at[i]], drows[b], sems[b])

        def wait(i, b):
            pltpu.make_async_copy(z_hbm.at[sidx_v.at[i]], srows[b],
                                  sems[b]).wait()
            pltpu.make_async_copy(z_hbm.at[didx_v.at[i]], drows[b],
                                  sems[b]).wait()

        start(0, 0)
        for i in range(nchunk):
            b = i % 2
            if i + 1 < nchunk:
                start(i + 1, 1 - b)
            wait(i, b)

            def group(g, c2, _i=i, _b=b):
                def edge(e, res):
                    row = g * LANES + e
                    acc = jnp.zeros((LANES,), jnp.float32)
                    for j in range(hid // LANES):
                        a = srows[_b][row, pl.ds(j * LANES, LANES)]
                        bb = drows[_b][row, pl.ds(j * LANES, LANES)]
                        acc = acc + a * bb
                    s = jnp.sum(acc)
                    return jnp.where(lane == e, s, res)

                res = lax.fori_loop(0, LANES, edge,
                                    jnp.zeros((LANES,), jnp.float32))
                out_v[pl.ds(_i * k + g * LANES, LANES)] = res
                return c2

            lax.fori_loop(0, k // LANES, group, 0)
        pltpu.sync_copy(out_v, out_hbm.at[wid])

    return decode_kernel


def _scaled_matmul(x, w, dinv_col, bm, half):
    n, d_in = x.shape
    d_out = w.shape[1]

    def body(x_ref, w_ref, dv_ref, lo_ref, hi_ref):
        u = dv_ref[...] * jnp.dot(
            x_ref[...], w_ref[...], preferred_element_type=jnp.float32)
        lo_ref[...] = u[:, :half]
        hi_ref[...] = u[:, half:]

    return pl.pallas_call(
        body,
        grid=(n // bm,),
        in_specs=[
            pl.BlockSpec((bm, d_in), lambda i: (i, 0)),
            pl.BlockSpec((d_in, d_out), lambda i: (0, 0)),
            pl.BlockSpec((bm, 1), lambda i: (i, 0)),
        ],
        out_specs=[
            pl.BlockSpec((bm, half), lambda i: (i, 0)),
            pl.BlockSpec((bm, half), lambda i: (i, 0)),
        ],
        out_shape=[
            jax.ShapeDtypeStruct((n, half), jnp.float32),
            jax.ShapeDtypeStruct((n, half), jnp.float32),
        ],
    )(x, w, dinv_col)


def _layer2_matmul(aggparts, u1_lo, u1_hi, dinv_col, b1, w2, bm, half):
    n = u1_lo.shape[0]
    hid = 2 * half

    def body(ap_ref, ulo_ref, uhi_ref, dv_ref, b_ref, w_ref, lo_ref, hi_ref):
        zlo = ap_ref[0] + ulo_ref[...]
        zhi = ap_ref[1] + uhi_ref[...]
        dv = dv_ref[...]
        zlo = jnp.maximum(dv * zlo + b_ref[:, :half], 0.0)
        zhi = jnp.maximum(dv * zhi + b_ref[:, half:], 0.0)
        u2 = dv * (
            jnp.dot(zlo, w_ref[:half, :], preferred_element_type=jnp.float32)
            + jnp.dot(zhi, w_ref[half:, :], preferred_element_type=jnp.float32))
        lo_ref[...] = u2[:, :half]
        hi_ref[...] = u2[:, half:]

    return pl.pallas_call(
        body,
        grid=(n // bm,),
        in_specs=[
            pl.BlockSpec((NC, bm, half), lambda i: (0, i, 0)),
            pl.BlockSpec((bm, half), lambda i: (i, 0)),
            pl.BlockSpec((bm, half), lambda i: (i, 0)),
            pl.BlockSpec((bm, 1), lambda i: (i, 0)),
            pl.BlockSpec((1, hid), lambda i: (0, 0)),
            pl.BlockSpec((hid, hid), lambda i: (0, 0)),
        ],
        out_specs=[
            pl.BlockSpec((bm, half), lambda i: (i, 0)),
            pl.BlockSpec((bm, half), lambda i: (i, 0)),
        ],
        out_shape=[
            jax.ShapeDtypeStruct((n, half), jnp.float32),
            jax.ShapeDtypeStruct((n, half), jnp.float32),
        ],
    )(aggparts, u1_lo, u1_hi, dinv_col, b1, w2)


def _final_z(aggparts, u2_lo, u2_hi, dinv_col, b2, bm, half):
    n = u2_lo.shape[0]
    hid = 2 * half

    def body(ap_ref, ulo_ref, uhi_ref, dv_ref, b_ref, o_ref):
        dv = dv_ref[...]
        zlo = dv * (ap_ref[0] + ulo_ref[...]) + b_ref[:, :half]
        zhi = dv * (ap_ref[1] + uhi_ref[...]) + b_ref[:, half:]
        o_ref[...] = jnp.concatenate([zlo, zhi], axis=-1)

    return pl.pallas_call(
        body,
        grid=(n // bm,),
        in_specs=[
            pl.BlockSpec((NC, bm, half), lambda i: (0, i, 0)),
            pl.BlockSpec((bm, half), lambda i: (i, 0)),
            pl.BlockSpec((bm, half), lambda i: (i, 0)),
            pl.BlockSpec((bm, 1), lambda i: (i, 0)),
            pl.BlockSpec((1, hid), lambda i: (0, 0)),
        ],
        out_specs=pl.BlockSpec((bm, hid), lambda i: (i, 0)),
        out_shape=jax.ShapeDtypeStruct((n, hid), jnp.float32),
    )(aggparts, u2_lo, u2_hi, dinv_col, b2)


def kernel(x, edge_index, edge_label_index, W1, b1, W2, b2):
    n, _ = x.shape
    hid = W1.shape[1]
    half = hid // 2
    e = edge_index.shape[1]
    nl = edge_label_index.shape[1]
    bm = 2000

    src = edge_index[0]
    dst = edge_index[1]
    epc = e // NS
    n_pad = -(-n // (NS * 128)) * (NS * 128)

    epw = e // NW
    pad = (-epw) % LANES
    n_hist = n + LANES
    dst_r = dst.reshape(NW, epw)
    sent = jnp.arange(n, n + pad, dtype=jnp.int32)
    dst_pad = jnp.concatenate(
        [dst_r, jnp.broadcast_to(sent, (NW, pad))], axis=1)
    degparts = _make_deg_kernel(n_hist, epw + pad)(dst_pad)

    dinv_row = _dinv_tc(degparts)
    dinv_col = dinv_row[0, :n].reshape(n, 1)

    k = 80
    nchunk = epc // k
    src_r = src.reshape(NS, nchunk, k)
    dst_rr = dst.reshape(NS, nchunk, k)
    agg = _make_agg_kernel(n_pad, half, nchunk, k)

    u1_lo, u1_hi = _scaled_matmul(x, W1, dinv_col, bm, half)
    agg1 = agg(u1_lo, u1_hi, src_r, dst_rr)
    u2_lo, u2_hi = _layer2_matmul(agg1, u1_lo, u1_hi, dinv_col,
                                  b1.reshape(1, hid), W2, bm, half)
    agg2 = agg(u2_lo, u2_hi, src_r, dst_rr)
    z2 = _final_z(agg2, u2_lo, u2_hi, dinv_col, b2.reshape(1, hid), bm, half)

    kd = 128
    per_tile = -(-nl // (NW * kd)) * kd
    tot = NW * per_tile
    sl = jnp.pad(edge_label_index[0], (0, tot - nl)).reshape(
        NW, per_tile // kd, kd)
    dl = jnp.pad(edge_label_index[1], (0, tot - nl)).reshape(
        NW, per_tile // kd, kd)
    scores = _make_decode_kernel(hid, per_tile // kd, kd)(z2, sl, dl)
    return scores.reshape(-1)[:nl]

# --- scband reference (transcript-rebuilt; emitter-appended) ---
"""Pipeline reference for scband-gcn-3685081940487 (READ-ONLY COPY).

The authoritative reference and input builder live on the scoring server;
editing this copy changes nothing except your own understanding.
"""

import jax, jax.numpy as jnp
import numpy as np

N_NODES = 10000
N_EDGES = 160000
N_LABEL = 20000
D_IN = 256
HIDDEN = 128


def gcn_conv(x, edge_index, W, b):
    # PyG GCNConv: linear transform, add self-loops, symmetric normalization, scatter-add
    n = x.shape[0]
    x = x @ W
    loops = jnp.arange(n, dtype=edge_index.dtype)
    src = jnp.concatenate([edge_index[0], loops])
    dst = jnp.concatenate([edge_index[1], loops])
    deg = jnp.zeros((n,), dtype=x.dtype).at[dst].add(1.0)
    dinv = jnp.where(deg > 0, 1.0 / jnp.sqrt(deg), 0.0)
    norm = dinv[src] * dinv[dst]
    msg = x[src] * norm[:, None]
    out = jnp.zeros_like(x).at[dst].add(msg)
    return out + b


def setup_inputs(seed: int = 0) -> dict:
    key = jax.random.key(seed)
    ks = jax.random.split(key, 8)
    x = jax.random.normal(ks[0], (N_NODES, D_IN), dtype=jnp.float32)
    edge_index = jax.random.randint(ks[1], (2, N_EDGES), 0, N_NODES, dtype=jnp.int32)
    edge_label_index = jax.random.randint(ks[2], (2, N_LABEL), 0, N_NODES, dtype=jnp.int32)
    W1 = jax.random.normal(ks[3], (D_IN, HIDDEN), dtype=jnp.float32) * (1.0 / np.sqrt(D_IN))
    b1 = jnp.zeros((HIDDEN,), dtype=jnp.float32)
    W2 = jax.random.normal(ks[4], (HIDDEN, HIDDEN), dtype=jnp.float32) * (1.0 / np.sqrt(HIDDEN))
    b2 = jnp.zeros((HIDDEN,), dtype=jnp.float32)
    return {"x": x, "edge_index": edge_index, "edge_label_index": edge_label_index,
            "W1": W1, "b1": b1, "W2": W2, "b2": b2}


def reference(x, edge_index, edge_label_index, W1, b1, W2, b2):
    z = jax.nn.relu(gcn_conv(x, edge_index, W1, b1))
    z = gcn_conv(z, edge_index, W2, b2)
    src = edge_label_index[0]
    dst = edge_label_index[1]
    return (z[src] * z[dst]).sum(axis=-1)

if __name__ == "__main__":
    import jax
    _d = setup_inputs()
    print(jax.jit(kernel)(*tuple(_d.values())))

</pallas_src>

<mosaic_0001>
#map = affine_map<(d0, d1) -> (0, 0)>
module attributes {stable_mosaic.version = 14 : i64} {
  func.func @deg_kernel(%arg0: i32, %arg1: i32, %arg2: memref<32x5008xi32, #tpu.memory_space<hbm>>, %arg3: memref<32x10016xf32, #tpu.memory_space<hbm>>, %arg4: memref<10016xf32, #tpu.memory_space<vmem>>, %arg5: memref<5008xi32, #tpu.memory_space<vmem>>) attributes {dimension_semantics = [#tpu.dimension_semantics<core_parallel>, #tpu.dimension_semantics<subcore_parallel>], iteration_bounds = array<i64: 2, 16>, scalar_prefetch = 0 : i64, scratch_operands = 2 : i64, tpu.core_type = #tpu.core_type<sc_vector_subcore>, window_params = [{transform_indices = #map}, {transform_indices = #map}]} {
    %mul3A = arith.constant 2 : i32
    %mul3A_0 = arith.muli %arg1, %mul3A : i32
    %add3A = arith.addi %mul3A_0, %arg0 : i32
    "tpu.region"() ({
      %run_scoped3A = tpu.sem_alloc : memref<!tpu.dma_semaphore, #tpu.memory_space<semaphore_mem>>
      %dma_start3A = arith.constant 0 : i32
      %dma_start3A_15 = tpu.memref_slice %arg2[%add3A, %dma_start3A] : memref<32x5008xi32, #tpu.memory_space<hbm>> -> memref<1x5008xi32, #tpu.memory_space<hbm>>
      %dma_start3A_16 = tpu.memref_squeeze %dma_start3A_15 : memref<1x5008xi32, #tpu.memory_space<hbm>> -> memref<5008xi32, #tpu.memory_space<hbm>>
      %dma_start3A_17 = arith.constant 0 : i32
      %dma_start3A_18 = tpu.memref_slice %arg2[%add3A, %dma_start3A_17] : memref<32x5008xi32, #tpu.memory_space<hbm>> -> memref<1x5008xi32, #tpu.memory_space<hbm>>
      %dma_start3A_19 = tpu.memref_squeeze %dma_start3A_18 : memref<1x5008xi32, #tpu.memory_space<hbm>> -> memref<5008xi32, #tpu.memory_space<hbm>>
      tpu.enqueue_dma source(%dma_start3A_19 : memref<5008xi32, #tpu.memory_space<hbm>>) target(%arg5 : memref<5008xi32, #tpu.memory_space<vmem>>) target_semaphore(%run_scoped3A : memref<!tpu.dma_semaphore, #tpu.memory_space<semaphore_mem>>)
      %dma_wait3A = arith.constant 0 : i32
      %dma_wait3A_20 = tpu.memref_slice %arg2[%add3A, %dma_wait3A] : memref<32x5008xi32, #tpu.memory_space<hbm>> -> memref<1x5008xi32, #tpu.memory_space<hbm>>
      %dma_wait3A_21 = tpu.memref_squeeze %dma_wait3A_20 : memref<1x5008xi32, #tpu.memory_space<hbm>> -> memref<5008xi32, #tpu.memory_space<hbm>>
      %dma_wait3A_22 = arith.constant 0 : i32
      %dma_wait3A_23 = tpu.memref_slice %arg2[%add3A, %dma_wait3A_22] : memref<32x5008xi32, #tpu.memory_space<hbm>> -> memref<1x5008xi32, #tpu.memory_space<hbm>>
      %dma_wait3A_24 = tpu.memref_squeeze %dma_wait3A_23 : memref<1x5008xi32, #tpu.memory_space<hbm>> -> memref<5008xi32, #tpu.memory_space<hbm>>
      tpu.wait_dma2 semaphore(%run_scoped3A : memref<!tpu.dma_semaphore, #tpu.memory_space<semaphore_mem>>) src(%dma_wait3A_24 : memref<5008xi32, #tpu.memory_space<hbm>>) dst(%arg5 : memref<5008xi32, #tpu.memory_space<vmem>>)
      tpu.yield
    }) : () -> ()
    %broadcast_in_dim3A = arith.constant 0.000000e+00 : f32
    %broadcast_in_dim3A_1 = vector.broadcast %broadcast_in_dim3A : f32 to vector<16xf32>
    %broadcast_in_dim3A_2 = arith.constant 1.000000e+00 : f32
    %broadcast_in_dim3A_3 = vector.broadcast %broadcast_in_dim3A_2 : f32 to vector<16xf32>
    %scan3A = arith.constant 0 : i32
    %scan3A_4 = arith.constant 0 : i32
    %scan3A_5 = arith.constant 626 : i32
    %scan3A_6 = arith.addi %scan3A_4, %scan3A_5 : i32
    %scan3A_7 = arith.constant 1 : i32
    scf.for %scan3A_15 = %scan3A_4 to %scan3A_6 step %scan3A_7  : i32 {
      %mul3A_16 = arith.constant 16 : i32
      %mul3A_17 = arith.muli %scan3A_15, %mul3A_16 : i32
      %swap3A = arith.index_cast %mul3A_17 : i32 to index
      %swap3A_18 = tpu.vector_load %arg4[%swap3A] {strides = array<i32>} : memref<10016xf32, #tpu.memory_space<vmem>>, vector<16xf32>,
      tpu.vector_store %arg4[%swap3A], %broadcast_in_dim3A_1 {strides = array<i32>} : memref<10016xf32, #tpu.memory_space<vmem>>, vector<16xf32>,
    }
    %scan3A_8 = arith.constant 626 : i32
    %scan3A_9 = arith.constant 0 : i32
    %scan3A_10 = arith.constant 0 : i32
    %scan3A_11 = arith.constant 313 : i32
    %scan3A_12 = arith.addi %scan3A_10, %scan3A_11 : i32
    %scan3A_13 = arith.constant 1 : i32
    scf.for %scan3A_15 = %scan3A_10 to %scan3A_12 step %scan3A_13  : i32 {
      %mul3A_16 = arith.constant 16 : i32
      %mul3A_17 = arith.muli %scan3A_15, %mul3A_16 : i32
      %get3A = arith.index_cast %mul3A_17 : i32 to index
      %get3A_18 = tpu.vector_load %arg5[%get3A] {strides = array<i32>} : memref<5008xi32, #tpu.memory_space<vmem>>, vector<16xi32>,
      tpu.vector_store_idx %arg4[%get3A_18], %broadcast_in_dim3A_3 {add = true} : memref<10016xf32, #tpu.memory_space<vmem>>[vector<16xi32>], vector<16xf32>,
    }
    %scan3A_14 = arith.constant 313 : i32
    "tpu.region"() ({
      %run_scoped3A = tpu.sem_alloc : memref<!tpu.dma_semaphore, #tpu.memory_space<semaphore_mem>>
      %dma_start3A = arith.constant 0 : i32
      %dma_start3A_15 = tpu.memref_slice %arg3[%add3A, %dma_start3A] : memref<32x10016xf32, #tpu.memory_space<hbm>> -> memref<1x10016xf32, #tpu.memory_space<hbm>>
      %dma_start3A_16 = tpu.memref_squeeze %dma_start3A_15 : memref<1x10016xf32, #tpu.memory_space<hbm>> -> memref<10016xf32, #tpu.memory_space<hbm>>
      %dma_start3A_17 = arith.constant 0 : i32
      %dma_start3A_18 = tpu.memref_slice %arg3[%add3A, %dma_start3A_17] : memref<32x10016xf32, #tpu.memory_space<hbm>> -> memref<1x10016xf32, #tpu.memory_space<hbm>>
      %dma_start3A_19 = tpu.memref_squeeze %dma_start3A_18 : memref<1x10016xf32, #tpu.memory_space<hbm>> -> memref<10016xf32, #tpu.memory_space<hbm>>
      tpu.enqueue_dma source(%arg4 : memref<10016xf32, #tpu.memory_space<vmem>>) target(%dma_start3A_19 : memref<10016xf32, #tpu.memory_space<hbm>>) target_semaphore(%run_scoped3A : memref<!tpu.dma_semaphore, #tpu.memory_space<semaphore_mem>>)
      %dma_wait3A = arith.constant 0 : i32
      %dma_wait3A_20 = tpu.memref_slice %arg3[%add3A, %dma_wait3A] : memref<32x10016xf32, #tpu.memory_space<hbm>> -> memref<1x10016xf32, #tpu.memory_space<hbm>>
      %dma_wait3A_21 = tpu.memref_squeeze %dma_wait3A_20 : memref<1x10016xf32, #tpu.memory_space<hbm>> -> memref<10016xf32, #tpu.memory_space<hbm>>
      %dma_wait3A_22 = arith.constant 0 : i32
      %dma_wait3A_23 = tpu.memref_slice %arg3[%add3A, %dma_wait3A_22] : memref<32x10016xf32, #tpu.memory_space<hbm>> -> memref<1x10016xf32, #tpu.memory_space<hbm>>
      %dma_wait3A_24 = tpu.memref_squeeze %dma_wait3A_23 : memref<1x10016xf32, #tpu.memory_space<hbm>> -> memref<10016xf32, #tpu.memory_space<hbm>>
      tpu.wait_dma2 semaphore(%run_scoped3A : memref<!tpu.dma_semaphore, #tpu.memory_space<semaphore_mem>>) src(%arg4 : memref<10016xf32, #tpu.memory_space<vmem>>) dst(%dma_wait3A_24 : memref<10016xf32, #tpu.memory_space<hbm>>)
      tpu.yield
    }) : () -> ()
    return
  }
}

#map = affine_map<(d0, d1) -> (0, 0)>
#map1 = affine_map<(d0, d1) -> (0, 0, 0)>
module attributes {stable_mosaic.version = 14 : i64} {
  func.func @decode_kernel(%arg0: i32, %arg1: i32, %arg2: memref<10000x128xf32, #tpu.memory_space<hbm>>, %arg3: memref<32x5x128xi32, #tpu.memory_space<hbm>>, %arg4: memref<32x5x128xi32, #tpu.memory_space<hbm>>, %arg5: memref<32x640xf32, #tpu.memory_space<hbm>>, %arg6: memref<5x128xi32, #tpu.memory_space<vmem>>, %arg7: memref<5x128xi32, #tpu.memory_space<vmem>>, %arg8: memref<128x128xf32, #tpu.memory_space<vmem>>, %arg9: memref<128x128xf32, #tpu.memory_space<vmem>>, %arg10: memref<128x128xf32, #tpu.memory_space<vmem>>, %arg11: memref<128x128xf32, #tpu.memory_space<vmem>>, %arg12: memref<640xf32, #tpu.memory_space<vmem>>, %arg13: memref<!tpu.dma_semaphore, #tpu.memory_space<semaphore_mem>>, %arg14: memref<!tpu.dma_semaphore, #tpu.memory_space<semaphore_mem>>) attributes {dimension_semantics = [#tpu.dimension_semantics<core_parallel>, #tpu.dimension_semantics<subcore_parallel>], iteration_bounds = array<i64: 2, 16>, scalar_prefetch = 0 : i64, scratch_operands = 9 : i64, tpu.core_type = #tpu.core_type<sc_vector_subcore>, window_params = [{transform_indices = #map}, {transform_indices = #map1}, {transform_indices = #map1}, {transform_indices = #map}]} {
    %mul3A = arith.constant 2 : i32
    %mul3A_0 = arith.muli %arg1, %mul3A : i32
    %add3A = arith.addi %mul3A_0, %arg0 : i32
    "tpu.region"() ({
      %run_scoped3A = tpu.sem_alloc : memref<!tpu.dma_semaphore, #tpu.memory_space<semaphore_mem>>
      %dma_start3A_168 = arith.constant 0 : i32
      %dma_start3A_169 = arith.constant 0 : i32
      %dma_start3A_170 = tpu.memref_slice %arg3[%add3A, %dma_start3A_168, %dma_start3A_169] : memref<32x5x128xi32, #tpu.memory_space<hbm>> -> memref<1x5x128xi32, #tpu.memory_space<hbm>>
      %dma_start3A_171 = tpu.memref_squeeze %dma_start3A_170 : memref<1x5x128xi32, #tpu.memory_space<hbm>> -> memref<5x128xi32, #tpu.memory_space<hbm>>
      %dma_start3A_172 = arith.constant 0 : i32
      %dma_start3A_173 = arith.constant 0 : i32
      %dma_start3A_174 = tpu.memref_slice %arg3[%add3A, %dma_start3A_172, %dma_start3A_173] : memref<32x5x128xi32, #tpu.memory_space<hbm>> -> memref<1x5x128xi32, #tpu.memory_space<hbm>>
      %dma_start3A_175 = tpu.memref_squeeze %dma_start3A_174 : memref<1x5x128xi32, #tpu.memory_space<hbm>> -> memref<5x128xi32, #tpu.memory_space<hbm>>
      tpu.enqueue_dma source(%dma_start3A_175 : memref<5x128xi32, #tpu.memory_space<hbm>>) target(%arg6 : memref<5x128xi32, #tpu.memory_space<vmem>>) target_semaphore(%run_scoped3A : memref<!tpu.dma_semaphore, #tpu.memory_space<semaphore_mem>>)
      %dma_wait3A_176 = arith.constant 0 : i32
      %dma_wait3A_177 = arith.constant 0 : i32
      %dma_wait3A_178 = tpu.memref_slice %arg3[%add3A, %dma_wait3A_176, %dma_wait3A_177] : memref<32x5x128xi32, #tpu.memory_space<hbm>> -> memref<1x5x128xi32, #tpu.memory_space<hbm>>
      %dma_wait3A_179 = tpu.memref_squeeze %dma_wait3A_178 : memref<1x5x128xi32, #tpu.memory_space<hbm>> -> memref<5x128xi32, #tpu.memory_space<hbm>>
      %dma_wait3A_180 = arith.constant 0 : i32
      %dma_wait3A_181 = arith.constant 0 : i32
      %dma_wait3A_182 = tpu.memref_slice %arg3[%add3A, %dma_wait3A_180, %dma_wait3A_181] : memref<32x5x128xi32, #tpu.memory_space<hbm>> -> memref<1x5x128xi32, #tpu.memory_space<hbm>>
      %dma_wait3A_183 = tpu.memref_squeeze %dma_wait3A_182 : memref<1x5x128xi32, #tpu.memory_space<hbm>> -> memref<5x128xi32, #tpu.memory_space<hbm>>
      tpu.wait_dma2 semaphore(%run_scoped3A : memref<!tpu.dma_semaphore, #tpu.memory_space<semaphore_mem>>) src(%dma_wait3A_183 : memref<5x128xi32, #tpu.memory_space<hbm>>) dst(%arg6 : memref<5x128xi32, #tpu.memory_space<vmem>>)
      tpu.yield
    }) : () -> ()
    "tpu.region"() ({
      %run_scoped3A = tpu.sem_alloc : memref<!tpu.dma_semaphore, #tpu.memory_space<semaphore_mem>>
      %dma_start3A_168 = arith.constant 0 : i32
      %dma_start3A_169 = arith.constant 0 : i32
      %dma_start3A_170 = tpu.memref_slice %arg4[%add3A, %dma_start3A_168, %dma_start3A_169] : memref<32x5x128xi32, #tpu.memory_space<hbm>> -> memref<1x5x128xi32, #tpu.memory_space<hbm>>
      %dma_start3A_171 = tpu.memref_squeeze %dma_start3A_170 : memref<1x5x128xi32, #tpu.memory_space<hbm>> -> memref<5x128xi32, #tpu.memory_space<hbm>>
      %dma_start3A_172 = arith.constant 0 : i32
      %dma_start3A_173 = arith.constant 0 : i32
      %dma_start3A_174 = tpu.memref_slice %arg4[%add3A, %dma_start3A_172, %dma_start3A_173] : memref<32x5x128xi32, #tpu.memory_space<hbm>> -> memref<1x5x128xi32, #tpu.memory_space<hbm>>
      %dma_start3A_175 = tpu.memref_squeeze %dma_start3A_174 : memref<1x5x128xi32, #tpu.memory_space<hbm>> -> memref<5x128xi32, #tpu.memory_space<hbm>>
      tpu.enqueue_dma source(%dma_start3A_175 : memref<5x128xi32, #tpu.memory_space<hbm>>) target(%arg7 : memref<5x128xi32, #tpu.memory_space<vmem>>) target_semaphore(%run_scoped3A : memref<!tpu.dma_semaphore, #tpu.memory_space<semaphore_mem>>)
      %dma_wait3A_176 = arith.constant 0 : i32
      %dma_wait3A_177 = arith.constant 0 : i32
      %dma_wait3A_178 = tpu.memref_slice %arg4[%add3A, %dma_wait3A_176, %dma_wait3A_177] : memref<32x5x128xi32, #tpu.memory_space<hbm>> -> memref<1x5x128xi32, #tpu.memory_space<hbm>>
      %dma_wait3A_179 = tpu.memref_squeeze %dma_wait3A_178 : memref<1x5x128xi32, #tpu.memory_space<hbm>> -> memref<5x128xi32, #tpu.memory_space<hbm>>
      %dma_wait3A_180 = arith.constant 0 : i32
      %dma_wait3A_181 = arith.constant 0 : i32
      %dma_wait3A_182 = tpu.memref_slice %arg4[%add3A, %dma_wait3A_180, %dma_wait3A_181] : memref<32x5x128xi32, #tpu.memory_space<hbm>> -> memref<1x5x128xi32, #tpu.memory_space<hbm>>
      %dma_wait3A_183 = tpu.memref_squeeze %dma_wait3A_182 : memref<1x5x128xi32, #tpu.memory_space<hbm>> -> memref<5x128xi32, #tpu.memory_space<hbm>>
      tpu.wait_dma2 semaphore(%run_scoped3A : memref<!tpu.dma_semaphore, #tpu.memory_space<semaphore_mem>>) src(%dma_wait3A_183 : memref<5x128xi32, #tpu.memory_space<hbm>>) dst(%arg7 : memref<5x128xi32, #tpu.memory_space<vmem>>)
      tpu.yield
    }) : () -> ()
    %iota3A = tpu.iota {dimensions = array<i32: 0>} : vector<16xi32>
    %dma_start3A = arith.constant 0 : i32
    %dma_start3A_1 = arith.constant 0 : i32
    %dma_start3A_2 = tpu.memref_slice %arg6[%dma_start3A, %dma_start3A_1] : memref<5x128xi32, #tpu.memory_space<vmem>> -> memref<1x128xi32, #tpu.memory_space<vmem>>
    %dma_start3A_3 = tpu.memref_squeeze %dma_start3A_2 : memref<1x128xi32, #tpu.memory_space<vmem>> -> memref<128xi32, #tpu.memory_space<vmem>>
    %dma_start3A_4 = arith.constant 0 : i32
    %dma_start3A_5 = arith.constant 0 : i32
    %dma_start3A_6 = tpu.memref_slice %arg2[%dma_start3A_4, %dma_start3A_5] : memref<10000x128xf32, #tpu.memory_space<hbm>> -> memref<10000x128xf32, #tpu.memory_space<hbm>>
    tpu.enqueue_indirect_dma source(%dma_start3A_6 : memref<10000x128xf32, #tpu.memory_space<hbm>>) target(%arg8 : memref<128x128xf32, #tpu.memory_space<vmem>>) offsets(%dma_start3A_3 : memref<128xi32, #tpu.memory_space<vmem>>) semaphore(%arg13 : memref<!tpu.dma_semaphore, #tpu.memory_space<semaphore_mem>>)
    %dma_start3A_7 = arith.constant 0 : i32
    %dma_start3A_8 = arith.constant 0 : i32
    %dma_start3A_9 = tpu.memref_slice %arg7[%dma_start3A_7, %dma_start3A_8] : memref<5x128xi32, #tpu.memory_space<vmem>> -> memref<1x128xi32, #tpu.memory_space<vmem>>
    %dma_start3A_10 = tpu.memref_squeeze %dma_start3A_9 : memref<1x128xi32, #tpu.memory_space<vmem>> -> memref<128xi32, #tpu.memory_space<vmem>>
    %dma_start3A_11 = arith.constant 0 : i32
    %dma_start3A_12 = arith.constant 0 : i32
    %dma_start3A_13 = tpu.memref_slice %arg2[%dma_start3A_11, %dma_start3A_12] : memref<10000x128xf32, #tpu.memory_space<hbm>> -> memref<10000x128xf32, #tpu.memory_space<hbm>>
    tpu.enqueue_indirect_dma source(%dma_start3A_13 : memref<10000x128xf32, #tpu.memory_space<hbm>>) target(%arg9 : memref<128x128xf32, #tpu.memory_space<vmem>>) offsets(%dma_start3A_10 : memref<128xi32, #tpu.memory_space<vmem>>) semaphore(%arg13 : memref<!tpu.dma_semaphore, #tpu.memory_space<semaphore_mem>>)
    %dma_start3A_14 = arith.constant 1 : i32
    %dma_start3A_15 = arith.constant 0 : i32
    %dma_start3A_16 = tpu.memref_slice %arg6[%dma_start3A_14, %dma_start3A_15] : memref<5x128xi32, #tpu.memory_space<vmem>> -> memref<1x128xi32, #tpu.memory_space<vmem>>
    %dma_start3A_17 = tpu.memref_squeeze %dma_start3A_16 : memref<1x128xi32, #tpu.memory_space<vmem>> -> memref<128xi32, #tpu.memory_space<vmem>>
    %dma_start3A_18 = arith.constant 0 : i32
    %dma_start3A_19 = arith.constant 0 : i32
    %dma_start3A_20 = tpu.memref_slice %arg2[%dma_start3A_18, %dma_start3A_19] : memref<10000x128xf32, #tpu.memory_space<hbm>> -> memref<10000x128xf32, #tpu.memory_space<hbm>>
    tpu.enqueue_indirect_dma source(%dma_start3A_20 : memref<10000x128xf32, #tpu.memory_space<hbm>>) target(%arg10 : memref<128x128xf32, #tpu.memory_space<vmem>>) offsets(%dma_start3A_17 : memref<128xi32, #tpu.memory_space<vmem>>) semaphore(%arg14 : memref<!tpu.dma_semaphore, #tpu.memory_space<semaphore_mem>>)
    %dma_start3A_21 = arith.constant 1 : i32
    %dma_start3A_22 = arith.constant 0 : i32
    %dma_start3A_23 = tpu.memref_slice %arg7[%dma_start3A_21, %dma_start3A_22] : memref<5x128xi32, #tpu.memory_space<vmem>> -> memref<1x128xi32, #tpu.memory_space<vmem>>
    %dma_start3A_24 = tpu.memref_squeeze %dma_start3A_23 : memref<1x128xi32, #tpu.memory_space<vmem>> -> memref<128xi32, #tpu.memory_space<vmem>>
    %dma_start3A_25 = arith.constant 0 : i32
    %dma_start3A_26 = arith.constant 0 : i32
    %dma_start3A_27 = tpu.memref_slice %arg2[%dma_start3A_25, %dma_start3A_26] : memref<10000x128xf32, #tpu.memory_space<hbm>> -> memref<10000x128xf32, #tpu.memory_space<hbm>>
    tpu.enqueue_indirect_dma source(%dma_start3A_27 : memref<10000x128xf32, #tpu.memory_space<hbm>>) target(%arg11 : memref<128x128xf32, #tpu.memory_space<vmem>>) offsets(%dma_start3A_24 : memref<128xi32, #tpu.memory_space<vmem>>) semaphore(%arg14 : memref<!tpu.dma_semaphore, #tpu.memory_space<semaphore_mem>>)
    %dma_wait3A = arith.constant 0 : i32
    %dma_wait3A_28 = arith.constant 0 : i32
    %dma_wait3A_29 = tpu.memref_slice %arg6[%dma_wait3A, %dma_wait3A_28] : memref<5x128xi32, #tpu.memory_space<vmem>> -> memref<1x128xi32, #tpu.memory_space<vmem>>
    %dma_wait3A_30 = tpu.memref_squeeze %dma_wait3A_29 : memref<1x128xi32, #tpu.memory_space<vmem>> -> memref<128xi32, #tpu.memory_space<vmem>>
    %dma_wait3A_31 = arith.constant 0 : i32
    %dma_wait3A_32 = arith.constant 0 : i32
    %dma_wait3A_33 = tpu.memref_slice %arg2[%dma_wait3A_31, %dma_wait3A_32] : memref<10000x128xf32, #tpu.memory_space<hbm>> -> memref<10000x128xf32, #tpu.memory_space<hbm>>
    tpu.wait_indirect_dma semaphore(%arg13 : memref<!tpu.dma_semaphore, #tpu.memory_space<semaphore_mem>>) src(%dma_wait3A_33 : memref<10000x128xf32, #tpu.memory_space<hbm>>) dst(%arg8 : memref<128x128xf32, #tpu.memory_space<vmem>>)
    %dma_wait3A_34 = arith.constant 0 : i32
    %dma_wait3A_35 = arith.constant 0 : i32
    %dma_wait3A_36 = tpu.memref_slice %arg7[%dma_wait3A_34, %dma_wait3A_35] : memref<5x128xi32, #tpu.memory_space<vmem>> -> memref<1x128xi32, #tpu.memory_space<vmem>>
    %dma_wait3A_37 = tpu.memref_squeeze %dma_wait3A_36 : memref<1x128xi32, #tpu.memory_space<vmem>> -> memref<128xi32, #tpu.memory_space<vmem>>
    %dma_wait3A_38 = arith.constant 0 : i32
    %dma_wait3A_39 = arith.constant 0 : i32
    %dma_wait3A_40 = tpu.memref_slice %arg2[%dma_wait3A_38, %dma_wait3A_39] : memref<10000x128xf32, #tpu.memory_space<hbm>> -> memref<10000x128xf32, #tpu.memory_space<hbm>>
    tpu.wait_indirect_dma semaphore(%arg13 : memref<!tpu.dma_semaphore, #tpu.memory_space<semaphore_mem>>) src(%dma_wait3A_40 : memref<10000x128xf32, #tpu.memory_space<hbm>>) dst(%arg9 : memref<128x128xf32, #tpu.memory_space<vmem>>)
    %scan3A = arith.constant 0 : i32
    %scan3A_41 = arith.constant 0 : i32
    %scan3A_42 = arith.constant 8 : i32
    %scan3A_43 = arith.addi %scan3A_41, %scan3A_42 : i32
    %scan3A_44 = arith.constant 1 : i32
    scf.for %scan3A_168 = %scan3A_41 to %scan3A_43 step %scan3A_44  : i32 {
      %broadcast_in_dim3A = arith.constant 0.000000e+00 : f32
      %broadcast_in_dim3A_169 = vector.broadcast %broadcast_in_dim3A : f32 to vector<16xf32>
      %scan3A_170 = arith.constant 0 : i32
      %scan3A_171 = arith.constant 16 : i32
      %scan3A_172 = arith.addi %scan3A_170, %scan3A_171 : i32
      %scan3A_173 = arith.constant 1 : i32
      %scan3A_174 = scf.for %scan3A_181 = %scan3A_170 to %scan3A_172 step %scan3A_173 iter_args(%scan3A_182 = %broadcast_in_dim3A_169) -> (vector<16xf32>)  : i32 {
        %mul3A_183 = arith.constant 16 : i32
        %mul3A_184 = arith.muli %scan3A_168, %mul3A_183 : i32
        %add3A_185 = arith.addi %mul3A_184, %scan3A_181 : i32
        %broadcast_in_dim3A_186 = arith.constant 0.000000e+00 : f32
        %broadcast_in_dim3A_187 = vector.broadcast %broadcast_in_dim3A_186 : f32 to vector<16xf32>
        %get3A = arith.index_cast %add3A_185 : i32 to index
        %get3A_188 = arith.constant 0 : index
        %get3A_189 = tpu.vector_load %arg8[%get3A, %get3A_188] {strides = array<i32>} : memref<128x128xf32, #tpu.memory_space<vmem>>, vector<16xf32>,
        %get3A_190 = arith.index_cast %add3A_185 : i32 to index
        %get3A_191 = arith.constant 0 : index
        %get3A_192 = tpu.vector_load %arg9[%get3A_190, %get3A_191] {strides = array<i32>} : memref<128x128xf32, #tpu.memory_space<vmem>>, vector<16xf32>,
        %mul3A_193 = arith.mulf %get3A_189, %get3A_192 : vector<16xf32>
        %add3A_194 = arith.addf %broadcast_in_dim3A_187, %mul3A_193 : vector<16xf32>
        %get3A_195 = arith.index_cast %add3A_185 : i32 to index
        %get3A_196 = arith.constant 16 : index
        %get3A_197 = tpu.vector_load %arg8[%get3A_195, %get3A_196] {strides = array<i32>} : memref<128x128xf32, #tpu.memory_space<vmem>>, vector<16xf32>,
        %get3A_198 = arith.index_cast %add3A_185 : i32 to index
        %get3A_199 = arith.constant 16 : index
        %get3A_200 = tpu.vector_load %arg9[%get3A_198, %get3A_199] {strides = array<i32>} : memref<128x128xf32, #tpu.memory_space<vmem>>, vector<16xf32>,
        %mul3A_201 = arith.mulf %get3A_197, %get3A_200 : vector<16xf32>
        %add3A_202 = arith.addf %add3A_194, %mul3A_201 : vector<16xf32>
        %get3A_203 = arith.index_cast %add3A_185 : i32 to index
        %get3A_204 = arith.constant 32 : index
        %get3A_205 = tpu.vector_load %arg8[%get3A_203, %get3A_204] {strides = array<i32>} : memref<128x128xf32, #tpu.memory_space<vmem>>, vector<16xf32>,
        %get3A_206 = arith.index_cast %add3A_185 : i32 to index
        %get3A_207 = arith.constant 32 : index
        %get3A_208 = tpu.vector_load %arg9[%get3A_206, %get3A_207] {strides = array<i32>} : memref<128x128xf32, #tpu.memory_space<vmem>>, vector<16xf32>,
        %mul3A_209 = arith.mulf %get3A_205, %get3A_208 : vector<16xf32>
        %add3A_210 = arith.addf %add3A_202, %mul3A_209 : vector<16xf32>
        %get3A_211 = arith.index_cast %add3A_185 : i32 to index
        %get3A_212 = arith.constant 48 : index
        %get3A_213 = tpu.vector_load %arg8[%get3A_211, %get3A_212] {strides = array<i32>} : memref<128x128xf32, #tpu.memory_space<vmem>>, vector<16xf32>,
        %get3A_214 = arith.index_cast %add3A_185 : i32 to index
        %get3A_215 = arith.constant 48 : index
        %get3A_216 = tpu.vector_load %arg9[%get3A_214, %get3A_215] {strides = array<i32>} : memref<128x128xf32, #tpu.memory_space<vmem>>, vector<16xf32>,
        %mul3A_217 = arith.mulf %get3A_213, %get3A_216 : vector<16xf32>
        %add3A_218 = arith.addf %add3A_210, %mul3A_217 : vector<16xf32>
        %get3A_219 = arith.index_cast %add3A_185 : i32 to index
        %get3A_220 = arith.constant 64 : index
        %get3A_221 = tpu.vector_load %arg8[%get3A_219, %get3A_220] {strides = array<i32>} : memref<128x128xf32, #tpu.memory_space<vmem>>, vector<16xf32>,
        %get3A_222 = arith.index_cast %add3A_185 : i32 to index
        %get3A_223 = arith.constant 64 : index
        %get3A_224 = tpu.vector_load %arg9[%get3A_222, %get3A_223] {strides = array<i32>} : memref<128x128xf32, #tpu.memory_space<vmem>>, vector<16xf32>,
        %mul3A_225 = arith.mulf %get3A_221, %get3A_224 : vector<16xf32>
        %add3A_226 = arith.addf %add3A_218, %mul3A_225 : vector<16xf32>
        %get3A_227 = arith.index_cast %add3A_185 : i32 to index
        %get3A_228 = arith.constant 80 : index
        %get3A_229 = tpu.vector_load %arg8[%get3A_227, %get3A_228] {strides = array<i32>} : memref<128x128xf32, #tpu.memory_space<vmem>>, vector<16xf32>,
        %get3A_230 = arith.index_cast %add3A_185 : i32 to index
        %get3A_231 = arith.constant 80 : index
        %get3A_232 = tpu.vector_load %arg9[%get3A_230, %get3A_231] {strides = array<i32>} : memref<128x128xf32, #tpu.memory_space<vmem>>, vector<16xf32>,
        %mul3A_233 = arith.mulf %get3A_229, %get3A_232 : vector<16xf32>
        %add3A_234 = arith.addf %add3A_226, %mul3A_233 : vector<16xf32>
        %get3A_235 = arith.index_cast %add3A_185 : i32 to index
        %get3A_236 = arith.constant 96 : index
        %get3A_237 = tpu.vector_load %arg8[%get3A_235, %get3A_236] {strides = array<i32>} : memref<128x128xf32, #tpu.memory_space<vmem>>, vector<16xf32>,
        %get3A_238 = arith.index_cast %add3A_185 : i32 to index
        %get3A_239 = arith.constant 96 : index
        %get3A_240 = tpu.vector_load %arg9[%get3A_238, %get3A_239] {strides = array<i32>} : memref<128x128xf32, #tpu.memory_space<vmem>>, vector<16xf32>,
        %mul3A_241 = arith.mulf %get3A_237, %get3A_240 : vector<16xf32>
        %add3A_242 = arith.addf %add3A_234, %mul3A_241 : vector<16xf32>
        %get3A_243 = arith.index_cast %add3A_185 : i32 to index
        %get3A_244 = arith.constant 112 : index
        %get3A_245 = tpu.vector_load %arg8[%get3A_243, %get3A_244] {strides = array<i32>} : memref<128x128xf32, #tpu.memory_space<vmem>>, vector<16xf32>,
        %get3A_246 = arith.index_cast %add3A_185 : i32 to index
        %get3A_247 = arith.constant 112 : index
        %get3A_248 = tpu.vector_load %arg9[%get3A_246, %get3A_247] {strides = array<i32>} : memref<128x128xf32, #tpu.memory_space<vmem>>, vector<16xf32>,
        %mul3A_249 = arith.mulf %get3A_245, %get3A_248 : vector<16xf32>
        %add3A_250 = arith.addf %add3A_242, %mul3A_249 : vector<16xf32>
        %reduce_sum3A = arith.constant true
        %reduce_sum3A_251 = vector.broadcast %reduce_sum3A : i1 to vector<16xi1>
        %reduce_sum3A_252 = tpu.scan <sum>, %add3A_250 masked %reduce_sum3A_251 : vector<16xf32>, vector<16xi1> -> vector<16xf32>
        %reduce_sum3A_253 = vector.extract %reduce_sum3A_252[15] : f32 from vector<16xf32>
        %eq3A = vector.broadcast %scan3A_181 : i32 to vector<16xi32>
        %eq3A_254 = arith.cmpi eq, %iota3A, %eq3A : vector<16xi32>
        %broadcast_in_dim3A_255 = vector.broadcast %reduce_sum3A_253 : f32 to vector<16xf32>
        %select_n3A = arith.select %eq3A_254, %broadcast_in_dim3A_255, %scan3A_182 : vector<16xi1>, vector<16xf32>
        scf.yield %select_n3A : vector<16xf32>
      }
      %scan3A_175 = arith.constant 16 : i32
      %mul3A_176 = arith.constant 16 : i32
      %mul3A_177 = arith.muli %scan3A_168, %mul3A_176 : i32
      %add3A_178 = arith.constant 0 : i32
      %add3A_179 = arith.addi %add3A_178, %mul3A_177 : i32
      %swap3A = arith.index_cast %add3A_179 : i32 to index
      %swap3A_180 = tpu.vector_load %arg12[%swap3A] {strides = array<i32>} : memref<640xf32, #tpu.memory_space<vmem>>, vector<16xf32>,
      tpu.vector_store %arg12[%swap3A], %scan3A_174 {strides = array<i32>} : memref<640xf32, #tpu.memory_space<vmem>>, vector<16xf32>,
    }
    %scan3A_45 = arith.constant 8 : i32
    %dma_start3A_46 = arith.constant 2 : i32
    %dma_start3A_47 = arith.constant 0 : i32
    %dma_start3A_48 = tpu.memref_slice %arg6[%dma_start3A_46, %dma_start3A_47] : memref<5x128xi32, #tpu.memory_space<vmem>> -> memref<1x128xi32, #tpu.memory_space<vmem>>
    %dma_start3A_49 = tpu.memref_squeeze %dma_start3A_48 : memref<1x128xi32, #tpu.memory_space<vmem>> -> memref<128xi32, #tpu.memory_space<vmem>>
    %dma_start3A_50 = arith.constant 0 : i32
    %dma_start3A_51 = arith.constant 0 : i32
    %dma_start3A_52 = tpu.memref_slice %arg2[%dma_start3A_50, %dma_start3A_51] : memref<10000x128xf32, #tpu.memory_space<hbm>> -> memref<10000x128xf32, #tpu.memory_space<hbm>>
    tpu.enqueue_indirect_dma source(%dma_start3A_52 : memref<10000x128xf32, #tpu.memory_space<hbm>>) target(%arg8 : memref<128x128xf32, #tpu.memory_space<vmem>>) offsets(%dma_start3A_49 : memref<128xi32, #tpu.memory_space<vmem>>) semaphore(%arg13 : memref<!tpu.dma_semaphore, #tpu.memory_space<semaphore_mem>>)
    %dma_start3A_53 = arith.constant 2 : i32
    %dma_start3A_54 = arith.constant 0 : i32
    %dma_start3A_55 = tpu.memref_slice %arg7[%dma_start3A_53, %dma_start3A_54] : memref<5x128xi32, #tpu.memory_space<vmem>> -> memref<1x128xi32, #tpu.memory_space<vmem>>
    %dma_start3A_56 = tpu.memref_squeeze %dma_start3A_55 : memref<1x128xi32, #tpu.memory_space<vmem>> -> memref<128xi32, #tpu.memory_space<vmem>>
    %dma_start3A_57 = arith.constant 0 : i32
    %dma_start3A_58 = arith.constant 0 : i32
    %dma_start3A_59 = tpu.memref_slice %arg2[%dma_start3A_57, %dma_start3A_58] : memref<10000x128xf32, #tpu.memory_space<hbm>> -> memref<10000x128xf32, #tpu.memory_space<hbm>>
    tpu.enqueue_indirect_dma source(%dma_start3A_59 : memref<10000x128xf32, #tpu.memory_space<hbm>>) target(%arg9 : memref<128x128xf32, #tpu.memory_space<vmem>>) offsets(%dma_start3A_56 : memref<128xi32, #tpu.memory_space<vmem>>) semaphore(%arg13 : memref<!tpu.dma_semaphore, #tpu.memory_space<semaphore_mem>>)
    %dma_wait3A_60 = arith.constant 1 : i32
    %dma_wait3A_61 = arith.constant 0 : i32
    %dma_wait3A_62 = tpu.memref_slice %arg6[%dma_wait3A_60, %dma_wait3A_61] : memref<5x128xi32, #tpu.memory_space<vmem>> -> memref<1x128xi32, #tpu.memory_space<vmem>>
    %dma_wait3A_63 = tpu.memref_squeeze %dma_wait3A_62 : memref<1x128xi32, #tpu.memory_space<vmem>> -> memref<128xi32, #tpu.memory_space<vmem>>
    %dma_wait3A_64 = arith.constant 0 : i32
    %dma_wait3A_65 = arith.constant 0 : i32
    %dma_wait3A_66 = tpu.memref_slice %arg2[%dma_wait3A_64, %dma_wait3A_65] : memref<10000x128xf32, #tpu.memory_space<hbm>> -> memref<10000x128xf32, #tpu.memory_space<hbm>>
    tpu.wait_indirect_dma semaphore(%arg14 : memref<!tpu.dma_semaphore, #tpu.memory_space<semaphore_mem>>) src(%dma_wait3A_66 : memref<10000x128xf32, #tpu.memory_space<hbm>>) dst(%arg10 : memref<128x128xf32, #tpu.memory_space<vmem>>)
    %dma_wait3A_67 = arith.constant 1 : i32
    %dma_wait3A_68 = arith.constant 0 : i32
    %dma_wait3A_69 = tpu.memref_slice %arg7[%dma_wait3A_67, %dma_wait3A_68] : memref<5x128xi32, #tpu.memory_space<vmem>> -> memref<1x128xi32, #tpu.memory_space<vmem>>
    %dma_wait3A_70 = tpu.memref_squeeze %dma_wait3A_69 : memref<1x128xi32, #tpu.memory_space<vmem>> -> memref<128xi32, #tpu.memory_space<vmem>>
    %dma_wait3A_71 = arith.constant 0 : i32
    %dma_wait3A_72 = arith.constant 0 : i32
    %dma_wait3A_73 = tpu.memref_slice %arg2[%dma_wait3A_71, %dma_wait3A_72] : memref<10000x128xf32, #tpu.memory_space<hbm>> -> memref<10000x128xf32, #tpu.memory_space<hbm>>
    tpu.wait_indirect_dma semaphore(%arg14 : memref<!tpu.dma_semaphore, #tpu.memory_space<semaphore_mem>>) src(%dma_wait3A_73 : memref<10000x128xf32, #tpu.memory_space<hbm>>) dst(%arg11 : memref<128x128xf32, #tpu.memory_space<vmem>>)
    %scan3A_74 = arith.constant 0 : i32
    %scan3A_75 = arith.constant 0 : i32
    %scan3A_76 = arith.constant 8 : i32
    %scan3A_77 = arith.addi %scan3A_75, %scan3A_76 : i32
    %scan3A_78 = arith.constant 1 : i32
    scf.for %scan3A_168 = %scan3A_75 to %scan3A_77 step %scan3A_78  : i32 {
      %broadcast_in_dim3A = arith.constant 0.000000e+00 : f32
      %broadcast_in_dim3A_169 = vector.broadcast %broadcast_in_dim3A : f32 to vector<16xf32>
      %scan3A_170 = arith.constant 0 : i32
      %scan3A_171 = arith.constant 16 : i32
      %scan3A_172 = arith.addi %scan3A_170, %scan3A_171 : i32
      %scan3A_173 = arith.constant 1 : i32
      %scan3A_174 = scf.for %scan3A_181 = %scan3A_170 to %scan3A_172 step %scan3A_173 iter_args(%scan3A_182 = %broadcast_in_dim3A_169) -> (vector<16xf32>)  : i32 {
        %mul3A_183 = arith.constant 16 : i32
        %mul3A_184 = arith.muli %scan3A_168, %mul3A_183 : i32
        %add3A_185 = arith.addi %mul3A_184, %scan3A_181 : i32
        %broadcast_in_dim3A_186 = arith.constant 0.000000e+00 : f32
        %broadcast_in_dim3A_187 = vector.broadcast %broadcast_in_dim3A_186 : f32 to vector<16xf32>
        %get3A = arith.index_cast %add3A_185 : i32 to index
        %get3A_188 = arith.constant 0 : index
        %get3A_189 = tpu.vector_load %arg10[%get3A, %get3A_188] {strides = array<i32>} : memref<128x128xf32, #tpu.memory_space<vmem>>, vector<16xf32>,
        %get3A_190 = arith.index_cast %add3A_185 : i32 to index
        %get3A_191 = arith.constant 0 : index
        %get3A_192 = tpu.vector_load %arg11[%get3A_190, %get3A_191] {strides = array<i32>} : memref<128x128xf32, #tpu.memory_space<vmem>>, vector<16xf32>,
        %mul3A_193 = arith.mulf %get3A_189, %get3A_192 : vector<16xf32>
        %add3A_194 = arith.addf %broadcast_in_dim3A_187, %mul3A_193 : vector<16xf32>
        %get3A_195 = arith.index_cast %add3A_185 : i32 to index
        %get3A_196 = arith.constant 16 : index
        %get3A_197 = tpu.vector_load %arg10[%get3A_195, %get3A_196] {strides = array<i32>} : memref<128x128xf32, #tpu.memory_space<vmem>>, vector<16xf32>,
        %get3A_198 = arith.index_cast %add3A_185 : i32 to index
        %get3A_199 = arith.constant 16 : index
        %get3A_200 = tpu.vector_load %arg11[%get3A_198, %get3A_199] {strides = array<i32>} : memref<128x128xf32, #tpu.memory_space<vmem>>, vector<16xf32>,
        %mul3A_201 = arith.mulf %get3A_197, %get3A_200 : vector<16xf32>
        %add3A_202 = arith.addf %add3A_194, %mul3A_201 : vector<16xf32>
        %get3A_203 = arith.index_cast %add3A_185 : i32 to index
        %get3A_204 = arith.constant 32 : index
        %get3A_205 = tpu.vector_load %arg10[%get3A_203, %get3A_204] {strides = array<i32>} : memref<128x128xf32, #tpu.memory_space<vmem>>, vector<16xf32>,
        %get3A_206 = arith.index_cast %add3A_185 : i32 to index
        %get3A_207 = arith.constant 32 : index
        %get3A_208 = tpu.vector_load %arg11[%get3A_206, %get3A_207] {strides = array<i32>} : memref<128x128xf32, #tpu.memory_space<vmem>>, vector<16xf32>,
        %mul3A_209 = arith.mulf %get3A_205, %get3A_208 : vector<16xf32>
        %add3A_210 = arith.addf %add3A_202, %mul3A_209 : vector<16xf32>
        %get3A_211 = arith.index_cast %add3A_185 : i32 to index
        %get3A_212 = arith.constant 48 : index
        %get3A_213 = tpu.vector_load %arg10[%get3A_211, %get3A_212] {strides = array<i32>} : memref<128x128xf32, #tpu.memory_space<vmem>>, vector<16xf32>,
        %get3A_214 = arith.index_cast %add3A_185 : i32 to index
        %get3A_215 = arith.constant 48 : index
        %get3A_216 = tpu.vector_load %arg11[%get3A_214, %get3A_215] {strides = array<i32>} : memref<128x128xf32, #tpu.memory_space<vmem>>, vector<16xf32>,
        %mul3A_217 = arith.mulf %get3A_213, %get3A_216 : vector<16xf32>
        %add3A_218 = arith.addf %add3A_210, %mul3A_217 : vector<16xf32>
        %get3A_219 = arith.index_cast %add3A_185 : i32 to index
        %get3A_220 = arith.constant 64 : index
        %get3A_221 = tpu.vector_load %arg10[%get3A_219, %get3A_220] {strides = array<i32>} : memref<128x128xf32, #tpu.memory_space<vmem>>, vector<16xf32>,
        %get3A_222 = arith.index_cast %add3A_185 : i32 to index
        %get3A_223 = arith.constant 64 : index
        %get3A_224 = tpu.vector_load %arg11[%get3A_222, %get3A_223] {strides = array<i32>} : memref<128x128xf32, #tpu.memory_space<vmem>>, vector<16xf32>,
        %mul3A_225 = arith.mulf %get3A_221, %get3A_224 : vector<16xf32>
        %add3A_226 = arith.addf %add3A_218, %mul3A_225 : vector<16xf32>
        %get3A_227 = arith.index_cast %add3A_185 : i32 to index
        %get3A_228 = arith.constant 80 : index
        %get3A_229 = tpu.vector_load %arg10[%get3A_227, %get3A_228] {strides = array<i32>} : memref<128x128xf32, #tpu.memory_space<vmem>>, vector<16xf32>,
        %get3A_230 = arith.index_cast %add3A_185 : i32 to index
        %get3A_231 = arith.constant 80 : index
        %get3A_232 = tpu.vector_load %arg11[%get3A_230, %get3A_231] {strides = array<i32>} : memref<128x128xf32, #tpu.memory_space<vmem>>, vector<16xf32>,
        %mul3A_233 = arith.mulf %get3A_229, %get3A_232 : vector<16xf32>
        %add3A_234 = arith.addf %add3A_226, %mul3A_233 : vector<16xf32>
        %get3A_235 = arith.index_cast %add3A_185 : i32 to index
        %get3A_236 = arith.constant 96 : index
        %get3A_237 = tpu.vector_load %arg10[%get3A_235, %get3A_236] {strides = array<i32>} : memref<128x128xf32, #tpu.memory_space<vmem>>, vector<16xf32>,
        %get3A_238 = arith.index_cast %add3A_185 : i32 to index
        %get3A_239 = arith.constant 96 : index
        %get3A_240 = tpu.vector_load %arg11[%get3A_238, %get3A_239] {strides = array<i32>} : memref<128x128xf32, #tpu.memory_space<vmem>>, vector<16xf32>,
        %mul3A_241 = arith.mulf %get3A_237, %get3A_240 : vector<16xf32>
        %add3A_242 = arith.addf %add3A_234, %mul3A_241 : vector<16xf32>
        %get3A_243 = arith.index_cast %add3A_185 : i32 to index
        %get3A_244 = arith.constant 112 : index
        %get3A_245 = tpu.vector_load %arg10[%get3A_243, %get3A_244] {strides = array<i32>} : memref<128x128xf32, #tpu.memory_space<vmem>>, vector<16xf32>,
        %get3A_246 = arith.index_cast %add3A_185 : i32 to index
        %get3A_247 = arith.constant 112 : index
        %get3A_248 = tpu.vector_load %arg11[%get3A_246, %get3A_247] {strides = array<i32>} : memref<128x128xf32, #tpu.memory_space<vmem>>, vector<16xf32>,
        %mul3A_249 = arith.mulf %get3A_245, %get3A_248 : vector<16xf32>
        %add3A_250 = arith.addf %add3A_242, %mul3A_249 : vector<16xf32>
        %reduce_sum3A = arith.constant true
        %reduce_sum3A_251 = vector.broadcast %reduce_sum3A : i1 to vector<16xi1>
        %reduce_sum3A_252 = tpu.scan <sum>, %add3A_250 masked %reduce_sum3A_251 : vector<16xf32>, vector<16xi1> -> vector<16xf32>
        %reduce_sum3A_253 = vector.extract %reduce_sum3A_252[15] : f32 from vector<16xf32>
        %eq3A = vector.broadcast %scan3A_181 : i32 to vector<16xi32>
        %eq3A_254 = arith.cmpi eq, %iota3A, %eq3A : vector<16xi32>
        %broadcast_in_dim3A_255 = vector.broadcast %reduce_sum3A_253 : f32 to vector<16xf32>
        %select_n3A = arith.select %eq3A_254, %broadcast_in_dim3A_255, %scan3A_182 : vector<16xi1>, vector<16xf32>
        scf.yield %select_n3A : vector<16xf32>
      }
      %scan3A_175 = arith.constant 16 : i32
      %mul3A_176 = arith.constant 16 : i32
      %mul3A_177 = arith.muli %scan3A_168, %mul3A_176 : i32
      %add3A_178 = arith.constant 128 : i32
      %add3A_179 = arith.addi %add3A_178, %mul3A_177 : i32
      %swap3A = arith.index_cast %add3A_179 : i32 to index
      %swap3A_180 = tpu.vector_load %arg12[%swap3A] {strides = array<i32>} : memref<640xf32, #tpu.memory_space<vmem>>, vector<16xf32>,
      tpu.vector_store %arg12[%swap3A], %scan3A_174 {strides = array<i32>} : memref<640xf32, #tpu.memory_space<vmem>>, vector<16xf32>,
    }
    %scan3A_79 = arith.constant 8 : i32
    %dma_start3A_80 = arith.constant 3 : i32
    %dma_start3A_81 = arith.constant 0 : i32
    %dma_start3A_82 = tpu.memref_slice %arg6[%dma_start3A_80, %dma_start3A_81] : memref<5x128xi32, #tpu.memory_space<vmem>> -> memref<1x128xi32, #tpu.memory_space<vmem>>
    %dma_start3A_83 = tpu.memref_squeeze %dma_start3A_82 : memref<1x128xi32, #tpu.memory_space<vmem>> -> memref<128xi32, #tpu.memory_space<vmem>>
    %dma_start3A_84 = arith.constant 0 : i32
    %dma_start3A_85 = arith.constant 0 : i32
    %dma_start3A_86 = tpu.memref_slice %arg2[%dma_start3A_84, %dma_start3A_85] : memref<10000x128xf32, #tpu.memory_space<hbm>> -> memref<10000x128xf32, #tpu.memory_space<hbm>>
    tpu.enqueue_indirect_dma source(%dma_start3A_86 : memref<10000x128xf32, #tpu.memory_space<hbm>>) target(%arg10 : memref<128x128xf32, #tpu.memory_space<vmem>>) offsets(%dma_start3A_83 : memref<128xi32, #tpu.memory_space<vmem>>) semaphore(%arg14 : memref<!tpu.dma_semaphore, #tpu.memory_space<semaphore_mem>>)
    %dma_start3A_87 = arith.constant 3 : i32
    %dma_start3A_88 = arith.constant 0 : i32
    %dma_start3A_89 = tpu.memref_slice %arg7[%dma_start3A_87, %dma_start3A_88] : memref<5x128xi32, #tpu.memory_space<vmem>> -> memref<1x128xi32, #tpu.memory_space<vmem>>
    %dma_start3A_90 = tpu.memref_squeeze %dma_start3A_89 : memref<1x128xi32, #tpu.memory_space<vmem>> -> memref<128xi32, #tpu.memory_space<vmem>>
    %dma_start3A_91 = arith.constant 0 : i32
    %dma_start3A_92 = arith.constant 0 : i32
    %dma_start3A_93 = tpu.memref_slice %arg2[%dma_start3A_91, %dma_start3A_92] : memref<10000x128xf32, #tpu.memory_space<hbm>> -> memref<10000x128xf32, #tpu.memory_space<hbm>>
    tpu.enqueue_indirect_dma source(%dma_start3A_93 : memref<10000x128xf32, #tpu.memory_space<hbm>>) target(%arg11 : memref<128x128xf32, #tpu.memory_space<vmem>>) offsets(%dma_start3A_90 : memref<128xi32, #tpu.memory_space<vmem>>) semaphore(%arg14 : memref<!tpu.dma_semaphore, #tpu.memory_space<semaphore_mem>>)
    %dma_wait3A_94 = arith.constant 2 : i32
    %dma_wait3A_95 = arith.constant 0 : i32
    %dma_wait3A_96 = tpu.memref_slice %arg6[%dma_wait3A_94, %dma_wait3A_95] : memref<5x128xi32, #tpu.memory_space<vmem>> -> memref<1x128xi32, #tpu.memory_space<vmem>>
    %dma_wait3A_97 = tpu.memref_squeeze %dma_wait3A_96 : memref<1x128xi32, #tpu.memory_space<vmem>> -> memref<128xi32, #tpu.memory_space<vmem>>
    %dma_wait3A_98 = arith.constant 0 : i32
    %dma_wait3A_99 = arith.constant 0 : i32
    %dma_wait3A_100 = tpu.memref_slice %arg2[%dma_wait3A_98, %dma_wait3A_99] : memref<10000x128xf32, #tpu.memory_space<hbm>> -> memref<10000x128xf32, #tpu.memory_space<hbm>>
    tpu.wait_indirect_dma semaphore(%arg13 : memref<!tpu.dma_semaphore, #tpu.memory_space<semaphore_mem>>) src(%dma_wait3A_100 : memref<10000x128xf32, #tpu.memory_space<hbm>>) dst(%arg8 : memref<128x128xf32, #tpu.memory_space<vmem>>)
    %dma_wait3A_101 = arith.constant 2 : i32
    %dma_wait3A_102 = arith.constant 0 : i32
    %dma_wait3A_103 = tpu.memref_slice %arg7[%dma_wait3A_101, %dma_wait3A_102] : memref<5x128xi32, #tpu.memory_space<vmem>> -> memref<1x128xi32, #tpu.memory_space<vmem>>
    %dma_wait3A_104 = tpu.memref_squeeze %dma_wait3A_103 : memref<1x128xi32, #tpu.memory_space<vmem>> -> memref<128xi32, #tpu.memory_space<vmem>>
    %dma_wait3A_105 = arith.constant 0 : i32
    %dma_wait3A_106 = arith.constant 0 : i32
    %dma_wait3A_107 = tpu.memref_slice %arg2[%dma_wait3A_105, %dma_wait3A_106] : memref<10000x128xf32, #tpu.memory_space<hbm>> -> memref<10000x128xf32, #tpu.memory_space<hbm>>
    tpu.wait_indirect_dma semaphore(%arg13 : memref<!tpu.dma_semaphore, #tpu.memory_space<semaphore_mem>>) src(%dma_wait3A_107 : memref<10000x128xf32, #tpu.memory_space<hbm>>) dst(%arg9 : memref<128x128xf32, #tpu.memory_space<vmem>>)
    %scan3A_108 = arith.constant 0 : i32
    %scan3A_109 = arith.constant 0 : i32
    %scan3A_110 = arith.constant 8 : i32
    %scan3A_111 = arith.addi %scan3A_109, %scan3A_110 : i32
    %scan3A_112 = arith.constant 1 : i32
    scf.for %scan3A_168 = %scan3A_109 to %scan3A_111 step %scan3A_112  : i32 {
      %broadcast_in_dim3A = arith.constant 0.000000e+00 : f32
      %broadcast_in_dim3A_169 = vector.broadcast %broadcast_in_dim3A : f32 to vector<16xf32>
      %scan3A_170 = arith.constant 0 : i32
      %scan3A_171 = arith.constant 16 : i32
      %scan3A_172 = arith.addi %scan3A_170, %scan3A_171 : i32
      %scan3A_173 = arith.constant 1 : i32
      %scan3A_174 = scf.for %scan3A_181 = %scan3A_170 to %scan3A_172 step %scan3A_173 iter_args(%scan3A_182 = %broadcast_in_dim3A_169) -> (vector<16xf32>)  : i32 {
        %mul3A_183 = arith.constant 16 : i32
        %mul3A_184 = arith.muli %scan3A_168, %mul3A_183 : i32
        %add3A_185 = arith.addi %mul3A_184, %scan3A_181 : i32
        %broadcast_in_dim3A_186 = arith.constant 0.000000e+00 : f32
        %broadcast_in_dim3A_187 = vector.broadcast %broadcast_in_dim3A_186 : f32 to vector<16xf32>
        %get3A = arith.index_cast %add3A_185 : i32 to index
        %get3A_188 = arith.constant 0 : index
        %get3A_189 = tpu.vector_load %arg8[%get3A, %get3A_188] {strides = array<i32>} : memref<128x128xf32, #tpu.memory_space<vmem>>, vector<16xf32>,
        %get3A_190 = arith.index_cast %add3A_185 : i32 to index
        %get3A_191 = arith.constant 0 : index
        %get3A_192 = tpu.vector_load %arg9[%get3A_190, %get3A_191] {strides = array<i32>} : memref<128x128xf32, #tpu.memory_space<vmem>>, vector<16xf32>,
        %mul3A_193 = arith.mulf %get3A_189, %get3A_192 : vector<16xf32>
        %add3A_194 = arith.addf %broadcast_in_dim3A_187, %mul3A_193 : vector<16xf32>
        %get3A_195 = arith.index_cast %add3A_185 : i32 to index
        %get3A_196 = arith.constant 16 : index
        %get3A_197 = tpu.vector_load %arg8[%get3A_195, %get3A_196] {strides = array<i32>} : memref<128x128xf32, #tpu.memory_space<vmem>>, vector<16xf32>,
        %get3A_198 = arith.index_cast %add3A_185 : i32 to index
        %get3A_199 = arith.constant 16 : index
        %get3A_200 = tpu.vector_load %arg9[%get3A_198, %get3A_199] {strides = array<i32>} : memref<128x128xf32, #tpu.memory_space<vmem>>, vector<16xf32>,
        %mul3A_201 = arith.mulf %get3A_197, %get3A_200 : vector<16xf32>
        %add3A_202 = arith.addf %add3A_194, %mul3A_201 : vector<16xf32>
        %get3A_203 = arith.index_cast %add3A_185 : i32 to index
        %get3A_204 = arith.constant 32 : index
        %get3A_205 = tpu.vector_load %arg8[%get3A_203, %get3A_204] {strides = array<i32>} : memref<128x128xf32, #tpu.memory_space<vmem>>, vector<16xf32>,
        %get3A_206 = arith.index_cast %add3A_185 : i32 to index
        %get3A_207 = arith.constant 32 : index
        %get3A_208 = tpu.vector_load %arg9[%get3A_206, %get3A_207] {strides = array<i32>} : memref<128x128xf32, #tpu.memory_space<vmem>>, vector<16xf32>,
        %mul3A_209 = arith.mulf %get3A_205, %get3A_208 : vector<16xf32>
        %add3A_210 = arith.addf %add3A_202, %mul3A_209 : vector<16xf32>
        %get3A_211 = arith.index_cast %add3A_185 : i32 to index
        %get3A_212 = arith.constant 48 : index
        %get3A_213 = tpu.vector_load %arg8[%get3A_211, %get3A_212] {strides = array<i32>} : memref<128x128xf32, #tpu.memory_space<vmem>>, vector<16xf32>,
        %get3A_214 = arith.index_cast %add3A_185 : i32 to index
        %get3A_215 = arith.constant 48 : index
        %get3A_216 = tpu.vector_load %arg9[%get3A_214, %get3A_215] {strides = array<i32>} : memref<128x128xf32, #tpu.memory_space<vmem>>, vector<16xf32>,
        %mul3A_217 = arith.mulf %get3A_213, %get3A_216 : vector<16xf32>
        %add3A_218 = arith.addf %add3A_210, %mul3A_217 : vector<16xf32>
        %get3A_219 = arith.index_cast %add3A_185 : i32 to index
        %get3A_220 = arith.constant 64 : index
        %get3A_221 = tpu.vector_load %arg8[%get3A_219, %get3A_220] {strides = array<i32>} : memref<128x128xf32, #tpu.memory_space<vmem>>, vector<16xf32>,
        %get3A_222 = arith.index_cast %add3A_185 : i32 to index
        %get3A_223 = arith.constant 64 : index
        %get3A_224 = tpu.vector_load %arg9[%get3A_222, %get3A_223] {strides = array<i32>} : memref<128x128xf32, #tpu.memory_space<vmem>>, vector<16xf32>,
        %mul3A_225 = arith.mulf %get3A_221, %get3A_224 : vector<16xf32>
        %add3A_226 = arith.addf %add3A_218, %mul3A_225 : vector<16xf32>
        %get3A_227 = arith.index_cast %add3A_185 : i32 to index
        %get3A_228 = arith.constant 80 : index
        %get3A_229 = tpu.vector_load %arg8[%get3A_227, %get3A_228] {strides = array<i32>} : memref<128x128xf32, #tpu.memory_space<vmem>>, vector<16xf32>,
        %get3A_230 = arith.index_cast %add3A_185 : i32 to index
        %get3A_231 = arith.constant 80 : index
        %get3A_232 = tpu.vector_load %arg9[%get3A_230, %get3A_231] {strides = array<i32>} : memref<128x128xf32, #tpu.memory_space<vmem>>, vector<16xf32>,
        %mul3A_233 = arith.mulf %get3A_229, %get3A_232 : vector<16xf32>
        %add3A_234 = arith.addf %add3A_226, %mul3A_233 : vector<16xf32>
        %get3A_235 = arith.index_cast %add3A_185 : i32 to index
        %get3A_236 = arith.constant 96 : index
        %get3A_237 = tpu.vector_load %arg8[%get3A_235, %get3A_236] {strides = array<i32>} : memref<128x128xf32, #tpu.memory_space<vmem>>, vector<16xf32>,
        %get3A_238 = arith.index_cast %add3A_185 : i32 to index
        %get3A_239 = arith.constant 96 : index
        %get3A_240 = tpu.vector_load %arg9[%get3A_238, %get3A_239] {strides = array<i32>} : memref<128x128xf32, #tpu.memory_space<vmem>>, vector<16xf32>,
        %mul3A_241 = arith.mulf %get3A_237, %get3A_240 : vector<16xf32>
        %add3A_242 = arith.addf %add3A_234, %mul3A_241 : vector<16xf32>
        %get3A_243 = arith.index_cast %add3A_185 : i32 to index
        %get3A_244 = arith.constant 112 : index
        %get3A_245 = tpu.vector_load %arg8[%get3A_243, %get3A_244] {strides = array<i32>} : memref<128x128xf32, #tpu.memory_space<vmem>>, vector<16xf32>,
        %get3A_246 = arith.index_cast %add3A_185 : i32 to index
        %get3A_247 = arith.constant 112 : index
        %get3A_248 = tpu.vector_load %arg9[%get3A_246, %get3A_247] {strides = array<i32>} : memref<128x128xf32, #tpu.memory_space<vmem>>, vector<16xf32>,
        %mul3A_249 = arith.mulf %get3A_245, %get3A_248 : vector<16xf32>
        %add3A_250 = arith.addf %add3A_242, %mul3A_249 : vector<16xf32>
        %reduce_sum3A = arith.constant true
        %reduce_sum3A_251 = vector.broadcast %reduce_sum3A : i1 to vector<16xi1>
        %reduce_sum3A_252 = tpu.scan <sum>, %add3A_250 masked %reduce_sum3A_251 : vector<16xf32>, vector<16xi1> -> vector<16xf32>
        %reduce_sum3A_253 = vector.extract %reduce_sum3A_252[15] : f32 from vector<16xf32>
        %eq3A = vector.broadcast %scan3A_181 : i32 to vector<16xi32>
        %eq3A_254 = arith.cmpi eq, %iota3A, %eq3A : vector<16xi32>
        %broadcast_in_dim3A_255 = vector.broadcast %reduce_sum3A_253 : f32 to vector<16xf32>
        %select_n3A = arith.select %eq3A_254, %broadcast_in_dim3A_255, %scan3A_182 : vector<16xi1>, vector<16xf32>
        scf.yield %select_n3A : vector<16xf32>
      }
      %scan3A_175 = arith.constant 16 : i32
      %mul3A_176 = arith.constant 16 : i32
      %mul3A_177 = arith.muli %scan3A_168, %mul3A_176 : i32
      %add3A_178 = arith.constant 256 : i32
      %add3A_179 = arith.addi %add3A_178, %mul3A_177 : i32
      %swap3A = arith.index_cast %add3A_179 : i32 to index
      %swap3A_180 = tpu.vector_load %arg12[%swap3A] {strides = array<i32>} : memref<640xf32, #tpu.memory_space<vmem>>, vector<16xf32>,
      tpu.vector_store %arg12[%swap3A], %scan3A_174 {strides = array<i32>} : memref<640xf32, #tpu.memory_space<vmem>>, vector<16xf32>,
    }
    %scan3A_113 = arith.constant 8 : i32
    %dma_start3A_114 = arith.constant 4 : i32
    %dma_start3A_115 = arith.constant 0 : i32
    %dma_start3A_116 = tpu.memref_slice %arg6[%dma_start3A_114, %dma_start3A_115] : memref<5x128xi32, #tpu.memory_space<vmem>> -> memref<1x128xi32, #tpu.memory_space<vmem>>
    %dma_start3A_117 = tpu.memref_squeeze %dma_start3A_116 : memref<1x128xi32, #tpu.memory_space<vmem>> -> memref<128xi32, #tpu.memory_space<vmem>>
    %dma_start3A_118 = arith.constant 0 : i32
    %dma_start3A_119 = arith.constant 0 : i32
    %dma_start3A_120 = tpu.memref_slice %arg2[%dma_start3A_118, %dma_start3A_119] : memref<10000x128xf32, #tpu.memory_space<hbm>> -> memref<10000x128xf32, #tpu.memory_space<hbm>>
    tpu.enqueue_indirect_dma source(%dma_start3A_120 : memref<10000x128xf32, #tpu.memory_space<hbm>>) target(%arg8 : memref<128x128xf32, #tpu.memory_space<vmem>>) offsets(%dma_start3A_117 : memref<128xi32, #tpu.memory_space<vmem>>) semaphore(%arg13 : memref<!tpu.dma_semaphore, #tpu.memory_space<semaphore_mem>>)
    %dma_start3A_121 = arith.constant 4 : i32
    %dma_start3A_122 = arith.constant 0 : i32
    %dma_start3A_123 = tpu.memref_slice %arg7[%dma_start3A_121, %dma_start3A_122] : memref<5x128xi32, #tpu.memory_space<vmem>> -> memref<1x128xi32, #tpu.memory_space<vmem>>
    %dma_start3A_124 = tpu.memref_squeeze %dma_start3A_123 : memref<1x128xi32, #tpu.memory_space<vmem>> -> memref<128xi32, #tpu.memory_space<vmem>>
    %dma_start3A_125 = arith.constant 0 : i32
    %dma_start3A_126 = arith.constant 0 : i32
    %dma_start3A_127 = tpu.memref_slice %arg2[%dma_start3A_125, %dma_start3A_126] : memref<10000x128xf32, #tpu.memory_space<hbm>> -> memref<10000x128xf32, #tpu.memory_space<hbm>>
    tpu.enqueue_indirect_dma source(%dma_start3A_127 : memref<10000x128xf32, #tpu.memory_space<hbm>>) target(%arg9 : memref<128x128xf32, #tpu.memory_space<vmem>>) offsets(%dma_start3A_124 : memref<128xi32, #tpu.memory_space<vmem>>) semaphore(%arg13 : memref<!tpu.dma_semaphore, #tpu.memory_space<semaphore_mem>>)
    %dma_wait3A_128 = arith.constant 3 : i32
    %dma_wait3A_129 = arith.constant 0 : i32
    %dma_wait3A_130 = tpu.memref_slice %arg6[%dma_wait3A_128, %dma_wait3A_129] : memref<5x128xi32, #tpu.memory_space<vmem>> -> memref<1x128xi32, #tpu.memory_space<vmem>>
    %dma_wait3A_131 = tpu.memref_squeeze %dma_wait3A_130 : memref<1x128xi32, #tpu.memory_space<vmem>> -> memref<128xi32, #tpu.memory_space<vmem>>
    %dma_wait3A_132 = arith.constant 0 : i32
    %dma_wait3A_133 = arith.constant 0 : i32
    %dma_wait3A_134 = tpu.memref_slice %arg2[%dma_wait3A_132, %dma_wait3A_133] : memref<10000x128xf32, #tpu.memory_space<hbm>> -> memref<10000x128xf32, #tpu.memory_space<hbm>>
    tpu.wait_indirect_dma semaphore(%arg14 : memref<!tpu.dma_semaphore, #tpu.memory_space<semaphore_mem>>) src(%dma_wait3A_134 : memref<10000x128xf32, #tpu.memory_space<hbm>>) dst(%arg10 : memref<128x128xf32, #tpu.memory_space<vmem>>)
    %dma_wait3A_135 = arith.constant 3 : i32
    %dma_wait3A_136 = arith.constant 0 : i32
    %dma_wait3A_137 = tpu.memref_slice %arg7[%dma_wait3A_135, %dma_wait3A_136] : memref<5x128xi32, #tpu.memory_space<vmem>> -> memref<1x128xi32, #tpu.memory_space<vmem>>
    %dma_wait3A_138 = tpu.memref_squeeze %dma_wait3A_137 : memref<1x128xi32, #tpu.memory_space<vmem>> -> memref<128xi32, #tpu.memory_space<vmem>>
    %dma_wait3A_139 = arith.constant 0 : i32
    %dma_wait3A_140 = arith.constant 0 : i32
    %dma_wait3A_141 = tpu.memref_slice %arg2[%dma_wait3A_139, %dma_wait3A_140] : memref<10000x128xf32, #tpu.memory_space<hbm>> -> memref<10000x128xf32, #tpu.memory_space<hbm>>
    tpu.wait_indirect_dma semaphore(%arg14 : memref<!tpu.dma_semaphore, #tpu.memory_space<semaphore_mem>>) src(%dma_wait3A_141 : memref<10000x128xf32, #tpu.memory_space<hbm>>) dst(%arg11 : memref<128x128xf32, #tpu.memory_space<vmem>>)
    %scan3A_142 = arith.constant 0 : i32
    %scan3A_143 = arith.constant 0 : i32
    %scan3A_144 = arith.constant 8 : i32
    %scan3A_145 = arith.addi %scan3A_143, %scan3A_144 : i32
    %scan3A_146 = arith.constant 1 : i32
    scf.for %scan3A_168 = %scan3A_143 to %scan3A_145 step %scan3A_146  : i32 {
      %broadcast_in_dim3A = arith.constant 0.000000e+00 : f32
      %broadcast_in_dim3A_169 = vector.broadcast %broadcast_in_dim3A : f32 to vector<16xf32>
      %scan3A_170 = arith.constant 0 : i32
      %scan3A_171 = arith.constant 16 : i32
      %scan3A_172 = arith.addi %scan3A_170, %scan3A_171 : i32
      %scan3A_173 = arith.constant 1 : i32
      %scan3A_174 = scf.for %scan3A_181 = %scan3A_170 to %scan3A_172 step %scan3A_173 iter_args(%scan3A_182 = %broadcast_in_dim3A_169) -> (vector<16xf32>)  : i32 {
        %mul3A_183 = arith.constant 16 : i32
        %mul3A_184 = arith.muli %scan3A_168, %mul3A_183 : i32
        %add3A_185 = arith.addi %mul3A_184, %scan3A_181 : i32
        %broadcast_in_dim3A_186 = arith.constant 0.000000e+00 : f32
        %broadcast_in_dim3A_187 = vector.broadcast %broadcast_in_dim3A_186 : f32 to vector<16xf32>
        %get3A = arith.index_cast %add3A_185 : i32 to index
        %get3A_188 = arith.constant 0 : index
        %get3A_189 = tpu.vector_load %arg10[%get3A, %get3A_188] {strides = array<i32>} : memref<128x128xf32, #tpu.memory_space<vmem>>, vector<16xf32>,
        %get3A_190 = arith.index_cast %add3A_185 : i32 to index
        %get3A_191 = arith.constant 0 : index
        %get3A_192 = tpu.vector_load %arg11[%get3A_190, %get3A_191] {strides = array<i32>} : memref<128x128xf32, #tpu.memory_space<vmem>>, vector<16xf32>,
        %mul3A_193 = arith.mulf %get3A_189, %get3A_192 : vector<16xf32>
        %add3A_194 = arith.addf %broadcast_in_dim3A_187, %mul3A_193 : vector<16xf32>
        %get3A_195 = arith.index_cast %add3A_185 : i32 to index
        %get3A_196 = arith.constant 16 : index
        %get3A_197 = tpu.vector_load %arg10[%get3A_195, %get3A_196] {strides = array<i32>} : memref<128x128xf32, #tpu.memory_space<vmem>>, vector<16xf32>,
        %get3A_198 = arith.index_cast %add3A_185 : i32 to index
        %get3A_199 = arith.constant 16 : index
        %get3A_200 = tpu.vector_load %arg11[%get3A_198, %get3A_199] {strides = array<i32>} : memref<128x128xf32, #tpu.memory_space<vmem>>, vector<16xf32>,
        %mul3A_201 = arith.mulf %get3A_197, %get3A_200 : vector<16xf32>
        %add3A_202 = arith.addf %add3A_194, %mul3A_201 : vector<16xf32>
        %get3A_203 = arith.index_cast %add3A_185 : i32 to index
        %get3A_204 = arith.constant 32 : index
        %get3A_205 = tpu.vector_load %arg10[%get3A_203, %get3A_204] {strides = array<i32>} : memref<128x128xf32, #tpu.memory_space<vmem>>, vector<16xf32>,
        %get3A_206 = arith.index_cast %add3A_185 : i32 to index
        %get3A_207 = arith.constant 32 : index
        %get3A_208 = tpu.vector_load %arg11[%get3A_206, %get3A_207] {strides = array<i32>} : memref<128x128xf32, #tpu.memory_space<vmem>>, vector<16xf32>,
        %mul3A_209 = arith.mulf %get3A_205, %get3A_208 : vector<16xf32>
        %add3A_210 = arith.addf %add3A_202, %mul3A_209 : vector<16xf32>
        %get3A_211 = arith.index_cast %add3A_185 : i32 to index
        %get3A_212 = arith.constant 48 : index
        %get3A_213 = tpu.vector_load %arg10[%get3A_211, %get3A_212] {strides = array<i32>} : memref<128x128xf32, #tpu.memory_space<vmem>>, vector<16xf32>,
        %get3A_214 = arith.index_cast %add3A_185 : i32 to index
        %get3A_215 = arith.constant 48 : index
        %get3A_216 = tpu.vector_load %arg11[%get3A_214, %get3A_215] {strides = array<i32>} : memref<128x128xf32, #tpu.memory_space<vmem>>, vector<16xf32>,
        %mul3A_217 = arith.mulf %get3A_213, %get3A_216 : vector<16xf32>
        %add3A_218 = arith.addf %add3A_210, %mul3A_217 : vector<16xf32>
        %get3A_219 = arith.index_cast %add3A_185 : i32 to index
        %get3A_220 = arith.constant 64 : index
        %get3A_221 = tpu.vector_load %arg10[%get3A_219, %get3A_220] {strides = array<i32>} : memref<128x128xf32, #tpu.memory_space<vmem>>, vector<16xf32>,
        %get3A_222 = arith.index_cast %add3A_185 : i32 to index
        %get3A_223 = arith.constant 64 : index
        %get3A_224 = tpu.vector_load %arg11[%get3A_222, %get3A_223] {strides = array<i32>} : memref<128x128xf32, #tpu.memory_space<vmem>>, vector<16xf32>,
        %mul3A_225 = arith.mulf %get3A_221, %get3A_224 : vector<16xf32>
        %add3A_226 = arith.addf %add3A_218, %mul3A_225 : vector<16xf32>
        %get3A_227 = arith.index_cast %add3A_185 : i32 to index
        %get3A_228 = arith.constant 80 : index
        %get3A_229 = tpu.vector_load %arg10[%get3A_227, %get3A_228] {strides = array<i32>} : memref<128x128xf32, #tpu.memory_space<vmem>>, vector<16xf32>,
        %get3A_230 = arith.index_cast %add3A_185 : i32 to index
        %get3A_231 = arith.constant 80 : index
        %get3A_232 = tpu.vector_load %arg11[%get3A_230, %get3A_231] {strides = array<i32>} : memref<128x128xf32, #tpu.memory_space<vmem>>, vector<16xf32>,
        %mul3A_233 = arith.mulf %get3A_229, %get3A_232 : vector<16xf32>
        %add3A_234 = arith.addf %add3A_226, %mul3A_233 : vector<16xf32>
        %get3A_235 = arith.index_cast %add3A_185 : i32 to index
        %get3A_236 = arith.constant 96 : index
        %get3A_237 = tpu.vector_load %arg10[%get3A_235, %get3A_236] {strides = array<i32>} : memref<128x128xf32, #tpu.memory_space<vmem>>, vector<16xf32>,
        %get3A_238 = arith.index_cast %add3A_185 : i32 to index
        %get3A_239 = arith.constant 96 : index
        %get3A_240 = tpu.vector_load %arg11[%get3A_238, %get3A_239] {strides = array<i32>} : memref<128x128xf32, #tpu.memory_space<vmem>>, vector<16xf32>,
        %mul3A_241 = arith.mulf %get3A_237, %get3A_240 : vector<16xf32>
        %add3A_242 = arith.addf %add3A_234, %mul3A_241 : vector<16xf32>
        %get3A_243 = arith.index_cast %add3A_185 : i32 to index
        %get3A_244 = arith.constant 112 : index
        %get3A_245 = tpu.vector_load %arg10[%get3A_243, %get3A_244] {strides = array<i32>} : memref<128x128xf32, #tpu.memory_space<vmem>>, vector<16xf32>,
        %get3A_246 = arith.index_cast %add3A_185 : i32 to index
        %get3A_247 = arith.constant 112 : index
        %get3A_248 = tpu.vector_load %arg11[%get3A_246, %get3A_247] {strides = array<i32>} : memref<128x128xf32, #tpu.memory_space<vmem>>, vector<16xf32>,
        %mul3A_249 = arith.mulf %get3A_245, %get3A_248 : vector<16xf32>
        %add3A_250 = arith.addf %add3A_242, %mul3A_249 : vector<16xf32>
        %reduce_sum3A = arith.constant true
        %reduce_sum3A_251 = vector.broadcast %reduce_sum3A : i1 to vector<16xi1>
        %reduce_sum3A_252 = tpu.scan <sum>, %add3A_250 masked %reduce_sum3A_251 : vector<16xf32>, vector<16xi1> -> vector<16xf32>
        %reduce_sum3A_253 = vector.extract %reduce_sum3A_252[15] : f32 from vector<16xf32>
        %eq3A = vector.broadcast %scan3A_181 : i32 to vector<16xi32>
        %eq3A_254 = arith.cmpi eq, %iota3A, %eq3A : vector<16xi32>
        %broadcast_in_dim3A_255 = vector.broadcast %reduce_sum3A_253 : f32 to vector<16xf32>
        %select_n3A = arith.select %eq3A_254, %broadcast_in_dim3A_255, %scan3A_182 : vector<16xi1>, vector<16xf32>
        scf.yield %select_n3A : vector<16xf32>
      }
      %scan3A_175 = arith.constant 16 : i32
      %mul3A_176 = arith.constant 16 : i32
      %mul3A_177 = arith.muli %scan3A_168, %mul3A_176 : i32
      %add3A_178 = arith.constant 384 : i32
      %add3A_179 = arith.addi %add3A_178, %mul3A_177 : i32
      %swap3A = arith.index_cast %add3A_179 : i32 to index
      %swap3A_180 = tpu.vector_load %arg12[%swap3A] {strides = array<i32>} : memref<640xf32, #tpu.memory_space<vmem>>, vector<16xf32>,
      tpu.vector_store %arg12[%swap3A], %scan3A_174 {strides = array<i32>} : memref<640xf32, #tpu.memory_space<vmem>>, vector<16xf32>,
    }
    %scan3A_147 = arith.constant 8 : i32
    %dma_wait3A_148 = arith.constant 4 : i32
    %dma_wait3A_149 = arith.constant 0 : i32
    %dma_wait3A_150 = tpu.memref_slice %arg6[%dma_wait3A_148, %dma_wait3A_149] : memref<5x128xi32, #tpu.memory_space<vmem>> -> memref<1x128xi32, #tpu.memory_space<vmem>>
    %dma_wait3A_151 = tpu.memref_squeeze %dma_wait3A_150 : memref<1x128xi32, #tpu.memory_space<vmem>> -> memref<128xi32, #tpu.memory_space<vmem>>
    %dma_wait3A_152 = arith.constant 0 : i32
    %dma_wait3A_153 = arith.constant 0 : i32
    %dma_wait3A_154 = tpu.memref_slice %arg2[%dma_wait3A_152, %dma_wait3A_153] : memref<10000x128xf32, #tpu.memory_space<hbm>> -> memref<10000x128xf32, #tpu.memory_space<hbm>>
    tpu.wait_indirect_dma semaphore(%arg13 : memref<!tpu.dma_semaphore, #tpu.memory_space<semaphore_mem>>) src(%dma_wait3A_154 : memref<10000x128xf32, #tpu.memory_space<hbm>>) dst(%arg8 : memref<128x128xf32, #tpu.memory_space<vmem>>)
    %dma_wait3A_155 = arith.constant 4 : i32
    %dma_wait3A_156 = arith.constant 0 : i32
    %dma_wait3A_157 = tpu.memref_slice %arg7[%dma_wait3A_155, %dma_wait3A_156] : memref<5x128xi32, #tpu.memory_space<vmem>> -> memref<1x128xi32, #tpu.memory_space<vmem>>
    %dma_wait3A_158 = tpu.memref_squeeze %dma_wait3A_157 : memref<1x128xi32, #tpu.memory_space<vmem>> -> memref<128xi32, #tpu.memory_space<vmem>>
    %dma_wait3A_159 = arith.constant 0 : i32
    %dma_wait3A_160 = arith.constant 0 : i32
    %dma_wait3A_161 = tpu.memref_slice %arg2[%dma_wait3A_159, %dma_wait3A_160] : memref<10000x128xf32, #tpu.memory_space<hbm>> -> memref<10000x128xf32, #tpu.memory_space<hbm>>
    tpu.wait_indirect_dma semaphore(%arg13 : memref<!tpu.dma_semaphore, #tpu.memory_space<semaphore_mem>>) src(%dma_wait3A_161 : memref<10000x128xf32, #tpu.memory_space<hbm>>) dst(%arg9 : memref<128x128xf32, #tpu.memory_space<vmem>>)
    %scan3A_162 = arith.constant 0 : i32
    %scan3A_163 = arith.constant 0 : i32
    %scan3A_164 = arith.constant 8 : i32
    %scan3A_165 = arith.addi %scan3A_163, %scan3A_164 : i32
    %scan3A_166 = arith.constant 1 : i32
    scf.for %scan3A_168 = %scan3A_163 to %scan3A_165 step %scan3A_166  : i32 {
      %broadcast_in_dim3A = arith.constant 0.000000e+00 : f32
      %broadcast_in_dim3A_169 = vector.broadcast %broadcast_in_dim3A : f32 to vector<16xf32>
      %scan3A_170 = arith.constant 0 : i32
      %scan3A_171 = arith.constant 16 : i32
      %scan3A_172 = arith.addi %scan3A_170, %scan3A_171 : i32
      %scan3A_173 = arith.constant 1 : i32
      %scan3A_174 = scf.for %scan3A_181 = %scan3A_170 to %scan3A_172 step %scan3A_173 iter_args(%scan3A_182 = %broadcast_in_dim3A_169) -> (vector<16xf32>)  : i32 {
        %mul3A_183 = arith.constant 16 : i32
        %mul3A_184 = arith.muli %scan3A_168, %mul3A_183 : i32
        %add3A_185 = arith.addi %mul3A_184, %scan3A_181 : i32
        %broadcast_in_dim3A_186 = arith.constant 0.000000e+00 : f32
        %broadcast_in_dim3A_187 = vector.broadcast %broadcast_in_dim3A_186 : f32 to vector<16xf32>
        %get3A = arith.index_cast %add3A_185 : i32 to index
        %get3A_188 = arith.constant 0 : index
        %get3A_189 = tpu.vector_load %arg8[%get3A, %get3A_188] {strides = array<i32>} : memref<128x128xf32, #tpu.memory_space<vmem>>, vector<16xf32>,
        %get3A_190 = arith.index_cast %add3A_185 : i32 to index
        %get3A_191 = arith.constant 0 : index
        %get3A_192 = tpu.vector_load %arg9[%get3A_190, %get3A_191] {strides = array<i32>} : memref<128x128xf32, #tpu.memory_space<vmem>>, vector<16xf32>,
        %mul3A_193 = arith.mulf %get3A_189, %get3A_192 : vector<16xf32>
        %add3A_194 = arith.addf %broadcast_in_dim3A_187, %mul3A_193 : vector<16xf32>
        %get3A_195 = arith.index_cast %add3A_185 : i32 to index
        %get3A_196 = arith.constant 16 : index
        %get3A_197 = tpu.vector_load %arg8[%get3A_195, %get3A_196] {strides = array<i32>} : memref<128x128xf32, #tpu.memory_space<vmem>>, vector<16xf32>,
        %get3A_198 = arith.index_cast %add3A_185 : i32 to index
        %get3A_199 = arith.constant 16 : index
        %get3A_200 = tpu.vector_load %arg9[%get3A_198, %get3A_199] {strides = array<i32>} : memref<128x128xf32, #tpu.memory_space<vmem>>, vector<16xf32>,
        %mul3A_201 = arith.mulf %get3A_197, %get3A_200 : vector<16xf32>
        %add3A_202 = arith.addf %add3A_194, %mul3A_201 : vector<16xf32>
        %get3A_203 = arith.index_cast %add3A_185 : i32 to index
        %get3A_204 = arith.constant 32 : index
        %get3A_205 = tpu.vector_load %arg8[%get3A_203, %get3A_204] {strides = array<i32>} : memref<128x128xf32, #tpu.memory_space<vmem>>, vector<16xf32>,
        %get3A_206 = arith.index_cast %add3A_185 : i32 to index
        %get3A_207 = arith.constant 32 : index
        %get3A_208 = tpu.vector_load %arg9[%get3A_206, %get3A_207] {strides = array<i32>} : memref<128x128xf32, #tpu.memory_space<vmem>>, vector<16xf32>,
        %mul3A_209 = arith.mulf %get3A_205, %get3A_208 : vector<16xf32>
        %add3A_210 = arith.addf %add3A_202, %mul3A_209 : vector<16xf32>
        %get3A_211 = arith.index_cast %add3A_185 : i32 to index
        %get3A_212 = arith.constant 48 : index
        %get3A_213 = tpu.vector_load %arg8[%get3A_211, %get3A_212] {strides = array<i32>} : memref<128x128xf32, #tpu.memory_space<vmem>>, vector<16xf32>,
        %get3A_214 = arith.index_cast %add3A_185 : i32 to index
        %get3A_215 = arith.constant 48 : index
        %get3A_216 = tpu.vector_load %arg9[%get3A_214, %get3A_215] {strides = array<i32>} : memref<128x128xf32, #tpu.memory_space<vmem>>, vector<16xf32>,
        %mul3A_217 = arith.mulf %get3A_213, %get3A_216 : vector<16xf32>
        %add3A_218 = arith.addf %add3A_210, %mul3A_217 : vector<16xf32>
        %get3A_219 = arith.index_cast %add3A_185 : i32 to index
        %get3A_220 = arith.constant 64 : index
        %get3A_221 = tpu.vector_load %arg8[%get3A_219, %get3A_220] {strides = array<i32>} : memref<128x128xf32, #tpu.memory_space<vmem>>, vector<16xf32>,
        %get3A_222 = arith.index_cast %add3A_185 : i32 to index
        %get3A_223 = arith.constant 64 : index
        %get3A_224 = tpu.vector_load %arg9[%get3A_222, %get3A_223] {strides = array<i32>} : memref<128x128xf32, #tpu.memory_space<vmem>>, vector<16xf32>,
        %mul3A_225 = arith.mulf %get3A_221, %get3A_224 : vector<16xf32>
        %add3A_226 = arith.addf %add3A_218, %mul3A_225 : vector<16xf32>
        %get3A_227 = arith.index_cast %add3A_185 : i32 to index
        %get3A_228 = arith.constant 80 : index
        %get3A_229 = tpu.vector_load %arg8[%get3A_227, %get3A_228] {strides = array<i32>} : memref<128x128xf32, #tpu.memory_space<vmem>>, vector<16xf32>,
        %get3A_230 = arith.index_cast %add3A_185 : i32 to index
        %get3A_231 = arith.constant 80 : index
        %get3A_232 = tpu.vector_load %arg9[%get3A_230, %get3A_231] {strides = array<i32>} : memref<128x128xf32, #tpu.memory_space<vmem>>, vector<16xf32>,
        %mul3A_233 = arith.mulf %get3A_229, %get3A_232 : vector<16xf32>
        %add3A_234 = arith.addf %add3A_226, %mul3A_233 : vector<16xf32>
        %get3A_235 = arith.index_cast %add3A_185 : i32 to index
        %get3A_236 = arith.constant 96 : index
        %get3A_237 = tpu.vector_load %arg8[%get3A_235, %get3A_236] {strides = array<i32>} : memref<128x128xf32, #tpu.memory_space<vmem>>, vector<16xf32>,
        %get3A_238 = arith.index_cast %add3A_185 : i32 to index
        %get3A_239 = arith.constant 96 : index
        %get3A_240 = tpu.vector_load %arg9[%get3A_238, %get3A_239] {strides = array<i32>} : memref<128x128xf32, #tpu.memory_space<vmem>>, vector<16xf32>,
        %mul3A_241 = arith.mulf %get3A_237, %get3A_240 : vector<16xf32>
        %add3A_242 = arith.addf %add3A_234, %mul3A_241 : vector<16xf32>
        %get3A_243 = arith.index_cast %add3A_185 : i32 to index
        %get3A_244 = arith.constant 112 : index
        %get3A_245 = tpu.vector_load %arg8[%get3A_243, %get3A_244] {strides = array<i32>} : memref<128x128xf32, #tpu.memory_space<vmem>>, vector<16xf32>,
        %get3A_246 = arith.index_cast %add3A_185 : i32 to index
        %get3A_247 = arith.constant 112 : index
        %get3A_248 = tpu.vector_load %arg9[%get3A_246, %get3A_247] {strides = array<i32>} : memref<128x128xf32, #tpu.memory_space<vmem>>, vector<16xf32>,
        %mul3A_249 = arith.mulf %get3A_245, %get3A_248 : vector<16xf32>
        %add3A_250 = arith.addf %add3A_242, %mul3A_249 : vector<16xf32>
        %reduce_sum3A = arith.constant true
        %reduce_sum3A_251 = vector.broadcast %reduce_sum3A : i1 to vector<16xi1>
        %reduce_sum3A_252 = tpu.scan <sum>, %add3A_250 masked %reduce_sum3A_251 : vector<16xf32>, vector<16xi1> -> vector<16xf32>
        %reduce_sum3A_253 = vector.extract %reduce_sum3A_252[15] : f32 from vector<16xf32>
        %eq3A = vector.broadcast %scan3A_181 : i32 to vector<16xi32>
        %eq3A_254 = arith.cmpi eq, %iota3A, %eq3A : vector<16xi32>
        %broadcast_in_dim3A_255 = vector.broadcast %reduce_sum3A_253 : f32 to vector<16xf32>
        %select_n3A = arith.select %eq3A_254, %broadcast_in_dim3A_255, %scan3A_182 : vector<16xi1>, vector<16xf32>
        scf.yield %select_n3A : vector<16xf32>
      }
      %scan3A_175 = arith.constant 16 : i32
      %mul3A_176 = arith.constant 16 : i32
      %mul3A_177 = arith.muli %scan3A_168, %mul3A_176 : i32
      %add3A_178 = arith.constant 512 : i32
      %add3A_179 = arith.addi %add3A_178, %mul3A_177 : i32
      %swap3A = arith.index_cast %add3A_179 : i32 to index
      %swap3A_180 = tpu.vector_load %arg12[%swap3A] {strides = array<i32>} : memref<640xf32, #tpu.memory_space<vmem>>, vector<16xf32>,
      tpu.vector_store %arg12[%swap3A], %scan3A_174 {strides = array<i32>} : memref<640xf32, #tpu.memory_space<vmem>>, vector<16xf32>,
    }
    %scan3A_167 = arith.constant 8 : i32
    "tpu.region"() ({
      %run_scoped3A = tpu.sem_alloc : memref<!tpu.dma_semaphore, #tpu.memory_space<semaphore_mem>>
      %dma_start3A_168 = arith.constant 0 : i32
      %dma_start3A_169 = tpu.memref_slice %arg5[%add3A, %dma_start3A_168] : memref<32x640xf32, #tpu.memory_space<hbm>> -> memref<1x640xf32, #tpu.memory_space<hbm>>
      %dma_start3A_170 = tpu.memref_squeeze %dma_start3A_169 : memref<1x640xf32, #tpu.memory_space<hbm>> -> memref<640xf32, #tpu.memory_space<hbm>>
      %dma_start3A_171 = arith.constant 0 : i32
      %dma_start3A_172 = tpu.memref_slice %arg5[%add3A, %dma_start3A_171] : memref<32x640xf32, #tpu.memory_space<hbm>> -> memref<1x640xf32, #tpu.memory_space<hbm>>
      %dma_start3A_173 = tpu.memref_squeeze %dma_start3A_172 : memref<1x640xf32, #tpu.memory_space<hbm>> -> memref<640xf32, #tpu.memory_space<hbm>>
      tpu.enqueue_dma source(%arg12 : memref<640xf32, #tpu.memory_space<vmem>>) target(%dma_start3A_173 : memref<640xf32, #tpu.memory_space<hbm>>) target_semaphore(%run_scoped3A : memref<!tpu.dma_semaphore, #tpu.memory_space<semaphore_mem>>)
      %dma_wait3A_174 = arith.constant 0 : i32
      %dma_wait3A_175 = tpu.memref_slice %arg5[%add3A, %dma_wait3A_174] : memref<32x640xf32, #tpu.memory_space<hbm>> -> memref<1x640xf32, #tpu.memory_space<hbm>>
      %dma_wait3A_176 = tpu.memref_squeeze %dma_wait3A_175 : memref<1x640xf32, #tpu.memory_space<hbm>> -> memref<640xf32, #tpu.memory_space<hbm>>
      %dma_wait3A_177 = arith.constant 0 : i32
      %dma_wait3A_178 = tpu.memref_slice %arg5[%add3A, %dma_wait3A_177] : memref<32x640xf32, #tpu.memory_space<hbm>> -> memref<1x640xf32, #tpu.memory_space<hbm>>
      %dma_wait3A_179 = tpu.memref_squeeze %dma_wait3A_178 : memref<1x640xf32, #tpu.memory_space<hbm>> -> memref<640xf32, #tpu.memory_space<hbm>>
      tpu.wait_dma2 semaphore(%run_scoped3A : memref<!tpu.dma_semaphore, #tpu.memory_space<semaphore_mem>>) src(%arg12 : memref<640xf32, #tpu.memory_space<vmem>>) dst(%dma_wait3A_179 : memref<640xf32, #tpu.memory_space<hbm>>)
      tpu.yield
    }) : () -> ()
    return
  }
}

#map = affine_map<(d0, d1) -> (0, 0)>
#map1 = affine_map<(d0, d1) -> (0, 0, 0)>
module attributes {stable_mosaic.version = 14 : i64} {
  func.func @agg_kernel(%arg0: i32, %arg1: i32, %arg2: memref<10000x64xf32, #tpu.memory_space<hbm>>, %arg3: memref<10000x64xf32, #tpu.memory_space<hbm>>, %arg4: memref<16x125x80xi32, #tpu.memory_space<hbm>>, %arg5: memref<16x125x80xi32, #tpu.memory_space<hbm>>, %arg6: memref<2x10240x64xf32, #tpu.memory_space<hbm>>, %arg7: memref<125x80xi32, #tpu.memory_space<vmem>>, %arg8: memref<125x80xi32, #tpu.memory_space<vmem>>, %arg9: memref<80x64xf32, #tpu.memory_space<vmem>>, %arg10: memref<80x64xf32, #tpu.memory_space<vmem>>, %arg11: memref<80x64xf32, #tpu.memory_space<vmem>>, %arg12: memref<80x64xf32, #tpu.memory_space<vmem>>, %arg13: memref<128x64xf32, #tpu.memory_space<vmem>>, %arg14: memref<10240x64xf32, #tpu.memory_space<vmem_shared>>, %arg15: memref<!tpu.dma_semaphore, #tpu.memory_space<semaphore_mem>>, %arg16: memref<!tpu.dma_semaphore, #tpu.memory_space<semaphore_mem>>, %arg17: memref<!tpu.dma_semaphore, #tpu.memory_space<semaphore_mem>>, %arg18: memref<!tpu.dma_semaphore, #tpu.memory_space<semaphore_mem>>, %arg19: memref<!tpu.dma_semaphore, #tpu.memory_space<semaphore_mem>>, %arg20: memref<!tpu.dma_semaphore, #tpu.memory_space<semaphore_mem>>, %arg21: memref<!tpu.dma_semaphore, #tpu.memory_space<semaphore_mem>>, %arg22: memref<!tpu.dma_semaphore, #tpu.memory_space<semaphore_mem>>) attributes {dimension_semantics = [#tpu.dimension_semantics<core_parallel>, #tpu.dimension_semantics<subcore_parallel>], iteration_bounds = array<i64: 2, 16>, scalar_prefetch = 0 : i64, scratch_operands = 16 : i64, tpu.core_type = #tpu.core_type<sc_vector_subcore>, window_params = [{transform_indices = #map}, {transform_indices = #map}, {transform_indices = #map1}, {transform_indices = #map1}, {transform_indices = #map1}]} {
    "tpu.region"() ({
      %run_scoped3A = tpu.sem_alloc : memref<!tpu.dma_semaphore, #tpu.memory_space<semaphore_mem>>
      %dma_start3A = arith.constant 0 : i32
      %dma_start3A_23 = arith.constant 0 : i32
      %dma_start3A_24 = tpu.memref_slice %arg4[%arg1, %dma_start3A, %dma_start3A_23] : memref<16x125x80xi32, #tpu.memory_space<hbm>> -> memref<1x125x80xi32, #tpu.memory_space<hbm>>
      %dma_start3A_25 = tpu.memref_squeeze %dma_start3A_24 : memref<1x125x80xi32, #tpu.memory_space<hbm>> -> memref<125x80xi32, #tpu.memory_space<hbm>>
      %dma_start3A_26 = arith.constant 0 : i32
      %dma_start3A_27 = arith.constant 0 : i32
      %dma_start3A_28 = tpu.memref_slice %arg4[%arg1, %dma_start3A_26, %dma_start3A_27] : memref<16x125x80xi32, #tpu.memory_space<hbm>> -> memref<1x125x80xi32, #tpu.memory_space<hbm>>
      %dma_start3A_29 = tpu.memref_squeeze %dma_start3A_28 : memref<1x125x80xi32, #tpu.memory_space<hbm>> -> memref<125x80xi32, #tpu.memory_space<hbm>>
      tpu.enqueue_dma source(%dma_start3A_29 : memref<125x80xi32, #tpu.memory_space<hbm>>) target(%arg7 : memref<125x80xi32, #tpu.memory_space<vmem>>) target_semaphore(%run_scoped3A : memref<!tpu.dma_semaphore, #tpu.memory_space<semaphore_mem>>)
      %dma_wait3A = arith.constant 0 : i32
      %dma_wait3A_30 = arith.constant 0 : i32
      %dma_wait3A_31 = tpu.memref_slice %arg4[%arg1, %dma_wait3A, %dma_wait3A_30] : memref<16x125x80xi32, #tpu.memory_space<hbm>> -> memref<1x125x80xi32, #tpu.memory_space<hbm>>
      %dma_wait3A_32 = tpu.memref_squeeze %dma_wait3A_31 : memref<1x125x80xi32, #tpu.memory_space<hbm>> -> memref<125x80xi32, #tpu.memory_space<hbm>>
      %dma_wait3A_33 = arith.constant 0 : i32
      %dma_wait3A_34 = arith.constant 0 : i32
      %dma_wait3A_35 = tpu.memref_slice %arg4[%arg1, %dma_wait3A_33, %dma_wait3A_34] : memref<16x125x80xi32, #tpu.memory_space<hbm>> -> memref<1x125x80xi32, #tpu.memory_space<hbm>>
      %dma_wait3A_36 = tpu.memref_squeeze %dma_wait3A_35 : memref<1x125x80xi32, #tpu.memory_space<hbm>> -> memref<125x80xi32, #tpu.memory_space<hbm>>
      tpu.wait_dma2 semaphore(%run_scoped3A : memref<!tpu.dma_semaphore, #tpu.memory_space<semaphore_mem>>) src(%dma_wait3A_36 : memref<125x80xi32, #tpu.memory_space<hbm>>) dst(%arg7 : memref<125x80xi32, #tpu.memory_space<vmem>>)
      tpu.yield
    }) : () -> ()
    "tpu.region"() ({
      %run_scoped3A = tpu.sem_alloc : memref<!tpu.dma_semaphore, #tpu.memory_space<semaphore_mem>>
      %dma_start3A = arith.constant 0 : i32
      %dma_start3A_23 = arith.constant 0 : i32
      %dma_start3A_24 = tpu.memref_slice %arg5[%arg1, %dma_start3A, %dma_start3A_23] : memref<16x125x80xi32, #tpu.memory_space<hbm>> -> memref<1x125x80xi32, #tpu.memory_space<hbm>>
      %dma_start3A_25 = tpu.memref_squeeze %dma_start3A_24 : memref<1x125x80xi32, #tpu.memory_space<hbm>> -> memref<125x80xi32, #tpu.memory_space<hbm>>
      %dma_start3A_26 = arith.constant 0 : i32
      %dma_start3A_27 = arith.constant 0 : i32
      %dma_start3A_28 = tpu.memref_slice %arg5[%arg1, %dma_start3A_26, %dma_start3A_27] : memref<16x125x80xi32, #tpu.memory_space<hbm>> -> memref<1x125x80xi32, #tpu.memory_space<hbm>>
      %dma_start3A_29 = tpu.memref_squeeze %dma_start3A_28 : memref<1x125x80xi32, #tpu.memory_space<hbm>> -> memref<125x80xi32, #tpu.memory_space<hbm>>
      tpu.enqueue_dma source(%dma_start3A_29 : memref<125x80xi32, #tpu.memory_space<hbm>>) target(%arg8 : memref<125x80xi32, #tpu.memory_space<vmem>>) target_semaphore(%run_scoped3A : memref<!tpu.dma_semaphore, #tpu.memory_space<semaphore_mem>>)
      %dma_wait3A = arith.constant 0 : i32
      %dma_wait3A_30 = arith.constant 0 : i32
      %dma_wait3A_31 = tpu.memref_slice %arg5[%arg1, %dma_wait3A, %dma_wait3A_30] : memref<16x125x80xi32, #tpu.memory_space<hbm>> -> memref<1x125x80xi32, #tpu.memory_space<hbm>>
      %dma_wait3A_32 = tpu.memref_squeeze %dma_wait3A_31 : memref<1x125x80xi32, #tpu.memory_space<hbm>> -> memref<125x80xi32, #tpu.memory_space<hbm>>
      %dma_wait3A_33 = arith.constant 0 : i32
      %dma_wait3A_34 = arith.constant 0 : i32
      %dma_wait3A_35 = tpu.memref_slice %arg5[%arg1, %dma_wait3A_33, %dma_wait3A_34] : memref<16x125x80xi32, #tpu.memory_space<hbm>> -> memref<1x125x80xi32, #tpu.memory_space<hbm>>
      %dma_wait3A_36 = tpu.memref_squeeze %dma_wait3A_35 : memref<1x125x80xi32, #tpu.memory_space<hbm>> -> memref<125x80xi32, #tpu.memory_space<hbm>>
      tpu.wait_dma2 semaphore(%run_scoped3A : memref<!tpu.dma_semaphore, #tpu.memory_space<semaphore_mem>>) src(%dma_wait3A_36 : memref<125x80xi32, #tpu.memory_space<hbm>>) dst(%arg8 : memref<125x80xi32, #tpu.memory_space<vmem>>)
      tpu.yield
    }) : () -> ()
    %broadcast_in_dim3A = arith.constant 0.000000e+00 : f32
    %broadcast_in_dim3A_0 = vector.broadcast %broadcast_in_dim3A : f32 to vector<16xf32>
    %scan3A = arith.constant 0 : i32
    %scan3A_1 = arith.constant 0 : i32
    %scan3A_2 = arith.constant 128 : i32
    %scan3A_3 = arith.addi %scan3A_1, %scan3A_2 : i32
    %scan3A_4 = arith.constant 1 : i32
    scf.for %scan3A_23 = %scan3A_1 to %scan3A_3 step %scan3A_4  : i32 {
      %swap3A = arith.index_cast %scan3A_23 : i32 to index
      %swap3A_24 = arith.constant 0 : index
      %swap3A_25 = tpu.vector_load %arg13[%swap3A, %swap3A_24] {strides = array<i32>} : memref<128x64xf32, #tpu.memory_space<vmem>>, vector<1x16xf32>,
      %swap3A_26 = vector.shape_cast %swap3A_25 : vector<1x16xf32> to vector<16xf32>
      %swap3A_27 = vector.shape_cast %broadcast_in_dim3A_0 : vector<16xf32> to vector<1x16xf32>
      tpu.vector_store %arg13[%swap3A, %swap3A_24], %swap3A_27 {strides = array<i32>} : memref<128x64xf32, #tpu.memory_space<vmem>>, vector<1x16xf32>,
      %swap3A_28 = arith.index_cast %scan3A_23 : i32 to index
      %swap3A_29 = arith.constant 16 : index
      %swap3A_30 = tpu.vector_load %arg13[%swap3A_28, %swap3A_29] {strides = array<i32>} : memref<128x64xf32, #tpu.memory_space<vmem>>, vector<1x16xf32>,
      %swap3A_31 = vector.shape_cast %swap3A_30 : vector<1x16xf32> to vector<16xf32>
      %swap3A_32 = vector.shape_cast %broadcast_in_dim3A_0 : vector<16xf32> to vector<1x16xf32>
      tpu.vector_store %arg13[%swap3A_28, %swap3A_29], %swap3A_32 {strides = array<i32>} : memref<128x64xf32, #tpu.memory_space<vmem>>, vector<1x16xf32>,
      %swap3A_33 = arith.index_cast %scan3A_23 : i32 to index
      %swap3A_34 = arith.constant 32 : index
      %swap3A_35 = tpu.vector_load %arg13[%swap3A_33, %swap3A_34] {strides = array<i32>} : memref<128x64xf32, #tpu.memory_space<vmem>>, vector<1x16xf32>,
      %swap3A_36 = vector.shape_cast %swap3A_35 : vector<1x16xf32> to vector<16xf32>
      %swap3A_37 = vector.shape_cast %broadcast_in_dim3A_0 : vector<16xf32> to vector<1x16xf32>
      tpu.vector_store %arg13[%swap3A_33, %swap3A_34], %swap3A_37 {strides = array<i32>} : memref<128x64xf32, #tpu.memory_space<vmem>>, vector<1x16xf32>,
      %swap3A_38 = arith.index_cast %scan3A_23 : i32 to index
      %swap3A_39 = arith.constant 48 : index
      %swap3A_40 = tpu.vector_load %arg13[%swap3A_38, %swap3A_39] {strides = array<i32>} : memref<128x64xf32, #tpu.memory_space<vmem>>, vector<1x16xf32>,
      %swap3A_41 = vector.shape_cast %swap3A_40 : vector<1x16xf32> to vector<16xf32>
      %swap3A_42 = vector.shape_cast %broadcast_in_dim3A_0 : vector<16xf32> to vector<1x16xf32>
      tpu.vector_store %arg13[%swap3A_38, %swap3A_39], %swap3A_42 {strides = array<i32>} : memref<128x64xf32, #tpu.memory_space<vmem>>, vector<1x16xf32>,
    }
    %scan3A_5 = arith.constant 128 : i32
    %scan3A_6 = arith.constant 0 : i32
    %scan3A_7 = arith.constant 0 : i32
    %scan3A_8 = arith.constant 5 : i32
    %scan3A_9 = arith.addi %scan3A_7, %scan3A_8 : i32
    %scan3A_10 = arith.constant 1 : i32
    scf.for %scan3A_23 = %scan3A_7 to %scan3A_9 step %scan3A_10  : i32 {
      %mul3A_24 = arith.constant 640 : i32
      %mul3A_25 = arith.muli %arg1, %mul3A_24 : i32
      %mul3A_26 = arith.constant 128 : i32
      %mul3A_27 = arith.muli %scan3A_23, %mul3A_26 : i32
      %add3A = arith.addi %mul3A_25, %mul3A_27 : i32
      "tpu.region"() ({
        %run_scoped3A = tpu.sem_alloc : memref<!tpu.dma_semaphore, #tpu.memory_space<semaphore_mem>>
        %dma_start3A = arith.constant 0 : i32
        %dma_start3A_28 = tpu.memref_slice %arg14[%add3A, %dma_start3A] : memref<10240x64xf32, #tpu.memory_space<vmem_shared>> -> memref<128x64xf32, #tpu.memory_space<vmem_shared>>
        %dma_start3A_29 = arith.constant 0 : i32
        %dma_start3A_30 = tpu.memref_slice %arg14[%add3A, %dma_start3A_29] : memref<10240x64xf32, #tpu.memory_space<vmem_shared>> -> memref<128x64xf32, #tpu.memory_space<vmem_shared>>
        tpu.enqueue_dma source(%arg13 : memref<128x64xf32, #tpu.memory_space<vmem>>) target(%dma_start3A_30 : memref<128x64xf32, #tpu.memory_space<vmem_shared>>) target_semaphore(%run_scoped3A : memref<!tpu.dma_semaphore, #tpu.memory_space<semaphore_mem>>)
        %dma_wait3A = arith.constant 0 : i32
        %dma_wait3A_31 = tpu.memref_slice %arg14[%add3A, %dma_wait3A] : memref<10240x64xf32, #tpu.memory_space<vmem_shared>> -> memref<128x64xf32, #tpu.memory_space<vmem_shared>>
        %dma_wait3A_32 = arith.constant 0 : i32
        %dma_wait3A_33 = tpu.memref_slice %arg14[%add3A, %dma_wait3A_32] : memref<10240x64xf32, #tpu.memory_space<vmem_shared>> -> memref<128x64xf32, #tpu.memory_space<vmem_shared>>
        tpu.wait_dma2 semaphore(%run_scoped3A : memref<!tpu.dma_semaphore, #tpu.memory_space<semaphore_mem>>) src(%arg13 : memref<128x64xf32, #tpu.memory_space<vmem>>) dst(%dma_wait3A_33 : memref<128x64xf32, #tpu.memory_space<vmem_shared>>)
        tpu.yield
      }) : () -> ()
    }
    %scan3A_11 = arith.constant 5 : i32
    %barrier3A = arith.constant 0 : index
    tpu.barrier barrier_id(%barrier3A)
    %eq3A = arith.constant 0 : i32
    %eq3A_12 = arith.cmpi eq, %arg0, %eq3A : i32
    %convert_element_type3A = arith.extui %eq3A_12 : i1 to i32
    %cond3A = arith.constant 0 : i32
    %cond3A_13 = arith.cmpi ne, %convert_element_type3A, %cond3A : i32
    scf.if %cond3A_13 {
      %dma_start3A = arith.constant 0 : i32
      %dma_start3A_23 = arith.constant 0 : i32
      %dma_start3A_24 = tpu.memref_slice %arg7[%dma_start3A, %dma_start3A_23] : memref<125x80xi32, #tpu.memory_space<vmem>> -> memref<1x80xi32, #tpu.memory_space<vmem>>
      %dma_start3A_25 = tpu.memref_squeeze %dma_start3A_24 : memref<1x80xi32, #tpu.memory_space<vmem>> -> memref<80xi32, #tpu.memory_space<vmem>>
      %dma_start3A_26 = arith.constant 0 : i32
      %dma_start3A_27 = arith.constant 0 : i32
      %dma_start3A_28 = tpu.memref_slice %arg2[%dma_start3A_26, %dma_start3A_27] : memref<10000x64xf32, #tpu.memory_space<hbm>> -> memref<10000x64xf32, #tpu.memory_space<hbm>>
      tpu.enqueue_indirect_dma source(%dma_start3A_28 : memref<10000x64xf32, #tpu.memory_space<hbm>>) target(%arg9 : memref<80x64xf32, #tpu.memory_space<vmem>>) offsets(%dma_start3A_25 : memref<80xi32, #tpu.memory_space<vmem>>) semaphore(%arg15 : memref<!tpu.dma_semaphore, #tpu.memory_space<semaphore_mem>>)
      %dma_start3A_29 = arith.constant 1 : i32
      %dma_start3A_30 = arith.constant 0 : i32
      %dma_start3A_31 = tpu.memref_slice %arg7[%dma_start3A_29, %dma_start3A_30] : memref<125x80xi32, #tpu.memory_space<vmem>> -> memref<1x80xi32, #tpu.memory_space<vmem>>
      %dma_start3A_32 = tpu.memref_squeeze %dma_start3A_31 : memref<1x80xi32, #tpu.memory_space<vmem>> -> memref<80xi32, #tpu.memory_space<vmem>>
      %dma_start3A_33 = arith.constant 0 : i32
      %dma_start3A_34 = arith.constant 0 : i32
      %dma_start3A_35 = tpu.memref_slice %arg2[%dma_start3A_33, %dma_start3A_34] : memref<10000x64xf32, #tpu.memory_space<hbm>> -> memref<10000x64xf32, #tpu.memory_space<hbm>>
      tpu.enqueue_indirect_dma source(%dma_start3A_35 : memref<10000x64xf32, #tpu.memory_space<hbm>>) target(%arg10 : memref<80x64xf32, #tpu.memory_space<vmem>>) offsets(%dma_start3A_32 : memref<80xi32, #tpu.memory_space<vmem>>) semaphore(%arg16 : memref<!tpu.dma_semaphore, #tpu.memory_space<semaphore_mem>>)
      %dma_start3A_36 = arith.constant 2 : i32
      %dma_start3A_37 = arith.constant 0 : i32
      %dma_start3A_38 = tpu.memref_slice %arg7[%dma_start3A_36, %dma_start3A_37] : memref<125x80xi32, #tpu.memory_space<vmem>> -> memref<1x80xi32, #tpu.memory_space<vmem>>
      %dma_start3A_39 = tpu.memref_squeeze %dma_start3A_38 : memref<1x80xi32, #tpu.memory_space<vmem>> -> memref<80xi32, #tpu.memory_space<vmem>>
      %dma_start3A_40 = arith.constant 0 : i32
      %dma_start3A_41 = arith.constant 0 : i32
      %dma_start3A_42 = tpu.memref_slice %arg2[%dma_start3A_40, %dma_start3A_41] : memref<10000x64xf32, #tpu.memory_space<hbm>> -> memref<10000x64xf32, #tpu.memory_space<hbm>>
      tpu.enqueue_indirect_dma source(%dma_start3A_42 : memref<10000x64xf32, #tpu.memory_space<hbm>>) target(%arg11 : memref<80x64xf32, #tpu.memory_space<vmem>>) offsets(%dma_start3A_39 : memref<80xi32, #tpu.memory_space<vmem>>) semaphore(%arg17 : memref<!tpu.dma_semaphore, #tpu.memory_space<semaphore_mem>>)
      %dma_start3A_43 = arith.constant 3 : i32
      %dma_start3A_44 = arith.constant 0 : i32
      %dma_start3A_45 = tpu.memref_slice %arg7[%dma_start3A_43, %dma_start3A_44] : memref<125x80xi32, #tpu.memory_space<vmem>> -> memref<1x80xi32, #tpu.memory_space<vmem>>
      %dma_start3A_46 = tpu.memref_squeeze %dma_start3A_45 : memref<1x80xi32, #tpu.memory_space<vmem>> -> memref<80xi32, #tpu.memory_space<vmem>>
      %dma_start3A_47 = arith.constant 0 : i32
      %dma_start3A_48 = arith.constant 0 : i32
      %dma_start3A_49 = tpu.memref_slice %arg2[%dma_start3A_47, %dma_start3A_48] : memref<10000x64xf32, #tpu.memory_space<hbm>> -> memref<10000x64xf32, #tpu.memory_space<hbm>>
      tpu.enqueue_indirect_dma source(%dma_start3A_49 : memref<10000x64xf32, #tpu.memory_space<hbm>>) target(%arg12 : memref<80x64xf32, #tpu.memory_space<vmem>>) offsets(%dma_start3A_46 : memref<80xi32, #tpu.memory_space<vmem>>) semaphore(%arg18 : memref<!tpu.dma_semaphore, #tpu.memory_space<semaphore_mem>>)
      %scan3A_50 = arith.constant 0 : i32
      %scan3A_51 = arith.constant 0 : i32
      %scan3A_52 = arith.constant 31 : i32
      %scan3A_53 = arith.addi %scan3A_51, %scan3A_52 : i32
      %scan3A_54 = arith.constant 1 : i32
      scf.for %scan3A_62 = %scan3A_51 to %scan3A_53 step %scan3A_54  : i32 {
        %mul3A_63 = arith.constant 4 : i32
        %mul3A_64 = arith.muli %mul3A_63, %scan3A_62 : i32
        %add3A = arith.constant 0 : i32
        %add3A_65 = arith.addi %mul3A_64, %add3A : i32
        %dma_wait3A_66 = arith.constant 0 : i32
        %dma_wait3A_67 = tpu.memref_slice %arg7[%add3A_65, %dma_wait3A_66] : memref<125x80xi32, #tpu.memory_space<vmem>> -> memref<1x80xi32, #tpu.memory_space<vmem>>
        %dma_wait3A_68 = tpu.memref_squeeze %dma_wait3A_67 : memref<1x80xi32, #tpu.memory_space<vmem>> -> memref<80xi32, #tpu.memory_space<vmem>>
        %dma_wait3A_69 = arith.constant 0 : i32
        %dma_wait3A_70 = arith.constant 0 : i32
        %dma_wait3A_71 = tpu.memref_slice %arg2[%dma_wait3A_69, %dma_wait3A_70] : memref<10000x64xf32, #tpu.memory_space<hbm>> -> memref<10000x64xf32, #tpu.memory_space<hbm>>
        tpu.wait_indirect_dma semaphore(%arg15 : memref<!tpu.dma_semaphore, #tpu.memory_space<semaphore_mem>>) src(%dma_wait3A_71 : memref<10000x64xf32, #tpu.memory_space<hbm>>) dst(%arg9 : memref<80x64xf32, #tpu.memory_space<vmem>>)
        %dma_start3A_72 = arith.constant 0 : i32
        %dma_start3A_73 = tpu.memref_slice %arg8[%add3A_65, %dma_start3A_72] : memref<125x80xi32, #tpu.memory_space<vmem>> -> memref<1x80xi32, #tpu.memory_space<vmem>>
        %dma_start3A_74 = tpu.memref_squeeze %dma_start3A_73 : memref<1x80xi32, #tpu.memory_space<vmem>> -> memref<80xi32, #tpu.memory_space<vmem>>
        %dma_start3A_75 = arith.constant 0 : i32
        %dma_start3A_76 = arith.constant 0 : i32
        %dma_start3A_77 = tpu.memref_slice %arg14[%dma_start3A_75, %dma_start3A_76] : memref<10240x64xf32, #tpu.memory_space<vmem_shared>> -> memref<10240x64xf32, #tpu.memory_space<vmem_shared>>
        tpu.enqueue_indirect_dma source(%arg9 : memref<80x64xf32, #tpu.memory_space<vmem>>) target(%dma_start3A_77 : memref<10240x64xf32, #tpu.memory_space<vmem_shared>>) offsets(%dma_start3A_74 : memref<80xi32, #tpu.memory_space<vmem>>) semaphore(%arg19 : memref<!tpu.dma_semaphore, #tpu.memory_space<semaphore_mem>>) {add = true}
        %dma_wait3A_78 = arith.constant 0 : i32
        %dma_wait3A_79 = tpu.memref_slice %arg8[%add3A_65, %dma_wait3A_78] : memref<125x80xi32, #tpu.memory_space<vmem>> -> memref<1x80xi32, #tpu.memory_space<vmem>>
        %dma_wait3A_80 = tpu.memref_squeeze %dma_wait3A_79 : memref<1x80xi32, #tpu.memory_space<vmem>> -> memref<80xi32, #tpu.memory_space<vmem>>
        %dma_wait3A_81 = arith.constant 0 : i32
        %dma_wait3A_82 = arith.constant 0 : i32
        %dma_wait3A_83 = tpu.memref_slice %arg14[%dma_wait3A_81, %dma_wait3A_82] : memref<10240x64xf32, #tpu.memory_space<vmem_shared>> -> memref<10240x64xf32, #tpu.memory_space<vmem_shared>>
        tpu.wait_indirect_dma semaphore(%arg19 : memref<!tpu.dma_semaphore, #tpu.memory_space<semaphore_mem>>) src(%arg9 : memref<80x64xf32, #tpu.memory_space<vmem>>) dst(%dma_wait3A_83 : memref<10240x64xf32, #tpu.memory_space<vmem_shared>>)
        %add3A_84 = arith.constant 4 : i32
        %add3A_85 = arith.addi %add3A_65, %add3A_84 : i32
        %lt3A = arith.constant 125 : i32
        %lt3A_86 = arith.cmpi slt, %add3A_85, %lt3A : i32
        %convert_element_type3A_87 = arith.extui %lt3A_86 : i1 to i32
        %cond3A_88 = arith.constant 0 : i32
        %cond3A_89 = arith.cmpi ne, %convert_element_type3A_87, %cond3A_88 : i32
        scf.if %cond3A_89 {
          %add3A_177 = arith.constant 4 : i32
          %add3A_178 = arith.addi %add3A_65, %add3A_177 : i32
          %dma_start3A_179 = arith.constant 0 : i32
          %dma_start3A_180 = tpu.memref_slice %arg7[%add3A_178, %dma_start3A_179] : memref<125x80xi32, #tpu.memory_space<vmem>> -> memref<1x80xi32, #tpu.memory_space<vmem>>
          %dma_start3A_181 = tpu.memref_squeeze %dma_start3A_180 : memref<1x80xi32, #tpu.memory_space<vmem>> -> memref<80xi32, #tpu.memory_space<vmem>>
          %dma_start3A_182 = arith.constant 0 : i32
          %dma_start3A_183 = arith.constant 0 : i32
          %dma_start3A_184 = tpu.memref_slice %arg2[%dma_start3A_182, %dma_start3A_183] : memref<10000x64xf32, #tpu.memory_space<hbm>> -> memref<10000x64xf32, #tpu.memory_space<hbm>>
          tpu.enqueue_indirect_dma source(%dma_start3A_184 : memref<10000x64xf32, #tpu.memory_space<hbm>>) target(%arg9 : memref<80x64xf32, #tpu.memory_space<vmem>>) offsets(%dma_start3A_181 : memref<80xi32, #tpu.memory_space<vmem>>) semaphore(%arg15 : memref<!tpu.dma_semaphore, #tpu.memory_space<semaphore_mem>>)
        } else {
        }
        %mul3A_90 = arith.constant 4 : i32
        %mul3A_91 = arith.muli %mul3A_90, %scan3A_62 : i32
        %add3A_92 = arith.constant 1 : i32
        %add3A_93 = arith.addi %mul3A_91, %add3A_92 : i32
        %dma_wait3A_94 = arith.constant 0 : i32
        %dma_wait3A_95 = tpu.memref_slice %arg7[%add3A_93, %dma_wait3A_94] : memref<125x80xi32, #tpu.memory_space<vmem>> -> memref<1x80xi32, #tpu.memory_space<vmem>>
        %dma_wait3A_96 = tpu.memref_squeeze %dma_wait3A_95 : memref<1x80xi32, #tpu.memory_space<vmem>> -> memref<80xi32, #tpu.memory_space<vmem>>
        %dma_wait3A_97 = arith.constant 0 : i32
        %dma_wait3A_98 = arith.constant 0 : i32
        %dma_wait3A_99 = tpu.memref_slice %arg2[%dma_wait3A_97, %dma_wait3A_98] : memref<10000x64xf32, #tpu.memory_space<hbm>> -> memref<10000x64xf32, #tpu.memory_space<hbm>>
        tpu.wait_indirect_dma semaphore(%arg16 : memref<!tpu.dma_semaphore, #tpu.memory_space<semaphore_mem>>) src(%dma_wait3A_99 : memref<10000x64xf32, #tpu.memory_space<hbm>>) dst(%arg10 : memref<80x64xf32, #tpu.memory_space<vmem>>)
        %dma_start3A_100 = arith.constant 0 : i32
        %dma_start3A_101 = tpu.memref_slice %arg8[%add3A_93, %dma_start3A_100] : memref<125x80xi32, #tpu.memory_space<vmem>> -> memref<1x80xi32, #tpu.memory_space<vmem>>
        %dma_start3A_102 = tpu.memref_squeeze %dma_start3A_101 : memref<1x80xi32, #tpu.memory_space<vmem>> -> memref<80xi32, #tpu.memory_space<vmem>>
        %dma_start3A_103 = arith.constant 0 : i32
        %dma_start3A_104 = arith.constant 0 : i32
        %dma_start3A_105 = tpu.memref_slice %arg14[%dma_start3A_103, %dma_start3A_104] : memref<10240x64xf32, #tpu.memory_space<vmem_shared>> -> memref<10240x64xf32, #tpu.memory_space<vmem_shared>>
        tpu.enqueue_indirect_dma source(%arg10 : memref<80x64xf32, #tpu.memory_space<vmem>>) target(%dma_start3A_105 : memref<10240x64xf32, #tpu.memory_space<vmem_shared>>) offsets(%dma_start3A_102 : memref<80xi32, #tpu.memory_space<vmem>>) semaphore(%arg20 : memref<!tpu.dma_semaphore, #tpu.memory_space<semaphore_mem>>) {add = true}
        %dma_wait3A_106 = arith.constant 0 : i32
        %dma_wait3A_107 = tpu.memref_slice %arg8[%add3A_93, %dma_wait3A_106] : memref<125x80xi32, #tpu.memory_space<vmem>> -> memref<1x80xi32, #tpu.memory_space<vmem>>
        %dma_wait3A_108 = tpu.memref_squeeze %dma_wait3A_107 : memref<1x80xi32, #tpu.memory_space<vmem>> -> memref<80xi32, #tpu.memory_space<vmem>>
        %dma_wait3A_109 = arith.constant 0 : i32
        %dma_wait3A_110 = arith.constant 0 : i32
        %dma_wait3A_111 = tpu.memref_slice %arg14[%dma_wait3A_109, %dma_wait3A_110] : memref<10240x64xf32, #tpu.memory_space<vmem_shared>> -> memref<10240x64xf32, #tpu.memory_space<vmem_shared>>
        tpu.wait_indirect_dma semaphore(%arg20 : memref<!tpu.dma_semaphore, #tpu.memory_space<semaphore_mem>>) src(%arg10 : memref<80x64xf32, #tpu.memory_space<vmem>>) dst(%dma_wait3A_111 : memref<10240x64xf32, #tpu.memory_space<vmem_shared>>)
        %add3A_112 = arith.constant 4 : i32
        %add3A_113 = arith.addi %add3A_93, %add3A_112 : i32
        %lt3A_114 = arith.constant 125 : i32
        %lt3A_115 = arith.cmpi slt, %add3A_113, %lt3A_114 : i32
        %convert_element_type3A_116 = arith.extui %lt3A_115 : i1 to i32
        %cond3A_117 = arith.constant 0 : i32
        %cond3A_118 = arith.cmpi ne, %convert_element_type3A_116, %cond3A_117 : i32
        scf.if %cond3A_118 {
          %add3A_177 = arith.constant 4 : i32
          %add3A_178 = arith.addi %add3A_93, %add3A_177 : i32
          %dma_start3A_179 = arith.constant 0 : i32
          %dma_start3A_180 = tpu.memref_slice %arg7[%add3A_178, %dma_start3A_179] : memref<125x80xi32, #tpu.memory_space<vmem>> -> memref<1x80xi32, #tpu.memory_space<vmem>>
          %dma_start3A_181 = tpu.memref_squeeze %dma_start3A_180 : memref<1x80xi32, #tpu.memory_space<vmem>> -> memref<80xi32, #tpu.memory_space<vmem>>
          %dma_start3A_182 = arith.constant 0 : i32
          %dma_start3A_183 = arith.constant 0 : i32
          %dma_start3A_184 = tpu.memref_slice %arg2[%dma_start3A_182, %dma_start3A_183] : memref<10000x64xf32, #tpu.memory_space<hbm>> -> memref<10000x64xf32, #tpu.memory_space<hbm>>
          tpu.enqueue_indirect_dma source(%dma_start3A_184 : memref<10000x64xf32, #tpu.memory_space<hbm>>) target(%arg10 : memref<80x64xf32, #tpu.memory_space<vmem>>) offsets(%dma_start3A_181 : memref<80xi32, #tpu.memory_space<vmem>>) semaphore(%arg16 : memref<!tpu.dma_semaphore, #tpu.memory_space<semaphore_mem>>)
        } else {
        }
        %mul3A_119 = arith.constant 4 : i32
        %mul3A_120 = arith.muli %mul3A_119, %scan3A_62 : i32
        %add3A_121 = arith.constant 2 : i32
        %add3A_122 = arith.addi %mul3A_120, %add3A_121 : i32
        %dma_wait3A_123 = arith.constant 0 : i32
        %dma_wait3A_124 = tpu.memref_slice %arg7[%add3A_122, %dma_wait3A_123] : memref<125x80xi32, #tpu.memory_space<vmem>> -> memref<1x80xi32, #tpu.memory_space<vmem>>
        %dma_wait3A_125 = tpu.memref_squeeze %dma_wait3A_124 : memref<1x80xi32, #tpu.memory_space<vmem>> -> memref<80xi32, #tpu.memory_space<vmem>>
        %dma_wait3A_126 = arith.constant 0 : i32
        %dma_wait3A_127 = arith.constant 0 : i32
        %dma_wait3A_128 = tpu.memref_slice %arg2[%dma_wait3A_126, %dma_wait3A_127] : memref<10000x64xf32, #tpu.memory_space<hbm>> -> memref<10000x64xf32, #tpu.memory_space<hbm>>
        tpu.wait_indirect_dma semaphore(%arg17 : memref<!tpu.dma_semaphore, #tpu.memory_space<semaphore_mem>>) src(%dma_wait3A_128 : memref<10000x64xf32, #tpu.memory_space<hbm>>) dst(%arg11 : memref<80x64xf32, #tpu.memory_space<vmem>>)
        %dma_start3A_129 = arith.constant 0 : i32
        %dma_start3A_130 = tpu.memref_slice %arg8[%add3A_122, %dma_start3A_129] : memref<125x80xi32, #tpu.memory_space<vmem>> -> memref<1x80xi32, #tpu.memory_space<vmem>>
        %dma_start3A_131 = tpu.memref_squeeze %dma_start3A_130 : memref<1x80xi32, #tpu.memory_space<vmem>> -> memref<80xi32, #tpu.memory_space<vmem>>
        %dma_start3A_132 = arith.constant 0 : i32
        %dma_start3A_133 = arith.constant 0 : i32
        %dma_start3A_134 = tpu.memref_slice %arg14[%dma_start3A_132, %dma_start3A_133] : memref<10240x64xf32, #tpu.memory_space<vmem_shared>> -> memref<10240x64xf32, #tpu.memory_space<vmem_shared>>
        tpu.enqueue_indirect_dma source(%arg11 : memref<80x64xf32, #tpu.memory_space<vmem>>) target(%dma_start3A_134 : memref<10240x64xf32, #tpu.memory_space<vmem_shared>>) offsets(%dma_start3A_131 : memref<80xi32, #tpu.memory_space<vmem>>) semaphore(%arg21 : memref<!tpu.dma_semaphore, #tpu.memory_space<semaphore_mem>>) {add = true}
        %dma_wait3A_135 = arith.constant 0 : i32
        %dma_wait3A_136 = tpu.memref_slice %arg8[%add3A_122, %dma_wait3A_135] : memref<125x80xi32, #tpu.memory_space<vmem>> -> memref<1x80xi32, #tpu.memory_space<vmem>>
        %dma_wait3A_137 = tpu.memref_squeeze %dma_wait3A_136 : memref<1x80xi32, #tpu.memory_space<vmem>> -> memref<80xi32, #tpu.memory_space<vmem>>
        %dma_wait3A_138 = arith.constant 0 : i32
        %dma_wait3A_139 = arith.constant 0 : i32
        %dma_wait3A_140 = tpu.memref_slice %arg14[%dma_wait3A_138, %dma_wait3A_139] : memref<10240x64xf32, #tpu.memory_space<vmem_shared>> -> memref<10240x64xf32, #tpu.memory_space<vmem_shared>>
        tpu.wait_indirect_dma semaphore(%arg21 : memref<!tpu.dma_semaphore, #tpu.memory_space<semaphore_mem>>) src(%arg11 : memref<80x64xf32, #tpu.memory_space<vmem>>) dst(%dma_wait3A_140 : memref<10240x64xf32, #tpu.memory_space<vmem_shared>>)
        %add3A_141 = arith.constant 4 : i32
        %add3A_142 = arith.addi %add3A_122, %add3A_141 : i32
        %lt3A_143 = arith.constant 125 : i32
        %lt3A_144 = arith.cmpi slt, %add3A_142, %lt3A_143 : i32
        %convert_element_type3A_145 = arith.extui %lt3A_144 : i1 to i32
        %cond3A_146 = arith.constant 0 : i32
        %cond3A_147 = arith.cmpi ne, %convert_element_type3A_145, %cond3A_146 : i32
        scf.if %cond3A_147 {
          %add3A_177 = arith.constant 4 : i32
          %add3A_178 = arith.addi %add3A_122, %add3A_177 : i32
          %dma_start3A_179 = arith.constant 0 : i32
          %dma_start3A_180 = tpu.memref_slice %arg7[%add3A_178, %dma_start3A_179] : memref<125x80xi32, #tpu.memory_space<vmem>> -> memref<1x80xi32, #tpu.memory_space<vmem>>
          %dma_start3A_181 = tpu.memref_squeeze %dma_start3A_180 : memref<1x80xi32, #tpu.memory_space<vmem>> -> memref<80xi32, #tpu.memory_space<vmem>>
          %dma_start3A_182 = arith.constant 0 : i32
          %dma_start3A_183 = arith.constant 0 : i32
          %dma_start3A_184 = tpu.memref_slice %arg2[%dma_start3A_182, %dma_start3A_183] : memref<10000x64xf32, #tpu.memory_space<hbm>> -> memref<10000x64xf32, #tpu.memory_space<hbm>>
          tpu.enqueue_indirect_dma source(%dma_start3A_184 : memref<10000x64xf32, #tpu.memory_space<hbm>>) target(%arg11 : memref<80x64xf32, #tpu.memory_space<vmem>>) offsets(%dma_start3A_181 : memref<80xi32, #tpu.memory_space<vmem>>) semaphore(%arg17 : memref<!tpu.dma_semaphore, #tpu.memory_space<semaphore_mem>>)
        } else {
        }
        %mul3A_148 = arith.constant 4 : i32
        %mul3A_149 = arith.muli %mul3A_148, %scan3A_62 : i32
        %add3A_150 = arith.constant 3 : i32
        %add3A_151 = arith.addi %mul3A_149, %add3A_150 : i32
        %dma_wait3A_152 = arith.constant 0 : i32
        %dma_wait3A_153 = tpu.memref_slice %arg7[%add3A_151, %dma_wait3A_152] : memref<125x80xi32, #tpu.memory_space<vmem>> -> memref<1x80xi32, #tpu.memory_space<vmem>>
        %dma_wait3A_154 = tpu.memref_squeeze %dma_wait3A_153 : memref<1x80xi32, #tpu.memory_space<vmem>> -> memref<80xi32, #tpu.memory_space<vmem>>
        %dma_wait3A_155 = arith.constant 0 : i32
        %dma_wait3A_156 = arith.constant 0 : i32
        %dma_wait3A_157 = tpu.memref_slice %arg2[%dma_wait3A_155, %dma_wait3A_156] : memref<10000x64xf32, #tpu.memory_space<hbm>> -> memref<10000x64xf32, #tpu.memory_space<hbm>>
        tpu.wait_indirect_dma semaphore(%arg18 : memref<!tpu.dma_semaphore, #tpu.memory_space<semaphore_mem>>) src(%dma_wait3A_157 : memref<10000x64xf32, #tpu.memory_space<hbm>>) dst(%arg12 : memref<80x64xf32, #tpu.memory_space<vmem>>)
        %dma_start3A_158 = arith.constant 0 : i32
        %dma_start3A_159 = tpu.memref_slice %arg8[%add3A_151, %dma_start3A_158] : memref<125x80xi32, #tpu.memory_space<vmem>> -> memref<1x80xi32, #tpu.memory_space<vmem>>
        %dma_start3A_160 = tpu.memref_squeeze %dma_start3A_159 : memref<1x80xi32, #tpu.memory_space<vmem>> -> memref<80xi32, #tpu.memory_space<vmem>>
        %dma_start3A_161 = arith.constant 0 : i32
        %dma_start3A_162 = arith.constant 0 : i32
        %dma_start3A_163 = tpu.memref_slice %arg14[%dma_start3A_161, %dma_start3A_162] : memref<10240x64xf32, #tpu.memory_space<vmem_shared>> -> memref<10240x64xf32, #tpu.memory_space<vmem_shared>>
        tpu.enqueue_indirect_dma source(%arg12 : memref<80x64xf32, #tpu.memory_space<vmem>>) target(%dma_start3A_163 : memref<10240x64xf32, #tpu.memory_space<vmem_shared>>) offsets(%dma_start3A_160 : memref<80xi32, #tpu.memory_space<vmem>>) semaphore(%arg22 : memref<!tpu.dma_semaphore, #tpu.memory_space<semaphore_mem>>) {add = true}
        %dma_wait3A_164 = arith.constant 0 : i32
        %dma_wait3A_165 = tpu.memref_slice %arg8[%add3A_151, %dma_wait3A_164] : memref<125x80xi32, #tpu.memory_space<vmem>> -> memref<1x80xi32, #tpu.memory_space<vmem>>
        %dma_wait3A_166 = tpu.memref_squeeze %dma_wait3A_165 : memref<1x80xi32, #tpu.memory_space<vmem>> -> memref<80xi32, #tpu.memory_space<vmem>>
        %dma_wait3A_167 = arith.constant 0 : i32
        %dma_wait3A_168 = arith.constant 0 : i32
        %dma_wait3A_169 = tpu.memref_slice %arg14[%dma_wait3A_167, %dma_wait3A_168] : memref<10240x64xf32, #tpu.memory_space<vmem_shared>> -> memref<10240x64xf32, #tpu.memory_space<vmem_shared>>
        tpu.wait_indirect_dma semaphore(%arg22 : memref<!tpu.dma_semaphore, #tpu.memory_space<semaphore_mem>>) src(%arg12 : memref<80x64xf32, #tpu.memory_space<vmem>>) dst(%dma_wait3A_169 : memref<10240x64xf32, #tpu.memory_space<vmem_shared>>)
        %add3A_170 = arith.constant 4 : i32
        %add3A_171 = arith.addi %add3A_151, %add3A_170 : i32
        %lt3A_172 = arith.constant 125 : i32
        %lt3A_173 = arith.cmpi slt, %add3A_171, %lt3A_172 : i32
        %convert_element_type3A_174 = arith.extui %lt3A_173 : i1 to i32
        %cond3A_175 = arith.constant 0 : i32
        %cond3A_176 = arith.cmpi ne, %convert_element_type3A_174, %cond3A_175 : i32
        scf.if %cond3A_176 {
          %add3A_177 = arith.constant 4 : i32
          %add3A_178 = arith.addi %add3A_151, %add3A_177 : i32
          %dma_start3A_179 = arith.constant 0 : i32
          %dma_start3A_180 = tpu.memref_slice %arg7[%add3A_178, %dma_start3A_179] : memref<125x80xi32, #tpu.memory_space<vmem>> -> memref<1x80xi32, #tpu.memory_space<vmem>>
          %dma_start3A_181 = tpu.memref_squeeze %dma_start3A_180 : memref<1x80xi32, #tpu.memory_space<vmem>> -> memref<80xi32, #tpu.memory_space<vmem>>
          %dma_start3A_182 = arith.constant 0 : i32
          %dma_start3A_183 = arith.constant 0 : i32
          %dma_start3A_184 = tpu.memref_slice %arg2[%dma_start3A_182, %dma_start3A_183] : memref<10000x64xf32, #tpu.memory_space<hbm>> -> memref<10000x64xf32, #tpu.memory_space<hbm>>
          tpu.enqueue_indirect_dma source(%dma_start3A_184 : memref<10000x64xf32, #tpu.memory_space<hbm>>) target(%arg12 : memref<80x64xf32, #tpu.memory_space<vmem>>) offsets(%dma_start3A_181 : memref<80xi32, #tpu.memory_space<vmem>>) semaphore(%arg18 : memref<!tpu.dma_semaphore, #tpu.memory_space<semaphore_mem>>)
        } else {
        }
      }
      %scan3A_55 = arith.constant 31 : i32
      %dma_wait3A = arith.constant 124 : i32
      %dma_wait3A_56 = arith.constant 0 : i32
      %dma_wait3A_57 = tpu.memref_slice %arg7[%dma_wait3A, %dma_wait3A_56] : memref<125x80xi32, #tpu.memory_space<vmem>> -> memref<1x80xi32, #tpu.memory_space<vmem>>
      %dma_wait3A_58 = tpu.memref_squeeze %dma_wait3A_57 : memref<1x80xi32, #tpu.memory_space<vmem>> -> memref<80xi32, #tpu.memory_space<vmem>>
      %dma_wait3A_59 = arith.constant 0 : i32
      %dma_wait3A_60 = arith.constant 0 : i32
      %dma_wait3A_61 = tpu.memref_slice %arg2[%dma_wait3A_59, %dma_wait3A_60] : memref<10000x64xf32, #tpu.memory_space<hbm>> -> memref<10000x64xf32, #tpu.memory_space<hbm>>
      tpu.wait_indirect_dma semaphore(%arg15 : memref<!tpu.dma_semaphore, #tpu.memory_space<semaphore_mem>>) src(%dma_wait3A_61 : memref<10000x64xf32, #tpu.memory_space<hbm>>) dst(%arg9 : memref<80x64xf32, #tpu.memory_space<vmem>>)
      %run_scoped3A = arith.constant 124 : i32
      "tpu.region"() ({
        %run_scoped3A_62 = tpu.sem_alloc : memref<!tpu.dma_semaphore, #tpu.memory_space<semaphore_mem>>
        %dma_start3A_63 = arith.constant 0 : i32
        %dma_start3A_64 = tpu.memref_slice %arg8[%run_scoped3A, %dma_start3A_63] : memref<125x80xi32, #tpu.memory_space<vmem>> -> memref<1x80xi32, #tpu.memory_space<vmem>>
        %dma_start3A_65 = tpu.memref_squeeze %dma_start3A_64 : memref<1x80xi32, #tpu.memory_space<vmem>> -> memref<80xi32, #tpu.memory_space<vmem>>
        %dma_start3A_66 = arith.constant 0 : i32
        %dma_start3A_67 = arith.constant 0 : i32
        %dma_start3A_68 = tpu.memref_slice %arg14[%dma_start3A_66, %dma_start3A_67] : memref<10240x64xf32, #tpu.memory_space<vmem_shared>> -> memref<10240x64xf32, #tpu.memory_space<vmem_shared>>
        tpu.enqueue_indirect_dma source(%arg9 : memref<80x64xf32, #tpu.memory_space<vmem>>) target(%dma_start3A_68 : memref<10240x64xf32, #tpu.memory_space<vmem_shared>>) offsets(%dma_start3A_65 : memref<80xi32, #tpu.memory_space<vmem>>) semaphore(%run_scoped3A_62 : memref<!tpu.dma_semaphore, #tpu.memory_space<semaphore_mem>>) {add = true}
        %dma_wait3A_69 = arith.constant 0 : i32
        %dma_wait3A_70 = tpu.memref_slice %arg8[%run_scoped3A, %dma_wait3A_69] : memref<125x80xi32, #tpu.memory_space<vmem>> -> memref<1x80xi32, #tpu.memory_space<vmem>>
        %dma_wait3A_71 = tpu.memref_squeeze %dma_wait3A_70 : memref<1x80xi32, #tpu.memory_space<vmem>> -> memref<80xi32, #tpu.memory_space<vmem>>
        %dma_wait3A_72 = arith.constant 0 : i32
        %dma_wait3A_73 = arith.constant 0 : i32
        %dma_wait3A_74 = tpu.memref_slice %arg14[%dma_wait3A_72, %dma_wait3A_73] : memref<10240x64xf32, #tpu.memory_space<vmem_shared>> -> memref<10240x64xf32, #tpu.memory_space<vmem_shared>>
        tpu.wait_indirect_dma semaphore(%run_scoped3A_62 : memref<!tpu.dma_semaphore, #tpu.memory_space<semaphore_mem>>) src(%arg9 : memref<80x64xf32, #tpu.memory_space<vmem>>) dst(%dma_wait3A_74 : memref<10240x64xf32, #tpu.memory_space<vmem_shared>>)
        tpu.yield
      }) : () -> ()
    } else {
    }
    %eq3A_14 = arith.constant 1 : i32
    %eq3A_15 = arith.cmpi eq, %arg0, %eq3A_14 : i32
    %convert_element_type3A_16 = arith.extui %eq3A_15 : i1 to i32
    %cond3A_17 = arith.constant 0 : i32
    %cond3A_18 = arith.cmpi ne, %convert_element_type3A_16, %cond3A_17 : i32
    scf.if %cond3A_18 {
      %dma_start3A = arith.constant 0 : i32
      %dma_start3A_23 = arith.constant 0 : i32
      %dma_start3A_24 = tpu.memref_slice %arg7[%dma_start3A, %dma_start3A_23] : memref<125x80xi32, #tpu.memory_space<vmem>> -> memref<1x80xi32, #tpu.memory_space<vmem>>
      %dma_start3A_25 = tpu.memref_squeeze %dma_start3A_24 : memref<1x80xi32, #tpu.memory_space<vmem>> -> memref<80xi32, #tpu.memory_space<vmem>>
      %dma_start3A_26 = arith.constant 0 : i32
      %dma_start3A_27 = arith.constant 0 : i32
      %dma_start3A_28 = tpu.memref_slice %arg3[%dma_start3A_26, %dma_start3A_27] : memref<10000x64xf32, #tpu.memory_space<hbm>> -> memref<10000x64xf32, #tpu.memory_space<hbm>>
      tpu.enqueue_indirect_dma source(%dma_start3A_28 : memref<10000x64xf32, #tpu.memory_space<hbm>>) target(%arg9 : memref<80x64xf32, #tpu.memory_space<vmem>>) offsets(%dma_start3A_25 : memref<80xi32, #tpu.memory_space<vmem>>) semaphore(%arg15 : memref<!tpu.dma_semaphore, #tpu.memory_space<semaphore_mem>>)
      %dma_start3A_29 = arith.constant 1 : i32
      %dma_start3A_30 = arith.constant 0 : i32
      %dma_start3A_31 = tpu.memref_slice %arg7[%dma_start3A_29, %dma_start3A_30] : memref<125x80xi32, #tpu.memory_space<vmem>> -> memref<1x80xi32, #tpu.memory_space<vmem>>
      %dma_start3A_32 = tpu.memref_squeeze %dma_start3A_31 : memref<1x80xi32, #tpu.memory_space<vmem>> -> memref<80xi32, #tpu.memory_space<vmem>>
      %dma_start3A_33 = arith.constant 0 : i32
      %dma_start3A_34 = arith.constant 0 : i32
      %dma_start3A_35 = tpu.memref_slice %arg3[%dma_start3A_33, %dma_start3A_34] : memref<10000x64xf32, #tpu.memory_space<hbm>> -> memref<10000x64xf32, #tpu.memory_space<hbm>>
      tpu.enqueue_indirect_dma source(%dma_start3A_35 : memref<10000x64xf32, #tpu.memory_space<hbm>>) target(%arg10 : memref<80x64xf32, #tpu.memory_space<vmem>>) offsets(%dma_start3A_32 : memref<80xi32, #tpu.memory_space<vmem>>) semaphore(%arg16 : memref<!tpu.dma_semaphore, #tpu.memory_space<semaphore_mem>>)
      %dma_start3A_36 = arith.constant 2 : i32
      %dma_start3A_37 = arith.constant 0 : i32
      %dma_start3A_38 = tpu.memref_slice %arg7[%dma_start3A_36, %dma_start3A_37] : memref<125x80xi32, #tpu.memory_space<vmem>> -> memref<1x80xi32, #tpu.memory_space<vmem>>
      %dma_start3A_39 = tpu.memref_squeeze %dma_start3A_38 : memref<1x80xi32, #tpu.memory_space<vmem>> -> memref<80xi32, #tpu.memory_space<vmem>>
      %dma_start3A_40 = arith.constant 0 : i32
      %dma_start3A_41 = arith.constant 0 : i32
      %dma_start3A_42 = tpu.memref_slice %arg3[%dma_start3A_40, %dma_start3A_41] : memref<10000x64xf32, #tpu.memory_space<hbm>> -> memref<10000x64xf32, #tpu.memory_space<hbm>>
      tpu.enqueue_indirect_dma source(%dma_start3A_42 : memref<10000x64xf32, #tpu.memory_space<hbm>>) target(%arg11 : memref<80x64xf32, #tpu.memory_space<vmem>>) offsets(%dma_start3A_39 : memref<80xi32, #tpu.memory_space<vmem>>) semaphore(%arg17 : memref<!tpu.dma_semaphore, #tpu.memory_space<semaphore_mem>>)
      %dma_start3A_43 = arith.constant 3 : i32
      %dma_start3A_44 = arith.constant 0 : i32
      %dma_start3A_45 = tpu.memref_slice %arg7[%dma_start3A_43, %dma_start3A_44] : memref<125x80xi32, #tpu.memory_space<vmem>> -> memref<1x80xi32, #tpu.memory_space<vmem>>
      %dma_start3A_46 = tpu.memref_squeeze %dma_start3A_45 : memref<1x80xi32, #tpu.memory_space<vmem>> -> memref<80xi32, #tpu.memory_space<vmem>>
      %dma_start3A_47 = arith.constant 0 : i32
      %dma_start3A_48 = arith.constant 0 : i32
      %dma_start3A_49 = tpu.memref_slice %arg3[%dma_start3A_47, %dma_start3A_48] : memref<10000x64xf32, #tpu.memory_space<hbm>> -> memref<10000x64xf32, #tpu.memory_space<hbm>>
      tpu.enqueue_indirect_dma source(%dma_start3A_49 : memref<10000x64xf32, #tpu.memory_space<hbm>>) target(%arg12 : memref<80x64xf32, #tpu.memory_space<vmem>>) offsets(%dma_start3A_46 : memref<80xi32, #tpu.memory_space<vmem>>) semaphore(%arg18 : memref<!tpu.dma_semaphore, #tpu.memory_space<semaphore_mem>>)
      %scan3A_50 = arith.constant 0 : i32
      %scan3A_51 = arith.constant 0 : i32
      %scan3A_52 = arith.constant 31 : i32
      %scan3A_53 = arith.addi %scan3A_51, %scan3A_52 : i32
      %scan3A_54 = arith.constant 1 : i32
      scf.for %scan3A_62 = %scan3A_51 to %scan3A_53 step %scan3A_54  : i32 {
        %mul3A_63 = arith.constant 4 : i32
        %mul3A_64 = arith.muli %mul3A_63, %scan3A_62 : i32
        %add3A = arith.constant 0 : i32
        %add3A_65 = arith.addi %mul3A_64, %add3A : i32
        %dma_wait3A_66 = arith.constant 0 : i32
        %dma_wait3A_67 = tpu.memref_slice %arg7[%add3A_65, %dma_wait3A_66] : memref<125x80xi32, #tpu.memory_space<vmem>> -> memref<1x80xi32, #tpu.memory_space<vmem>>
        %dma_wait3A_68 = tpu.memref_squeeze %dma_wait3A_67 : memref<1x80xi32, #tpu.memory_space<vmem>> -> memref<80xi32, #tpu.memory_space<vmem>>
        %dma_wait3A_69 = arith.constant 0 : i32
        %dma_wait3A_70 = arith.constant 0 : i32
        %dma_wait3A_71 = tpu.memref_slice %arg3[%dma_wait3A_69, %dma_wait3A_70] : memref<10000x64xf32, #tpu.memory_space<hbm>> -> memref<10000x64xf32, #tpu.memory_space<hbm>>
        tpu.wait_indirect_dma semaphore(%arg15 : memref<!tpu.dma_semaphore, #tpu.memory_space<semaphore_mem>>) src(%dma_wait3A_71 : memref<10000x64xf32, #tpu.memory_space<hbm>>) dst(%arg9 : memref<80x64xf32, #tpu.memory_space<vmem>>)
        %dma_start3A_72 = arith.constant 0 : i32
        %dma_start3A_73 = tpu.memref_slice %arg8[%add3A_65, %dma_start3A_72] : memref<125x80xi32, #tpu.memory_space<vmem>> -> memref<1x80xi32, #tpu.memory_space<vmem>>
        %dma_start3A_74 = tpu.memref_squeeze %dma_start3A_73 : memref<1x80xi32, #tpu.memory_space<vmem>> -> memref<80xi32, #tpu.memory_space<vmem>>
        %dma_start3A_75 = arith.constant 0 : i32
        %dma_start3A_76 = arith.constant 0 : i32
        %dma_start3A_77 = tpu.memref_slice %arg14[%dma_start3A_75, %dma_start3A_76] : memref<10240x64xf32, #tpu.memory_space<vmem_shared>> -> memref<10240x64xf32, #tpu.memory_space<vmem_shared>>
        tpu.enqueue_indirect_dma source(%arg9 : memref<80x64xf32, #tpu.memory_space<vmem>>) target(%dma_start3A_77 : memref<10240x64xf32, #tpu.memory_space<vmem_shared>>) offsets(%dma_start3A_74 : memref<80xi32, #tpu.memory_space<vmem>>) semaphore(%arg19 : memref<!tpu.dma_semaphore, #tpu.memory_space<semaphore_mem>>) {add = true}
        %dma_wait3A_78 = arith.constant 0 : i32
        %dma_wait3A_79 = tpu.memref_slice %arg8[%add3A_65, %dma_wait3A_78] : memref<125x80xi32, #tpu.memory_space<vmem>> -> memref<1x80xi32, #tpu.memory_space<vmem>>
        %dma_wait3A_80 = tpu.memref_squeeze %dma_wait3A_79 : memref<1x80xi32, #tpu.memory_space<vmem>> -> memref<80xi32, #tpu.memory_space<vmem>>
        %dma_wait3A_81 = arith.constant 0 : i32
        %dma_wait3A_82 = arith.constant 0 : i32
        %dma_wait3A_83 = tpu.memref_slice %arg14[%dma_wait3A_81, %dma_wait3A_82] : memref<10240x64xf32, #tpu.memory_space<vmem_shared>> -> memref<10240x64xf32, #tpu.memory_space<vmem_shared>>
        tpu.wait_indirect_dma semaphore(%arg19 : memref<!tpu.dma_semaphore, #tpu.memory_space<semaphore_mem>>) src(%arg9 : memref<80x64xf32, #tpu.memory_space<vmem>>) dst(%dma_wait3A_83 : memref<10240x64xf32, #tpu.memory_space<vmem_shared>>)
        %add3A_84 = arith.constant 4 : i32
        %add3A_85 = arith.addi %add3A_65, %add3A_84 : i32
        %lt3A = arith.constant 125 : i32
        %lt3A_86 = arith.cmpi slt, %add3A_85, %lt3A : i32
        %convert_element_type3A_87 = arith.extui %lt3A_86 : i1 to i32
        %cond3A_88 = arith.constant 0 : i32
        %cond3A_89 = arith.cmpi ne, %convert_element_type3A_87, %cond3A_88 : i32
        scf.if %cond3A_89 {
          %add3A_177 = arith.constant 4 : i32
          %add3A_178 = arith.addi %add3A_65, %add3A_177 : i32
          %dma_start3A_179 = arith.constant 0 : i32
          %dma_start3A_180 = tpu.memref_slice %arg7[%add3A_178, %dma_start3A_179] : memref<125x80xi32, #tpu.memory_space<vmem>> -> memref<1x80xi32, #tpu.memory_space<vmem>>
          %dma_start3A_181 = tpu.memref_squeeze %dma_start3A_180 : memref<1x80xi32, #tpu.memory_space<vmem>> -> memref<80xi32, #tpu.memory_space<vmem>>
          %dma_start3A_182 = arith.constant 0 : i32
          %dma_start3A_183 = arith.constant 0 : i32
          %dma_start3A_184 = tpu.memref_slice %arg3[%dma_start3A_182, %dma_start3A_183] : memref<10000x64xf32, #tpu.memory_space<hbm>> -> memref<10000x64xf32, #tpu.memory_space<hbm>>
          tpu.enqueue_indirect_dma source(%dma_start3A_184 : memref<10000x64xf32, #tpu.memory_space<hbm>>) target(%arg9 : memref<80x64xf32, #tpu.memory_space<vmem>>) offsets(%dma_start3A_181 : memref<80xi32, #tpu.memory_space<vmem>>) semaphore(%arg15 : memref<!tpu.dma_semaphore, #tpu.memory_space<semaphore_mem>>)
        } else {
        }
        %mul3A_90 = arith.constant 4 : i32
        %mul3A_91 = arith.muli %mul3A_90, %scan3A_62 : i32
        %add3A_92 = arith.constant 1 : i32
        %add3A_93 = arith.addi %mul3A_91, %add3A_92 : i32
        %dma_wait3A_94 = arith.constant 0 : i32
        %dma_wait3A_95 = tpu.memref_slice %arg7[%add3A_93, %dma_wait3A_94] : memref<125x80xi32, #tpu.memory_space<vmem>> -> memref<1x80xi32, #tpu.memory_space<vmem>>
        %dma_wait3A_96 = tpu.memref_squeeze %dma_wait3A_95 : memref<1x80xi32, #tpu.memory_space<vmem>> -> memref<80xi32, #tpu.memory_space<vmem>>
        %dma_wait3A_97 = arith.constant 0 : i32
        %dma_wait3A_98 = arith.constant 0 : i32
        %dma_wait3A_99 = tpu.memref_slice %arg3[%dma_wait3A_97, %dma_wait3A_98] : memref<10000x64xf32, #tpu.memory_space<hbm>> -> memref<10000x64xf32, #tpu.memory_space<hbm>>
        tpu.wait_indirect_dma semaphore(%arg16 : memref<!tpu.dma_semaphore, #tpu.memory_space<semaphore_mem>>) src(%dma_wait3A_99 : memref<10000x64xf32, #tpu.memory_space<hbm>>) dst(%arg10 : memref<80x64xf32, #tpu.memory_space<vmem>>)
        %dma_start3A_100 = arith.constant 0 : i32
        %dma_start3A_101 = tpu.memref_slice %arg8[%add3A_93, %dma_start3A_100] : memref<125x80xi32, #tpu.memory_space<vmem>> -> memref<1x80xi32, #tpu.memory_space<vmem>>
        %dma_start3A_102 = tpu.memref_squeeze %dma_start3A_101 : memref<1x80xi32, #tpu.memory_space<vmem>> -> memref<80xi32, #tpu.memory_space<vmem>>
        %dma_start3A_103 = arith.constant 0 : i32
        %dma_start3A_104 = arith.constant 0 : i32
        %dma_start3A_105 = tpu.memref_slice %arg14[%dma_start3A_103, %dma_start3A_104] : memref<10240x64xf32, #tpu.memory_space<vmem_shared>> -> memref<10240x64xf32, #tpu.memory_space<vmem_shared>>
        tpu.enqueue_indirect_dma source(%arg10 : memref<80x64xf32, #tpu.memory_space<vmem>>) target(%dma_start3A_105 : memref<10240x64xf32, #tpu.memory_space<vmem_shared>>) offsets(%dma_start3A_102 : memref<80xi32, #tpu.memory_space<vmem>>) semaphore(%arg20 : memref<!tpu.dma_semaphore, #tpu.memory_space<semaphore_mem>>) {add = true}
        %dma_wait3A_106 = arith.constant 0 : i32
        %dma_wait3A_107 = tpu.memref_slice %arg8[%add3A_93, %dma_wait3A_106] : memref<125x80xi32, #tpu.memory_space<vmem>> -> memref<1x80xi32, #tpu.memory_space<vmem>>
        %dma_wait3A_108 = tpu.memref_squeeze %dma_wait3A_107 : memref<1x80xi32, #tpu.memory_space<vmem>> -> memref<80xi32, #tpu.memory_space<vmem>>
        %dma_wait3A_109 = arith.constant 0 : i32
        %dma_wait3A_110 = arith.constant 0 : i32
        %dma_wait3A_111 = tpu.memref_slice %arg14[%dma_wait3A_109, %dma_wait3A_110] : memref<10240x64xf32, #tpu.memory_space<vmem_shared>> -> memref<10240x64xf32, #tpu.memory_space<vmem_shared>>
        tpu.wait_indirect_dma semaphore(%arg20 : memref<!tpu.dma_semaphore, #tpu.memory_space<semaphore_mem>>) src(%arg10 : memref<80x64xf32, #tpu.memory_space<vmem>>) dst(%dma_wait3A_111 : memref<10240x64xf32, #tpu.memory_space<vmem_shared>>)
        %add3A_112 = arith.constant 4 : i32
        %add3A_113 = arith.addi %add3A_93, %add3A_112 : i32
        %lt3A_114 = arith.constant 125 : i32
        %lt3A_115 = arith.cmpi slt, %add3A_113, %lt3A_114 : i32
        %convert_element_type3A_116 = arith.extui %lt3A_115 : i1 to i32
        %cond3A_117 = arith.constant 0 : i32
        %cond3A_118 = arith.cmpi ne, %convert_element_type3A_116, %cond3A_117 : i32
        scf.if %cond3A_118 {
          %add3A_177 = arith.constant 4 : i32
          %add3A_178 = arith.addi %add3A_93, %add3A_177 : i32
          %dma_start3A_179 = arith.constant 0 : i32
          %dma_start3A_180 = tpu.memref_slice %arg7[%add3A_178, %dma_start3A_179] : memref<125x80xi32, #tpu.memory_space<vmem>> -> memref<1x80xi32, #tpu.memory_space<vmem>>
          %dma_start3A_181 = tpu.memref_squeeze %dma_start3A_180 : memref<1x80xi32, #tpu.memory_space<vmem>> -> memref<80xi32, #tpu.memory_space<vmem>>
          %dma_start3A_182 = arith.constant 0 : i32
          %dma_start3A_183 = arith.constant 0 : i32
          %dma_start3A_184 = tpu.memref_slice %arg3[%dma_start3A_182, %dma_start3A_183] : memref<10000x64xf32, #tpu.memory_space<hbm>> -> memref<10000x64xf32, #tpu.memory_space<hbm>>
          tpu.enqueue_indirect_dma source(%dma_start3A_184 : memref<10000x64xf32, #tpu.memory_space<hbm>>) target(%arg10 : memref<80x64xf32, #tpu.memory_space<vmem>>) offsets(%dma_start3A_181 : memref<80xi32, #tpu.memory_space<vmem>>) semaphore(%arg16 : memref<!tpu.dma_semaphore, #tpu.memory_space<semaphore_mem>>)
        } else {
        }
        %mul3A_119 = arith.constant 4 : i32
        %mul3A_120 = arith.muli %mul3A_119, %scan3A_62 : i32
        %add3A_121 = arith.constant 2 : i32
        %add3A_122 = arith.addi %mul3A_120, %add3A_121 : i32
        %dma_wait3A_123 = arith.constant 0 : i32
        %dma_wait3A_124 = tpu.memref_slice %arg7[%add3A_122, %dma_wait3A_123] : memref<125x80xi32, #tpu.memory_space<vmem>> -> memref<1x80xi32, #tpu.memory_space<vmem>>
        %dma_wait3A_125 = tpu.memref_squeeze %dma_wait3A_124 : memref<1x80xi32, #tpu.memory_space<vmem>> -> memref<80xi32, #tpu.memory_space<vmem>>
        %dma_wait3A_126 = arith.constant 0 : i32
        %dma_wait3A_127 = arith.constant 0 : i32
        %dma_wait3A_128 = tpu.memref_slice %arg3[%dma_wait3A_126, %dma_wait3A_127] : memref<10000x64xf32, #tpu.memory_space<hbm>> -> memref<10000x64xf32, #tpu.memory_space<hbm>>
        tpu.wait_indirect_dma semaphore(%arg17 : memref<!tpu.dma_semaphore, #tpu.memory_space<semaphore_mem>>) src(%dma_wait3A_128 : memref<10000x64xf32, #tpu.memory_space<hbm>>) dst(%arg11 : memref<80x64xf32, #tpu.memory_space<vmem>>)
        %dma_start3A_129 = arith.constant 0 : i32
        %dma_start3A_130 = tpu.memref_slice %arg8[%add3A_122, %dma_start3A_129] : memref<125x80xi32, #tpu.memory_space<vmem>> -> memref<1x80xi32, #tpu.memory_space<vmem>>
        %dma_start3A_131 = tpu.memref_squeeze %dma_start3A_130 : memref<1x80xi32, #tpu.memory_space<vmem>> -> memref<80xi32, #tpu.memory_space<vmem>>
        %dma_start3A_132 = arith.constant 0 : i32
        %dma_start3A_133 = arith.constant 0 : i32
        %dma_start3A_134 = tpu.memref_slice %arg14[%dma_start3A_132, %dma_start3A_133] : memref<10240x64xf32, #tpu.memory_space<vmem_shared>> -> memref<10240x64xf32, #tpu.memory_space<vmem_shared>>
        tpu.enqueue_indirect_dma source(%arg11 : memref<80x64xf32, #tpu.memory_space<vmem>>) target(%dma_start3A_134 : memref<10240x64xf32, #tpu.memory_space<vmem_shared>>) offsets(%dma_start3A_131 : memref<80xi32, #tpu.memory_space<vmem>>) semaphore(%arg21 : memref<!tpu.dma_semaphore, #tpu.memory_space<semaphore_mem>>) {add = true}
        %dma_wait3A_135 = arith.constant 0 : i32
        %dma_wait3A_136 = tpu.memref_slice %arg8[%add3A_122, %dma_wait3A_135] : memref<125x80xi32, #tpu.memory_space<vmem>> -> memref<1x80xi32, #tpu.memory_space<vmem>>
        %dma_wait3A_137 = tpu.memref_squeeze %dma_wait3A_136 : memref<1x80xi32, #tpu.memory_space<vmem>> -> memref<80xi32, #tpu.memory_space<vmem>>
        %dma_wait3A_138 = arith.constant 0 : i32
        %dma_wait3A_139 = arith.constant 0 : i32
        %dma_wait3A_140 = tpu.memref_slice %arg14[%dma_wait3A_138, %dma_wait3A_139] : memref<10240x64xf32, #tpu.memory_space<vmem_shared>> -> memref<10240x64xf32, #tpu.memory_space<vmem_shared>>
        tpu.wait_indirect_dma semaphore(%arg21 : memref<!tpu.dma_semaphore, #tpu.memory_space<semaphore_mem>>) src(%arg11 : memref<80x64xf32, #tpu.memory_space<vmem>>) dst(%dma_wait3A_140 : memref<10240x64xf32, #tpu.memory_space<vmem_shared>>)
        %add3A_141 = arith.constant 4 : i32
        %add3A_142 = arith.addi %add3A_122, %add3A_141 : i32
        %lt3A_143 = arith.constant 125 : i32
        %lt3A_144 = arith.cmpi slt, %add3A_142, %lt3A_143 : i32
        %convert_element_type3A_145 = arith.extui %lt3A_144 : i1 to i32
        %cond3A_146 = arith.constant 0 : i32
        %cond3A_147 = arith.cmpi ne, %convert_element_type3A_145, %cond3A_146 : i32
        scf.if %cond3A_147 {
          %add3A_177 = arith.constant 4 : i32
          %add3A_178 = arith.addi %add3A_122, %add3A_177 : i32
          %dma_start3A_179 = arith.constant 0 : i32
          %dma_start3A_180 = tpu.memref_slice %arg7[%add3A_178, %dma_start3A_179] : memref<125x80xi32, #tpu.memory_space<vmem>> -> memref<1x80xi32, #tpu.memory_space<vmem>>
          %dma_start3A_181 = tpu.memref_squeeze %dma_start3A_180 : memref<1x80xi32, #tpu.memory_space<vmem>> -> memref<80xi32, #tpu.memory_space<vmem>>
          %dma_start3A_182 = arith.constant 0 : i32
          %dma_start3A_183 = arith.constant 0 : i32
          %dma_start3A_184 = tpu.memref_slice %arg3[%dma_start3A_182, %dma_start3A_183] : memref<10000x64xf32, #tpu.memory_space<hbm>> -> memref<10000x64xf32, #tpu.memory_space<hbm>>
          tpu.enqueue_indirect_dma source(%dma_start3A_184 : memref<10000x64xf32, #tpu.memory_space<hbm>>) target(%arg11 : memref<80x64xf32, #tpu.memory_space<vmem>>) offsets(%dma_start3A_181 : memref<80xi32, #tpu.memory_space<vmem>>) semaphore(%arg17 : memref<!tpu.dma_semaphore, #tpu.memory_space<semaphore_mem>>)
        } else {
        }
        %mul3A_148 = arith.constant 4 : i32
        %mul3A_149 = arith.muli %mul3A_148, %scan3A_62 : i32
        %add3A_150 = arith.constant 3 : i32
        %add3A_151 = arith.addi %mul3A_149, %add3A_150 : i32
        %dma_wait3A_152 = arith.constant 0 : i32
        %dma_wait3A_153 = tpu.memref_slice %arg7[%add3A_151, %dma_wait3A_152] : memref<125x80xi32, #tpu.memory_space<vmem>> -> memref<1x80xi32, #tpu.memory_space<vmem>>
        %dma_wait3A_154 = tpu.memref_squeeze %dma_wait3A_153 : memref<1x80xi32, #tpu.memory_space<vmem>> -> memref<80xi32, #tpu.memory_space<vmem>>
        %dma_wait3A_155 = arith.constant 0 : i32
        %dma_wait3A_156 = arith.constant 0 : i32
        %dma_wait3A_157 = tpu.memref_slice %arg3[%dma_wait3A_155, %dma_wait3A_156] : memref<10000x64xf32, #tpu.memory_space<hbm>> -> memref<10000x64xf32, #tpu.memory_space<hbm>>
        tpu.wait_indirect_dma semaphore(%arg18 : memref<!tpu.dma_semaphore, #tpu.memory_space<semaphore_mem>>) src(%dma_wait3A_157 : memref<10000x64xf32, #tpu.memory_space<hbm>>) dst(%arg12 : memref<80x64xf32, #tpu.memory_space<vmem>>)
        %dma_start3A_158 = arith.constant 0 : i32
        %dma_start3A_159 = tpu.memref_slice %arg8[%add3A_151, %dma_start3A_158] : memref<125x80xi32, #tpu.memory_space<vmem>> -> memref<1x80xi32, #tpu.memory_space<vmem>>
        %dma_start3A_160 = tpu.memref_squeeze %dma_start3A_159 : memref<1x80xi32, #tpu.memory_space<vmem>> -> memref<80xi32, #tpu.memory_space<vmem>>
        %dma_start3A_161 = arith.constant 0 : i32
        %dma_start3A_162 = arith.constant 0 : i32
        %dma_start3A_163 = tpu.memref_slice %arg14[%dma_start3A_161, %dma_start3A_162] : memref<10240x64xf32, #tpu.memory_space<vmem_shared>> -> memref<10240x64xf32, #tpu.memory_space<vmem_shared>>
        tpu.enqueue_indirect_dma source(%arg12 : memref<80x64xf32, #tpu.memory_space<vmem>>) target(%dma_start3A_163 : memref<10240x64xf32, #tpu.memory_space<vmem_shared>>) offsets(%dma_start3A_160 : memref<80xi32, #tpu.memory_space<vmem>>) semaphore(%arg22 : memref<!tpu.dma_semaphore, #tpu.memory_space<semaphore_mem>>) {add = true}
        %dma_wait3A_164 = arith.constant 0 : i32
        %dma_wait3A_165 = tpu.memref_slice %arg8[%add3A_151, %dma_wait3A_164] : memref<125x80xi32, #tpu.memory_space<vmem>> -> memref<1x80xi32, #tpu.memory_space<vmem>>
        %dma_wait3A_166 = tpu.memref_squeeze %dma_wait3A_165 : memref<1x80xi32, #tpu.memory_space<vmem>> -> memref<80xi32, #tpu.memory_space<vmem>>
        %dma_wait3A_167 = arith.constant 0 : i32
        %dma_wait3A_168 = arith.constant 0 : i32
        %dma_wait3A_169 = tpu.memref_slice %arg14[%dma_wait3A_167, %dma_wait3A_168] : memref<10240x64xf32, #tpu.memory_space<vmem_shared>> -> memref<10240x64xf32, #tpu.memory_space<vmem_shared>>
        tpu.wait_indirect_dma semaphore(%arg22 : memref<!tpu.dma_semaphore, #tpu.memory_space<semaphore_mem>>) src(%arg12 : memref<80x64xf32, #tpu.memory_space<vmem>>) dst(%dma_wait3A_169 : memref<10240x64xf32, #tpu.memory_space<vmem_shared>>)
        %add3A_170 = arith.constant 4 : i32
        %add3A_171 = arith.addi %add3A_151, %add3A_170 : i32
        %lt3A_172 = arith.constant 125 : i32
        %lt3A_173 = arith.cmpi slt, %add3A_171, %lt3A_172 : i32
        %convert_element_type3A_174 = arith.extui %lt3A_173 : i1 to i32
        %cond3A_175 = arith.constant 0 : i32
        %cond3A_176 = arith.cmpi ne, %convert_element_type3A_174, %cond3A_175 : i32
        scf.if %cond3A_176 {
          %add3A_177 = arith.constant 4 : i32
          %add3A_178 = arith.addi %add3A_151, %add3A_177 : i32
          %dma_start3A_179 = arith.constant 0 : i32
          %dma_start3A_180 = tpu.memref_slice %arg7[%add3A_178, %dma_start3A_179] : memref<125x80xi32, #tpu.memory_space<vmem>> -> memref<1x80xi32, #tpu.memory_space<vmem>>
          %dma_start3A_181 = tpu.memref_squeeze %dma_start3A_180 : memref<1x80xi32, #tpu.memory_space<vmem>> -> memref<80xi32, #tpu.memory_space<vmem>>
          %dma_start3A_182 = arith.constant 0 : i32
          %dma_start3A_183 = arith.constant 0 : i32
          %dma_start3A_184 = tpu.memref_slice %arg3[%dma_start3A_182, %dma_start3A_183] : memref<10000x64xf32, #tpu.memory_space<hbm>> -> memref<10000x64xf32, #tpu.memory_space<hbm>>
          tpu.enqueue_indirect_dma source(%dma_start3A_184 : memref<10000x64xf32, #tpu.memory_space<hbm>>) target(%arg12 : memref<80x64xf32, #tpu.memory_space<vmem>>) offsets(%dma_start3A_181 : memref<80xi32, #tpu.memory_space<vmem>>) semaphore(%arg18 : memref<!tpu.dma_semaphore, #tpu.memory_space<semaphore_mem>>)
        } else {
        }
      }
      %scan3A_55 = arith.constant 31 : i32
      %dma_wait3A = arith.constant 124 : i32
      %dma_wait3A_56 = arith.constant 0 : i32
      %dma_wait3A_57 = tpu.memref_slice %arg7[%dma_wait3A, %dma_wait3A_56] : memref<125x80xi32, #tpu.memory_space<vmem>> -> memref<1x80xi32, #tpu.memory_space<vmem>>
      %dma_wait3A_58 = tpu.memref_squeeze %dma_wait3A_57 : memref<1x80xi32, #tpu.memory_space<vmem>> -> memref<80xi32, #tpu.memory_space<vmem>>
      %dma_wait3A_59 = arith.constant 0 : i32
      %dma_wait3A_60 = arith.constant 0 : i32
      %dma_wait3A_61 = tpu.memref_slice %arg3[%dma_wait3A_59, %dma_wait3A_60] : memref<10000x64xf32, #tpu.memory_space<hbm>> -> memref<10000x64xf32, #tpu.memory_space<hbm>>
      tpu.wait_indirect_dma semaphore(%arg15 : memref<!tpu.dma_semaphore, #tpu.memory_space<semaphore_mem>>) src(%dma_wait3A_61 : memref<10000x64xf32, #tpu.memory_space<hbm>>) dst(%arg9 : memref<80x64xf32, #tpu.memory_space<vmem>>)
      %run_scoped3A = arith.constant 124 : i32
      "tpu.region"() ({
        %run_scoped3A_62 = tpu.sem_alloc : memref<!tpu.dma_semaphore, #tpu.memory_space<semaphore_mem>>
        %dma_start3A_63 = arith.constant 0 : i32
        %dma_start3A_64 = tpu.memref_slice %arg8[%run_scoped3A, %dma_start3A_63] : memref<125x80xi32, #tpu.memory_space<vmem>> -> memref<1x80xi32, #tpu.memory_space<vmem>>
        %dma_start3A_65 = tpu.memref_squeeze %dma_start3A_64 : memref<1x80xi32, #tpu.memory_space<vmem>> -> memref<80xi32, #tpu.memory_space<vmem>>
        %dma_start3A_66 = arith.constant 0 : i32
        %dma_start3A_67 = arith.constant 0 : i32
        %dma_start3A_68 = tpu.memref_slice %arg14[%dma_start3A_66, %dma_start3A_67] : memref<10240x64xf32, #tpu.memory_space<vmem_shared>> -> memref<10240x64xf32, #tpu.memory_space<vmem_shared>>
        tpu.enqueue_indirect_dma source(%arg9 : memref<80x64xf32, #tpu.memory_space<vmem>>) target(%dma_start3A_68 : memref<10240x64xf32, #tpu.memory_space<vmem_shared>>) offsets(%dma_start3A_65 : memref<80xi32, #tpu.memory_space<vmem>>) semaphore(%run_scoped3A_62 : memref<!tpu.dma_semaphore, #tpu.memory_space<semaphore_mem>>) {add = true}
        %dma_wait3A_69 = arith.constant 0 : i32
        %dma_wait3A_70 = tpu.memref_slice %arg8[%run_scoped3A, %dma_wait3A_69] : memref<125x80xi32, #tpu.memory_space<vmem>> -> memref<1x80xi32, #tpu.memory_space<vmem>>
        %dma_wait3A_71 = tpu.memref_squeeze %dma_wait3A_70 : memref<1x80xi32, #tpu.memory_space<vmem>> -> memref<80xi32, #tpu.memory_space<vmem>>
        %dma_wait3A_72 = arith.constant 0 : i32
        %dma_wait3A_73 = arith.constant 0 : i32
        %dma_wait3A_74 = tpu.memref_slice %arg14[%dma_wait3A_72, %dma_wait3A_73] : memref<10240x64xf32, #tpu.memory_space<vmem_shared>> -> memref<10240x64xf32, #tpu.memory_space<vmem_shared>>
        tpu.wait_indirect_dma semaphore(%run_scoped3A_62 : memref<!tpu.dma_semaphore, #tpu.memory_space<semaphore_mem>>) src(%arg9 : memref<80x64xf32, #tpu.memory_space<vmem>>) dst(%dma_wait3A_74 : memref<10240x64xf32, #tpu.memory_space<vmem_shared>>)
        tpu.yield
      }) : () -> ()
    } else {
    }
    %barrier3A_19 = arith.constant 0 : index
    tpu.barrier barrier_id(%barrier3A_19)
    %mul3A = arith.constant 640 : i32
    %mul3A_20 = arith.muli %arg1, %mul3A : i32
    %mul3A_21 = arith.constant 640 : i32
    %mul3A_22 = arith.muli %arg1, %mul3A_21 : i32
    "tpu.region"() ({
      %run_scoped3A = tpu.sem_alloc : memref<!tpu.dma_semaphore, #tpu.memory_space<semaphore_mem>>
      %dma_start3A = arith.constant 0 : i32
      %dma_start3A_23 = tpu.memref_slice %arg6[%arg0, %mul3A_22, %dma_start3A] : memref<2x10240x64xf32, #tpu.memory_space<hbm>> -> memref<1x640x64xf32, #tpu.memory_space<hbm>>
      %dma_start3A_24 = tpu.memref_squeeze %dma_start3A_23 : memref<1x640x64xf32, #tpu.memory_space<hbm>> -> memref<640x64xf32, #tpu.memory_space<hbm>>
      %dma_start3A_25 = arith.constant 0 : i32
      %dma_start3A_26 = tpu.memref_slice %arg14[%mul3A_20, %dma_start3A_25] : memref<10240x64xf32, #tpu.memory_space<vmem_shared>> -> memref<640x64xf32, #tpu.memory_space<vmem_shared>>
      tpu.enqueue_dma source(%dma_start3A_26 : memref<640x64xf32, #tpu.memory_space<vmem_shared>>) target(%dma_start3A_24 : memref<640x64xf32, #tpu.memory_space<hbm>>) target_semaphore(%run_scoped3A : memref<!tpu.dma_semaphore, #tpu.memory_space<semaphore_mem>>)
      %dma_wait3A = arith.constant 0 : i32
      %dma_wait3A_27 = tpu.memref_slice %arg6[%arg0, %mul3A_22, %dma_wait3A] : memref<2x10240x64xf32, #tpu.memory_space<hbm>> -> memref<1x640x64xf32, #tpu.memory_space<hbm>>
      %dma_wait3A_28 = tpu.memref_squeeze %dma_wait3A_27 : memref<1x640x64xf32, #tpu.memory_space<hbm>> -> memref<640x64xf32, #tpu.memory_space<hbm>>
      %dma_wait3A_29 = arith.constant 0 : i32
      %dma_wait3A_30 = tpu.memref_slice %arg14[%mul3A_20, %dma_wait3A_29] : memref<10240x64xf32, #tpu.memory_space<vmem_shared>> -> memref<640x64xf32, #tpu.memory_space<vmem_shared>>
      tpu.wait_dma2 semaphore(%run_scoped3A : memref<!tpu.dma_semaphore, #tpu.memory_space<semaphore_mem>>) src(%dma_wait3A_30 : memref<640x64xf32, #tpu.memory_space<vmem_shared>>) dst(%dma_wait3A_28 : memref<640x64xf32, #tpu.memory_space<hbm>>)
      tpu.yield
    }) : () -> ()
    return
  }
}

#map = affine_map<(d0, d1) -> (0, 0)>
#map1 = affine_map<(d0, d1) -> (0, 0, 0)>
module attributes {stable_mosaic.version = 14 : i64} {
  func.func @agg_kernel(%arg0: i32, %arg1: i32, %arg2: memref<10000x64xf32, #tpu.memory_space<hbm>>, %arg3: memref<10000x64xf32, #tpu.memory_space<hbm>>, %arg4: memref<16x125x80xi32, #tpu.memory_space<hbm>>, %arg5: memref<16x125x80xi32, #tpu.memory_space<hbm>>, %arg6: memref<2x10240x64xf32, #tpu.memory_space<hbm>>, %arg7: memref<125x80xi32, #tpu.memory_space<vmem>>, %arg8: memref<125x80xi32, #tpu.memory_space<vmem>>, %arg9: memref<80x64xf32, #tpu.memory_space<vmem>>, %arg10: memref<80x64xf32, #tpu.memory_space<vmem>>, %arg11: memref<80x64xf32, #tpu.memory_space<vmem>>, %arg12: memref<80x64xf32, #tpu.memory_space<vmem>>, %arg13: memref<128x64xf32, #tpu.memory_space<vmem>>, %arg14: memref<10240x64xf32, #tpu.memory_space<vmem_shared>>, %arg15: memref<!tpu.dma_semaphore, #tpu.memory_space<semaphore_mem>>, %arg16: memref<!tpu.dma_semaphore, #tpu.memory_space<semaphore_mem>>, %arg17: memref<!tpu.dma_semaphore, #tpu.memory_space<semaphore_mem>>, %arg18: memref<!tpu.dma_semaphore, #tpu.memory_space<semaphore_mem>>, %arg19: memref<!tpu.dma_semaphore, #tpu.memory_space<semaphore_mem>>, %arg20: memref<!tpu.dma_semaphore, #tpu.memory_space<semaphore_mem>>, %arg21: memref<!tpu.dma_semaphore, #tpu.memory_space<semaphore_mem>>, %arg22: memref<!tpu.dma_semaphore, #tpu.memory_space<semaphore_mem>>) attributes {dimension_semantics = [#tpu.dimension_semantics<core_parallel>, #tpu.dimension_semantics<subcore_parallel>], iteration_bounds = array<i64: 2, 16>, scalar_prefetch = 0 : i64, scratch_operands = 16 : i64, tpu.core_type = #tpu.core_type<sc_vector_subcore>, window_params = [{transform_indices = #map}, {transform_indices = #map}, {transform_indices = #map1}, {transform_indices = #map1}, {transform_indices = #map1}]} {
    "tpu.region"() ({
      %run_scoped3A = tpu.sem_alloc : memref<!tpu.dma_semaphore, #tpu.memory_space<semaphore_mem>>
      %dma_start3A = arith.constant 0 : i32
      %dma_start3A_23 = arith.constant 0 : i32
      %dma_start3A_24 = tpu.memref_slice %arg4[%arg1, %dma_start3A, %dma_start3A_23] : memref<16x125x80xi32, #tpu.memory_space<hbm>> -> memref<1x125x80xi32, #tpu.memory_space<hbm>>
      %dma_start3A_25 = tpu.memref_squeeze %dma_start3A_24 : memref<1x125x80xi32, #tpu.memory_space<hbm>> -> memref<125x80xi32, #tpu.memory_space<hbm>>
      %dma_start3A_26 = arith.constant 0 : i32
      %dma_start3A_27 = arith.constant 0 : i32
      %dma_start3A_28 = tpu.memref_slice %arg4[%arg1, %dma_start3A_26, %dma_start3A_27] : memref<16x125x80xi32, #tpu.memory_space<hbm>> -> memref<1x125x80xi32, #tpu.memory_space<hbm>>
      %dma_start3A_29 = tpu.memref_squeeze %dma_start3A_28 : memref<1x125x80xi32, #tpu.memory_space<hbm>> -> memref<125x80xi32, #tpu.memory_space<hbm>>
      tpu.enqueue_dma source(%dma_start3A_29 : memref<125x80xi32, #tpu.memory_space<hbm>>) target(%arg7 : memref<125x80xi32, #tpu.memory_space<vmem>>) target_semaphore(%run_scoped3A : memref<!tpu.dma_semaphore, #tpu.memory_space<semaphore_mem>>)
      %dma_wait3A = arith.constant 0 : i32
      %dma_wait3A_30 = arith.constant 0 : i32
      %dma_wait3A_31 = tpu.memref_slice %arg4[%arg1, %dma_wait3A, %dma_wait3A_30] : memref<16x125x80xi32, #tpu.memory_space<hbm>> -> memref<1x125x80xi32, #tpu.memory_space<hbm>>
      %dma_wait3A_32 = tpu.memref_squeeze %dma_wait3A_31 : memref<1x125x80xi32, #tpu.memory_space<hbm>> -> memref<125x80xi32, #tpu.memory_space<hbm>>
      %dma_wait3A_33 = arith.constant 0 : i32
      %dma_wait3A_34 = arith.constant 0 : i32
      %dma_wait3A_35 = tpu.memref_slice %arg4[%arg1, %dma_wait3A_33, %dma_wait3A_34] : memref<16x125x80xi32, #tpu.memory_space<hbm>> -> memref<1x125x80xi32, #tpu.memory_space<hbm>>
      %dma_wait3A_36 = tpu.memref_squeeze %dma_wait3A_35 : memref<1x125x80xi32, #tpu.memory_space<hbm>> -> memref<125x80xi32, #tpu.memory_space<hbm>>
      tpu.wait_dma2 semaphore(%run_scoped3A : memref<!tpu.dma_semaphore, #tpu.memory_space<semaphore_mem>>) src(%dma_wait3A_36 : memref<125x80xi32, #tpu.memory_space<hbm>>) dst(%arg7 : memref<125x80xi32, #tpu.memory_space<vmem>>)
      tpu.yield
    }) : () -> ()
    "tpu.region"() ({
      %run_scoped3A = tpu.sem_alloc : memref<!tpu.dma_semaphore, #tpu.memory_space<semaphore_mem>>
      %dma_start3A = arith.constant 0 : i32
      %dma_start3A_23 = arith.constant 0 : i32
      %dma_start3A_24 = tpu.memref_slice %arg5[%arg1, %dma_start3A, %dma_start3A_23] : memref<16x125x80xi32, #tpu.memory_space<hbm>> -> memref<1x125x80xi32, #tpu.memory_space<hbm>>
      %dma_start3A_25 = tpu.memref_squeeze %dma_start3A_24 : memref<1x125x80xi32, #tpu.memory_space<hbm>> -> memref<125x80xi32, #tpu.memory_space<hbm>>
      %dma_start3A_26 = arith.constant 0 : i32
      %dma_start3A_27 = arith.constant 0 : i32
      %dma_start3A_28 = tpu.memref_slice %arg5[%arg1, %dma_start3A_26, %dma_start3A_27] : memref<16x125x80xi32, #tpu.memory_space<hbm>> -> memref<1x125x80xi32, #tpu.memory_space<hbm>>
      %dma_start3A_29 = tpu.memref_squeeze %dma_start3A_28 : memref<1x125x80xi32, #tpu.memory_space<hbm>> -> memref<125x80xi32, #tpu.memory_space<hbm>>
      tpu.enqueue_dma source(%dma_start3A_29 : memref<125x80xi32, #tpu.memory_space<hbm>>) target(%arg8 : memref<125x80xi32, #tpu.memory_space<vmem>>) target_semaphore(%run_scoped3A : memref<!tpu.dma_semaphore, #tpu.memory_space<semaphore_mem>>)
      %dma_wait3A = arith.constant 0 : i32
      %dma_wait3A_30 = arith.constant 0 : i32
      %dma_wait3A_31 = tpu.memref_slice %arg5[%arg1, %dma_wait3A, %dma_wait3A_30] : memref<16x125x80xi32, #tpu.memory_space<hbm>> -> memref<1x125x80xi32, #tpu.memory_space<hbm>>
      %dma_wait3A_32 = tpu.memref_squeeze %dma_wait3A_31 : memref<1x125x80xi32, #tpu.memory_space<hbm>> -> memref<125x80xi32, #tpu.memory_space<hbm>>
      %dma_wait3A_33 = arith.constant 0 : i32
      %dma_wait3A_34 = arith.constant 0 : i32
      %dma_wait3A_35 = tpu.memref_slice %arg5[%arg1, %dma_wait3A_33, %dma_wait3A_34] : memref<16x125x80xi32, #tpu.memory_space<hbm>> -> memref<1x125x80xi32, #tpu.memory_space<hbm>>
      %dma_wait3A_36 = tpu.memref_squeeze %dma_wait3A_35 : memref<1x125x80xi32, #tpu.memory_space<hbm>> -> memref<125x80xi32, #tpu.memory_space<hbm>>
      tpu.wait_dma2 semaphore(%run_scoped3A : memref<!tpu.dma_semaphore, #tpu.memory_space<semaphore_mem>>) src(%dma_wait3A_36 : memref<125x80xi32, #tpu.memory_space<hbm>>) dst(%arg8 : memref<125x80xi32, #tpu.memory_space<vmem>>)
      tpu.yield
    }) : () -> ()
    %broadcast_in_dim3A = arith.constant 0.000000e+00 : f32
    %broadcast_in_dim3A_0 = vector.broadcast %broadcast_in_dim3A : f32 to vector<16xf32>
    %scan3A = arith.constant 0 : i32
    %scan3A_1 = arith.constant 0 : i32
    %scan3A_2 = arith.constant 128 : i32
    %scan3A_3 = arith.addi %scan3A_1, %scan3A_2 : i32
    %scan3A_4 = arith.constant 1 : i32
    scf.for %scan3A_23 = %scan3A_1 to %scan3A_3 step %scan3A_4  : i32 {
      %swap3A = arith.index_cast %scan3A_23 : i32 to index
      %swap3A_24 = arith.constant 0 : index
      %swap3A_25 = tpu.vector_load %arg13[%swap3A, %swap3A_24] {strides = array<i32>} : memref<128x64xf32, #tpu.memory_space<vmem>>, vector<1x16xf32>,
      %swap3A_26 = vector.shape_cast %swap3A_25 : vector<1x16xf32> to vector<16xf32>
      %swap3A_27 = vector.shape_cast %broadcast_in_dim3A_0 : vector<16xf32> to vector<1x16xf32>
      tpu.vector_store %arg13[%swap3A, %swap3A_24], %swap3A_27 {strides = array<i32>} : memref<128x64xf32, #tpu.memory_space<vmem>>, vector<1x16xf32>,
      %swap3A_28 = arith.index_cast %scan3A_23 : i32 to index
      %swap3A_29 = arith.constant 16 : index
      %swap3A_30 = tpu.vector_load %arg13[%swap3A_28, %swap3A_29] {strides = array<i32>} : memref<128x64xf32, #tpu.memory_space<vmem>>, vector<1x16xf32>,
      %swap3A_31 = vector.shape_cast %swap3A_30 : vector<1x16xf32> to vector<16xf32>
      %swap3A_32 = vector.shape_cast %broadcast_in_dim3A_0 : vector<16xf32> to vector<1x16xf32>
      tpu.vector_store %arg13[%swap3A_28, %swap3A_29], %swap3A_32 {strides = array<i32>} : memref<128x64xf32, #tpu.memory_space<vmem>>, vector<1x16xf32>,
      %swap3A_33 = arith.index_cast %scan3A_23 : i32 to index
      %swap3A_34 = arith.constant 32 : index
      %swap3A_35 = tpu.vector_load %arg13[%swap3A_33, %swap3A_34] {strides = array<i32>} : memref<128x64xf32, #tpu.memory_space<vmem>>, vector<1x16xf32>,
      %swap3A_36 = vector.shape_cast %swap3A_35 : vector<1x16xf32> to vector<16xf32>
      %swap3A_37 = vector.shape_cast %broadcast_in_dim3A_0 : vector<16xf32> to vector<1x16xf32>
      tpu.vector_store %arg13[%swap3A_33, %swap3A_34], %swap3A_37 {strides = array<i32>} : memref<128x64xf32, #tpu.memory_space<vmem>>, vector<1x16xf32>,
      %swap3A_38 = arith.index_cast %scan3A_23 : i32 to index
      %swap3A_39 = arith.constant 48 : index
      %swap3A_40 = tpu.vector_load %arg13[%swap3A_38, %swap3A_39] {strides = array<i32>} : memref<128x64xf32, #tpu.memory_space<vmem>>, vector<1x16xf32>,
      %swap3A_41 = vector.shape_cast %swap3A_40 : vector<1x16xf32> to vector<16xf32>
      %swap3A_42 = vector.shape_cast %broadcast_in_dim3A_0 : vector<16xf32> to vector<1x16xf32>
      tpu.vector_store %arg13[%swap3A_38, %swap3A_39], %swap3A_42 {strides = array<i32>} : memref<128x64xf32, #tpu.memory_space<vmem>>, vector<1x16xf32>,
    }
    %scan3A_5 = arith.constant 128 : i32
    %scan3A_6 = arith.constant 0 : i32
    %scan3A_7 = arith.constant 0 : i32
    %scan3A_8 = arith.constant 5 : i32
    %scan3A_9 = arith.addi %scan3A_7, %scan3A_8 : i32
    %scan3A_10 = arith.constant 1 : i32
    scf.for %scan3A_23 = %scan3A_7 to %scan3A_9 step %scan3A_10  : i32 {
      %mul3A_24 = arith.constant 640 : i32
      %mul3A_25 = arith.muli %arg1, %mul3A_24 : i32
      %mul3A_26 = arith.constant 128 : i32
      %mul3A_27 = arith.muli %scan3A_23, %mul3A_26 : i32
      %add3A = arith.addi %mul3A_25, %mul3A_27 : i32
      "tpu.region"() ({
        %run_scoped3A = tpu.sem_alloc : memref<!tpu.dma_semaphore, #tpu.memory_space<semaphore_mem>>
        %dma_start3A = arith.constant 0 : i32
        %dma_start3A_28 = tpu.memref_slice %arg14[%add3A, %dma_start3A] : memref<10240x64xf32, #tpu.memory_space<vmem_shared>> -> memref<128x64xf32, #tpu.memory_space<vmem_shared>>
        %dma_start3A_29 = arith.constant 0 : i32
        %dma_start3A_30 = tpu.memref_slice %arg14[%add3A, %dma_start3A_29] : memref<10240x64xf32, #tpu.memory_space<vmem_shared>> -> memref<128x64xf32, #tpu.memory_space<vmem_shared>>
        tpu.enqueue_dma source(%arg13 : memref<128x64xf32, #tpu.memory_space<vmem>>) target(%dma_start3A_30 : memref<128x64xf32, #tpu.memory_space<vmem_shared>>) target_semaphore(%run_scoped3A : memref<!tpu.dma_semaphore, #tpu.memory_space<semaphore_mem>>)
        %dma_wait3A = arith.constant 0 : i32
        %dma_wait3A_31 = tpu.memref_slice %arg14[%add3A, %dma_wait3A] : memref<10240x64xf32, #tpu.memory_space<vmem_shared>> -> memref<128x64xf32, #tpu.memory_space<vmem_shared>>
        %dma_wait3A_32 = arith.constant 0 : i32
        %dma_wait3A_33 = tpu.memref_slice %arg14[%add3A, %dma_wait3A_32] : memref<10240x64xf32, #tpu.memory_space<vmem_shared>> -> memref<128x64xf32, #tpu.memory_space<vmem_shared>>
        tpu.wait_dma2 semaphore(%run_scoped3A : memref<!tpu.dma_semaphore, #tpu.memory_space<semaphore_mem>>) src(%arg13 : memref<128x64xf32, #tpu.memory_space<vmem>>) dst(%dma_wait3A_33 : memref<128x64xf32, #tpu.memory_space<vmem_shared>>)
        tpu.yield
      }) : () -> ()
    }
    %scan3A_11 = arith.constant 5 : i32
    %barrier3A = arith.constant 0 : index
    tpu.barrier barrier_id(%barrier3A)
    %eq3A = arith.constant 0 : i32
    %eq3A_12 = arith.cmpi eq, %arg0, %eq3A : i32
    %convert_element_type3A = arith.extui %eq3A_12 : i1 to i32
    %cond3A = arith.constant 0 : i32
    %cond3A_13 = arith.cmpi ne, %convert_element_type3A, %cond3A : i32
    scf.if %cond3A_13 {
      %dma_start3A = arith.constant 0 : i32
      %dma_start3A_23 = arith.constant 0 : i32
      %dma_start3A_24 = tpu.memref_slice %arg7[%dma_start3A, %dma_start3A_23] : memref<125x80xi32, #tpu.memory_space<vmem>> -> memref<1x80xi32, #tpu.memory_space<vmem>>
      %dma_start3A_25 = tpu.memref_squeeze %dma_start3A_24 : memref<1x80xi32, #tpu.memory_space<vmem>> -> memref<80xi32, #tpu.memory_space<vmem>>
      %dma_start3A_26 = arith.constant 0 : i32
      %dma_start3A_27 = arith.constant 0 : i32
      %dma_start3A_28 = tpu.memref_slice %arg2[%dma_start3A_26, %dma_start3A_27] : memref<10000x64xf32, #tpu.memory_space<hbm>> -> memref<10000x64xf32, #tpu.memory_space<hbm>>
      tpu.enqueue_indirect_dma source(%dma_start3A_28 : memref<10000x64xf32, #tpu.memory_space<hbm>>) target(%arg9 : memref<80x64xf32, #tpu.memory_space<vmem>>) offsets(%dma_start3A_25 : memref<80xi32, #tpu.memory_space<vmem>>) semaphore(%arg15 : memref<!tpu.dma_semaphore, #tpu.memory_space<semaphore_mem>>)
      %dma_start3A_29 = arith.constant 1 : i32
      %dma_start3A_30 = arith.constant 0 : i32
      %dma_start3A_31 = tpu.memref_slice %arg7[%dma_start3A_29, %dma_start3A_30] : memref<125x80xi32, #tpu.memory_space<vmem>> -> memref<1x80xi32, #tpu.memory_space<vmem>>
      %dma_start3A_32 = tpu.memref_squeeze %dma_start3A_31 : memref<1x80xi32, #tpu.memory_space<vmem>> -> memref<80xi32, #tpu.memory_space<vmem>>
      %dma_start3A_33 = arith.constant 0 : i32
      %dma_start3A_34 = arith.constant 0 : i32
      %dma_start3A_35 = tpu.memref_slice %arg2[%dma_start3A_33, %dma_start3A_34] : memref<10000x64xf32, #tpu.memory_space<hbm>> -> memref<10000x64xf32, #tpu.memory_space<hbm>>
      tpu.enqueue_indirect_dma source(%dma_start3A_35 : memref<10000x64xf32, #tpu.memory_space<hbm>>) target(%arg10 : memref<80x64xf32, #tpu.memory_space<vmem>>) offsets(%dma_start3A_32 : memref<80xi32, #tpu.memory_space<vmem>>) semaphore(%arg16 : memref<!tpu.dma_semaphore, #tpu.memory_space<semaphore_mem>>)
      %dma_start3A_36 = arith.constant 2 : i32
      %dma_start3A_37 = arith.constant 0 : i32
      %dma_start3A_38 = tpu.memref_slice %arg7[%dma_start3A_36, %dma_start3A_37] : memref<125x80xi32, #tpu.memory_space<vmem>> -> memref<1x80xi32, #tpu.memory_space<vmem>>
      %dma_start3A_39 = tpu.memref_squeeze %dma_start3A_38 : memref<1x80xi32, #tpu.memory_space<vmem>> -> memref<80xi32, #tpu.memory_space<vmem>>
      %dma_start3A_40 = arith.constant 0 : i32
      %dma_start3A_41 = arith.constant 0 : i32
      %dma_start3A_42 = tpu.memref_slice %arg2[%dma_start3A_40, %dma_start3A_41] : memref<10000x64xf32, #tpu.memory_space<hbm>> -> memref<10000x64xf32, #tpu.memory_space<hbm>>
      tpu.enqueue_indirect_dma source(%dma_start3A_42 : memref<10000x64xf32, #tpu.memory_space<hbm>>) target(%arg11 : memref<80x64xf32, #tpu.memory_space<vmem>>) offsets(%dma_start3A_39 : memref<80xi32, #tpu.memory_space<vmem>>) semaphore(%arg17 : memref<!tpu.dma_semaphore, #tpu.memory_space<semaphore_mem>>)
      %dma_start3A_43 = arith.constant 3 : i32
      %dma_start3A_44 = arith.constant 0 : i32
      %dma_start3A_45 = tpu.memref_slice %arg7[%dma_start3A_43, %dma_start3A_44] : memref<125x80xi32, #tpu.memory_space<vmem>> -> memref<1x80xi32, #tpu.memory_space<vmem>>
      %dma_start3A_46 = tpu.memref_squeeze %dma_start3A_45 : memref<1x80xi32, #tpu.memory_space<vmem>> -> memref<80xi32, #tpu.memory_space<vmem>>
      %dma_start3A_47 = arith.constant 0 : i32
      %dma_start3A_48 = arith.constant 0 : i32
      %dma_start3A_49 = tpu.memref_slice %arg2[%dma_start3A_47, %dma_start3A_48] : memref<10000x64xf32, #tpu.memory_space<hbm>> -> memref<10000x64xf32, #tpu.memory_space<hbm>>
      tpu.enqueue_indirect_dma source(%dma_start3A_49 : memref<10000x64xf32, #tpu.memory_space<hbm>>) target(%arg12 : memref<80x64xf32, #tpu.memory_space<vmem>>) offsets(%dma_start3A_46 : memref<80xi32, #tpu.memory_space<vmem>>) semaphore(%arg18 : memref<!tpu.dma_semaphore, #tpu.memory_space<semaphore_mem>>)
      %scan3A_50 = arith.constant 0 : i32
      %scan3A_51 = arith.constant 0 : i32
      %scan3A_52 = arith.constant 31 : i32
      %scan3A_53 = arith.addi %scan3A_51, %scan3A_52 : i32
      %scan3A_54 = arith.constant 1 : i32
      scf.for %scan3A_62 = %scan3A_51 to %scan3A_53 step %scan3A_54  : i32 {
        %mul3A_63 = arith.constant 4 : i32
        %mul3A_64 = arith.muli %mul3A_63, %scan3A_62 : i32
        %add3A = arith.constant 0 : i32
        %add3A_65 = arith.addi %mul3A_64, %add3A : i32
        %dma_wait3A_66 = arith.constant 0 : i32
        %dma_wait3A_67 = tpu.memref_slice %arg7[%add3A_65, %dma_wait3A_66] : memref<125x80xi32, #tpu.memory_space<vmem>> -> memref<1x80xi32, #tpu.memory_space<vmem>>
        %dma_wait3A_68 = tpu.memref_squeeze %dma_wait3A_67 : memref<1x80xi32, #tpu.memory_space<vmem>> -> memref<80xi32, #tpu.memory_space<vmem>>
        %dma_wait3A_69 = arith.constant 0 : i32
        %dma_wait3A_70 = arith.constant 0 : i32
        %dma_wait3A_71 = tpu.memref_slice %arg2[%dma_wait3A_69, %dma_wait3A_70] : memref<10000x64xf32, #tpu.memory_space<hbm>> -> memref<10000x64xf32, #tpu.memory_space<hbm>>
        tpu.wait_indirect_dma semaphore(%arg15 : memref<!tpu.dma_semaphore, #tpu.memory_space<semaphore_mem>>) src(%dma_wait3A_71 : memref<10000x64xf32, #tpu.memory_space<hbm>>) dst(%arg9 : memref<80x64xf32, #tpu.memory_space<vmem>>)
        %dma_start3A_72 = arith.constant 0 : i32
        %dma_start3A_73 = tpu.memref_slice %arg8[%add3A_65, %dma_start3A_72] : memref<125x80xi32, #tpu.memory_space<vmem>> -> memref<1x80xi32, #tpu.memory_space<vmem>>
        %dma_start3A_74 = tpu.memref_squeeze %dma_start3A_73 : memref<1x80xi32, #tpu.memory_space<vmem>> -> memref<80xi32, #tpu.memory_space<vmem>>
        %dma_start3A_75 = arith.constant 0 : i32
        %dma_start3A_76 = arith.constant 0 : i32
        %dma_start3A_77 = tpu.memref_slice %arg14[%dma_start3A_75, %dma_start3A_76] : memref<10240x64xf32, #tpu.memory_space<vmem_shared>> -> memref<10240x64xf32, #tpu.memory_space<vmem_shared>>
        tpu.enqueue_indirect_dma source(%arg9 : memref<80x64xf32, #tpu.memory_space<vmem>>) target(%dma_start3A_77 : memref<10240x64xf32, #tpu.memory_space<vmem_shared>>) offsets(%dma_start3A_74 : memref<80xi32, #tpu.memory_space<vmem>>) semaphore(%arg19 : memref<!tpu.dma_semaphore, #tpu.memory_space<semaphore_mem>>) {add = true}
        %dma_wait3A_78 = arith.constant 0 : i32
        %dma_wait3A_79 = tpu.memref_slice %arg8[%add3A_65, %dma_wait3A_78] : memref<125x80xi32, #tpu.memory_space<vmem>> -> memref<1x80xi32, #tpu.memory_space<vmem>>
        %dma_wait3A_80 = tpu.memref_squeeze %dma_wait3A_79 : memref<1x80xi32, #tpu.memory_space<vmem>> -> memref<80xi32, #tpu.memory_space<vmem>>
        %dma_wait3A_81 = arith.constant 0 : i32
        %dma_wait3A_82 = arith.constant 0 : i32
        %dma_wait3A_83 = tpu.memref_slice %arg14[%dma_wait3A_81, %dma_wait3A_82] : memref<10240x64xf32, #tpu.memory_space<vmem_shared>> -> memref<10240x64xf32, #tpu.memory_space<vmem_shared>>
        tpu.wait_indirect_dma semaphore(%arg19 : memref<!tpu.dma_semaphore, #tpu.memory_space<semaphore_mem>>) src(%arg9 : memref<80x64xf32, #tpu.memory_space<vmem>>) dst(%dma_wait3A_83 : memref<10240x64xf32, #tpu.memory_space<vmem_shared>>)
        %add3A_84 = arith.constant 4 : i32
        %add3A_85 = arith.addi %add3A_65, %add3A_84 : i32
        %lt3A = arith.constant 125 : i32
        %lt3A_86 = arith.cmpi slt, %add3A_85, %lt3A : i32
        %convert_element_type3A_87 = arith.extui %lt3A_86 : i1 to i32
        %cond3A_88 = arith.constant 0 : i32
        %cond3A_89 = arith.cmpi ne, %convert_element_type3A_87, %cond3A_88 : i32
        scf.if %cond3A_89 {
          %add3A_177 = arith.constant 4 : i32
          %add3A_178 = arith.addi %add3A_65, %add3A_177 : i32
          %dma_start3A_179 = arith.constant 0 : i32
          %dma_start3A_180 = tpu.memref_slice %arg7[%add3A_178, %dma_start3A_179] : memref<125x80xi32, #tpu.memory_space<vmem>> -> memref<1x80xi32, #tpu.memory_space<vmem>>
          %dma_start3A_181 = tpu.memref_squeeze %dma_start3A_180 : memref<1x80xi32, #tpu.memory_space<vmem>> -> memref<80xi32, #tpu.memory_space<vmem>>
          %dma_start3A_182 = arith.constant 0 : i32
          %dma_start3A_183 = arith.constant 0 : i32
          %dma_start3A_184 = tpu.memref_slice %arg2[%dma_start3A_182, %dma_start3A_183] : memref<10000x64xf32, #tpu.memory_space<hbm>> -> memref<10000x64xf32, #tpu.memory_space<hbm>>
          tpu.enqueue_indirect_dma source(%dma_start3A_184 : memref<10000x64xf32, #tpu.memory_space<hbm>>) target(%arg9 : memref<80x64xf32, #tpu.memory_space<vmem>>) offsets(%dma_start3A_181 : memref<80xi32, #tpu.memory_space<vmem>>) semaphore(%arg15 : memref<!tpu.dma_semaphore, #tpu.memory_space<semaphore_mem>>)
        } else {
        }
        %mul3A_90 = arith.constant 4 : i32
        %mul3A_91 = arith.muli %mul3A_90, %scan3A_62 : i32
        %add3A_92 = arith.constant 1 : i32
        %add3A_93 = arith.addi %mul3A_91, %add3A_92 : i32
        %dma_wait3A_94 = arith.constant 0 : i32
        %dma_wait3A_95 = tpu.memref_slice %arg7[%add3A_93, %dma_wait3A_94] : memref<125x80xi32, #tpu.memory_space<vmem>> -> memref<1x80xi32, #tpu.memory_space<vmem>>
        %dma_wait3A_96 = tpu.memref_squeeze %dma_wait3A_95 : memref<1x80xi32, #tpu.memory_space<vmem>> -> memref<80xi32, #tpu.memory_space<vmem>>
        %dma_wait3A_97 = arith.constant 0 : i32
        %dma_wait3A_98 = arith.constant 0 : i32
        %dma_wait3A_99 = tpu.memref_slice %arg2[%dma_wait3A_97, %dma_wait3A_98] : memref<10000x64xf32, #tpu.memory_space<hbm>> -> memref<10000x64xf32, #tpu.memory_space<hbm>>
        tpu.wait_indirect_dma semaphore(%arg16 : memref<!tpu.dma_semaphore, #tpu.memory_space<semaphore_mem>>) src(%dma_wait3A_99 : memref<10000x64xf32, #tpu.memory_space<hbm>>) dst(%arg10 : memref<80x64xf32, #tpu.memory_space<vmem>>)
        %dma_start3A_100 = arith.constant 0 : i32
        %dma_start3A_101 = tpu.memref_slice %arg8[%add3A_93, %dma_start3A_100] : memref<125x80xi32, #tpu.memory_space<vmem>> -> memref<1x80xi32, #tpu.memory_space<vmem>>
        %dma_start3A_102 = tpu.memref_squeeze %dma_start3A_101 : memref<1x80xi32, #tpu.memory_space<vmem>> -> memref<80xi32, #tpu.memory_space<vmem>>
        %dma_start3A_103 = arith.constant 0 : i32
        %dma_start3A_104 = arith.constant 0 : i32
        %dma_start3A_105 = tpu.memref_slice %arg14[%dma_start3A_103, %dma_start3A_104] : memref<10240x64xf32, #tpu.memory_space<vmem_shared>> -> memref<10240x64xf32, #tpu.memory_space<vmem_shared>>
        tpu.enqueue_indirect_dma source(%arg10 : memref<80x64xf32, #tpu.memory_space<vmem>>) target(%dma_start3A_105 : memref<10240x64xf32, #tpu.memory_space<vmem_shared>>) offsets(%dma_start3A_102 : memref<80xi32, #tpu.memory_space<vmem>>) semaphore(%arg20 : memref<!tpu.dma_semaphore, #tpu.memory_space<semaphore_mem>>) {add = true}
        %dma_wait3A_106 = arith.constant 0 : i32
        %dma_wait3A_107 = tpu.memref_slice %arg8[%add3A_93, %dma_wait3A_106] : memref<125x80xi32, #tpu.memory_space<vmem>> -> memref<1x80xi32, #tpu.memory_space<vmem>>
        %dma_wait3A_108 = tpu.memref_squeeze %dma_wait3A_107 : memref<1x80xi32, #tpu.memory_space<vmem>> -> memref<80xi32, #tpu.memory_space<vmem>>
        %dma_wait3A_109 = arith.constant 0 : i32
        %dma_wait3A_110 = arith.constant 0 : i32
        %dma_wait3A_111 = tpu.memref_slice %arg14[%dma_wait3A_109, %dma_wait3A_110] : memref<10240x64xf32, #tpu.memory_space<vmem_shared>> -> memref<10240x64xf32, #tpu.memory_space<vmem_shared>>
        tpu.wait_indirect_dma semaphore(%arg20 : memref<!tpu.dma_semaphore, #tpu.memory_space<semaphore_mem>>) src(%arg10 : memref<80x64xf32, #tpu.memory_space<vmem>>) dst(%dma_wait3A_111 : memref<10240x64xf32, #tpu.memory_space<vmem_shared>>)
        %add3A_112 = arith.constant 4 : i32
        %add3A_113 = arith.addi %add3A_93, %add3A_112 : i32
        %lt3A_114 = arith.constant 125 : i32
        %lt3A_115 = arith.cmpi slt, %add3A_113, %lt3A_114 : i32
        %convert_element_type3A_116 = arith.extui %lt3A_115 : i1 to i32
        %cond3A_117 = arith.constant 0 : i32
        %cond3A_118 = arith.cmpi ne, %convert_element_type3A_116, %cond3A_117 : i32
        scf.if %cond3A_118 {
          %add3A_177 = arith.constant 4 : i32
          %add3A_178 = arith.addi %add3A_93, %add3A_177 : i32
          %dma_start3A_179 = arith.constant 0 : i32
          %dma_start3A_180 = tpu.memref_slice %arg7[%add3A_178, %dma_start3A_179] : memref<125x80xi32, #tpu.memory_space<vmem>> -> memref<1x80xi32, #tpu.memory_space<vmem>>
          %dma_start3A_181 = tpu.memref_squeeze %dma_start3A_180 : memref<1x80xi32, #tpu.memory_space<vmem>> -> memref<80xi32, #tpu.memory_space<vmem>>
          %dma_start3A_182 = arith.constant 0 : i32
          %dma_start3A_183 = arith.constant 0 : i32
          %dma_start3A_184 = tpu.memref_slice %arg2[%dma_start3A_182, %dma_start3A_183] : memref<10000x64xf32, #tpu.memory_space<hbm>> -> memref<10000x64xf32, #tpu.memory_space<hbm>>
          tpu.enqueue_indirect_dma source(%dma_start3A_184 : memref<10000x64xf32, #tpu.memory_space<hbm>>) target(%arg10 : memref<80x64xf32, #tpu.memory_space<vmem>>) offsets(%dma_start3A_181 : memref<80xi32, #tpu.memory_space<vmem>>) semaphore(%arg16 : memref<!tpu.dma_semaphore, #tpu.memory_space<semaphore_mem>>)
        } else {
        }
        %mul3A_119 = arith.constant 4 : i32
        %mul3A_120 = arith.muli %mul3A_119, %scan3A_62 : i32
        %add3A_121 = arith.constant 2 : i32
        %add3A_122 = arith.addi %mul3A_120, %add3A_121 : i32
        %dma_wait3A_123 = arith.constant 0 : i32
        %dma_wait3A_124 = tpu.memref_slice %arg7[%add3A_122, %dma_wait3A_123] : memref<125x80xi32, #tpu.memory_space<vmem>> -> memref<1x80xi32, #tpu.memory_space<vmem>>
        %dma_wait3A_125 = tpu.memref_squeeze %dma_wait3A_124 : memref<1x80xi32, #tpu.memory_space<vmem>> -> memref<80xi32, #tpu.memory_space<vmem>>
        %dma_wait3A_126 = arith.constant 0 : i32
        %dma_wait3A_127 = arith.constant 0 : i32
        %dma_wait3A_128 = tpu.memref_slice %arg2[%dma_wait3A_126, %dma_wait3A_127] : memref<10000x64xf32, #tpu.memory_space<hbm>> -> memref<10000x64xf32, #tpu.memory_space<hbm>>
        tpu.wait_indirect_dma semaphore(%arg17 : memref<!tpu.dma_semaphore, #tpu.memory_space<semaphore_mem>>) src(%dma_wait3A_128 : memref<10000x64xf32, #tpu.memory_space<hbm>>) dst(%arg11 : memref<80x64xf32, #tpu.memory_space<vmem>>)
        %dma_start3A_129 = arith.constant 0 : i32
        %dma_start3A_130 = tpu.memref_slice %arg8[%add3A_122, %dma_start3A_129] : memref<125x80xi32, #tpu.memory_space<vmem>> -> memref<1x80xi32, #tpu.memory_space<vmem>>
        %dma_start3A_131 = tpu.memref_squeeze %dma_start3A_130 : memref<1x80xi32, #tpu.memory_space<vmem>> -> memref<80xi32, #tpu.memory_space<vmem>>
        %dma_start3A_132 = arith.constant 0 : i32
        %dma_start3A_133 = arith.constant 0 : i32
        %dma_start3A_134 = tpu.memref_slice %arg14[%dma_start3A_132, %dma_start3A_133] : memref<10240x64xf32, #tpu.memory_space<vmem_shared>> -> memref<10240x64xf32, #tpu.memory_space<vmem_shared>>
        tpu.enqueue_indirect_dma source(%arg11 : memref<80x64xf32, #tpu.memory_space<vmem>>) target(%dma_start3A_134 : memref<10240x64xf32, #tpu.memory_space<vmem_shared>>) offsets(%dma_start3A_131 : memref<80xi32, #tpu.memory_space<vmem>>) semaphore(%arg21 : memref<!tpu.dma_semaphore, #tpu.memory_space<semaphore_mem>>) {add = true}
        %dma_wait3A_135 = arith.constant 0 : i32
        %dma_wait3A_136 = tpu.memref_slice %arg8[%add3A_122, %dma_wait3A_135] : memref<125x80xi32, #tpu.memory_space<vmem>> -> memref<1x80xi32, #tpu.memory_space<vmem>>
        %dma_wait3A_137 = tpu.memref_squeeze %dma_wait3A_136 : memref<1x80xi32, #tpu.memory_space<vmem>> -> memref<80xi32, #tpu.memory_space<vmem>>
        %dma_wait3A_138 = arith.constant 0 : i32
        %dma_wait3A_139 = arith.constant 0 : i32
        %dma_wait3A_140 = tpu.memref_slice %arg14[%dma_wait3A_138, %dma_wait3A_139] : memref<10240x64xf32, #tpu.memory_space<vmem_shared>> -> memref<10240x64xf32, #tpu.memory_space<vmem_shared>>
        tpu.wait_indirect_dma semaphore(%arg21 : memref<!tpu.dma_semaphore, #tpu.memory_space<semaphore_mem>>) src(%arg11 : memref<80x64xf32, #tpu.memory_space<vmem>>) dst(%dma_wait3A_140 : memref<10240x64xf32, #tpu.memory_space<vmem_shared>>)
        %add3A_141 = arith.constant 4 : i32
        %add3A_142 = arith.addi %add3A_122, %add3A_141 : i32
        %lt3A_143 = arith.constant 125 : i32
        %lt3A_144 = arith.cmpi slt, %add3A_142, %lt3A_143 : i32
        %convert_element_type3A_145 = arith.extui %lt3A_144 : i1 to i32
        %cond3A_146 = arith.constant 0 : i32
        %cond3A_147 = arith.cmpi ne, %convert_element_type3A_145, %cond3A_146 : i32
        scf.if %cond3A_147 {
          %add3A_177 = arith.constant 4 : i32
          %add3A_178 = arith.addi %add3A_122, %add3A_177 : i32
          %dma_start3A_179 = arith.constant 0 : i32
          %dma_start3A_180 = tpu.memref_slice %arg7[%add3A_178, %dma_start3A_179] : memref<125x80xi32, #tpu.memory_space<vmem>> -> memref<1x80xi32, #tpu.memory_space<vmem>>
          %dma_start3A_181 = tpu.memref_squeeze %dma_start3A_180 : memref<1x80xi32, #tpu.memory_space<vmem>> -> memref<80xi32, #tpu.memory_space<vmem>>
          %dma_start3A_182 = arith.constant 0 : i32
          %dma_start3A_183 = arith.constant 0 : i32
          %dma_start3A_184 = tpu.memref_slice %arg2[%dma_start3A_182, %dma_start3A_183] : memref<10000x64xf32, #tpu.memory_space<hbm>> -> memref<10000x64xf32, #tpu.memory_space<hbm>>
          tpu.enqueue_indirect_dma source(%dma_start3A_184 : memref<10000x64xf32, #tpu.memory_space<hbm>>) target(%arg11 : memref<80x64xf32, #tpu.memory_space<vmem>>) offsets(%dma_start3A_181 : memref<80xi32, #tpu.memory_space<vmem>>) semaphore(%arg17 : memref<!tpu.dma_semaphore, #tpu.memory_space<semaphore_mem>>)
        } else {
        }
        %mul3A_148 = arith.constant 4 : i32
        %mul3A_149 = arith.muli %mul3A_148, %scan3A_62 : i32
        %add3A_150 = arith.constant 3 : i32
        %add3A_151 = arith.addi %mul3A_149, %add3A_150 : i32
        %dma_wait3A_152 = arith.constant 0 : i32
        %dma_wait3A_153 = tpu.memref_slice %arg7[%add3A_151, %dma_wait3A_152] : memref<125x80xi32, #tpu.memory_space<vmem>> -> memref<1x80xi32, #tpu.memory_space<vmem>>
        %dma_wait3A_154 = tpu.memref_squeeze %dma_wait3A_153 : memref<1x80xi32, #tpu.memory_space<vmem>> -> memref<80xi32, #tpu.memory_space<vmem>>
        %dma_wait3A_155 = arith.constant 0 : i32
        %dma_wait3A_156 = arith.constant 0 : i32
        %dma_wait3A_157 = tpu.memref_slice %arg2[%dma_wait3A_155, %dma_wait3A_156] : memref<10000x64xf32, #tpu.memory_space<hbm>> -> memref<10000x64xf32, #tpu.memory_space<hbm>>
        tpu.wait_indirect_dma semaphore(%arg18 : memref<!tpu.dma_semaphore, #tpu.memory_space<semaphore_mem>>) src(%dma_wait3A_157 : memref<10000x64xf32, #tpu.memory_space<hbm>>) dst(%arg12 : memref<80x64xf32, #tpu.memory_space<vmem>>)
        %dma_start3A_158 = arith.constant 0 : i32
        %dma_start3A_159 = tpu.memref_slice %arg8[%add3A_151, %dma_start3A_158] : memref<125x80xi32, #tpu.memory_space<vmem>> -> memref<1x80xi32, #tpu.memory_space<vmem>>
        %dma_start3A_160 = tpu.memref_squeeze %dma_start3A_159 : memref<1x80xi32, #tpu.memory_space<vmem>> -> memref<80xi32, #tpu.memory_space<vmem>>
        %dma_start3A_161 = arith.constant 0 : i32
        %dma_start3A_162 = arith.constant 0 : i32
        %dma_start3A_163 = tpu.memref_slice %arg14[%dma_start3A_161, %dma_start3A_162] : memref<10240x64xf32, #tpu.memory_space<vmem_shared>> -> memref<10240x64xf32, #tpu.memory_space<vmem_shared>>
        tpu.enqueue_indirect_dma source(%arg12 : memref<80x64xf32, #tpu.memory_space<vmem>>) target(%dma_start3A_163 : memref<10240x64xf32, #tpu.memory_space<vmem_shared>>) offsets(%dma_start3A_160 : memref<80xi32, #tpu.memory_space<vmem>>) semaphore(%arg22 : memref<!tpu.dma_semaphore, #tpu.memory_space<semaphore_mem>>) {add = true}
        %dma_wait3A_164 = arith.constant 0 : i32
        %dma_wait3A_165 = tpu.memref_slice %arg8[%add3A_151, %dma_wait3A_164] : memref<125x80xi32, #tpu.memory_space<vmem>> -> memref<1x80xi32, #tpu.memory_space<vmem>>
        %dma_wait3A_166 = tpu.memref_squeeze %dma_wait3A_165 : memref<1x80xi32, #tpu.memory_space<vmem>> -> memref<80xi32, #tpu.memory_space<vmem>>
        %dma_wait3A_167 = arith.constant 0 : i32
        %dma_wait3A_168 = arith.constant 0 : i32
        %dma_wait3A_169 = tpu.memref_slice %arg14[%dma_wait3A_167, %dma_wait3A_168] : memref<10240x64xf32, #tpu.memory_space<vmem_shared>> -> memref<10240x64xf32, #tpu.memory_space<vmem_shared>>
        tpu.wait_indirect_dma semaphore(%arg22 : memref<!tpu.dma_semaphore, #tpu.memory_space<semaphore_mem>>) src(%arg12 : memref<80x64xf32, #tpu.memory_space<vmem>>) dst(%dma_wait3A_169 : memref<10240x64xf32, #tpu.memory_space<vmem_shared>>)
        %add3A_170 = arith.constant 4 : i32
        %add3A_171 = arith.addi %add3A_151, %add3A_170 : i32
        %lt3A_172 = arith.constant 125 : i32
        %lt3A_173 = arith.cmpi slt, %add3A_171, %lt3A_172 : i32
        %convert_element_type3A_174 = arith.extui %lt3A_173 : i1 to i32
        %cond3A_175 = arith.constant 0 : i32
        %cond3A_176 = arith.cmpi ne, %convert_element_type3A_174, %cond3A_175 : i32
        scf.if %cond3A_176 {
          %add3A_177 = arith.constant 4 : i32
          %add3A_178 = arith.addi %add3A_151, %add3A_177 : i32
          %dma_start3A_179 = arith.constant 0 : i32
          %dma_start3A_180 = tpu.memref_slice %arg7[%add3A_178, %dma_start3A_179] : memref<125x80xi32, #tpu.memory_space<vmem>> -> memref<1x80xi32, #tpu.memory_space<vmem>>
          %dma_start3A_181 = tpu.memref_squeeze %dma_start3A_180 : memref<1x80xi32, #tpu.memory_space<vmem>> -> memref<80xi32, #tpu.memory_space<vmem>>
          %dma_start3A_182 = arith.constant 0 : i32
          %dma_start3A_183 = arith.constant 0 : i32
          %dma_start3A_184 = tpu.memref_slice %arg2[%dma_start3A_182, %dma_start3A_183] : memref<10000x64xf32, #tpu.memory_space<hbm>> -> memref<10000x64xf32, #tpu.memory_space<hbm>>
          tpu.enqueue_indirect_dma source(%dma_start3A_184 : memref<10000x64xf32, #tpu.memory_space<hbm>>) target(%arg12 : memref<80x64xf32, #tpu.memory_space<vmem>>) offsets(%dma_start3A_181 : memref<80xi32, #tpu.memory_space<vmem>>) semaphore(%arg18 : memref<!tpu.dma_semaphore, #tpu.memory_space<semaphore_mem>>)
        } else {
        }
      }
      %scan3A_55 = arith.constant 31 : i32
      %dma_wait3A = arith.constant 124 : i32
      %dma_wait3A_56 = arith.constant 0 : i32
      %dma_wait3A_57 = tpu.memref_slice %arg7[%dma_wait3A, %dma_wait3A_56] : memref<125x80xi32, #tpu.memory_space<vmem>> -> memref<1x80xi32, #tpu.memory_space<vmem>>
      %dma_wait3A_58 = tpu.memref_squeeze %dma_wait3A_57 : memref<1x80xi32, #tpu.memory_space<vmem>> -> memref<80xi32, #tpu.memory_space<vmem>>
      %dma_wait3A_59 = arith.constant 0 : i32
      %dma_wait3A_60 = arith.constant 0 : i32
      %dma_wait3A_61 = tpu.memref_slice %arg2[%dma_wait3A_59, %dma_wait3A_60] : memref<10000x64xf32, #tpu.memory_space<hbm>> -> memref<10000x64xf32, #tpu.memory_space<hbm>>
      tpu.wait_indirect_dma semaphore(%arg15 : memref<!tpu.dma_semaphore, #tpu.memory_space<semaphore_mem>>) src(%dma_wait3A_61 : memref<10000x64xf32, #tpu.memory_space<hbm>>) dst(%arg9 : memref<80x64xf32, #tpu.memory_space<vmem>>)
      %run_scoped3A = arith.constant 124 : i32
      "tpu.region"() ({
        %run_scoped3A_62 = tpu.sem_alloc : memref<!tpu.dma_semaphore, #tpu.memory_space<semaphore_mem>>
        %dma_start3A_63 = arith.constant 0 : i32
        %dma_start3A_64 = tpu.memref_slice %arg8[%run_scoped3A, %dma_start3A_63] : memref<125x80xi32, #tpu.memory_space<vmem>> -> memref<1x80xi32, #tpu.memory_space<vmem>>
        %dma_start3A_65 = tpu.memref_squeeze %dma_start3A_64 : memref<1x80xi32, #tpu.memory_space<vmem>> -> memref<80xi32, #tpu.memory_space<vmem>>
        %dma_start3A_66 = arith.constant 0 : i32
        %dma_start3A_67 = arith.constant 0 : i32
        %dma_start3A_68 = tpu.memref_slice %arg14[%dma_start3A_66, %dma_start3A_67] : memref<10240x64xf32, #tpu.memory_space<vmem_shared>> -> memref<10240x64xf32, #tpu.memory_space<vmem_shared>>
        tpu.enqueue_indirect_dma source(%arg9 : memref<80x64xf32, #tpu.memory_space<vmem>>) target(%dma_start3A_68 : memref<10240x64xf32, #tpu.memory_space<vmem_shared>>) offsets(%dma_start3A_65 : memref<80xi32, #tpu.memory_space<vmem>>) semaphore(%run_scoped3A_62 : memref<!tpu.dma_semaphore, #tpu.memory_space<semaphore_mem>>) {add = true}
        %dma_wait3A_69 = arith.constant 0 : i32
        %dma_wait3A_70 = tpu.memref_slice %arg8[%run_scoped3A, %dma_wait3A_69] : memref<125x80xi32, #tpu.memory_space<vmem>> -> memref<1x80xi32, #tpu.memory_space<vmem>>
        %dma_wait3A_71 = tpu.memref_squeeze %dma_wait3A_70 : memref<1x80xi32, #tpu.memory_space<vmem>> -> memref<80xi32, #tpu.memory_space<vmem>>
        %dma_wait3A_72 = arith.constant 0 : i32
        %dma_wait3A_73 = arith.constant 0 : i32
        %dma_wait3A_74 = tpu.memref_slice %arg14[%dma_wait3A_72, %dma_wait3A_73] : memref<10240x64xf32, #tpu.memory_space<vmem_shared>> -> memref<10240x64xf32, #tpu.memory_space<vmem_shared>>
        tpu.wait_indirect_dma semaphore(%run_scoped3A_62 : memref<!tpu.dma_semaphore, #tpu.memory_space<semaphore_mem>>) src(%arg9 : memref<80x64xf32, #tpu.memory_space<vmem>>) dst(%dma_wait3A_74 : memref<10240x64xf32, #tpu.memory_space<vmem_shared>>)
        tpu.yield
      }) : () -> ()
    } else {
    }
    %eq3A_14 = arith.constant 1 : i32
    %eq3A_15 = arith.cmpi eq, %arg0, %eq3A_14 : i32
    %convert_element_type3A_16 = arith.extui %eq3A_15 : i1 to i32
    %cond3A_17 = arith.constant 0 : i32
    %cond3A_18 = arith.cmpi ne, %convert_element_type3A_16, %cond3A_17 : i32
    scf.if %cond3A_18 {
      %dma_start3A = arith.constant 0 : i32
      %dma_start3A_23 = arith.constant 0 : i32
      %dma_start3A_24 = tpu.memref_slice %arg7[%dma_start3A, %dma_start3A_23] : memref<125x80xi32, #tpu.memory_space<vmem>> -> memref<1x80xi32, #tpu.memory_space<vmem>>
      %dma_start3A_25 = tpu.memref_squeeze %dma_start3A_24 : memref<1x80xi32, #tpu.memory_space<vmem>> -> memref<80xi32, #tpu.memory_space<vmem>>
      %dma_start3A_26 = arith.constant 0 : i32
      %dma_start3A_27 = arith.constant 0 : i32
      %dma_start3A_28 = tpu.memref_slice %arg3[%dma_start3A_26, %dma_start3A_27] : memref<10000x64xf32, #tpu.memory_space<hbm>> -> memref<10000x64xf32, #tpu.memory_space<hbm>>
      tpu.enqueue_indirect_dma source(%dma_start3A_28 : memref<10000x64xf32, #tpu.memory_space<hbm>>) target(%arg9 : memref<80x64xf32, #tpu.memory_space<vmem>>) offsets(%dma_start3A_25 : memref<80xi32, #tpu.memory_space<vmem>>) semaphore(%arg15 : memref<!tpu.dma_semaphore, #tpu.memory_space<semaphore_mem>>)
      %dma_start3A_29 = arith.constant 1 : i32
      %dma_start3A_30 = arith.constant 0 : i32
      %dma_start3A_31 = tpu.memref_slice %arg7[%dma_start3A_29, %dma_start3A_30] : memref<125x80xi32, #tpu.memory_space<vmem>> -> memref<1x80xi32, #tpu.memory_space<vmem>>
      %dma_start3A_32 = tpu.memref_squeeze %dma_start3A_31 : memref<1x80xi32, #tpu.memory_space<vmem>> -> memref<80xi32, #tpu.memory_space<vmem>>
      %dma_start3A_33 = arith.constant 0 : i32
      %dma_start3A_34 = arith.constant 0 : i32
      %dma_start3A_35 = tpu.memref_slice %arg3[%dma_start3A_33, %dma_start3A_34] : memref<10000x64xf32, #tpu.memory_space<hbm>> -> memref<10000x64xf32, #tpu.memory_space<hbm>>
      tpu.enqueue_indirect_dma source(%dma_start3A_35 : memref<10000x64xf32, #tpu.memory_space<hbm>>) target(%arg10 : memref<80x64xf32, #tpu.memory_space<vmem>>) offsets(%dma_start3A_32 : memref<80xi32, #tpu.memory_space<vmem>>) semaphore(%arg16 : memref<!tpu.dma_semaphore, #tpu.memory_space<semaphore_mem>>)
      %dma_start3A_36 = arith.constant 2 : i32
      %dma_start3A_37 = arith.constant 0 : i32
      %dma_start3A_38 = tpu.memref_slice %arg7[%dma_start3A_36, %dma_start3A_37] : memref<125x80xi32, #tpu.memory_space<vmem>> -> memref<1x80xi32, #tpu.memory_space<vmem>>
      %dma_start3A_39 = tpu.memref_squeeze %dma_start3A_38 : memref<1x80xi32, #tpu.memory_space<vmem>> -> memref<80xi32, #tpu.memory_space<vmem>>
      %dma_start3A_40 = arith.constant 0 : i32
      %dma_start3A_41 = arith.constant 0 : i32
      %dma_start3A_42 = tpu.memref_slice %arg3[%dma_start3A_40, %dma_start3A_41] : memref<10000x64xf32, #tpu.memory_space<hbm>> -> memref<10000x64xf32, #tpu.memory_space<hbm>>
      tpu.enqueue_indirect_dma source(%dma_start3A_42 : memref<10000x64xf32, #tpu.memory_space<hbm>>) target(%arg11 : memref<80x64xf32, #tpu.memory_space<vmem>>) offsets(%dma_start3A_39 : memref<80xi32, #tpu.memory_space<vmem>>) semaphore(%arg17 : memref<!tpu.dma_semaphore, #tpu.memory_space<semaphore_mem>>)
      %dma_start3A_43 = arith.constant 3 : i32
      %dma_start3A_44 = arith.constant 0 : i32
      %dma_start3A_45 = tpu.memref_slice %arg7[%dma_start3A_43, %dma_start3A_44] : memref<125x80xi32, #tpu.memory_space<vmem>> -> memref<1x80xi32, #tpu.memory_space<vmem>>
      %dma_start3A_46 = tpu.memref_squeeze %dma_start3A_45 : memref<1x80xi32, #tpu.memory_space<vmem>> -> memref<80xi32, #tpu.memory_space<vmem>>
      %dma_start3A_47 = arith.constant 0 : i32
      %dma_start3A_48 = arith.constant 0 : i32
      %dma_start3A_49 = tpu.memref_slice %arg3[%dma_start3A_47, %dma_start3A_48] : memref<10000x64xf32, #tpu.memory_space<hbm>> -> memref<10000x64xf32, #tpu.memory_space<hbm>>
      tpu.enqueue_indirect_dma source(%dma_start3A_49 : memref<10000x64xf32, #tpu.memory_space<hbm>>) target(%arg12 : memref<80x64xf32, #tpu.memory_space<vmem>>) offsets(%dma_start3A_46 : memref<80xi32, #tpu.memory_space<vmem>>) semaphore(%arg18 : memref<!tpu.dma_semaphore, #tpu.memory_space<semaphore_mem>>)
      %scan3A_50 = arith.constant 0 : i32
      %scan3A_51 = arith.constant 0 : i32
      %scan3A_52 = arith.constant 31 : i32
      %scan3A_53 = arith.addi %scan3A_51, %scan3A_52 : i32
      %scan3A_54 = arith.constant 1 : i32
      scf.for %scan3A_62 = %scan3A_51 to %scan3A_53 step %scan3A_54  : i32 {
        %mul3A_63 = arith.constant 4 : i32
        %mul3A_64 = arith.muli %mul3A_63, %scan3A_62 : i32
        %add3A = arith.constant 0 : i32
        %add3A_65 = arith.addi %mul3A_64, %add3A : i32
        %dma_wait3A_66 = arith.constant 0 : i32
        %dma_wait3A_67 = tpu.memref_slice %arg7[%add3A_65, %dma_wait3A_66] : memref<125x80xi32, #tpu.memory_space<vmem>> -> memref<1x80xi32, #tpu.memory_space<vmem>>
        %dma_wait3A_68 = tpu.memref_squeeze %dma_wait3A_67 : memref<1x80xi32, #tpu.memory_space<vmem>> -> memref<80xi32, #tpu.memory_space<vmem>>
        %dma_wait3A_69 = arith.constant 0 : i32
        %dma_wait3A_70 = arith.constant 0 : i32
        %dma_wait3A_71 = tpu.memref_slice %arg3[%dma_wait3A_69, %dma_wait3A_70] : memref<10000x64xf32, #tpu.memory_space<hbm>> -> memref<10000x64xf32, #tpu.memory_space<hbm>>
        tpu.wait_indirect_dma semaphore(%arg15 : memref<!tpu.dma_semaphore, #tpu.memory_space<semaphore_mem>>) src(%dma_wait3A_71 : memref<10000x64xf32, #tpu.memory_space<hbm>>) dst(%arg9 : memref<80x64xf32, #tpu.memory_space<vmem>>)
        %dma_start3A_72 = arith.constant 0 : i32
        %dma_start3A_73 = tpu.memref_slice %arg8[%add3A_65, %dma_start3A_72] : memref<125x80xi32, #tpu.memory_space<vmem>> -> memref<1x80xi32, #tpu.memory_space<vmem>>
        %dma_start3A_74 = tpu.memref_squeeze %dma_start3A_73 : memref<1x80xi32, #tpu.memory_space<vmem>> -> memref<80xi32, #tpu.memory_space<vmem>>
        %dma_start3A_75 = arith.constant 0 : i32
        %dma_start3A_76 = arith.constant 0 : i32
        %dma_start3A_77 = tpu.memref_slice %arg14[%dma_start3A_75, %dma_start3A_76] : memref<10240x64xf32, #tpu.memory_space<vmem_shared>> -> memref<10240x64xf32, #tpu.memory_space<vmem_shared>>
        tpu.enqueue_indirect_dma source(%arg9 : memref<80x64xf32, #tpu.memory_space<vmem>>) target(%dma_start3A_77 : memref<10240x64xf32, #tpu.memory_space<vmem_shared>>) offsets(%dma_start3A_74 : memref<80xi32, #tpu.memory_space<vmem>>) semaphore(%arg19 : memref<!tpu.dma_semaphore, #tpu.memory_space<semaphore_mem>>) {add = true}
        %dma_wait3A_78 = arith.constant 0 : i32
        %dma_wait3A_79 = tpu.memref_slice %arg8[%add3A_65, %dma_wait3A_78] : memref<125x80xi32, #tpu.memory_space<vmem>> -> memref<1x80xi32, #tpu.memory_space<vmem>>
        %dma_wait3A_80 = tpu.memref_squeeze %dma_wait3A_79 : memref<1x80xi32, #tpu.memory_space<vmem>> -> memref<80xi32, #tpu.memory_space<vmem>>
        %dma_wait3A_81 = arith.constant 0 : i32
        %dma_wait3A_82 = arith.constant 0 : i32
        %dma_wait3A_83 = tpu.memref_slice %arg14[%dma_wait3A_81, %dma_wait3A_82] : memref<10240x64xf32, #tpu.memory_space<vmem_shared>> -> memref<10240x64xf32, #tpu.memory_space<vmem_shared>>
        tpu.wait_indirect_dma semaphore(%arg19 : memref<!tpu.dma_semaphore, #tpu.memory_space<semaphore_mem>>) src(%arg9 : memref<80x64xf32, #tpu.memory_space<vmem>>) dst(%dma_wait3A_83 : memref<10240x64xf32, #tpu.memory_space<vmem_shared>>)
        %add3A_84 = arith.constant 4 : i32
        %add3A_85 = arith.addi %add3A_65, %add3A_84 : i32
        %lt3A = arith.constant 125 : i32
        %lt3A_86 = arith.cmpi slt, %add3A_85, %lt3A : i32
        %convert_element_type3A_87 = arith.extui %lt3A_86 : i1 to i32
        %cond3A_88 = arith.constant 0 : i32
        %cond3A_89 = arith.cmpi ne, %convert_element_type3A_87, %cond3A_88 : i32
        scf.if %cond3A_89 {
          %add3A_177 = arith.constant 4 : i32
          %add3A_178 = arith.addi %add3A_65, %add3A_177 : i32
          %dma_start3A_179 = arith.constant 0 : i32
          %dma_start3A_180 = tpu.memref_slice %arg7[%add3A_178, %dma_start3A_179] : memref<125x80xi32, #tpu.memory_space<vmem>> -> memref<1x80xi32, #tpu.memory_space<vmem>>
          %dma_start3A_181 = tpu.memref_squeeze %dma_start3A_180 : memref<1x80xi32, #tpu.memory_space<vmem>> -> memref<80xi32, #tpu.memory_space<vmem>>
          %dma_start3A_182 = arith.constant 0 : i32
          %dma_start3A_183 = arith.constant 0 : i32
          %dma_start3A_184 = tpu.memref_slice %arg3[%dma_start3A_182, %dma_start3A_183] : memref<10000x64xf32, #tpu.memory_space<hbm>> -> memref<10000x64xf32, #tpu.memory_space<hbm>>
          tpu.enqueue_indirect_dma source(%dma_start3A_184 : memref<10000x64xf32, #tpu.memory_space<hbm>>) target(%arg9 : memref<80x64xf32, #tpu.memory_space<vmem>>) offsets(%dma_start3A_181 : memref<80xi32, #tpu.memory_space<vmem>>) semaphore(%arg15 : memref<!tpu.dma_semaphore, #tpu.memory_space<semaphore_mem>>)
        } else {
        }
        %mul3A_90 = arith.constant 4 : i32
        %mul3A_91 = arith.muli %mul3A_90, %scan3A_62 : i32
        %add3A_92 = arith.constant 1 : i32
        %add3A_93 = arith.addi %mul3A_91, %add3A_92 : i32
        %dma_wait3A_94 = arith.constant 0 : i32
        %dma_wait3A_95 = tpu.memref_slice %arg7[%add3A_93, %dma_wait3A_94] : memref<125x80xi32, #tpu.memory_space<vmem>> -> memref<1x80xi32, #tpu.memory_space<vmem>>
        %dma_wait3A_96 = tpu.memref_squeeze %dma_wait3A_95 : memref<1x80xi32, #tpu.memory_space<vmem>> -> memref<80xi32, #tpu.memory_space<vmem>>
        %dma_wait3A_97 = arith.constant 0 : i32
        %dma_wait3A_98 = arith.constant 0 : i32
        %dma_wait3A_99 = tpu.memref_slice %arg3[%dma_wait3A_97, %dma_wait3A_98] : memref<10000x64xf32, #tpu.memory_space<hbm>> -> memref<10000x64xf32, #tpu.memory_space<hbm>>
        tpu.wait_indirect_dma semaphore(%arg16 : memref<!tpu.dma_semaphore, #tpu.memory_space<semaphore_mem>>) src(%dma_wait3A_99 : memref<10000x64xf32, #tpu.memory_space<hbm>>) dst(%arg10 : memref<80x64xf32, #tpu.memory_space<vmem>>)
        %dma_start3A_100 = arith.constant 0 : i32
        %dma_start3A_101 = tpu.memref_slice %arg8[%add3A_93, %dma_start3A_100] : memref<125x80xi32, #tpu.memory_space<vmem>> -> memref<1x80xi32, #tpu.memory_space<vmem>>
        %dma_start3A_102 = tpu.memref_squeeze %dma_start3A_101 : memref<1x80xi32, #tpu.memory_space<vmem>> -> memref<80xi32, #tpu.memory_space<vmem>>
        %dma_start3A_103 = arith.constant 0 : i32
        %dma_start3A_104 = arith.constant 0 : i32
        %dma_start3A_105 = tpu.memref_slice %arg14[%dma_start3A_103, %dma_start3A_104] : memref<10240x64xf32, #tpu.memory_space<vmem_shared>> -> memref<10240x64xf32, #tpu.memory_space<vmem_shared>>
        tpu.enqueue_indirect_dma source(%arg10 : memref<80x64xf32, #tpu.memory_space<vmem>>) target(%dma_start3A_105 : memref<10240x64xf32, #tpu.memory_space<vmem_shared>>) offsets(%dma_start3A_102 : memref<80xi32, #tpu.memory_space<vmem>>) semaphore(%arg20 : memref<!tpu.dma_semaphore, #tpu.memory_space<semaphore_mem>>) {add = true}
        %dma_wait3A_106 = arith.constant 0 : i32
        %dma_wait3A_107 = tpu.memref_slice %arg8[%add3A_93, %dma_wait3A_106] : memref<125x80xi32, #tpu.memory_space<vmem>> -> memref<1x80xi32, #tpu.memory_space<vmem>>
        %dma_wait3A_108 = tpu.memref_squeeze %dma_wait3A_107 : memref<1x80xi32, #tpu.memory_space<vmem>> -> memref<80xi32, #tpu.memory_space<vmem>>
        %dma_wait3A_109 = arith.constant 0 : i32
        %dma_wait3A_110 = arith.constant 0 : i32
        %dma_wait3A_111 = tpu.memref_slice %arg14[%dma_wait3A_109, %dma_wait3A_110] : memref<10240x64xf32, #tpu.memory_space<vmem_shared>> -> memref<10240x64xf32, #tpu.memory_space<vmem_shared>>
        tpu.wait_indirect_dma semaphore(%arg20 : memref<!tpu.dma_semaphore, #tpu.memory_space<semaphore_mem>>) src(%arg10 : memref<80x64xf32, #tpu.memory_space<vmem>>) dst(%dma_wait3A_111 : memref<10240x64xf32, #tpu.memory_space<vmem_shared>>)
        %add3A_112 = arith.constant 4 : i32
        %add3A_113 = arith.addi %add3A_93, %add3A_112 : i32
        %lt3A_114 = arith.constant 125 : i32
        %lt3A_115 = arith.cmpi slt, %add3A_113, %lt3A_114 : i32
        %convert_element_type3A_116 = arith.extui %lt3A_115 : i1 to i32
        %cond3A_117 = arith.constant 0 : i32
        %cond3A_118 = arith.cmpi ne, %convert_element_type3A_116, %cond3A_117 : i32
        scf.if %cond3A_118 {
          %add3A_177 = arith.constant 4 : i32
          %add3A_178 = arith.addi %add3A_93, %add3A_177 : i32
          %dma_start3A_179 = arith.constant 0 : i32
          %dma_start3A_180 = tpu.memref_slice %arg7[%add3A_178, %dma_start3A_179] : memref<125x80xi32, #tpu.memory_space<vmem>> -> memref<1x80xi32, #tpu.memory_space<vmem>>
          %dma_start3A_181 = tpu.memref_squeeze %dma_start3A_180 : memref<1x80xi32, #tpu.memory_space<vmem>> -> memref<80xi32, #tpu.memory_space<vmem>>
          %dma_start3A_182 = arith.constant 0 : i32
          %dma_start3A_183 = arith.constant 0 : i32
          %dma_start3A_184 = tpu.memref_slice %arg3[%dma_start3A_182, %dma_start3A_183] : memref<10000x64xf32, #tpu.memory_space<hbm>> -> memref<10000x64xf32, #tpu.memory_space<hbm>>
          tpu.enqueue_indirect_dma source(%dma_start3A_184 : memref<10000x64xf32, #tpu.memory_space<hbm>>) target(%arg10 : memref<80x64xf32, #tpu.memory_space<vmem>>) offsets(%dma_start3A_181 : memref<80xi32, #tpu.memory_space<vmem>>) semaphore(%arg16 : memref<!tpu.dma_semaphore, #tpu.memory_space<semaphore_mem>>)
        } else {
        }
        %mul3A_119 = arith.constant 4 : i32
        %mul3A_120 = arith.muli %mul3A_119, %scan3A_62 : i32
        %add3A_121 = arith.constant 2 : i32
        %add3A_122 = arith.addi %mul3A_120, %add3A_121 : i32
        %dma_wait3A_123 = arith.constant 0 : i32
        %dma_wait3A_124 = tpu.memref_slice %arg7[%add3A_122, %dma_wait3A_123] : memref<125x80xi32, #tpu.memory_space<vmem>> -> memref<1x80xi32, #tpu.memory_space<vmem>>
        %dma_wait3A_125 = tpu.memref_squeeze %dma_wait3A_124 : memref<1x80xi32, #tpu.memory_space<vmem>> -> memref<80xi32, #tpu.memory_space<vmem>>
        %dma_wait3A_126 = arith.constant 0 : i32
        %dma_wait3A_127 = arith.constant 0 : i32
        %dma_wait3A_128 = tpu.memref_slice %arg3[%dma_wait3A_126, %dma_wait3A_127] : memref<10000x64xf32, #tpu.memory_space<hbm>> -> memref<10000x64xf32, #tpu.memory_space<hbm>>
        tpu.wait_indirect_dma semaphore(%arg17 : memref<!tpu.dma_semaphore, #tpu.memory_space<semaphore_mem>>) src(%dma_wait3A_128 : memref<10000x64xf32, #tpu.memory_space<hbm>>) dst(%arg11 : memref<80x64xf32, #tpu.memory_space<vmem>>)
        %dma_start3A_129 = arith.constant 0 : i32
        %dma_start3A_130 = tpu.memref_slice %arg8[%add3A_122, %dma_start3A_129] : memref<125x80xi32, #tpu.memory_space<vmem>> -> memref<1x80xi32, #tpu.memory_space<vmem>>
        %dma_start3A_131 = tpu.memref_squeeze %dma_start3A_130 : memref<1x80xi32, #tpu.memory_space<vmem>> -> memref<80xi32, #tpu.memory_space<vmem>>
        %dma_start3A_132 = arith.constant 0 : i32
        %dma_start3A_133 = arith.constant 0 : i32
        %dma_start3A_134 = tpu.memref_slice %arg14[%dma_start3A_132, %dma_start3A_133] : memref<10240x64xf32, #tpu.memory_space<vmem_shared>> -> memref<10240x64xf32, #tpu.memory_space<vmem_shared>>
        tpu.enqueue_indirect_dma source(%arg11 : memref<80x64xf32, #tpu.memory_space<vmem>>) target(%dma_start3A_134 : memref<10240x64xf32, #tpu.memory_space<vmem_shared>>) offsets(%dma_start3A_131 : memref<80xi32, #tpu.memory_space<vmem>>) semaphore(%arg21 : memref<!tpu.dma_semaphore, #tpu.memory_space<semaphore_mem>>) {add = true}
        %dma_wait3A_135 = arith.constant 0 : i32
        %dma_wait3A_136 = tpu.memref_slice %arg8[%add3A_122, %dma_wait3A_135] : memref<125x80xi32, #tpu.memory_space<vmem>> -> memref<1x80xi32, #tpu.memory_space<vmem>>
        %dma_wait3A_137 = tpu.memref_squeeze %dma_wait3A_136 : memref<1x80xi32, #tpu.memory_space<vmem>> -> memref<80xi32, #tpu.memory_space<vmem>>
        %dma_wait3A_138 = arith.constant 0 : i32
        %dma_wait3A_139 = arith.constant 0 : i32
        %dma_wait3A_140 = tpu.memref_slice %arg14[%dma_wait3A_138, %dma_wait3A_139] : memref<10240x64xf32, #tpu.memory_space<vmem_shared>> -> memref<10240x64xf32, #tpu.memory_space<vmem_shared>>
        tpu.wait_indirect_dma semaphore(%arg21 : memref<!tpu.dma_semaphore, #tpu.memory_space<semaphore_mem>>) src(%arg11 : memref<80x64xf32, #tpu.memory_space<vmem>>) dst(%dma_wait3A_140 : memref<10240x64xf32, #tpu.memory_space<vmem_shared>>)
        %add3A_141 = arith.constant 4 : i32
        %add3A_142 = arith.addi %add3A_122, %add3A_141 : i32
        %lt3A_143 = arith.constant 125 : i32
        %lt3A_144 = arith.cmpi slt, %add3A_142, %lt3A_143 : i32
        %convert_element_type3A_145 = arith.extui %lt3A_144 : i1 to i32
        %cond3A_146 = arith.constant 0 : i32
        %cond3A_147 = arith.cmpi ne, %convert_element_type3A_145, %cond3A_146 : i32
        scf.if %cond3A_147 {
          %add3A_177 = arith.constant 4 : i32
          %add3A_178 = arith.addi %add3A_122, %add3A_177 : i32
          %dma_start3A_179 = arith.constant 0 : i32
          %dma_start3A_180 = tpu.memref_slice %arg7[%add3A_178, %dma_start3A_179] : memref<125x80xi32, #tpu.memory_space<vmem>> -> memref<1x80xi32, #tpu.memory_space<vmem>>
          %dma_start3A_181 = tpu.memref_squeeze %dma_start3A_180 : memref<1x80xi32, #tpu.memory_space<vmem>> -> memref<80xi32, #tpu.memory_space<vmem>>
          %dma_start3A_182 = arith.constant 0 : i32
          %dma_start3A_183 = arith.constant 0 : i32
          %dma_start3A_184 = tpu.memref_slice %arg3[%dma_start3A_182, %dma_start3A_183] : memref<10000x64xf32, #tpu.memory_space<hbm>> -> memref<10000x64xf32, #tpu.memory_space<hbm>>
          tpu.enqueue_indirect_dma source(%dma_start3A_184 : memref<10000x64xf32, #tpu.memory_space<hbm>>) target(%arg11 : memref<80x64xf32, #tpu.memory_space<vmem>>) offsets(%dma_start3A_181 : memref<80xi32, #tpu.memory_space<vmem>>) semaphore(%arg17 : memref<!tpu.dma_semaphore, #tpu.memory_space<semaphore_mem>>)
        } else {
        }
        %mul3A_148 = arith.constant 4 : i32
        %mul3A_149 = arith.muli %mul3A_148, %scan3A_62 : i32
        %add3A_150 = arith.constant 3 : i32
        %add3A_151 = arith.addi %mul3A_149, %add3A_150 : i32
        %dma_wait3A_152 = arith.constant 0 : i32
        %dma_wait3A_153 = tpu.memref_slice %arg7[%add3A_151, %dma_wait3A_152] : memref<125x80xi32, #tpu.memory_space<vmem>> -> memref<1x80xi32, #tpu.memory_space<vmem>>
        %dma_wait3A_154 = tpu.memref_squeeze %dma_wait3A_153 : memref<1x80xi32, #tpu.memory_space<vmem>> -> memref<80xi32, #tpu.memory_space<vmem>>
        %dma_wait3A_155 = arith.constant 0 : i32
        %dma_wait3A_156 = arith.constant 0 : i32
        %dma_wait3A_157 = tpu.memref_slice %arg3[%dma_wait3A_155, %dma_wait3A_156] : memref<10000x64xf32, #tpu.memory_space<hbm>> -> memref<10000x64xf32, #tpu.memory_space<hbm>>
        tpu.wait_indirect_dma semaphore(%arg18 : memref<!tpu.dma_semaphore, #tpu.memory_space<semaphore_mem>>) src(%dma_wait3A_157 : memref<10000x64xf32, #tpu.memory_space<hbm>>) dst(%arg12 : memref<80x64xf32, #tpu.memory_space<vmem>>)
        %dma_start3A_158 = arith.constant 0 : i32
        %dma_start3A_159 = tpu.memref_slice %arg8[%add3A_151, %dma_start3A_158] : memref<125x80xi32, #tpu.memory_space<vmem>> -> memref<1x80xi32, #tpu.memory_space<vmem>>
        %dma_start3A_160 = tpu.memref_squeeze %dma_start3A_159 : memref<1x80xi32, #tpu.memory_space<vmem>> -> memref<80xi32, #tpu.memory_space<vmem>>
        %dma_start3A_161 = arith.constant 0 : i32
        %dma_start3A_162 = arith.constant 0 : i32
        %dma_start3A_163 = tpu.memref_slice %arg14[%dma_start3A_161, %dma_start3A_162] : memref<10240x64xf32, #tpu.memory_space<vmem_shared>> -> memref<10240x64xf32, #tpu.memory_space<vmem_shared>>
        tpu.enqueue_indirect_dma source(%arg12 : memref<80x64xf32, #tpu.memory_space<vmem>>) target(%dma_start3A_163 : memref<10240x64xf32, #tpu.memory_space<vmem_shared>>) offsets(%dma_start3A_160 : memref<80xi32, #tpu.memory_space<vmem>>) semaphore(%arg22 : memref<!tpu.dma_semaphore, #tpu.memory_space<semaphore_mem>>) {add = true}
        %dma_wait3A_164 = arith.constant 0 : i32
        %dma_wait3A_165 = tpu.memref_slice %arg8[%add3A_151, %dma_wait3A_164] : memref<125x80xi32, #tpu.memory_space<vmem>> -> memref<1x80xi32, #tpu.memory_space<vmem>>
        %dma_wait3A_166 = tpu.memref_squeeze %dma_wait3A_165 : memref<1x80xi32, #tpu.memory_space<vmem>> -> memref<80xi32, #tpu.memory_space<vmem>>
        %dma_wait3A_167 = arith.constant 0 : i32
        %dma_wait3A_168 = arith.constant 0 : i32
        %dma_wait3A_169 = tpu.memref_slice %arg14[%dma_wait3A_167, %dma_wait3A_168] : memref<10240x64xf32, #tpu.memory_space<vmem_shared>> -> memref<10240x64xf32, #tpu.memory_space<vmem_shared>>
        tpu.wait_indirect_dma semaphore(%arg22 : memref<!tpu.dma_semaphore, #tpu.memory_space<semaphore_mem>>) src(%arg12 : memref<80x64xf32, #tpu.memory_space<vmem>>) dst(%dma_wait3A_169 : memref<10240x64xf32, #tpu.memory_space<vmem_shared>>)
        %add3A_170 = arith.constant 4 : i32
        %add3A_171 = arith.addi %add3A_151, %add3A_170 : i32
        %lt3A_172 = arith.constant 125 : i32
        %lt3A_173 = arith.cmpi slt, %add3A_171, %lt3A_172 : i32
        %convert_element_type3A_174 = arith.extui %lt3A_173 : i1 to i32
        %cond3A_175 = arith.constant 0 : i32
        %cond3A_176 = arith.cmpi ne, %convert_element_type3A_174, %cond3A_175 : i32
        scf.if %cond3A_176 {
          %add3A_177 = arith.constant 4 : i32
          %add3A_178 = arith.addi %add3A_151, %add3A_177 : i32
          %dma_start3A_179 = arith.constant 0 : i32
          %dma_start3A_180 = tpu.memref_slice %arg7[%add3A_178, %dma_start3A_179] : memref<125x80xi32, #tpu.memory_space<vmem>> -> memref<1x80xi32, #tpu.memory_space<vmem>>
          %dma_start3A_181 = tpu.memref_squeeze %dma_start3A_180 : memref<1x80xi32, #tpu.memory_space<vmem>> -> memref<80xi32, #tpu.memory_space<vmem>>
          %dma_start3A_182 = arith.constant 0 : i32
          %dma_start3A_183 = arith.constant 0 : i32
          %dma_start3A_184 = tpu.memref_slice %arg3[%dma_start3A_182, %dma_start3A_183] : memref<10000x64xf32, #tpu.memory_space<hbm>> -> memref<10000x64xf32, #tpu.memory_space<hbm>>
          tpu.enqueue_indirect_dma source(%dma_start3A_184 : memref<10000x64xf32, #tpu.memory_space<hbm>>) target(%arg12 : memref<80x64xf32, #tpu.memory_space<vmem>>) offsets(%dma_start3A_181 : memref<80xi32, #tpu.memory_space<vmem>>) semaphore(%arg18 : memref<!tpu.dma_semaphore, #tpu.memory_space<semaphore_mem>>)
        } else {
        }
      }
      %scan3A_55 = arith.constant 31 : i32
      %dma_wait3A = arith.constant 124 : i32
      %dma_wait3A_56 = arith.constant 0 : i32
      %dma_wait3A_57 = tpu.memref_slice %arg7[%dma_wait3A, %dma_wait3A_56] : memref<125x80xi32, #tpu.memory_space<vmem>> -> memref<1x80xi32, #tpu.memory_space<vmem>>
      %dma_wait3A_58 = tpu.memref_squeeze %dma_wait3A_57 : memref<1x80xi32, #tpu.memory_space<vmem>> -> memref<80xi32, #tpu.memory_space<vmem>>
      %dma_wait3A_59 = arith.constant 0 : i32
      %dma_wait3A_60 = arith.constant 0 : i32
      %dma_wait3A_61 = tpu.memref_slice %arg3[%dma_wait3A_59, %dma_wait3A_60] : memref<10000x64xf32, #tpu.memory_space<hbm>> -> memref<10000x64xf32, #tpu.memory_space<hbm>>
      tpu.wait_indirect_dma semaphore(%arg15 : memref<!tpu.dma_semaphore, #tpu.memory_space<semaphore_mem>>) src(%dma_wait3A_61 : memref<10000x64xf32, #tpu.memory_space<hbm>>) dst(%arg9 : memref<80x64xf32, #tpu.memory_space<vmem>>)
      %run_scoped3A = arith.constant 124 : i32
      "tpu.region"() ({
        %run_scoped3A_62 = tpu.sem_alloc : memref<!tpu.dma_semaphore, #tpu.memory_space<semaphore_mem>>
        %dma_start3A_63 = arith.constant 0 : i32
        %dma_start3A_64 = tpu.memref_slice %arg8[%run_scoped3A, %dma_start3A_63] : memref<125x80xi32, #tpu.memory_space<vmem>> -> memref<1x80xi32, #tpu.memory_space<vmem>>
        %dma_start3A_65 = tpu.memref_squeeze %dma_start3A_64 : memref<1x80xi32, #tpu.memory_space<vmem>> -> memref<80xi32, #tpu.memory_space<vmem>>
        %dma_start3A_66 = arith.constant 0 : i32
        %dma_start3A_67 = arith.constant 0 : i32
        %dma_start3A_68 = tpu.memref_slice %arg14[%dma_start3A_66, %dma_start3A_67] : memref<10240x64xf32, #tpu.memory_space<vmem_shared>> -> memref<10240x64xf32, #tpu.memory_space<vmem_shared>>
        tpu.enqueue_indirect_dma source(%arg9 : memref<80x64xf32, #tpu.memory_space<vmem>>) target(%dma_start3A_68 : memref<10240x64xf32, #tpu.memory_space<vmem_shared>>) offsets(%dma_start3A_65 : memref<80xi32, #tpu.memory_space<vmem>>) semaphore(%run_scoped3A_62 : memref<!tpu.dma_semaphore, #tpu.memory_space<semaphore_mem>>) {add = true}
        %dma_wait3A_69 = arith.constant 0 : i32
        %dma_wait3A_70 = tpu.memref_slice %arg8[%run_scoped3A, %dma_wait3A_69] : memref<125x80xi32, #tpu.memory_space<vmem>> -> memref<1x80xi32, #tpu.memory_space<vmem>>
        %dma_wait3A_71 = tpu.memref_squeeze %dma_wait3A_70 : memref<1x80xi32, #tpu.memory_space<vmem>> -> memref<80xi32, #tpu.memory_space<vmem>>
        %dma_wait3A_72 = arith.constant 0 : i32
        %dma_wait3A_73 = arith.constant 0 : i32
        %dma_wait3A_74 = tpu.memref_slice %arg14[%dma_wait3A_72, %dma_wait3A_73] : memref<10240x64xf32, #tpu.memory_space<vmem_shared>> -> memref<10240x64xf32, #tpu.memory_space<vmem_shared>>
        tpu.wait_indirect_dma semaphore(%run_scoped3A_62 : memref<!tpu.dma_semaphore, #tpu.memory_space<semaphore_mem>>) src(%arg9 : memref<80x64xf32, #tpu.memory_space<vmem>>) dst(%dma_wait3A_74 : memref<10240x64xf32, #tpu.memory_space<vmem_shared>>)
        tpu.yield
      }) : () -> ()
    } else {
    }
    %barrier3A_19 = arith.constant 0 : index
    tpu.barrier barrier_id(%barrier3A_19)
    %mul3A = arith.constant 640 : i32
    %mul3A_20 = arith.muli %arg1, %mul3A : i32
    %mul3A_21 = arith.constant 640 : i32
    %mul3A_22 = arith.muli %arg1, %mul3A_21 : i32
    "tpu.region"() ({
      %run_scoped3A = tpu.sem_alloc : memref<!tpu.dma_semaphore, #tpu.memory_space<semaphore_mem>>
      %dma_start3A = arith.constant 0 : i32
      %dma_start3A_23 = tpu.memref_slice %arg6[%arg0, %mul3A_22, %dma_start3A] : memref<2x10240x64xf32, #tpu.memory_space<hbm>> -> memref<1x640x64xf32, #tpu.memory_space<hbm>>
      %dma_start3A_24 = tpu.memref_squeeze %dma_start3A_23 : memref<1x640x64xf32, #tpu.memory_space<hbm>> -> memref<640x64xf32, #tpu.memory_space<hbm>>
      %dma_start3A_25 = arith.constant 0 : i32
      %dma_start3A_26 = tpu.memref_slice %arg14[%mul3A_20, %dma_start3A_25] : memref<10240x64xf32, #tpu.memory_space<vmem_shared>> -> memref<640x64xf32, #tpu.memory_space<vmem_shared>>
      tpu.enqueue_dma source(%dma_start3A_26 : memref<640x64xf32, #tpu.memory_space<vmem_shared>>) target(%dma_start3A_24 : memref<640x64xf32, #tpu.memory_space<hbm>>) target_semaphore(%run_scoped3A : memref<!tpu.dma_semaphore, #tpu.memory_space<semaphore_mem>>)
      %dma_wait3A = arith.constant 0 : i32
      %dma_wait3A_27 = tpu.memref_slice %arg6[%arg0, %mul3A_22, %dma_wait3A] : memref<2x10240x64xf32, #tpu.memory_space<hbm>> -> memref<1x640x64xf32, #tpu.memory_space<hbm>>
      %dma_wait3A_28 = tpu.memref_squeeze %dma_wait3A_27 : memref<1x640x64xf32, #tpu.memory_space<hbm>> -> memref<640x64xf32, #tpu.memory_space<hbm>>
      %dma_wait3A_29 = arith.constant 0 : i32
      %dma_wait3A_30 = tpu.memref_slice %arg14[%mul3A_20, %dma_wait3A_29] : memref<10240x64xf32, #tpu.memory_space<vmem_shared>> -> memref<640x64xf32, #tpu.memory_space<vmem_shared>>
      tpu.wait_dma2 semaphore(%run_scoped3A : memref<!tpu.dma_semaphore, #tpu.memory_space<semaphore_mem>>) src(%dma_wait3A_30 : memref<640x64xf32, #tpu.memory_space<vmem_shared>>) dst(%dma_wait3A_28 : memref<640x64xf32, #tpu.memory_space<hbm>>)
      tpu.yield
    }) : () -> ()
    return
  }
}

module attributes {stable_mosaic.version = 14 : i64} {
  func.func @body(%arg0: memref<32x10016xf32, #tpu.memory_space<vmem>>, %arg1: memref<1x10016xf32, #tpu.memory_space<vmem>>) attributes {dimension_semantics = [], scalar_prefetch = 0 : i64, scratch_operands = 0 : i64, tpu.core_type = #tpu.core_type<tc>} {
    %get3A = arith.constant 0 : index
    %get3A_0 = arith.constant 0 : index
    %get3A_1 = vector.load %arg0[%get3A, %get3A_0] : memref<32x10016xf32, #tpu.memory_space<vmem>>, vector<32x10016xf32>
    %reduce_sum3A = arith.constant dense<0.000000e+00> : vector<10016xf32>
    %reduce_sum3A_2 = vector.multi_reduction <add>, %get3A_1, %reduce_sum3A [0] : vector<32x10016xf32> to vector<10016xf32>
    %broadcast_in_dim3A = vector.shape_cast %reduce_sum3A_2 : vector<10016xf32> to vector<1x10016xf32>
    %add3A = arith.constant 1.000000e+00 : f32
    %add3A_3 = vector.broadcast %add3A : f32 to vector<1x10016xf32>
    %add3A_4 = arith.addf %broadcast_in_dim3A, %add3A_3 : vector<1x10016xf32>
    %rsqrt3A = math.rsqrt %add3A_4 : vector<1x10016xf32>
    %swap3A = arith.constant 0 : index
    %swap3A_5 = arith.constant 0 : index
    %swap3A_6 = vector.load %arg1[%swap3A, %swap3A_5] : memref<1x10016xf32, #tpu.memory_space<vmem>>, vector<1x10016xf32>
    tpu.vector_store %arg1[%swap3A, %swap3A_5], %rsqrt3A {strides = array<i32>} : memref<1x10016xf32, #tpu.memory_space<vmem>>, vector<1x10016xf32>,
    return
  }
}

module attributes {stable_mosaic.version = 14 : i64} {
  func.func @body(%arg0: i32, %arg1: memref<2000x256xf32, #tpu.memory_space<vmem>>, %arg2: memref<256x128xf32, #tpu.memory_space<vmem>>, %arg3: memref<2000x1xf32, #tpu.memory_space<vmem>>, %arg4: memref<2000x64xf32, #tpu.memory_space<vmem>>, %arg5: memref<2000x64xf32, #tpu.memory_space<vmem>>) attributes {dimension_semantics = [#tpu.dimension_semantics<arbitrary>], iteration_bounds = array<i64: 5>, scalar_prefetch = 0 : i64, scratch_operands = 0 : i64, tpu.core_type = #tpu.core_type<tc>, window_params = [{transform_indices = @transform_0, window_bounds = array<i64: 2000, 256>}, {pipeline_mode = #tpu.pipeline_mode<synchronous>, transform_indices = @transform_1, window_bounds = array<i64: 256, 128>}, {transform_indices = @transform_2, window_bounds = array<i64: 2000, 1>}, {transform_indices = @transform_3, window_bounds = array<i64: 2000, 64>}, {transform_indices = @transform_4, window_bounds = array<i64: 2000, 64>}]} {
    %get3A = arith.constant 0 : index
    %get3A_0 = arith.constant 0 : index
    %get3A_1 = vector.load %arg3[%get3A, %get3A_0] : memref<2000x1xf32, #tpu.memory_space<vmem>>, vector<2000x1xf32>
    %get3A_2 = arith.constant 0 : index
    %get3A_3 = arith.constant 0 : index
    %get3A_4 = vector.load %arg1[%get3A_2, %get3A_3] : memref<2000x256xf32, #tpu.memory_space<vmem>>, vector<2000x256xf32>
    %get3A_5 = arith.constant 0 : index
    %get3A_6 = arith.constant 0 : index
    %get3A_7 = vector.load %arg2[%get3A_5, %get3A_6] : memref<256x128xf32, #tpu.memory_space<vmem>>, vector<256x128xf32>
    %dot_general3A = arith.constant dense<0.000000e+00> : vector<2000x128xf32>
    %dot_general3A_8 = tpu.matmul %get3A_4, %get3A_7, %dot_general3A {dimension_numbers = #tpu.dot_dimension_numbers<[1], [0], [0], [1], [0, 0, 1, 1], [], []>, transpose_lhs_hint = false} : vector<2000x256xf32>, vector<256x128xf32>, vector<2000x128xf32> -> vector<2000x128xf32>
    %mul3A = vector.broadcast %get3A_1 : vector<2000x1xf32> to vector<2000x128xf32>
    %mul3A_9 = arith.mulf %mul3A, %dot_general3A_8 : vector<2000x128xf32>
    %slice3A = vector.extract_strided_slice %mul3A_9 {offsets = [0, 0], sizes = [2000, 64], strides = [1, 1]} : vector<2000x128xf32> to vector<2000x64xf32>
    %swap3A = arith.constant 0 : index
    %swap3A_10 = arith.constant 0 : index
    %swap3A_11 = vector.load %arg4[%swap3A, %swap3A_10] : memref<2000x64xf32, #tpu.memory_space<vmem>>, vector<2000x64xf32>
    tpu.vector_store %arg4[%swap3A, %swap3A_10], %slice3A {strides = array<i32>} : memref<2000x64xf32, #tpu.memory_space<vmem>>, vector<2000x64xf32>,
    %slice3A_12 = vector.extract_strided_slice %mul3A_9 {offsets = [0, 64], sizes = [2000, 64], strides = [1, 1]} : vector<2000x128xf32> to vector<2000x64xf32>
    %swap3A_13 = arith.constant 0 : index
    %swap3A_14 = arith.constant 0 : index
    %swap3A_15 = vector.load %arg5[%swap3A_13, %swap3A_14] : memref<2000x64xf32, #tpu.memory_space<vmem>>, vector<2000x64xf32>
    tpu.vector_store %arg5[%swap3A_13, %swap3A_14], %slice3A_12 {strides = array<i32>} : memref<2000x64xf32, #tpu.memory_space<vmem>>, vector<2000x64xf32>,
    return
  }
  func.func @transform_0(%arg0: i32) -> (i32, i32) {
    %c0_i32 = arith.constant 0 : i32
    %c0_i32_0 = arith.constant 0 : i32
    return %arg0, %c0_i32 : i32, i32
  }
  func.func @transform_1(%arg0: i32) -> (i32, i32) {
    %c0_i32 = arith.constant 0 : i32
    %c0_i32_0 = arith.constant 0 : i32
    %c0_i32_1 = arith.constant 0 : i32
    return %c0_i32, %c0_i32_0 : i32, i32
  }
  func.func @transform_2(%arg0: i32) -> (i32, i32) {
    %c0_i32 = arith.constant 0 : i32
    %c0_i32_0 = arith.constant 0 : i32
    return %arg0, %c0_i32 : i32, i32
  }
  func.func @transform_3(%arg0: i32) -> (i32, i32) {
    %c0_i32 = arith.constant 0 : i32
    %c0_i32_0 = arith.constant 0 : i32
    return %arg0, %c0_i32 : i32, i32
  }
  func.func @transform_4(%arg0: i32) -> (i32, i32) {
    %c0_i32 = arith.constant 0 : i32
    %c0_i32_0 = arith.constant 0 : i32
    return %arg0, %c0_i32 : i32, i32
  }
}

module attributes {stable_mosaic.version = 14 : i64} {
  func.func @body(%arg0: i32, %arg1: memref<2x2000x64xf32, #tpu.memory_space<vmem>>, %arg2: memref<2000x64xf32, #tpu.memory_space<vmem>>, %arg3: memref<2000x64xf32, #tpu.memory_space<vmem>>, %arg4: memref<2000x1xf32, #tpu.memory_space<vmem>>, %arg5: memref<1x128xf32, #tpu.memory_space<vmem>>, %arg6: memref<128x128xf32, #tpu.memory_space<vmem>>, %arg7: memref<2000x64xf32, #tpu.memory_space<vmem>>, %arg8: memref<2000x64xf32, #tpu.memory_space<vmem>>) attributes {dimension_semantics = [#tpu.dimension_semantics<arbitrary>], iteration_bounds = array<i64: 5>, scalar_prefetch = 0 : i64, scratch_operands = 0 : i64, tpu.core_type = #tpu.core_type<tc>, window_params = [{transform_indices = @transform_0, window_bounds = array<i64: 2, 2000, 64>}, {transform_indices = @transform_1, window_bounds = array<i64: 2000, 64>}, {transform_indices = @transform_2, window_bounds = array<i64: 2000, 64>}, {transform_indices = @transform_3, window_bounds = array<i64: 2000, 1>}, {pipeline_mode = #tpu.pipeline_mode<synchronous>, transform_indices = @transform_4, window_bounds = array<i64: 1, 128>}, {pipeline_mode = #tpu.pipeline_mode<synchronous>, transform_indices = @transform_5, window_bounds = array<i64: 128, 128>}, {transform_indices = @transform_6, window_bounds = array<i64: 2000, 64>}, {transform_indices = @transform_7, window_bounds = array<i64: 2000, 64>}]} {
    %get3A = arith.constant 0 : index
    %get3A_0 = arith.constant 0 : index
    %get3A_1 = arith.constant 0 : index
    %get3A_2 = vector.load %arg1[%get3A, %get3A_0, %get3A_1] : memref<2x2000x64xf32, #tpu.memory_space<vmem>>, vector<1x2000x64xf32>
    %get3A_3 = vector.shape_cast %get3A_2 : vector<1x2000x64xf32> to vector<2000x64xf32>
    %get3A_4 = arith.constant 0 : index
    %get3A_5 = arith.constant 0 : index
    %get3A_6 = vector.load %arg2[%get3A_4, %get3A_5] : memref<2000x64xf32, #tpu.memory_space<vmem>>, vector<2000x64xf32>
    %add3A = arith.addf %get3A_3, %get3A_6 : vector<2000x64xf32>
    %get3A_7 = arith.constant 1 : index
    %get3A_8 = arith.constant 0 : index
    %get3A_9 = arith.constant 0 : index
    %get3A_10 = vector.load %arg1[%get3A_7, %get3A_8, %get3A_9] : memref<2x2000x64xf32, #tpu.memory_space<vmem>>, vector<1x2000x64xf32>
    %get3A_11 = vector.shape_cast %get3A_10 : vector<1x2000x64xf32> to vector<2000x64xf32>
    %get3A_12 = arith.constant 0 : index
    %get3A_13 = arith.constant 0 : index
    %get3A_14 = vector.load %arg3[%get3A_12, %get3A_13] : memref<2000x64xf32, #tpu.memory_space<vmem>>, vector<2000x64xf32>
    %add3A_15 = arith.addf %get3A_11, %get3A_14 : vector<2000x64xf32>
    %get3A_16 = arith.constant 0 : index
    %get3A_17 = arith.constant 0 : index
    %get3A_18 = vector.load %arg4[%get3A_16, %get3A_17] : memref<2000x1xf32, #tpu.memory_space<vmem>>, vector<2000x1xf32>
    %mul3A = vector.broadcast %get3A_18 : vector<2000x1xf32> to vector<2000x64xf32>
    %mul3A_19 = arith.mulf %mul3A, %add3A : vector<2000x64xf32>
    %get3A_20 = arith.constant 0 : index
    %get3A_21 = arith.constant 0 : index
    %get3A_22 = vector.load %arg5[%get3A_20, %get3A_21] : memref<1x128xf32, #tpu.memory_space<vmem>>, vector<1x64xf32>
    %add3A_23 = vector.broadcast %get3A_22 : vector<1x64xf32> to vector<2000x64xf32>
    %add3A_24 = arith.addf %mul3A_19, %add3A_23 : vector<2000x64xf32>
    %max3A = arith.constant 0.000000e+00 : f32
    %max3A_25 = vector.broadcast %max3A : f32 to vector<2000x64xf32>
    %max3A_26 = arith.maximumf %add3A_24, %max3A_25 : vector<2000x64xf32>
    %mul3A_27 = vector.broadcast %get3A_18 : vector<2000x1xf32> to vector<2000x64xf32>
    %mul3A_28 = arith.mulf %mul3A_27, %add3A_15 : vector<2000x64xf32>
    %get3A_29 = arith.constant 0 : index
    %get3A_30 = arith.constant 64 : index
    %get3A_31 = vector.load %arg5[%get3A_29, %get3A_30] : memref<1x128xf32, #tpu.memory_space<vmem>>, vector<1x64xf32>
    %add3A_32 = vector.broadcast %get3A_31 : vector<1x64xf32> to vector<2000x64xf32>
    %add3A_33 = arith.addf %mul3A_28, %add3A_32 : vector<2000x64xf32>
    %max3A_34 = arith.constant 0.000000e+00 : f32
    %max3A_35 = vector.broadcast %max3A_34 : f32 to vector<2000x64xf32>
    %max3A_36 = arith.maximumf %add3A_33, %max3A_35 : vector<2000x64xf32>
    %get3A_37 = arith.constant 0 : index
    %get3A_38 = arith.constant 0 : index
    %get3A_39 = vector.load %arg6[%get3A_37, %get3A_38] : memref<128x128xf32, #tpu.memory_space<vmem>>, vector<64x128xf32>
    %dot_general3A = arith.constant dense<0.000000e+00> : vector<2000x128xf32>
    %dot_general3A_40 = tpu.matmul %max3A_26, %get3A_39, %dot_general3A {dimension_numbers = #tpu.dot_dimension_numbers<[1], [0], [0], [1], [0, 0, 1, 1], [], []>, transpose_lhs_hint = false} : vector<2000x64xf32>, vector<64x128xf32>, vector<2000x128xf32> -> vector<2000x128xf32>
    %get3A_41 = arith.constant 64 : index
    %get3A_42 = arith.constant 0 : index
    %get3A_43 = vector.load %arg6[%get3A_41, %get3A_42] : memref<128x128xf32, #tpu.memory_space<vmem>>, vector<64x128xf32>
    %dot_general3A_44 = arith.constant dense<0.000000e+00> : vector<2000x128xf32>
    %dot_general3A_45 = tpu.matmul %max3A_36, %get3A_43, %dot_general3A_44 {dimension_numbers = #tpu.dot_dimension_numbers<[1], [0], [0], [1], [0, 0, 1, 1], [], []>, transpose_lhs_hint = false} : vector<2000x64xf32>, vector<64x128xf32>, vector<2000x128xf32> -> vector<2000x128xf32>
    %add3A_46 = arith.addf %dot_general3A_40, %dot_general3A_45 : vector<2000x128xf32>
    %mul3A_47 = vector.broadcast %get3A_18 : vector<2000x1xf32> to vector<2000x128xf32>
    %mul3A_48 = arith.mulf %mul3A_47, %add3A_46 : vector<2000x128xf32>
    %slice3A = vector.extract_strided_slice %mul3A_48 {offsets = [0, 0], sizes = [2000, 64], strides = [1, 1]} : vector<2000x128xf32> to vector<2000x64xf32>
    %swap3A = arith.constant 0 : index
    %swap3A_49 = arith.constant 0 : index
    %swap3A_50 = vector.load %arg7[%swap3A, %swap3A_49] : memref<2000x64xf32, #tpu.memory_space<vmem>>, vector<2000x64xf32>
    tpu.vector_store %arg7[%swap3A, %swap3A_49], %slice3A {strides = array<i32>} : memref<2000x64xf32, #tpu.memory_space<vmem>>, vector<2000x64xf32>,
    %slice3A_51 = vector.extract_strided_slice %mul3A_48 {offsets = [0, 64], sizes = [2000, 64], strides = [1, 1]} : vector<2000x128xf32> to vector<2000x64xf32>
    %swap3A_52 = arith.constant 0 : index
    %swap3A_53 = arith.constant 0 : index
    %swap3A_54 = vector.load %arg8[%swap3A_52, %swap3A_53] : memref<2000x64xf32, #tpu.memory_space<vmem>>, vector<2000x64xf32>
    tpu.vector_store %arg8[%swap3A_52, %swap3A_53], %slice3A_51 {strides = array<i32>} : memref<2000x64xf32, #tpu.memory_space<vmem>>, vector<2000x64xf32>,
    return
  }
  func.func @transform_0(%arg0: i32) -> (i32, i32, i32) {
    %c0_i32 = arith.constant 0 : i32
    %c0_i32_0 = arith.constant 0 : i32
    %c0_i32_1 = arith.constant 0 : i32
    return %c0_i32, %arg0, %c0_i32_0 : i32, i32, i32
  }
  func.func @transform_1(%arg0: i32) -> (i32, i32) {
    %c0_i32 = arith.constant 0 : i32
    %c0_i32_0 = arith.constant 0 : i32
    return %arg0, %c0_i32 : i32, i32
  }
  func.func @transform_2(%arg0: i32) -> (i32, i32) {
    %c0_i32 = arith.constant 0 : i32
    %c0_i32_0 = arith.constant 0 : i32
    return %arg0, %c0_i32 : i32, i32
  }
  func.func @transform_3(%arg0: i32) -> (i32, i32) {
    %c0_i32 = arith.constant 0 : i32
    %c0_i32_0 = arith.constant 0 : i32
    return %arg0, %c0_i32 : i32, i32
  }
  func.func @transform_4(%arg0: i32) -> (i32, i32) {
    %c0_i32 = arith.constant 0 : i32
    %c0_i32_0 = arith.constant 0 : i32
    %c0_i32_1 = arith.constant 0 : i32
    return %c0_i32, %c0_i32_0 : i32, i32
  }
  func.func @transform_5(%arg0: i32) -> (i32, i32) {
    %c0_i32 = arith.constant 0 : i32
    %c0_i32_0 = arith.constant 0 : i32
    %c0_i32_1 = arith.constant 0 : i32
    return %c0_i32, %c0_i32_0 : i32, i32
  }
  func.func @transform_6(%arg0: i32) -> (i32, i32) {
    %c0_i32 = arith.constant 0 : i32
    %c0_i32_0 = arith.constant 0 : i32
    return %arg0, %c0_i32 : i32, i32
  }
  func.func @transform_7(%arg0: i32) -> (i32, i32) {
    %c0_i32 = arith.constant 0 : i32
    %c0_i32_0 = arith.constant 0 : i32
    return %arg0, %c0_i32 : i32, i32
  }
}

module attributes {stable_mosaic.version = 14 : i64} {
  func.func @body(%arg0: i32, %arg1: memref<2x2000x64xf32, #tpu.memory_space<vmem>>, %arg2: memref<2000x64xf32, #tpu.memory_space<vmem>>, %arg3: memref<2000x64xf32, #tpu.memory_space<vmem>>, %arg4: memref<2000x1xf32, #tpu.memory_space<vmem>>, %arg5: memref<1x128xf32, #tpu.memory_space<vmem>>, %arg6: memref<2000x128xf32, #tpu.memory_space<vmem>>) attributes {dimension_semantics = [#tpu.dimension_semantics<arbitrary>], iteration_bounds = array<i64: 5>, scalar_prefetch = 0 : i64, scratch_operands = 0 : i64, tpu.core_type = #tpu.core_type<tc>, window_params = [{transform_indices = @transform_0, window_bounds = array<i64: 2, 2000, 64>}, {transform_indices = @transform_1, window_bounds = array<i64: 2000, 64>}, {transform_indices = @transform_2, window_bounds = array<i64: 2000, 64>}, {transform_indices = @transform_3, window_bounds = array<i64: 2000, 1>}, {pipeline_mode = #tpu.pipeline_mode<synchronous>, transform_indices = @transform_4, window_bounds = array<i64: 1, 128>}, {transform_indices = @transform_5, window_bounds = array<i64: 2000, 128>}]} {
    %get3A = arith.constant 0 : index
    %get3A_0 = arith.constant 0 : index
    %get3A_1 = vector.load %arg4[%get3A, %get3A_0] : memref<2000x1xf32, #tpu.memory_space<vmem>>, vector<2000x1xf32>
    %get3A_2 = arith.constant 0 : index
    %get3A_3 = arith.constant 0 : index
    %get3A_4 = arith.constant 0 : index
    %get3A_5 = vector.load %arg1[%get3A_2, %get3A_3, %get3A_4] : memref<2x2000x64xf32, #tpu.memory_space<vmem>>, vector<1x2000x64xf32>
    %get3A_6 = vector.shape_cast %get3A_5 : vector<1x2000x64xf32> to vector<2000x64xf32>
    %get3A_7 = arith.constant 0 : index
    %get3A_8 = arith.constant 0 : index
    %get3A_9 = vector.load %arg2[%get3A_7, %get3A_8] : memref<2000x64xf32, #tpu.memory_space<vmem>>, vector<2000x64xf32>
    %add3A = arith.addf %get3A_6, %get3A_9 : vector<2000x64xf32>
    %mul3A = vector.broadcast %get3A_1 : vector<2000x1xf32> to vector<2000x64xf32>
    %mul3A_10 = arith.mulf %mul3A, %add3A : vector<2000x64xf32>
    %get3A_11 = arith.constant 0 : index
    %get3A_12 = arith.constant 0 : index
    %get3A_13 = vector.load %arg5[%get3A_11, %get3A_12] : memref<1x128xf32, #tpu.memory_space<vmem>>, vector<1x64xf32>
    %add3A_14 = vector.broadcast %get3A_13 : vector<1x64xf32> to vector<2000x64xf32>
    %add3A_15 = arith.addf %mul3A_10, %add3A_14 : vector<2000x64xf32>
    %get3A_16 = arith.constant 1 : index
    %get3A_17 = arith.constant 0 : index
    %get3A_18 = arith.constant 0 : index
    %get3A_19 = vector.load %arg1[%get3A_16, %get3A_17, %get3A_18] : memref<2x2000x64xf32, #tpu.memory_space<vmem>>, vector<1x2000x64xf32>
    %get3A_20 = vector.shape_cast %get3A_19 : vector<1x2000x64xf32> to vector<2000x64xf32>
    %get3A_21 = arith.constant 0 : index
    %get3A_22 = arith.constant 0 : index
    %get3A_23 = vector.load %arg3[%get3A_21, %get3A_22] : memref<2000x64xf32, #tpu.memory_space<vmem>>, vector<2000x64xf32>
    %add3A_24 = arith.addf %get3A_20, %get3A_23 : vector<2000x64xf32>
    %mul3A_25 = vector.broadcast %get3A_1 : vector<2000x1xf32> to vector<2000x64xf32>
    %mul3A_26 = arith.mulf %mul3A_25, %add3A_24 : vector<2000x64xf32>
    %get3A_27 = arith.constant 0 : index
    %get3A_28 = arith.constant 64 : index
    %get3A_29 = vector.load %arg5[%get3A_27, %get3A_28] : memref<1x128xf32, #tpu.memory_space<vmem>>, vector<1x64xf32>
    %add3A_30 = vector.broadcast %get3A_29 : vector<1x64xf32> to vector<2000x64xf32>
    %add3A_31 = arith.addf %mul3A_26, %add3A_30 : vector<2000x64xf32>
    %concatenate3A = tpu.concatenate %add3A_15, %add3A_31 in 1 : vector<2000x64xf32>, vector<2000x64xf32> -> vector<2000x128xf32>
    %swap3A = arith.constant 0 : index
    %swap3A_32 = arith.constant 0 : index
    %swap3A_33 = vector.load %arg6[%swap3A, %swap3A_32] : memref<2000x128xf32, #tpu.memory_space<vmem>>, vector<2000x128xf32>
    tpu.vector_store %arg6[%swap3A, %swap3A_32], %concatenate3A {strides = array<i32>} : memref<2000x128xf32, #tpu.memory_space<vmem>>, vector<2000x128xf32>,
    return
  }
  func.func @transform_0(%arg0: i32) -> (i32, i32, i32) {
    %c0_i32 = arith.constant 0 : i32
    %c0_i32_0 = arith.constant 0 : i32
    %c0_i32_1 = arith.constant 0 : i32
    return %c0_i32, %arg0, %c0_i32_0 : i32, i32, i32
  }
  func.func @transform_1(%arg0: i32) -> (i32, i32) {
    %c0_i32 = arith.constant 0 : i32
    %c0_i32_0 = arith.constant 0 : i32
    return %arg0, %c0_i32 : i32, i32
  }
  func.func @transform_2(%arg0: i32) -> (i32, i32) {
    %c0_i32 = arith.constant 0 : i32
    %c0_i32_0 = arith.constant 0 : i32
    return %arg0, %c0_i32 : i32, i32
  }
  func.func @transform_3(%arg0: i32) -> (i32, i32) {
    %c0_i32 = arith.constant 0 : i32
    %c0_i32_0 = arith.constant 0 : i32
    return %arg0, %c0_i32 : i32, i32
  }
  func.func @transform_4(%arg0: i32) -> (i32, i32) {
    %c0_i32 = arith.constant 0 : i32
    %c0_i32_0 = arith.constant 0 : i32
    %c0_i32_1 = arith.constant 0 : i32
    return %c0_i32, %c0_i32_0 : i32, i32
  }
  func.func @transform_5(%arg0: i32) -> (i32, i32) {
    %c0_i32 = arith.constant 0 : i32
    %c0_i32_0 = arith.constant 0 : i32
    return %arg0, %c0_i32 : i32, i32
  }
}

</mosaic_0001>

<sc_bundles>
// kernel: kernel.10.cloned.1.call-start
scs
__scs_entry_jumppad:
0x0: {  	(pc) =	sbr.rel $0x88, $3  }
0x1: {  	(tag) =	ssettag $0x0;
	lr =	simm.s32 $0x1  }
0x2: {  	[smem:$0x3F9A] =	sst lr;
	_ =	strace $0xD0000000  }
0x3: {  	_ = 	snop  }
0x4: {  	_ = 	snop  }
0x5: {  	_ = 	snop  }
0x6: {  	_ = 	snop  }
0x7: {  	_ = 	snop  }
__scs_overlays_trampoline_lowered:
0x8: {  	[smem:$0x3FA9] =	sst s0  }
0x9: {  	[smem:$0x3FAA] =	sst s1  }
0xa: {  	[smem:$0x3FAB] =	sst s2  }
0xb: {  	[smem:$0x3FAC] =	sst s3  }
0xc: {  	[smem:$0x3FAD] =	sst s4  }
0xd: {  	[smem:$0x3FAE] =	sst s5  }
0xe: {  	[smem:$0x3FAF] =	sst s6  }
0xf: {  	[smem:$0x3FB0] =	sst s7  }
0x10: {  	[smem:$0x3FB1] =	sst s8  }
0x11: {  	[smem:$0x3FB2] =	sst s9;
	s0 =	simm.s32 @!p0 $0x0  }
0x12: {  	s1 =	sld [smem:$0x3F98];
	s0 =	simm.s32 @p0 $0x1  }
0x13: {  	[smem:$0x3FB3] =	sst s0;
	s0 =	simm.s32 @!p1 $0x0  }
0x14: {  	s2 =	sld [smem:$0x3F97];
	s0 =	simm.s32 @p1 $0x1  }
0x15: {  	[smem:$0x3FB4] =	sst s0;
	s0 =	simm.s32 @!p2 $0x0  }
0x16: {  	s3 =	sld [smem:$0x3FDB];
	s0 =	simm.s32 @p2 $0x1  }
0x17: {  	s4 =	simm.s32 $0x1BF5;
	[smem:$0x3FB6] =	sst s0  }
0x18: {  	s0 =	sld [smem:$0x3F99];
	_ =	swait.ge [sflag:s4], $0x0  }
0x19: {  	s7 =	sld [smem:$0x3F9A]  }
0x1a: {  	s8 =	sadd.s32 $0xFFFFE003, lr  }
0x1b: {  	s9 =	sadd.s32 $0xFFFFFEF7, lr;
	s5 =	simm.s32 $0xFFFFFFFF;
	p2 =	slt.u32 s8, $0xFFFFF086  }
0x1c: {  	p1 =	slt.u32 s9, $0xF7A;
	s5 =	simm.s32 @!p2 $0x0  }
0x1d: {  	s5 =	simm.s32 @p1 $0x1;
	p0 =	seq.s32 s7, s2  }
0x1e: {  	s7 =	smul.u32 @!p0 $0xF7A, s2;
	p2 =	seq.s32 @!p0 s5, $0x0  }
0x1f: {  	s9 =	smul.u32 $0xF7A, s1;
	s8 =	simm.s32 @!p0 $0x1BF5;
	p2 =	por !p2, p0  }
0x20: {  	[sflag:s8] =	ssyncset.s32 @!p0 $0xFFFFF086;
	s6 =	sadd.s32 @!p0 s3, s7;
	s7 =	simm.s32 @!p0 $0x108  }
0x21: {  	s3 =	sadd.s32 s3, s9;
	s6 =	sadd.s32 @!p0 $0x88, s6;
	s7 =	simm.s32 @p2 $0x1082  }
0x22: {  	[simem:s7], [sflag:s8] =	dma.local @!p0 [hbm:s6], $0xF7A  }
0x23: {  	s9 =	sor.u32 $0xD0000000, s2;
	s6 =	simm.s32 $0x108;
	_ =	swait.ge @!p0 [sflag:s8], $0x0  }
0x24: {  	s3 =	sadd.s32 $0x88, s3;
	s6 =	simm.s32 @!p1 $0x1082;
	[sflag:s4] =	ssyncset.s32 $0xFFFFF086  }
0x25: {  	[simem:s6], [sflag:s4] =	dma.local [hbm:s3], $0xF7A  }
0x26: {  	[smem:$0x3F9A] =	sst s1;
	(tag) =	ssettag s2;
	_ =	strace s9  }
0x27: {  	s1 =	sld [smem:$0x3FAA]  }
0x28: {  	s2 =	sld [smem:$0x3FAB]  }
0x29: {  	s4 =	sld [smem:$0x3FAD]  }
0x2a: {  	p0 =	seq.s32 s5, $0x0;
	s5 =	sld [smem:$0x3FAE]  }
0x2b: {  	s6 =	sld [smem:$0x3FAF]  }
0x2c: {  	s7 =	sld [smem:$0x3FB0]  }
0x2d: {  	s3 =	simm.s32 $0x108;
	s8 =	sld [smem:$0x3FB1]  }
0x2e: {  	s3 =	simm.s32 @!p0 $0x1082;
	s9 =	sld [smem:$0x3FB2]  }
0x2f: {  	lr =	sadd.s32 s0, s3;
	s0 =	sld [smem:$0x3FA9]  }
0x30: {  	s3 =	sld [smem:$0x3FAC]  }
0x31: {  	[smem:$0x3FB5] =	sst s10  }
0x32: {  	s10 =	sld [smem:$0x3FB3];
	_ =	sdelay $0x3  }
0x33: {  	p0 =	seq.s32 s10, $0x1;
	s10 =	sld [smem:$0x3FB5];
	_ =	sdelay $0x3  }
0x34: {  	[smem:$0x3FB5] =	sst s10  }
0x35: {  	s10 =	sld [smem:$0x3FB4];
	_ =	sdelay $0x3  }
0x36: {  	p1 =	seq.s32 s10, $0x1;
	s10 =	sld [smem:$0x3FB5];
	_ =	sdelay $0x3  }
0x37: {  	[smem:$0x3FB5] =	sst s10  }
0x38: {  	s10 =	sld [smem:$0x3FB6]  }
0x39: {  	_ = 	snop;
	(pc) =	sbr.ind lr, $3  }
0x3a: {  	_ = 	snop  }
0x3b: {  	_ = 	snop  }
0x3c: {  	p2 =	seq.s32 s10, $0x1;
	s10 =	sld [smem:$0x3FB5]  }
0x3d: {  	_ =	shalt  }
0x3e: {  	_ =	shalt  }
0x3f: {  	_ =	shalt  }
0x40: {  	_ =	shalt  }
0x41: {  	_ =	shalt  }
0x42: {  	_ =	shalt  }
0x43: {  	_ =	shalt  }
0x44: {  	_ =	shalt  }
0x45: {  	_ =	shalt  }
0x46: {  	_ =	shalt  }
0x47: {  	_ =	shalt  }
0x48: {  	_ =	shalt  }
0x49: {  	_ =	shalt  }
0x4a: {  	_ =	shalt  }
0x4b: {  	_ =	shalt  }
0x4c: {  	_ =	shalt  }
0x4d: {  	_ =	shalt  }
0x4e: {  	_ =	shalt  }
0x4f: {  	_ =	shalt  }
0x50: {  	_ =	shalt  }
0x51: {  	_ =	shalt  }
0x52: {  	_ =	shalt  }
0x53: {  	_ =	shalt  }
0x54: {  	_ =	shalt  }
0x55: {  	_ =	shalt  }
0x56: {  	_ =	shalt  }
0x57: {  	_ =	shalt  }
0x58: {  	_ =	shalt  }
0x59: {  	_ =	shalt  }
0x5a: {  	_ =	shalt  }
0x5b: {  	_ =	shalt  }
0x5c: {  	_ =	shalt  }
0x5d: {  	_ =	shalt  }
0x5e: {  	_ =	shalt  }
0x5f: {  	_ =	shalt  }
0x60: {  	_ =	shalt  }
0x61: {  	_ =	shalt  }
0x62: {  	_ =	shalt  }
0x63: {  	_ =	shalt  }
0x64: {  	_ =	shalt  }
0x65: {  	_ =	shalt  }
0x66: {  	_ =	shalt  }
0x67: {  	_ =	shalt  }
0x68: {  	_ =	shalt  }
0x69: {  	_ =	shalt  }
0x6a: {  	_ =	shalt  }
0x6b: {  	_ =	shalt  }
0x6c: {  	_ =	shalt  }
0x6d: {  	_ =	shalt  }
0x6e: {  	_ =	shalt  }
0x6f: {  	_ =	shalt  }
0x70: {  	_ =	shalt  }
0x71: {  	_ =	shalt  }
0x72: {  	_ =	shalt  }
0x73: {  	_ =	shalt  }
0x74: {  	_ =	shalt  }
0x75: {  	_ =	shalt  }
0x76: {  	_ =	shalt  }
0x77: {  	_ =	shalt  }
0x78: {  	_ =	shalt  }
0x79: {  	_ =	shalt  }
0x7a: {  	_ =	shalt  }
0x7b: {  	_ =	shalt  }
0x7c: {  	_ =	shalt  }
0x7d: {  	_ =	shalt  }
0x7e: {  	_ =	shalt  }
0x7f: {  	_ =	shalt  }
0x80: {  	_ =	shalt  }
0x81: {  	_ =	shalt  }
0x82: {  	_ =	shalt  }
0x83: {  	_ =	shalt  }
0x84: {  	_ =	shalt  }
0x85: {  	_ =	shalt  }
0x86: {  	_ =	shalt  }
0x87: {  	_ =	shalt  }
.Lfunc_end0:
.L_simem_size_0:
called_computation_lowered:
.L_overlay_start_0:
0x88: {  	s2 =	sld [smem:$0x3FD9]  }
0x89: {  	s3 =	sld [smem:$0x3FFE];
	_ =	sdelay $0x1  }
0x8a: {  	s1 =	srdreg.scid  }
0x8b: {  	s0 =	sand.u32 $0x1, s1  }
0x8c: {  	s16 =	sshll.u32 s0, $0xA;
	s2 =	sadd.s32 s3, s2  }
0x8d: {  	s2 =	sadd.s32 s2, s16  }
0x8e: {  	[smem:$0x3FC1] =	sst s2  }
0x8f: {  	_ = 	snop  }
0x90: {  	(tm) =	ssettm $0x1  }
0x91: {  	s17 =	sld [smem:$0x3FFB];
	_ =	sdelay $0x3  }
0x92: {  	_ =	strace s17  }
0x93: {  	s2 =	sld [smem:$0x3FFC];
	_ =	sdelay $0x3  }
0x94: {  	_ =	strace s2  }
0x95: {  	s2 =	sld [smem:$0x3FFD];
	_ =	sdelay $0x3  }
0x96: {  	_ =	strace s2  }
0x97: {  	_ =	strace $0x8FFFFFFF  }
0x98: {  	s18 =	sld [smem:$0x3FDB];
	_ =	sdelay $0x1  }
0x99: {  	s19 =	simm.s32 $_scs_section_size  }
0x9a: {  	s4 =	simm.s32 $_size__tile_overlayer_lowered;
	s5 =	simm.s32 $_tile_overlayer_lowered  }
0x9b: {  	s22 =	simm.s32 $0x1BFF;
	s21 =	sshll.u32 s5, $0x1;
	s2 =	sadd.s32 s19, s18  }
0x9c: {  	s6 =	simm.s32 $0x0;
	s20 =	sshll.u32 s4, $0x1;
	s4 =	sadd.s32 s21, s2  }
0x9d: {  	[timem:s6], [sflag:s22] =	dma.local [hbm:s4], s20  }
0x9e: {  	_ =	swait.ge [sflag:s22], s20  }
0x9f: {  	s3 =	ssub.s32 $0x0, s20;
	[sflag:s22] =	ssyncset.done $0x0  }
0xa0: {  	[sflag:s22] =	ssyncadd.s32 s3;
	_ =	sdelay $0x1  }
0xa1: {  	s23 =	simm.s32 $0x1B8B  }
0xa2: {  	_ =	swait.ge [sflag:s23], $0x1  }
0xa3: {  	[sflag:s23] =	ssyncset.done $0x0  }
0xa4: {  	s25 =	simm.s32 $0x1B8E;
	s24 =	sld [smem:$0x3FFE];
	[sflag:s23] =	ssyncadd.s32 $0xFFFFFFFF  }
0xa5: {  	s26 =	simm.s32 $execute0_lowered;
	[smem:$0x3FD2] =	sst s25  }
0xa6: {  	s4 =	sshll.u32 s26, $0x1;
	_ =	strace $0x80000046;
	[dreg:$0x1] =	wrdreg $0xFFFFFFFF  }
0xa7: {  	s28 =	simm.s32 $_size_execute0_lowered;
	s2 =	sadd.s32 s2, s4;
	[dreg:$0x0] =	wrdreg $0x0  }
0xa8: {  	s4 =	sshll.u32 s28, $0x1;
	[dreg:$0x2] =	wrdreg s2  }
0xa9: {  	[dreg:$0x3] =	wrdreg s4  }
0xaa: {  	[dreg:$0x4] =	wrdreg $0xC0  }
0xab: {  	_ =	task [dreg:s6], $0x5FFFF  }
0xac: {  	[dreg:$0x1] =	wrdreg $0xFFFFFFFF  }
0xad: {  	[dreg:$0x0] =	wrdreg $0x60  }
0xae: {  	[dreg:$0x2] =	wrdreg s24  }
0xaf: {  	[dreg:$0x3] =	wrdreg $0x9  }
0xb0: {  	_ =	task.clear_ibuf [dreg:s6], $0x4FFFF;
	_ =	strace $0x90000046  }
0xb1: {  	s29 =	simm.s32 $0x9;
	_ =	strace $0x80000048  }
0xb2: {  	_ =	swait.ge [sflag:s29], $0x1  }
0xb3: {  	[sflag:s29] =	ssyncadd.s32 $0xFFFFFFFF  }
0xb4: {  	_ =	strace $0x90000048  }
0xb5: {  	_ =	sfence  }
0xb6: {  	s30 =	sld [smem:$0x0];
	_ =	sdelay $0x2  }
0xb7: {  	s31 =	sshll.u32 s1, $0xD;
	s1 =	sshrl.u32 s1, $0x2  }
0xb8: {  	s3 =	sand.u32 $0x4000, s31;
	s1 =	sadd.s32 s1, s30  }
0xb9: {  	s0 =	sor.u32 s3, s0;
	s1 =	sshll.u32 s1, $0x11  }
0xba: {  	s0 =	sor.u32 s1, s0  }
0xbb: {  	s0 =	sadd.s32 $0x8F2B, s0  }
0xbc: {  	[sflag:s0] =	ssyncadd.remote.s32 $0x1  }
0xbd: {  	_ =	sfence.sel $0xFFFF  }
0xbe: {  	[dreg:$0x0] =	wrdreg $0xFFFFFFFF;
	(pc) =	sbr.abs _section_cstart, $3  }
0xbf: {  	[dreg:$0x1] =	wrdreg $0xFFFFFFFF  }
0xc0: {  	_ =	task.clear_ibuf [dreg:s6], $0x2FFFF;
	_ =	strace $0x9FFFFFFF  }
0xc1: {  	(tm) =	ssettm $0x7FFFFFFF  }
tec
execute0_lowered:
.L_overlay_start_1:
0x0: {  	(tag) =	ssettag $0x1  }
0x1: {  	s3 =	rddreg [dreg:$0x0]  }
0x2: {  	s0 =	rddreg [dreg:$0x1]  }
0x3: {  	s1 =	stileid.u32;
	s2 =	simm.s32 $0x0;
	s4 =	srdreg.scid  }
0x4: {  	s9 =	simm.s32 $0x1;
	s10 =	simm.s32 $0x0;
	s5 =	sshrl.u32 s1, $0x2  }
0x5: {  	s4 =	sand.u32 $0x1, s4;
	s6 =	sshll.u32 s1, $0x8;
	[smem:$0x7FF] =	sst s2  }
0x6: {  	s7 =	smul.u32 $0xA000, s5;
	s8 =	sshll.u32 s4, $0x7;
	s6 =	sand.u32 $0x300, s6  }
0x7: {  	s5 =	smul.u32 $0x13C00, s5;
	s4 =	ssub.s32 $0x2, s4;
	s6 =	sor.u32 s8, s6  }
0x8: {  	_ =	strace $0x80000047;
	s30 =	sshrl.u32 s4, $0x1;
	s7 =	sor.u32 s7, s6  }
0x9: {  	s8 =	simm.s32 $0x2780;
	s5 =	sor.u32 s5, s6;
	s29 =	sshrl.u32 s7, $0x3  }
0xa: {  	s31 =	ssub.s32 s4, s30;
	s5 =	sshrl.u32 s5, $0x3;
	s6 =	sadd.s32 s29, s3  }
0xb: {  	s7 =	simm.s32 $0x400;
	s5 =	sadd.s32 s5, s3;
	s3 =	sadd.s32 $0xC000, s6  }
0xc: {  	v0 =	vimm.f32 $0.0e+00;
	v1 =	vimm.f32 $1.000000000e+00;
	s4 =	sadd.s32 $0x11000, s5;
	s5 =	smax.u32 s31, $0x1;
	s6 =	simm.s32 $0x80  }
.LBB2_1:
0xd: {  	[tilespmem:s8], [sflag:$0x1] =	stream.strided.gather [hbm4b:s3+s6], $0x1400, s7, s6, $0x38;
	[tilespmem:$0x3B80] =	vst v63  }
0xe: {  	_ =	swait.ge [sflag:s9], $0x1400  }
0xf: {  	[sflag:s9] =	ssyncset.done $0x0  }
0x10: {  	s11 =	simm.s32 $0x0;
	[sflag:s9] =	ssyncadd.s32 $0xFFFFEC00  }
.LBB2_2:
0x11: {  	p0 =	sne.s32 s11, $0x9C40  }
.Ltmp0:
0x12: {  	_ = 	snop;
	(pc) =	sbr.rel @p0 .LBB2_2-.Ltmp0, $3  }
0x13: {  	_ =	sdelay $0x1  }
0x14: {  	s12 =	sshra.s32 s11, $0x2  }
0x15: {  	s11 =	sadd.s32 $0x40, s11;
	[tilespmem:s12+$0x0] =	vst v0  }
0x16: {  	s12 =	simm.s32 $0x0;
	s11 =	simm.s32 $0x40  }
.LBB2_4:
0x17: {  	p0 =	sne.s32 s11, $0x4E00;
	v2 =	vld [tilespmem:s12+$0x2780];
	_ =	sdelay $0x3  }
.Ltmp1:
0x18: {  	(pc) =	sbr.rel @p0 .LBB2_4-.Ltmp1, $2  }
0x19: {  	_ =	sdelay $0x2  }
0x1a: {  	s12 =	sshra.s32 s11, $0x2;
	s11 =	sadd.s32 $0x40, s11;
	[tilespmem:v2+s2+$0x0] =	vst.idx.add.f32.msk $0xffff, v1  }
0x1b: {  	v2 =	vld [tilespmem:s12+$0x2780];
	_ =	sdelay $0x5  }
0x1c: {  	s10 =	sadd.s32 $0x1, s10  }
0x1d: {  	p0 =	sne.s32 s10, s5  }
.Ltmp2:
0x1e: {  	[tilespmem:v2+s2+$0x0] =	vst.idx.add.f32.msk $0xffff, v1;
	(pc) =	sbr.rel @p0 .LBB2_1-.Ltmp2, $4  }
0x1f: {  	[hbm4b:s4+s6] =	stream.strided.scatter [tilespmem:s2], [sflag:$0x1], $0x2780, s7, s6, $0x38;
	[tilespmem:$0x3B80] =	vst v63  }
0x20: {  	_ =	swait.ge [sflag:s9], $0x2780  }
0x21: {  	[sflag:s9] =	ssyncset.done $0x0  }
0x22: {  	[sflag:s9] =	ssyncadd.s32 $0xFFFFD880  }
0x23: {  	_ =	sfence.sel $0x180000  }
0x24: {  	[bflag:$0x0] =	sbarrier.arrive $0xFFFF  }
0x25: {  	p0 =	sne.s32 s1, $0x0;
	_ =	strace $0x90000047  }
0x26: {  	s0 =	sadd.s32 @!p0 $0x100000, s0;
	[bflag:$0x2] =	sbarrier.arrive $0xFFFF  }
0x27: {  	[sflag:s0] =	ssyncadd.tile.s32 @!p0 $0x1;
	_ =	shalt  }
.Lfunc_end2:
_tile_overlayer_lowered:
.L_overlay_start_2:
0x28: {  	(tag) =	ssettag $0x2  }
0x29: {  	s0 =	rddreg [dreg:$0x0];
	s2 =	stileid.u32  }
0x2a: {  	s1 =	rddreg [dreg:$0x1];
	p0 =	sne.s32 s2, $0x0  }
0x2b: {  	s3 =	rddreg [dreg:$0x2];
	[bflag:$0x3] =	sbarrier.arrive $0xFFFF;
	s2 =	simm.s32 @!p0 $0x1C01  }
0x2c: {  	[timem:s3], [sflag:s2] =	dma.local @!p0 [hbm:s0], s1  }
0x2d: {  	s0 =	simm.s32 @!p0 $0x1  }
0x2e: {  	_ =	swait.ge @!p0 [sflag:s0], s1  }
0x2f: {  	s1 =	ssub.s32 @!p0 $0x0, s1;
	[sflag:s0] =	ssyncset.done @!p0 $0x0  }
0x30: {  	[sflag:s0] =	ssyncadd.s32 @!p0 s1  }
0x31: {  	[bflag:$0x3] =	sbarrier.arrive $0xFFFF  }
0x32: {  	_ =	shalt  }

// kernel: kernel.13.cloned.1.call-start
scs
__scs_entry_jumppad:
0x0: {  	(pc) =	sbr.rel $0x88, $3  }
0x1: {  	(tag) =	ssettag $0x0;
	lr =	simm.s32 $0x1  }
0x2: {  	[smem:$0x3F9A] =	sst lr;
	_ =	strace $0xD0000000  }
0x3: {  	_ = 	snop  }
0x4: {  	_ = 	snop  }
0x5: {  	_ = 	snop  }
0x6: {  	_ = 	snop  }
0x7: {  	_ = 	snop  }
__scs_overlays_trampoline_lowered:
0x8: {  	[smem:$0x3FA9] =	sst s0  }
0x9: {  	[smem:$0x3FAA] =	sst s1  }
0xa: {  	[smem:$0x3FAB] =	sst s2  }
0xb: {  	[smem:$0x3FAC] =	sst s3  }
0xc: {  	[smem:$0x3FAD] =	sst s4  }
0xd: {  	[smem:$0x3FAE] =	sst s5  }
0xe: {  	[smem:$0x3FAF] =	sst s6  }
0xf: {  	[smem:$0x3FB0] =	sst s7  }
0x10: {  	[smem:$0x3FB1] =	sst s8  }
0x11: {  	[smem:$0x3FB2] =	sst s9;
	s0 =	simm.s32 @!p0 $0x0  }
0x12: {  	s1 =	sld [smem:$0x3F98];
	s0 =	simm.s32 @p0 $0x1  }
0x13: {  	[smem:$0x3FB3] =	sst s0;
	s0 =	simm.s32 @!p1 $0x0  }
0x14: {  	s2 =	sld [smem:$0x3F97];
	s0 =	simm.s32 @p1 $0x1  }
0x15: {  	[smem:$0x3FB4] =	sst s0;
	s0 =	simm.s32 @!p2 $0x0  }
0x16: {  	s3 =	sld [smem:$0x3FDB];
	s0 =	simm.s32 @p2 $0x1  }
0x17: {  	s4 =	simm.s32 $0x1BF5;
	[smem:$0x3FB6] =	sst s0  }
0x18: {  	s0 =	sld [smem:$0x3F99];
	_ =	swait.ge [sflag:s4], $0x0  }
0x19: {  	s7 =	sld [smem:$0x3F9A]  }
0x1a: {  	s8 =	sadd.s32 $0xFFFFE003, lr  }
0x1b: {  	s9 =	sadd.s32 $0xFFFFFEF7, lr;
	s5 =	simm.s32 $0xFFFFFFFF;
	p2 =	slt.u32 s8, $0xFFFFF086  }
0x1c: {  	p1 =	slt.u32 s9, $0xF7A;
	s5 =	simm.s32 @!p2 $0x0  }
0x1d: {  	s5 =	simm.s32 @p1 $0x1;
	p0 =	seq.s32 s7, s2  }
0x1e: {  	s7 =	smul.u32 @!p0 $0xF7A, s2;
	p2 =	seq.s32 @!p0 s5, $0x0  }
0x1f: {  	s9 =	smul.u32 $0xF7A, s1;
	s8 =	simm.s32 @!p0 $0x1BF5;
	p2 =	por !p2, p0  }
0x20: {  	[sflag:s8] =	ssyncset.s32 @!p0 $0xFFFFF086;
	s6 =	sadd.s32 @!p0 s3, s7;
	s7 =	simm.s32 @!p0 $0x108  }
0x21: {  	s3 =	sadd.s32 s3, s9;
	s6 =	sadd.s32 @!p0 $0x88, s6;
	s7 =	simm.s32 @p2 $0x1082  }
0x22: {  	[simem:s7], [sflag:s8] =	dma.local @!p0 [hbm:s6], $0xF7A  }
0x23: {  	s9 =	sor.u32 $0xD0000000, s2;
	s6 =	simm.s32 $0x108;
	_ =	swait.ge @!p0 [sflag:s8], $0x0  }
0x24: {  	s3 =	sadd.s32 $0x88, s3;
	s6 =	simm.s32 @!p1 $0x1082;
	[sflag:s4] =	ssyncset.s32 $0xFFFFF086  }
0x25: {  	[simem:s6], [sflag:s4] =	dma.local [hbm:s3], $0xF7A  }
0x26: {  	[smem:$0x3F9A] =	sst s1;
	(tag) =	ssettag s2;
	_ =	strace s9  }
0x27: {  	s1 =	sld [smem:$0x3FAA]  }
0x28: {  	s2 =	sld [smem:$0x3FAB]  }
0x29: {  	s4 =	sld [smem:$0x3FAD]  }
0x2a: {  	p0 =	seq.s32 s5, $0x0;
	s5 =	sld [smem:$0x3FAE]  }
0x2b: {  	s6 =	sld [smem:$0x3FAF]  }
0x2c: {  	s7 =	sld [smem:$0x3FB0]  }
0x2d: {  	s3 =	simm.s32 $0x108;
	s8 =	sld [smem:$0x3FB1]  }
0x2e: {  	s3 =	simm.s32 @!p0 $0x1082;
	s9 =	sld [smem:$0x3FB2]  }
0x2f: {  	lr =	sadd.s32 s0, s3;
	s0 =	sld [smem:$0x3FA9]  }
0x30: {  	s3 =	sld [smem:$0x3FAC]  }
0x31: {  	[smem:$0x3FB5] =	sst s10  }
0x32: {  	s10 =	sld [smem:$0x3FB3];
	_ =	sdelay $0x3  }
0x33: {  	p0 =	seq.s32 s10, $0x1;
	s10 =	sld [smem:$0x3FB5];
	_ =	sdelay $0x3  }
0x34: {  	[smem:$0x3FB5] =	sst s10  }
0x35: {  	s10 =	sld [smem:$0x3FB4];
	_ =	sdelay $0x3  }
0x36: {  	p1 =	seq.s32 s10, $0x1;
	s10 =	sld [smem:$0x3FB5];
	_ =	sdelay $0x3  }
0x37: {  	[smem:$0x3FB5] =	sst s10  }
0x38: {  	s10 =	sld [smem:$0x3FB6]  }
0x39: {  	_ = 	snop;
	(pc) =	sbr.ind lr, $3  }
0x3a: {  	_ = 	snop  }
0x3b: {  	_ = 	snop  }
0x3c: {  	p2 =	seq.s32 s10, $0x1;
	s10 =	sld [smem:$0x3FB5]  }
0x3d: {  	_ =	shalt  }
0x3e: {  	_ =	shalt  }
0x3f: {  	_ =	shalt  }
0x40: {  	_ =	shalt  }
0x41: {  	_ =	shalt  }
0x42: {  	_ =	shalt  }
0x43: {  	_ =	shalt  }
0x44: {  	_ =	shalt  }
0x45: {  	_ =	shalt  }
0x46: {  	_ =	shalt  }
0x47: {  	_ =	shalt  }
0x48: {  	_ =	shalt  }
0x49: {  	_ =	shalt  }
0x4a: {  	_ =	shalt  }
0x4b: {  	_ =	shalt  }
0x4c: {  	_ =	shalt  }
0x4d: {  	_ =	shalt  }
0x4e: {  	_ =	shalt  }
0x4f: {  	_ =	shalt  }
0x50: {  	_ =	shalt  }
0x51: {  	_ =	shalt  }
0x52: {  	_ =	shalt  }
0x53: {  	_ =	shalt  }
0x54: {  	_ =	shalt  }
0x55: {  	_ =	shalt  }
0x56: {  	_ =	shalt  }
0x57: {  	_ =	shalt  }
0x58: {  	_ =	shalt  }
0x59: {  	_ =	shalt  }
0x5a: {  	_ =	shalt  }
0x5b: {  	_ =	shalt  }
0x5c: {  	_ =	shalt  }
0x5d: {  	_ =	shalt  }
0x5e: {  	_ =	shalt  }
0x5f: {  	_ =	shalt  }
0x60: {  	_ =	shalt  }
0x61: {  	_ =	shalt  }
0x62: {  	_ =	shalt  }
0x63: {  	_ =	shalt  }
0x64: {  	_ =	shalt  }
0x65: {  	_ =	shalt  }
0x66: {  	_ =	shalt  }
0x67: {  	_ =	shalt  }
0x68: {  	_ =	shalt  }
0x69: {  	_ =	shalt  }
0x6a: {  	_ =	shalt  }
0x6b: {  	_ =	shalt  }
0x6c: {  	_ =	shalt  }
0x6d: {  	_ =	shalt  }
0x6e: {  	_ =	shalt  }
0x6f: {  	_ =	shalt  }
0x70: {  	_ =	shalt  }
0x71: {  	_ =	shalt  }
0x72: {  	_ =	shalt  }
0x73: {  	_ =	shalt  }
0x74: {  	_ =	shalt  }
0x75: {  	_ =	shalt  }
0x76: {  	_ =	shalt  }
0x77: {  	_ =	shalt  }
0x78: {  	_ =	shalt  }
0x79: {  	_ =	shalt  }
0x7a: {  	_ =	shalt  }
0x7b: {  	_ =	shalt  }
0x7c: {  	_ =	shalt  }
0x7d: {  	_ =	shalt  }
0x7e: {  	_ =	shalt  }
0x7f: {  	_ =	shalt  }
0x80: {  	_ =	shalt  }
0x81: {  	_ =	shalt  }
0x82: {  	_ =	shalt  }
0x83: {  	_ =	shalt  }
0x84: {  	_ =	shalt  }
0x85: {  	_ =	shalt  }
0x86: {  	_ =	shalt  }
0x87: {  	_ =	shalt  }
.Lfunc_end0:
.L_simem_size_0:
called_computation.1_lowered:
.L_overlay_start_0:
0x88: {  	s2 =	sld [smem:$0x3FD9]  }
0x89: {  	s3 =	sld [smem:$0x3FFE];
	_ =	sdelay $0x1  }
0x8a: {  	s1 =	srdreg.scid  }
0x8b: {  	s0 =	sand.u32 $0x1, s1  }
0x8c: {  	s16 =	sshll.u32 s0, $0xA;
	s2 =	sadd.s32 s3, s2  }
0x8d: {  	s2 =	sadd.s32 s2, s16  }
0x8e: {  	[smem:$0x3FC1] =	sst s2  }
0x8f: {  	_ = 	snop  }
0x90: {  	(tm) =	ssettm $0x1  }
0x91: {  	s17 =	sld [smem:$0x3FFB];
	_ =	sdelay $0x3  }
0x92: {  	_ =	strace s17  }
0x93: {  	s2 =	sld [smem:$0x3FFC];
	_ =	sdelay $0x3  }
0x94: {  	_ =	strace s2  }
0x95: {  	s2 =	sld [smem:$0x3FFD];
	_ =	sdelay $0x3  }
0x96: {  	_ =	strace s2  }
0x97: {  	_ =	strace $0x8FFFFFFF  }
0x98: {  	s18 =	sld [smem:$0x3FDB];
	_ =	sdelay $0x1  }
0x99: {  	s19 =	simm.s32 $_scs_section_size  }
0x9a: {  	s4 =	simm.s32 $_size__tile_overlayer_lowered;
	s5 =	simm.s32 $_tile_overlayer_lowered  }
0x9b: {  	s22 =	simm.s32 $0x1BFF;
	s21 =	sshll.u32 s5, $0x1;
	s2 =	sadd.s32 s19, s18  }
0x9c: {  	s6 =	simm.s32 $0x0;
	s20 =	sshll.u32 s4, $0x1;
	s4 =	sadd.s32 s21, s2  }
0x9d: {  	[timem:s6], [sflag:s22] =	dma.local [hbm:s4], s20  }
0x9e: {  	_ =	swait.ge [sflag:s22], s20  }
0x9f: {  	s3 =	ssub.s32 $0x0, s20;
	[sflag:s22] =	ssyncset.done $0x0  }
0xa0: {  	[sflag:s22] =	ssyncadd.s32 s3;
	_ =	sdelay $0x1  }
0xa1: {  	s23 =	simm.s32 $0x1B8B  }
0xa2: {  	_ =	swait.ge [sflag:s23], $0x1  }
0xa3: {  	[sflag:s23] =	ssyncset.done $0x0  }
0xa4: {  	s25 =	simm.s32 $0x1B8E;
	s24 =	sld [smem:$0x3FFE];
	[sflag:s23] =	ssyncadd.s32 $0xFFFFFFFF  }
0xa5: {  	s26 =	simm.s32 $execute0_lowered;
	[smem:$0x3FD2] =	sst s25  }
0xa6: {  	s4 =	sshll.u32 s26, $0x1;
	_ =	strace $0x80000049;
	[dreg:$0x1] =	wrdreg $0xFFFFFFFF  }
0xa7: {  	s28 =	simm.s32 $_size_execute0_lowered;
	s2 =	sadd.s32 s2, s4;
	[dreg:$0x0] =	wrdreg $0x0  }
0xa8: {  	s4 =	sshll.u32 s28, $0x1;
	[dreg:$0x2] =	wrdreg s2  }
0xa9: {  	[dreg:$0x3] =	wrdreg s4  }
0xaa: {  	[dreg:$0x4] =	wrdreg $0xC0  }
0xab: {  	_ =	task [dreg:s6], $0x5FFFF  }
0xac: {  	[dreg:$0x1] =	wrdreg $0xFFFFFFFF  }
0xad: {  	[dreg:$0x0] =	wrdreg $0x60  }
0xae: {  	[dreg:$0x2] =	wrdreg s24  }
0xaf: {  	[dreg:$0x3] =	wrdreg $0xBE200  }
0xb0: {  	[dreg:$0x4] =	wrdreg $0x9  }
0xb1: {  	_ =	task.clear_ibuf [dreg:s6], $0x5FFFF;
	_ =	strace $0x90000049  }
0xb2: {  	s29 =	simm.s32 $0x9;
	_ =	strace $0x8000004B  }
0xb3: {  	_ =	swait.ge [sflag:s29], $0x1  }
0xb4: {  	[sflag:s29] =	ssyncadd.s32 $0xFFFFFFFF  }
0xb5: {  	_ =	strace $0x9000004B  }
0xb6: {  	_ =	sfence  }
0xb7: {  	s30 =	sld [smem:$0x0];
	_ =	sdelay $0x2  }
0xb8: {  	s31 =	sshll.u32 s1, $0xD;
	s1 =	sshrl.u32 s1, $0x2  }
0xb9: {  	s3 =	sand.u32 $0x4000, s31;
	s1 =	sadd.s32 s1, s30  }
0xba: {  	s0 =	sor.u32 s3, s0;
	s1 =	sshll.u32 s1, $0x11  }
0xbb: {  	s0 =	sor.u32 s1, s0  }
0xbc: {  	s0 =	sadd.s32 $0x8F2B, s0  }
0xbd: {  	[sflag:s0] =	ssyncadd.remote.s32 $0x1  }
0xbe: {  	_ =	sfence.sel $0xFFFF  }
0xbf: {  	[dreg:$0x0] =	wrdreg $0xFFFFFFFF;
	(pc) =	sbr.abs _section_cstart, $3  }
0xc0: {  	[dreg:$0x1] =	wrdreg $0xFFFFFFFF  }
0xc1: {  	_ =	task.clear_ibuf [dreg:s6], $0x2FFFF;
	_ =	strace $0x9FFFFFFF  }
0xc2: {  	(tm) =	ssettm $0x7FFFFFFF  }
0xc3: {  	_ =	shalt  }
tec
execute0_lowered:
.L_overlay_start_1:
0x0: {  	(tag) =	ssettag $0x1  }
0x1: {  	s0 =	rddreg [dreg:$0x0]  }
0x2: {  	s1 =	rddreg [dreg:$0x1];
	s2 =	srdreg.scid;
	s4 =	simm.s32 $0x0  }
0x3: {  	s8 =	stileid.u32;
	s15 =	simm.s32 $0x9;
	s17 =	simm.s32 $0x9E20  }
0x4: {  	s18 =	simm.s32 $0x50;
	s19 =	simm.s32 $0x4E20;
	s20 =	simm.s32 $0x6220  }
0x5: {  	s22 =	simm.s32 $0x7620;
	s24 =	simm.s32 $0x8A20;
	s28 =	simm.s32 $0x5  }
0x6: {  	s29 =	simm.s32 $0x2;
	s30 =	simm.s32 $0x6;
	s31 =	simm.s32 $0x3  }
0x7: {  	s16 =	simm.s32 $0x4;
	s21 =	simm.s32 $0x8;
	s10 =	smul.u32 $0xA000, s8  }
0x8: {  	s23 =	simm.s32 $0x0;
	s2 =	sand.u32 $0x1, s2;
	s6 =	smul.u32 $0x4E2, s8  }
0x9: {  	[smem:$0x7FF] =	sst s4;
	s4 =	sadd.s32 $0x6DE00, s0;
	s8 =	smul.u32 $0x28000, s8  }
0xa: {  	s5 =	sadd.s32 $0x5A400, s0;
	s3 =	smul.u32 $0xA0000, s2;
	_ =	strace $0x8000004A  }
0xb: {  	s7 =	ssub.s32 $0x2, s2;
	p0 =	seq.s32 s2, $0x1;
	s9 =	sadd.s32 s6, s0  }
0xc: {  	s25 =	sshrl.u32 s7, $0x1;
	s8 =	sshrl.u32 s8, $0x2;
	s26 =	sadd.s32 s10, s1  }
0xd: {  	s3 =	sadd.s32 s10, s3;
	s6 =	sadd.s32 $0x2000, s9;
	s8 =	sadd.s32 s8, s1  }
.Ltmp0:
0xe: {  	s3 =	sshrl.u32 s3, $0x3;
	[dreg:$0x3] =	wrdreg s6;
	(pc) =	sbr.rel .LBB2_1-.Ltmp0, $4  }
0xf: {  	s11 =	sadd.s32 $0x2000, s8;
	s12 =	sadd.s32 $0x4000, s8;
	s13 =	sadd.s32 $0x6000, s8  }
0x10: {  	s14 =	sadd.s32 $0x8000, s8;
	s0 =	sadd.s32 s3, s0;
	s3 =	ssub.s32 s7, s25  }
0x11: {  	s7 =	sadd.s32 $0x7000, s9;
	s25 =	sshrl.u32 s26, $0x3;
	s26 =	simm.s32 $0x1  }
0x12: {  	v0 =	vimm.f32 $0.0e+00;
	s9 =	sadd.s32 $0x81800, s0;
	s10 =	smax.u32 s3, $0x1;
	s0 =	simm.s32 $0x7  }
.LBB2_6:
0x13: {  	[tilespmem:s24], [sflag:$0x4] =	stream.indirect.gather [hbm4b:s4+s18], $0x40, s3, s18, $0xb8;
	[tilespmem:$0x15E20] =	vst v63  }
0x14: {  	_ =	swait.ge [sflag:s26], $0x1400  }
0x15: {  	[sflag:s26] =	ssyncset.done $0x0  }
0x16: {  	s2 =	simm.s32 $0x4C90;
	[sflag:s26] =	ssyncadd.s32 $0xFFFFEC00  }
0x17: {  	[spmem:s1] =	stream.indirect.scatter.add.f32 [tilespmem:s19], [sflag:$0x5], $0x40, s2, s18, $0xb8;
	[tilespmem:$0x15E20] =	vst v63  }
0x18: {  	_ =	swait.ge [sflag:s28], $0x1400  }
0x19: {  	[sflag:s28] =	ssyncset.done $0x0  }
0x1a: {  	s6 =	simm.s32 $0x26C0;
	[sflag:s28] =	ssyncadd.s32 $0xFFFFEC00  }
0x1b: {  	[tilespmem:s19], [sflag:$0x1] =	stream.indirect.gather [hbm4b:s4+s18], $0x40, s6, s18, $0xb8;
	[tilespmem:$0x15E20] =	vst v63  }
.LBB2_10:
0x1c: {  	_ =	swait.ge [sflag:s29], $0x1400  }
0x1d: {  	[sflag:s29] =	ssyncset.done $0x0  }
0x1e: {  	s2 =	simm.s32 $0x4CE0;
	[sflag:s29] =	ssyncadd.s32 $0xFFFFEC00  }
0x1f: {  	[spmem:s1] =	stream.indirect.scatter.add.f32 [tilespmem:s20], [sflag:$0x6], $0x40, s2, s18, $0xb8;
	[tilespmem:$0x15E20] =	vst v63  }
0x20: {  	_ =	swait.ge [sflag:s30], $0x1400  }
0x21: {  	[sflag:s30] =	ssyncset.done $0x0  }
0x22: {  	[sflag:s30] =	ssyncadd.s32 $0xFFFFEC00  }
0x23: {  	_ =	swait.ge [sflag:s31], $0x1400  }
0x24: {  	[sflag:s31] =	ssyncset.done $0x0  }
0x25: {  	s3 =	simm.s32 $0x4D30;
	[sflag:s31] =	ssyncadd.s32 $0xFFFFEC00  }
0x26: {  	[spmem:s1] =	stream.indirect.scatter.add.f32 [tilespmem:s22], [sflag:$0x7], $0x40, s3, s18, $0xb8;
	[tilespmem:$0x15E20] =	vst v63  }
0x27: {  	_ =	swait.ge [sflag:s0], $0x1400  }
0x28: {  	[sflag:s0] =	ssyncset.done $0x0  }
0x29: {  	[sflag:s0] =	ssyncadd.s32 $0xFFFFEC00  }
0x2a: {  	_ =	swait.ge [sflag:s16], $0x1400  }
0x2b: {  	[sflag:s16] =	ssyncset.done $0x0  }
0x2c: {  	s6 =	simm.s32 $0x4D80;
	[sflag:s16] =	ssyncadd.s32 $0xFFFFEC00  }
0x2d: {  	[spmem:s1] =	stream.indirect.scatter.add.f32 [tilespmem:s24], [sflag:$0x8], $0x40, s6, s18, $0xb8;
	[tilespmem:$0x15E20] =	vst v63  }
0x2e: {  	_ =	swait.ge [sflag:s21], $0x1400  }
0x2f: {  	[sflag:s21] =	ssyncset.done $0x0  }
0x30: {  	[sflag:s21] =	ssyncadd.s32 $0xFFFFEC00  }
0x31: {  	_ =	swait.ge [sflag:s26], $0x1400  }
0x32: {  	[sflag:s26] =	ssyncset.done $0x0  }
0x33: {  	s3 =	simm.s32 $0x4DD0;
	[sflag:s26] =	ssyncadd.s32 $0xFFFFEC00  }
0x34: {  	[spmem:s1] =	stream.indirect.scatter.add.f32 [tilespmem:s19], [sflag:$0x9], $0x40, s3, s18, $0xb8;
	[tilespmem:$0x15E20] =	vst v63  }
0x35: {  	_ =	swait.ge [sflag:s15], $0x1400  }
0x36: {  	s23 =	sadd.s32 $0x1, s23;
	s6 =	stileid.u32;
	[sflag:s15] =	ssyncset.done $0x0  }
0x37: {  	p1 =	sne.s32 s23, s10;
	s2 =	sshll.u32 s6, $0x6;
	[sflag:s15] =	ssyncadd.s32 $0xFFFFEC00  }
.Ltmp1:
0x38: {  	s2 =	sor.u32 $0x1C09, s2;
	[bflag:$0x0] =	sbarrier.arrive $0xFFFF;
	(pc) =	sbr.rel @!p1 .LBB2_11-.Ltmp1, $4  }
0x39: {  	[hbm:s9], [sflag:s2] =	dma.local [spmem:s25], $0x1400  }
0x3a: {  	_ =	swait.ge [sflag:s15], $0x1400  }
0x3b: {  	[sflag:s15] =	ssyncset.done $0x0  }
0x3c: {  	[sflag:s15] =	ssyncadd.s32 $0xFFFFEC00  }
.LBB2_1:
0x3d: {  	s2 =	simm.s32 $0x0;
	s3 =	rddreg [dreg:$0x3]  }
0x3e: {  	[tilespmem:s2], [sflag:$0x9] =	stream.linear.gather [hbm4b:s3+s2], $0x2710, $0x38;
	[tilespmem:$0x15E20] =	vst v63  }
0x3f: {  	_ =	swait.ge [sflag:s15], $0x2710  }
0x40: {  	[sflag:s15] =	ssyncset.done $0x0  }
0x41: {  	s6 =	simm.s32 $0x2710;
	[sflag:s15] =	ssyncadd.s32 $0xFFFFD8F0  }
0x42: {  	[tilespmem:s6], [sflag:$0x9] =	stream.linear.gather [hbm4b:s7+s2], $0x2710, $0x38;
	[tilespmem:$0x15E20] =	vst v63  }
0x43: {  	_ =	swait.ge [sflag:s15], $0x2710  }
0x44: {  	[sflag:s15] =	ssyncset.done $0x0  }
0x45: {  	s3 =	simm.s32 $0x100;
	s2 =	simm.s32 $0x0;
	[sflag:s15] =	ssyncadd.s32 $0xFFFFD8F0  }
.LBB2_2:
0x46: {  	p1 =	sne.s32 s3, $0x7F00;
	[tilespmem:s2+$0x9E50] =	vst v0;
	s6 =	smov.u32 s3;
	s3 =	sadd.s32 $0x100, s3  }
.Ltmp2:
0x47: {  	[tilespmem:s2+$0x9E40] =	vst v0;
	(pc) =	sbr.rel @p1 .LBB2_2-.Ltmp2, $3  }
0x48: {  	[tilespmem:s2+$0x9E20] =	vst v0  }
0x49: {  	[tilespmem:s2+$0x9E30] =	vst v0;
	_ =	sdelay $0x1  }
0x4a: {  	s2 =	sshra.s32 s6, $0x2  }
0x4b: {  	[tilespmem:s2+$0x9E50] =	vst v0  }
0x4c: {  	[tilespmem:s2+$0x9E40] =	vst v0  }
0x4d: {  	[tilespmem:s2+$0x9E20] =	vst v0  }
0x4e: {  	[tilespmem:s2+$0x9E30] =	vst v0  }
0x4f: {  	[spmem:s8] =	stream.linear.scatter [tilespmem:s17], [sflag:$0x9], $0x2000, $0x38;
	[tilespmem:$0x15E20] =	vst v63  }
0x50: {  	_ =	swait.ge [sflag:s15], $0x2000  }
0x51: {  	[sflag:s15] =	ssyncset.done $0x0  }
0x52: {  	[sflag:s15] =	ssyncadd.s32 $0xFFFFE000  }
0x53: {  	[spmem:s11] =	stream.linear.scatter [tilespmem:s17], [sflag:$0x9], $0x2000, $0x38;
	[tilespmem:$0x15E20] =	vst v63  }
0x54: {  	_ =	swait.ge [sflag:s15], $0x2000  }
0x55: {  	[sflag:s15] =	ssyncset.done $0x0  }
0x56: {  	[sflag:s15] =	ssyncadd.s32 $0xFFFFE000  }
0x57: {  	[spmem:s12] =	stream.linear.scatter [tilespmem:s17], [sflag:$0x9], $0x2000, $0x38;
	[tilespmem:$0x15E20] =	vst v63  }
0x58: {  	_ =	swait.ge [sflag:s15], $0x2000  }
0x59: {  	[sflag:s15] =	ssyncset.done $0x0  }
0x5a: {  	[sflag:s15] =	ssyncadd.s32 $0xFFFFE000  }
0x5b: {  	[spmem:s13] =	stream.linear.scatter [tilespmem:s17], [sflag:$0x9], $0x2000, $0x38;
	[tilespmem:$0x15E20] =	vst v63  }
0x5c: {  	_ =	swait.ge [sflag:s15], $0x2000  }
0x5d: {  	[sflag:s15] =	ssyncset.done $0x0  }
0x5e: {  	[sflag:s15] =	ssyncadd.s32 $0xFFFFE000  }
0x5f: {  	[spmem:s14] =	stream.linear.scatter [tilespmem:s17], [sflag:$0x9], $0x2000, $0x38;
	[tilespmem:$0x15E20] =	vst v63  }
.Ltmp3:
0x60: {  	_ =	swait.ge [sflag:s15], $0x2000;
	(pc) =	sbr.rel @!p0 .LBB2_4-.Ltmp3, $4  }
0x61: {  	[sflag:s15] =	ssyncset.done $0x0  }
0x62: {  	[sflag:s15] =	ssyncadd.s32 $0xFFFFE000  }
0x63: {  	[bflag:$0x0] =	sbarrier.arrive $0xFFFF  }
0x64: {  	s2 =	simm.s32 $0x0  }
0x65: {  	[tilespmem:s19], [sflag:$0x1] =	stream.indirect.gather [hbm4b:s5+s18], $0x40, s2, s18, $0xb8;
	[tilespmem:$0x15E20] =	vst v63  }
0x66: {  	_ = 	snop  }
0x67: {  	[tilespmem:s20], [sflag:$0x2] =	stream.indirect.gather [hbm4b:s5+s18], $0x40, s18, s18, $0xb8;
	[tilespmem:$0x15E20] =	vst v63  }
0x68: {  	s6 =	simm.s32 $0xA0  }
0x69: {  	[tilespmem:s22], [sflag:$0x3] =	stream.indirect.gather [hbm4b:s5+s18], $0x40, s6, s18, $0xb8;
	[tilespmem:$0x15E20] =	vst v63  }
0x6a: {  	s3 =	simm.s32 $0xF0  }
0x6b: {  	[tilespmem:s24], [sflag:$0x4] =	stream.indirect.gather [hbm4b:s5+s18], $0x40, s3, s18, $0xb8;
	[tilespmem:$0x15E20] =	vst v63  }
0x6c: {  	_ =	swait.ge [sflag:s26], $0x1400  }
0x6d: {  	[sflag:s26] =	ssyncset.done $0x0  }
0x6e: {  	s6 =	simm.s32 $0x2710;
	[sflag:s26] =	ssyncadd.s32 $0xFFFFEC00  }
0x6f: {  	[spmem:s1] =	stream.indirect.scatter.add.f32 [tilespmem:s19], [sflag:$0x5], $0x40, s6, s18, $0xb8;
	[tilespmem:$0x15E20] =	vst v63  }
0x70: {  	_ =	swait.ge [sflag:s28], $0x1400  }
0x71: {  	[sflag:s28] =	ssyncset.done $0x0  }
0x72: {  	s3 =	simm.s32 $0x140;
	[sflag:s28] =	ssyncadd.s32 $0xFFFFEC00  }
0x73: {  	[tilespmem:s19], [sflag:$0x1] =	stream.indirect.gather [hbm4b:s5+s18], $0x40, s3, s18, $0xb8;
	[tilespmem:$0x15E20] =	vst v63  }
0x74: {  	_ =	swait.ge [sflag:s29], $0x1400  }
0x75: {  	[sflag:s29] =	ssyncset.done $0x0  }
0x76: {  	s6 =	simm.s32 $0x2760;
	[sflag:s29] =	ssyncadd.s32 $0xFFFFEC00  }
0x77: {  	[spmem:s1] =	stream.indirect.scatter.add.f32 [tilespmem:s20], [sflag:$0x6], $0x40, s6, s18, $0xb8;
	[tilespmem:$0x15E20] =	vst v63  }
0x78: {  	_ =	swait.ge [sflag:s30], $0x1400  }
0x79: {  	[sflag:s30] =	ssyncset.done $0x0  }
0x7a: {  	s3 =	simm.s32 $0x190;
	[sflag:s30] =	ssyncadd.s32 $0xFFFFEC00  }
0x7b: {  	[tilespmem:s20], [sflag:$0x2] =	stream.indirect.gather [hbm4b:s5+s18], $0x40, s3, s18, $0xb8;
	[tilespmem:$0x15E20] =	vst v63  }
0x7c: {  	_ =	swait.ge [sflag:s31], $0x1400  }
0x7d: {  	[sflag:s31] =	ssyncset.done $0x0  }
0x7e: {  	s6 =	simm.s32 $0x27B0;
	[sflag:s31] =	ssyncadd.s32 $0xFFFFEC00  }
0x7f: {  	[spmem:s1] =	stream.indirect.scatter.add.f32 [tilespmem:s22], [sflag:$0x7], $0x40, s6, s18, $0xb8;
	[tilespmem:$0x15E20] =	vst v63  }
0x80: {  	_ =	swait.ge [sflag:s0], $0x1400  }
0x81: {  	[sflag:s0] =	ssyncset.done $0x0  }
0x82: {  	s3 =	simm.s32 $0x1E0;
	[sflag:s0] =	ssyncadd.s32 $0xFFFFEC00  }
0x83: {  	[tilespmem:s22], [sflag:$0x3] =	stream.indirect.gather [hbm4b:s5+s18], $0x40, s3, s18, $0xb8;
	[tilespmem:$0x15E20] =	vst v63  }
0x84: {  	_ =	swait.ge [sflag:s16], $0x1400  }
0x85: {  	[sflag:s16] =	ssyncset.done $0x0  }
0x86: {  	s6 =	simm.s32 $0x2800;
	[sflag:s16] =	ssyncadd.s32 $0xFFFFEC00  }
0x87: {  	[spmem:s1] =	stream.indirect.scatter.add.f32 [tilespmem:s24], [sflag:$0x8], $0x40, s6, s18, $0xb8;
	[tilespmem:$0x15E20] =	vst v63  }
0x88: {  	_ =	swait.ge [sflag:s21], $0x1400  }
0x89: {  	[sflag:s21] =	ssyncset.done $0x0  }
0x8a: {  	s2 =	simm.s32 $0x500;
	s3 =	simm.s32 $0x230;
	[sflag:s21] =	ssyncadd.s32 $0xFFFFEC00  }
.LBB2_8:
0x8b: {  	[tilespmem:s24], [sflag:$0x4] =	stream.indirect.gather [hbm4b:s5+s18], $0x40, s3, s18, $0xb8;
	[tilespmem:$0x15E20] =	vst v63  }
0x8c: {  	s3 =	smov.u32 s2  }
0x8d: {  	p1 =	sne.s32 s2, $0x9100;
	s2 =	sadd.s32 $0x500, s2;
	_ =	swait.ge [sflag:s26], $0x1400  }
0x8e: {  	s3 =	sshra.s32 s3, $0x2;
	[sflag:s26] =	ssyncset.done $0x0  }
0x8f: {  	s6 =	sadd.s32 $0x2710, s3;
	[sflag:s26] =	ssyncadd.s32 $0xFFFFEC00  }
0x90: {  	[spmem:s1] =	stream.indirect.scatter.add.f32 [tilespmem:s19], [sflag:$0x5], $0x40, s6, s18, $0xb8;
	[tilespmem:$0x15E20] =	vst v63  }
0x91: {  	_ =	swait.ge [sflag:s28], $0x1400  }
0x92: {  	[sflag:s28] =	ssyncset.done $0x0  }
0x93: {  	s6 =	sadd.s32 $0x140, s3;
	[sflag:s28] =	ssyncadd.s32 $0xFFFFEC00  }
0x94: {  	[tilespmem:s19], [sflag:$0x1] =	stream.indirect.gather [hbm4b:s5+s18], $0x40, s6, s18, $0xb8;
	[tilespmem:$0x15E20] =	vst v63  }
0x95: {  	_ =	swait.ge [sflag:s29], $0x1400  }
0x96: {  	[sflag:s29] =	ssyncset.done $0x0  }
0x97: {  	s6 =	sadd.s32 $0x2760, s3;
	[sflag:s29] =	ssyncadd.s32 $0xFFFFEC00  }
0x98: {  	[spmem:s1] =	stream.indirect.scatter.add.f32 [tilespmem:s20], [sflag:$0x6], $0x40, s6, s18, $0xb8;
	[tilespmem:$0x15E20] =	vst v63  }
0x99: {  	_ =	swait.ge [sflag:s30], $0x1400  }
0x9a: {  	[sflag:s30] =	ssyncset.done $0x0  }
0x9b: {  	s6 =	sadd.s32 $0x190, s3;
	[sflag:s30] =	ssyncadd.s32 $0xFFFFEC00  }
0x9c: {  	[tilespmem:s20], [sflag:$0x2] =	stream.indirect.gather [hbm4b:s5+s18], $0x40, s6, s18, $0xb8;
	[tilespmem:$0x15E20] =	vst v63  }
0x9d: {  	_ =	swait.ge [sflag:s31], $0x1400  }
0x9e: {  	[sflag:s31] =	ssyncset.done $0x0  }
0x9f: {  	s6 =	sadd.s32 $0x27B0, s3;
	[sflag:s31] =	ssyncadd.s32 $0xFFFFEC00  }
0xa0: {  	[spmem:s1] =	stream.indirect.scatter.add.f32 [tilespmem:s22], [sflag:$0x7], $0x40, s6, s18, $0xb8;
	[tilespmem:$0x15E20] =	vst v63  }
0xa1: {  	_ =	swait.ge [sflag:s0], $0x1400  }
0xa2: {  	[sflag:s0] =	ssyncset.done $0x0  }
0xa3: {  	s6 =	sadd.s32 $0x1E0, s3;
	[sflag:s0] =	ssyncadd.s32 $0xFFFFEC00  }
0xa4: {  	[tilespmem:s22], [sflag:$0x3] =	stream.indirect.gather [hbm4b:s5+s18], $0x40, s6, s18, $0xb8;
	[tilespmem:$0x15E20] =	vst v63  }
0xa5: {  	_ =	swait.ge [sflag:s16], $0x1400  }
0xa6: {  	[sflag:s16] =	ssyncset.done $0x0  }
.Ltmp4:
0xa7: {  	s6 =	sadd.s32 $0x2800, s3;
	[sflag:s16] =	ssyncadd.s32 $0xFFFFEC00;
	(pc) =	sbr.rel @p1 .LBB2_8-.Ltmp4, $4  }
0xa8: {  	[spmem:s1] =	stream.indirect.scatter.add.f32 [tilespmem:s24], [sflag:$0x8], $0x40, s6, s18, $0xb8;
	[tilespmem:$0x15E20] =	vst v63  }
0xa9: {  	_ =	swait.ge [sflag:s21], $0x1400  }
0xaa: {  	[sflag:s21] =	ssyncset.done $0x0  }
0xab: {  	s3 =	sadd.s32 $0x230, s3;
	[sflag:s21] =	ssyncadd.s32 $0xFFFFEC00  }
0xac: {  	[tilespmem:s24], [sflag:$0x4] =	stream.indirect.gather [hbm4b:s5+s18], $0x40, s3, s18, $0xb8;
	[tilespmem:$0x15E20] =	vst v63  }
0xad: {  	_ =	swait.ge [sflag:s26], $0x1400  }
0xae: {  	[sflag:s26] =	ssyncset.done $0x0  }
0xaf: {  	s2 =	simm.s32 $0x4C90;
	[sflag:s26] =	ssyncadd.s32 $0xFFFFEC00  }
0xb0: {  	[spmem:s1] =	stream.indirect.scatter.add.f32 [tilespmem:s19], [sflag:$0x5], $0x40, s2, s18, $0xb8;
	[tilespmem:$0x15E20] =	vst v63  }
.Ltmp5:
0xb1: {  	_ = 	snop;
	(pc) =	sbr.rel .LBB2_10-.Ltmp5, $4  }
0xb2: {  	_ =	swait.ge [sflag:s28], $0x1400  }
0xb3: {  	[sflag:s28] =	ssyncset.done $0x0  }
0xb4: {  	s6 =	simm.s32 $0x26C0;
	[sflag:s28] =	ssyncadd.s32 $0xFFFFEC00  }
0xb5: {  	[tilespmem:s19], [sflag:$0x1] =	stream.indirect.gather [hbm4b:s5+s18], $0x40, s6, s18, $0xb8;
	[tilespmem:$0x15E20] =	vst v63  }
.LBB2_4:
0xb6: {  	[tilespmem:s19], [sflag:$0x1] =	stream.indirect.gather [hbm4b:s4+s18], $0x40, s2, s18, $0xb8;
	[tilespmem:$0x15E20] =	vst v63  }
0xb7: {  	_ = 	snop  }
0xb8: {  	[tilespmem:s20], [sflag:$0x2] =	stream.indirect.gather [hbm4b:s4+s18], $0x40, s18, s18, $0xb8;
	[tilespmem:$0x15E20] =	vst v63  }
0xb9: {  	s6 =	simm.s32 $0xA0  }
0xba: {  	[tilespmem:s22], [sflag:$0x3] =	stream.indirect.gather [hbm4b:s4+s18], $0x40, s6, s18, $0xb8;
	[tilespmem:$0x15E20] =	vst v63  }
0xbb: {  	s3 =	simm.s32 $0xF0  }
0xbc: {  	[tilespmem:s24], [sflag:$0x4] =	stream.indirect.gather [hbm4b:s4+s18], $0x40, s3, s18, $0xb8;
	[tilespmem:$0x15E20] =	vst v63  }
0xbd: {  	_ =	swait.ge [sflag:s26], $0x1400  }
0xbe: {  	[sflag:s26] =	ssyncset.done $0x0  }
0xbf: {  	s6 =	simm.s32 $0x2710;
	[sflag:s26] =	ssyncadd.s32 $0xFFFFEC00  }
0xc0: {  	[spmem:s1] =	stream.indirect.scatter.add.f32 [tilespmem:s19], [sflag:$0x5], $0x40, s6, s18, $0xb8;
	[tilespmem:$0x15E20] =	vst v63  }
0xc1: {  	_ =	swait.ge [sflag:s28], $0x1400  }
0xc2: {  	[sflag:s28] =	ssyncset.done $0x0  }
0xc3: {  	s3 =	simm.s32 $0x140;
	[sflag:s28] =	ssyncadd.s32 $0xFFFFEC00  }
0xc4: {  	[tilespmem:s19], [sflag:$0x1] =	stream.indirect.gather [hbm4b:s4+s18], $0x40, s3, s18, $0xb8;
	[tilespmem:$0x15E20] =	vst v63  }
0xc5: {  	_ =	swait.ge [sflag:s29], $0x1400  }
0xc6: {  	[sflag:s29] =	ssyncset.done $0x0  }
0xc7: {  	s6 =	simm.s32 $0x2760;
	[sflag:s29] =	ssyncadd.s32 $0xFFFFEC00  }
0xc8: {  	[spmem:s1] =	stream.indirect.scatter.add.f32 [tilespmem:s20], [sflag:$0x6], $0x40, s6, s18, $0xb8;
	[tilespmem:$0x15E20] =	vst v63  }
0xc9: {  	_ =	swait.ge [sflag:s30], $0x1400  }
0xca: {  	[sflag:s30] =	ssyncset.done $0x0  }
0xcb: {  	s3 =	simm.s32 $0x190;
	[sflag:s30] =	ssyncadd.s32 $0xFFFFEC00  }
0xcc: {  	[tilespmem:s20], [sflag:$0x2] =	stream.indirect.gather [hbm4b:s4+s18], $0x40, s3, s18, $0xb8;
	[tilespmem:$0x15E20] =	vst v63  }
0xcd: {  	_ =	swait.ge [sflag:s31], $0x1400  }
0xce: {  	[sflag:s31] =	ssyncset.done $0x0  }
0xcf: {  	s6 =	simm.s32 $0x27B0;
	[sflag:s31] =	ssyncadd.s32 $0xFFFFEC00  }
0xd0: {  	[spmem:s1] =	stream.indirect.scatter.add.f32 [tilespmem:s22], [sflag:$0x7], $0x40, s6, s18, $0xb8;
	[tilespmem:$0x15E20] =	vst v63  }
0xd1: {  	_ =	swait.ge [sflag:s0], $0x1400  }
0xd2: {  	[sflag:s0] =	ssyncset.done $0x0  }
0xd3: {  	s3 =	simm.s32 $0x1E0;
	[sflag:s0] =	ssyncadd.s32 $0xFFFFEC00  }
0xd4: {  	[tilespmem:s22], [sflag:$0x3] =	stream.indirect.gather [hbm4b:s4+s18], $0x40, s3, s18, $0xb8;
	[tilespmem:$0x15E20] =	vst v63  }
0xd5: {  	_ =	swait.ge [sflag:s16], $0x1400  }
0xd6: {  	[sflag:s16] =	ssyncset.done $0x0  }
0xd7: {  	s6 =	simm.s32 $0x2800;
	[sflag:s16] =	ssyncadd.s32 $0xFFFFEC00  }
0xd8: {  	[spmem:s1] =	stream.indirect.scatter.add.f32 [tilespmem:s24], [sflag:$0x8], $0x40, s6, s18, $0xb8;
	[tilespmem:$0x15E20] =	vst v63  }
0xd9: {  	_ =	swait.ge [sflag:s21], $0x1400  }
0xda: {  	[sflag:s21] =	ssyncset.done $0x0  }
0xdb: {  	s2 =	simm.s32 $0x500;
	s3 =	simm.s32 $0x230;
	[sflag:s21] =	ssyncadd.s32 $0xFFFFEC00  }
.LBB2_5:
0xdc: {  	[tilespmem:s24], [sflag:$0x4] =	stream.indirect.gather [hbm4b:s4+s18], $0x40, s3, s18, $0xb8;
	[tilespmem:$0x15E20] =	vst v63  }
0xdd: {  	s3 =	smov.u32 s2  }
0xde: {  	p1 =	sne.s32 s2, $0x9100;
	s2 =	sadd.s32 $0x500, s2;
	_ =	swait.ge [sflag:s26], $0x1400  }
0xdf: {  	s3 =	sshra.s32 s3, $0x2;
	[sflag:s26] =	ssyncset.done $0x0  }
0xe0: {  	s6 =	sadd.s32 $0x2710, s3;
	[sflag:s26] =	ssyncadd.s32 $0xFFFFEC00  }
0xe1: {  	[spmem:s1] =	stream.indirect.scatter.add.f32 [tilespmem:s19], [sflag:$0x5], $0x40, s6, s18, $0xb8;
	[tilespmem:$0x15E20] =	vst v63  }
0xe2: {  	_ =	swait.ge [sflag:s28], $0x1400  }
0xe3: {  	[sflag:s28] =	ssyncset.done $0x0  }
0xe4: {  	s6 =	sadd.s32 $0x140, s3;
	[sflag:s28] =	ssyncadd.s32 $0xFFFFEC00  }
0xe5: {  	[tilespmem:s19], [sflag:$0x1] =	stream.indirect.gather [hbm4b:s4+s18], $0x40, s6, s18, $0xb8;
	[tilespmem:$0x15E20] =	vst v63  }
0xe6: {  	_ =	swait.ge [sflag:s29], $0x1400  }
0xe7: {  	[sflag:s29] =	ssyncset.done $0x0  }
0xe8: {  	s6 =	sadd.s32 $0x2760, s3;
	[sflag:s29] =	ssyncadd.s32 $0xFFFFEC00  }
0xe9: {  	[spmem:s1] =	stream.indirect.scatter.add.f32 [tilespmem:s20], [sflag:$0x6], $0x40, s6, s18, $0xb8;
	[tilespmem:$0x15E20] =	vst v63  }
0xea: {  	_ =	swait.ge [sflag:s30], $0x1400  }
0xeb: {  	[sflag:s30] =	ssyncset.done $0x0  }
0xec: {  	s6 =	sadd.s32 $0x190, s3;
	[sflag:s30] =	ssyncadd.s32 $0xFFFFEC00  }
0xed: {  	[tilespmem:s20], [sflag:$0x2] =	stream.indirect.gather [hbm4b:s4+s18], $0x40, s6, s18, $0xb8;
	[tilespmem:$0x15E20] =	vst v63  }
0xee: {  	_ =	swait.ge [sflag:s31], $0x1400  }
0xef: {  	[sflag:s31] =	ssyncset.done $0x0  }
0xf0: {  	s6 =	sadd.s32 $0x27B0, s3;
	[sflag:s31] =	ssyncadd.s32 $0xFFFFEC00  }
0xf1: {  	[spmem:s1] =	stream.indirect.scatter.add.f32 [tilespmem:s22], [sflag:$0x7], $0x40, s6, s18, $0xb8;
	[tilespmem:$0x15E20] =	vst v63  }
0xf2: {  	_ =	swait.ge [sflag:s0], $0x1400  }
0xf3: {  	[sflag:s0] =	ssyncset.done $0x0  }
0xf4: {  	s6 =	sadd.s32 $0x1E0, s3;
	[sflag:s0] =	ssyncadd.s32 $0xFFFFEC00  }
0xf5: {  	[tilespmem:s22], [sflag:$0x3] =	stream.indirect.gather [hbm4b:s4+s18], $0x40, s6, s18, $0xb8;
	[tilespmem:$0x15E20] =	vst v63  }
0xf6: {  	_ =	swait.ge [sflag:s16], $0x1400  }
0xf7: {  	[sflag:s16] =	ssyncset.done $0x0  }
.Ltmp6:
0xf8: {  	s6 =	sadd.s32 $0x2800, s3;
	[sflag:s16] =	ssyncadd.s32 $0xFFFFEC00;
	(pc) =	sbr.rel @p1 .LBB2_5-.Ltmp6, $4  }
0xf9: {  	[spmem:s1] =	stream.indirect.scatter.add.f32 [tilespmem:s24], [sflag:$0x8], $0x40, s6, s18, $0xb8;
	[tilespmem:$0x15E20] =	vst v63  }
0xfa: {  	_ =	swait.ge [sflag:s21], $0x1400  }
0xfb: {  	[sflag:s21] =	ssyncset.done $0x0  }
0xfc: {  	s3 =	sadd.s32 $0x230, s3;
	[sflag:s21] =	ssyncadd.s32 $0xFFFFEC00  }
.Ltmp7:
0xfd: {  	_ = 	snop;
	(pc) =	sbr.rel .LBB2_6-.Ltmp7, $1  }
0xfe: {  	_ =	sdelay $0x3  }
.LBB2_11:
0xff: {  	_ =	sfence.sel $0x180000  }
0x100: {  	[bflag:$0x0] =	sbarrier.arrive $0xFFFF  }
0x101: {  	_ =	strace $0x9000004A  }
0x102: {  	s0 =	stileid.u32;
	[bflag:$0x2] =	sbarrier.arrive $0xFFFF  }
0x103: {  	p0 =	sne.s32 s0, $0x0;
	s0 =	rddreg [dreg:$0x2]  }
0x104: {  	s0 =	sadd.s32 @!p0 $0x100000, s0  }
0x105: {  	[sflag:s0] =	ssyncadd.tile.s32 @!p0 $0x1;
	_ =	shalt  }
.Lfunc_end2:
_tile_overlayer_lowered:
.L_overlay_start_2:
0x106: {  	(tag) =	ssettag $0x2  }
0x107: {  	s0 =	rddreg [dreg:$0x0];
	s2 =	stileid.u32  }
0x108: {  	s1 =	rddreg [dreg:$0x1];
	p0 =	sne.s32 s2, $0x0  }
0x109: {  	s3 =	rddreg [dreg:$0x2];
	[bflag:$0x3] =	sbarrier.arrive $0xFFFF;
	s2 =	simm.s32 @!p0 $0x1C09  }
0x10a: {  	[timem:s3], [sflag:s2] =	dma.local @!p0 [hbm:s0], s1  }
0x10b: {  	s0 =	simm.s32 @!p0 $0x9  }
0x10c: {  	_ =	swait.ge @!p0 [sflag:s0], s1  }
0x10d: {  	s1 =	ssub.s32 @!p0 $0x0, s1;
	[sflag:s0] =	ssyncset.done @!p0 $0x0  }
0x10e: {  	[sflag:s0] =	ssyncadd.s32 @!p0 s1  }
0x10f: {  	[bflag:$0x3] =	sbarrier.arrive $0xFFFF  }
0x110: {  	_ =	shalt  }

// kernel: kernel.16.cloned.1.call-start
scs
__scs_entry_jumppad:
0x0: {  	(pc) =	sbr.rel $0x88, $3  }
0x1: {  	(tag) =	ssettag $0x0;
	lr =	simm.s32 $0x1  }
0x2: {  	[smem:$0x3F9A] =	sst lr;
	_ =	strace $0xD0000000  }
0x3: {  	_ = 	snop  }
0x4: {  	_ = 	snop  }
0x5: {  	_ = 	snop  }
0x6: {  	_ = 	snop  }
0x7: {  	_ = 	snop  }
__scs_overlays_trampoline_lowered:
0x8: {  	[smem:$0x3FA9] =	sst s0  }
0x9: {  	[smem:$0x3FAA] =	sst s1  }
0xa: {  	[smem:$0x3FAB] =	sst s2  }
0xb: {  	[smem:$0x3FAC] =	sst s3  }
0xc: {  	[smem:$0x3FAD] =	sst s4  }
0xd: {  	[smem:$0x3FAE] =	sst s5  }
0xe: {  	[smem:$0x3FAF] =	sst s6  }
0xf: {  	[smem:$0x3FB0] =	sst s7  }
0x10: {  	[smem:$0x3FB1] =	sst s8  }
0x11: {  	[smem:$0x3FB2] =	sst s9;
	s0 =	simm.s32 @!p0 $0x0  }
0x12: {  	s1 =	sld [smem:$0x3F98];
	s0 =	simm.s32 @p0 $0x1  }
0x13: {  	[smem:$0x3FB3] =	sst s0;
	s0 =	simm.s32 @!p1 $0x0  }
0x14: {  	s2 =	sld [smem:$0x3F97];
	s0 =	simm.s32 @p1 $0x1  }
0x15: {  	[smem:$0x3FB4] =	sst s0;
	s0 =	simm.s32 @!p2 $0x0  }
0x16: {  	s3 =	sld [smem:$0x3FDB];
	s0 =	simm.s32 @p2 $0x1  }
0x17: {  	s4 =	simm.s32 $0x1BF5;
	[smem:$0x3FB6] =	sst s0  }
0x18: {  	s0 =	sld [smem:$0x3F99];
	_ =	swait.ge [sflag:s4], $0x0  }
0x19: {  	s7 =	sld [smem:$0x3F9A]  }
0x1a: {  	s8 =	sadd.s32 $0xFFFFE003, lr  }
0x1b: {  	s9 =	sadd.s32 $0xFFFFFEF7, lr;
	s5 =	simm.s32 $0xFFFFFFFF;
	p2 =	slt.u32 s8, $0xFFFFF086  }
0x1c: {  	p1 =	slt.u32 s9, $0xF7A;
	s5 =	simm.s32 @!p2 $0x0  }
0x1d: {  	s5 =	simm.s32 @p1 $0x1;
	p0 =	seq.s32 s7, s2  }
0x1e: {  	s7 =	smul.u32 @!p0 $0xF7A, s2;
	p2 =	seq.s32 @!p0 s5, $0x0  }
0x1f: {  	s9 =	smul.u32 $0xF7A, s1;
	s8 =	simm.s32 @!p0 $0x1BF5;
	p2 =	por !p2, p0  }
0x20: {  	[sflag:s8] =	ssyncset.s32 @!p0 $0xFFFFF086;
	s6 =	sadd.s32 @!p0 s3, s7;
	s7 =	simm.s32 @!p0 $0x108  }
0x21: {  	s3 =	sadd.s32 s3, s9;
	s6 =	sadd.s32 @!p0 $0x88, s6;
	s7 =	simm.s32 @p2 $0x1082  }
0x22: {  	[simem:s7], [sflag:s8] =	dma.local @!p0 [hbm:s6], $0xF7A  }
0x23: {  	s9 =	sor.u32 $0xD0000000, s2;
	s6 =	simm.s32 $0x108;
	_ =	swait.ge @!p0 [sflag:s8], $0x0  }
0x24: {  	s3 =	sadd.s32 $0x88, s3;
	s6 =	simm.s32 @!p1 $0x1082;
	[sflag:s4] =	ssyncset.s32 $0xFFFFF086  }
0x25: {  	[simem:s6], [sflag:s4] =	dma.local [hbm:s3], $0xF7A  }
0x26: {  	[smem:$0x3F9A] =	sst s1;
	(tag) =	ssettag s2;
	_ =	strace s9  }
0x27: {  	s1 =	sld [smem:$0x3FAA]  }
0x28: {  	s2 =	sld [smem:$0x3FAB]  }
0x29: {  	s4 =	sld [smem:$0x3FAD]  }
0x2a: {  	p0 =	seq.s32 s5, $0x0;
	s5 =	sld [smem:$0x3FAE]  }
0x2b: {  	s6 =	sld [smem:$0x3FAF]  }
0x2c: {  	s7 =	sld [smem:$0x3FB0]  }
0x2d: {  	s3 =	simm.s32 $0x108;
	s8 =	sld [smem:$0x3FB1]  }
0x2e: {  	s3 =	simm.s32 @!p0 $0x1082;
	s9 =	sld [smem:$0x3FB2]  }
0x2f: {  	lr =	sadd.s32 s0, s3;
	s0 =	sld [smem:$0x3FA9]  }
0x30: {  	s3 =	sld [smem:$0x3FAC]  }
0x31: {  	[smem:$0x3FB5] =	sst s10  }
0x32: {  	s10 =	sld [smem:$0x3FB3];
	_ =	sdelay $0x3  }
0x33: {  	p0 =	seq.s32 s10, $0x1;
	s10 =	sld [smem:$0x3FB5];
	_ =	sdelay $0x3  }
0x34: {  	[smem:$0x3FB5] =	sst s10  }
0x35: {  	s10 =	sld [smem:$0x3FB4];
	_ =	sdelay $0x3  }
0x36: {  	p1 =	seq.s32 s10, $0x1;
	s10 =	sld [smem:$0x3FB5];
	_ =	sdelay $0x3  }
0x37: {  	[smem:$0x3FB5] =	sst s10  }
0x38: {  	s10 =	sld [smem:$0x3FB6]  }
0x39: {  	_ = 	snop;
	(pc) =	sbr.ind lr, $3  }
0x3a: {  	_ = 	snop  }
0x3b: {  	_ = 	snop  }
0x3c: {  	p2 =	seq.s32 s10, $0x1;
	s10 =	sld [smem:$0x3FB5]  }
0x3d: {  	_ =	shalt  }
0x3e: {  	_ =	shalt  }
0x3f: {  	_ =	shalt  }
0x40: {  	_ =	shalt  }
0x41: {  	_ =	shalt  }
0x42: {  	_ =	shalt  }
0x43: {  	_ =	shalt  }
0x44: {  	_ =	shalt  }
0x45: {  	_ =	shalt  }
0x46: {  	_ =	shalt  }
0x47: {  	_ =	shalt  }
0x48: {  	_ =	shalt  }
0x49: {  	_ =	shalt  }
0x4a: {  	_ =	shalt  }
0x4b: {  	_ =	shalt  }
0x4c: {  	_ =	shalt  }
0x4d: {  	_ =	shalt  }
0x4e: {  	_ =	shalt  }
0x4f: {  	_ =	shalt  }
0x50: {  	_ =	shalt  }
0x51: {  	_ =	shalt  }
0x52: {  	_ =	shalt  }
0x53: {  	_ =	shalt  }
0x54: {  	_ =	shalt  }
0x55: {  	_ =	shalt  }
0x56: {  	_ =	shalt  }
0x57: {  	_ =	shalt  }
0x58: {  	_ =	shalt  }
0x59: {  	_ =	shalt  }
0x5a: {  	_ =	shalt  }
0x5b: {  	_ =	shalt  }
0x5c: {  	_ =	shalt  }
0x5d: {  	_ =	shalt  }
0x5e: {  	_ =	shalt  }
0x5f: {  	_ =	shalt  }
0x60: {  	_ =	shalt  }
0x61: {  	_ =	shalt  }
0x62: {  	_ =	shalt  }
0x63: {  	_ =	shalt  }
0x64: {  	_ =	shalt  }
0x65: {  	_ =	shalt  }
0x66: {  	_ =	shalt  }
0x67: {  	_ =	shalt  }
0x68: {  	_ =	shalt  }
0x69: {  	_ =	shalt  }
0x6a: {  	_ =	shalt  }
0x6b: {  	_ =	shalt  }
0x6c: {  	_ =	shalt  }
0x6d: {  	_ =	shalt  }
0x6e: {  	_ =	shalt  }
0x6f: {  	_ =	shalt  }
0x70: {  	_ =	shalt  }
0x71: {  	_ =	shalt  }
0x72: {  	_ =	shalt  }
0x73: {  	_ =	shalt  }
0x74: {  	_ =	shalt  }
0x75: {  	_ =	shalt  }
0x76: {  	_ =	shalt  }
0x77: {  	_ =	shalt  }
0x78: {  	_ =	shalt  }
0x79: {  	_ =	shalt  }
0x7a: {  	_ =	shalt  }
0x7b: {  	_ =	shalt  }
0x7c: {  	_ =	shalt  }
0x7d: {  	_ =	shalt  }
0x7e: {  	_ =	shalt  }
0x7f: {  	_ =	shalt  }
0x80: {  	_ =	shalt  }
0x81: {  	_ =	shalt  }
0x82: {  	_ =	shalt  }
0x83: {  	_ =	shalt  }
0x84: {  	_ =	shalt  }
0x85: {  	_ =	shalt  }
0x86: {  	_ =	shalt  }
0x87: {  	_ =	shalt  }
.Lfunc_end0:
.L_simem_size_0:
called_computation.2_lowered:
.L_overlay_start_0:
0x88: {  	s2 =	sld [smem:$0x3FD9]  }
0x89: {  	s3 =	sld [smem:$0x3FFE];
	_ =	sdelay $0x1  }
0x8a: {  	s1 =	srdreg.scid  }
0x8b: {  	s0 =	sand.u32 $0x1, s1  }
0x8c: {  	s16 =	sshll.u32 s0, $0xA;
	s2 =	sadd.s32 s3, s2  }
0x8d: {  	s2 =	sadd.s32 s2, s16  }
0x8e: {  	[smem:$0x3FC1] =	sst s2  }
0x8f: {  	_ = 	snop  }
0x90: {  	(tm) =	ssettm $0x1  }
0x91: {  	s17 =	sld [smem:$0x3FFB];
	_ =	sdelay $0x3  }
0x92: {  	_ =	strace s17  }
0x93: {  	s2 =	sld [smem:$0x3FFC];
	_ =	sdelay $0x3  }
0x94: {  	_ =	strace s2  }
0x95: {  	s2 =	sld [smem:$0x3FFD];
	_ =	sdelay $0x3  }
0x96: {  	_ =	strace s2  }
0x97: {  	_ =	strace $0x8FFFFFFF  }
0x98: {  	s18 =	sld [smem:$0x3FDB];
	_ =	sdelay $0x1  }
0x99: {  	s19 =	simm.s32 $_scs_section_size  }
0x9a: {  	s4 =	simm.s32 $_size__tile_overlayer_lowered;
	s5 =	simm.s32 $_tile_overlayer_lowered  }
0x9b: {  	s22 =	simm.s32 $0x1BFF;
	s21 =	sshll.u32 s5, $0x1;
	s2 =	sadd.s32 s19, s18  }
0x9c: {  	s6 =	simm.s32 $0x0;
	s20 =	sshll.u32 s4, $0x1;
	s4 =	sadd.s32 s21, s2  }
0x9d: {  	[timem:s6], [sflag:s22] =	dma.local [hbm:s4], s20  }
0x9e: {  	_ =	swait.ge [sflag:s22], s20  }
0x9f: {  	s3 =	ssub.s32 $0x0, s20;
	[sflag:s22] =	ssyncset.done $0x0  }
0xa0: {  	[sflag:s22] =	ssyncadd.s32 s3;
	_ =	sdelay $0x1  }
0xa1: {  	s23 =	simm.s32 $0x1B8B  }
0xa2: {  	_ =	swait.ge [sflag:s23], $0x1  }
0xa3: {  	[sflag:s23] =	ssyncset.done $0x0  }
0xa4: {  	s25 =	simm.s32 $0x1B8E;
	s24 =	sld [smem:$0x3FFE];
	[sflag:s23] =	ssyncadd.s32 $0xFFFFFFFF  }
0xa5: {  	s26 =	simm.s32 $execute0_lowered;
	[smem:$0x3FD2] =	sst s25  }
0xa6: {  	s4 =	sshll.u32 s26, $0x1;
	_ =	strace $0x8000004C;
	[dreg:$0x1] =	wrdreg $0xFFFFFFFF  }
0xa7: {  	s28 =	simm.s32 $_size_execute0_lowered;
	s2 =	sadd.s32 s2, s4;
	[dreg:$0x0] =	wrdreg $0x0  }
0xa8: {  	s4 =	sshll.u32 s28, $0x1;
	[dreg:$0x2] =	wrdreg s2  }
0xa9: {  	[dreg:$0x3] =	wrdreg s4  }
0xaa: {  	[dreg:$0x4] =	wrdreg $0xC0  }
0xab: {  	_ =	task [dreg:s6], $0x5FFFF  }
0xac: {  	[dreg:$0x1] =	wrdreg $0xFFFFFFFF  }
0xad: {  	[dreg:$0x0] =	wrdreg $0x60  }
0xae: {  	[dreg:$0x2] =	wrdreg s24  }
0xaf: {  	[dreg:$0x3] =	wrdreg $0xBE200  }
0xb0: {  	[dreg:$0x4] =	wrdreg $0x9  }
0xb1: {  	_ =	task.clear_ibuf [dreg:s6], $0x5FFFF;
	_ =	strace $0x9000004C  }
0xb2: {  	s29 =	simm.s32 $0x9;
	_ =	strace $0x8000004E  }
0xb3: {  	_ =	swait.ge [sflag:s29], $0x1  }
0xb4: {  	[sflag:s29] =	ssyncadd.s32 $0xFFFFFFFF  }
0xb5: {  	_ =	strace $0x9000004E  }
0xb6: {  	_ =	sfence  }
0xb7: {  	s30 =	sld [smem:$0x0];
	_ =	sdelay $0x2  }
0xb8: {  	s31 =	sshll.u32 s1, $0xD;
	s1 =	sshrl.u32 s1, $0x2  }
0xb9: {  	s3 =	sand.u32 $0x4000, s31;
	s1 =	sadd.s32 s1, s30  }
0xba: {  	s0 =	sor.u32 s3, s0;
	s1 =	sshll.u32 s1, $0x11  }
0xbb: {  	s0 =	sor.u32 s1, s0  }
0xbc: {  	s0 =	sadd.s32 $0x8F2B, s0  }
0xbd: {  	[sflag:s0] =	ssyncadd.remote.s32 $0x1  }
0xbe: {  	_ =	sfence.sel $0xFFFF  }
0xbf: {  	[dreg:$0x0] =	wrdreg $0xFFFFFFFF;
	(pc) =	sbr.abs _section_cstart, $3  }
0xc0: {  	[dreg:$0x1] =	wrdreg $0xFFFFFFFF  }
0xc1: {  	_ =	task.clear_ibuf [dreg:s6], $0x2FFFF;
	_ =	strace $0x9FFFFFFF  }
0xc2: {  	(tm) =	ssettm $0x7FFFFFFF  }
0xc3: {  	_ =	shalt  }
tec
execute0_lowered:
.L_overlay_start_1:
0x0: {  	(tag) =	ssettag $0x1  }
0x1: {  	s0 =	rddreg [dreg:$0x0]  }
0x2: {  	s1 =	rddreg [dreg:$0x1];
	s2 =	srdreg.scid;
	s4 =	simm.s32 $0x0  }
0x3: {  	s8 =	stileid.u32;
	s15 =	simm.s32 $0x9;
	s17 =	simm.s32 $0x9E20  }
0x4: {  	s18 =	simm.s32 $0x50;
	s19 =	simm.s32 $0x4E20;
	s20 =	simm.s32 $0x6220  }
0x5: {  	s22 =	simm.s32 $0x7620;
	s24 =	simm.s32 $0x8A20;
	s28 =	simm.s32 $0x5  }
0x6: {  	s29 =	simm.s32 $0x2;
	s30 =	simm.s32 $0x6;
	s31 =	simm.s32 $0x3  }
0x7: {  	s16 =	simm.s32 $0x4;
	s21 =	simm.s32 $0x8;
	s10 =	smul.u32 $0xA000, s8  }
0x8: {  	s23 =	simm.s32 $0x0;
	s2 =	sand.u32 $0x1, s2;
	s6 =	smul.u32 $0x4E2, s8  }
0x9: {  	[smem:$0x7FF] =	sst s4;
	s4 =	sadd.s32 $0x46C00, s0;
	s8 =	smul.u32 $0x28000, s8  }
0xa: {  	s5 =	sadd.s32 $0x33200, s0;
	s3 =	smul.u32 $0xA0000, s2;
	_ =	strace $0x8000004D  }
0xb: {  	s7 =	ssub.s32 $0x2, s2;
	p0 =	seq.s32 s2, $0x1;
	s9 =	sadd.s32 s6, s0  }
0xc: {  	s25 =	sshrl.u32 s7, $0x1;
	s8 =	sshrl.u32 s8, $0x2;
	s26 =	sadd.s32 s10, s1  }
0xd: {  	s3 =	sadd.s32 s10, s3;
	s6 =	sadd.s32 $0x2000, s9;
	s8 =	sadd.s32 s8, s1  }
.Ltmp0:
0xe: {  	s3 =	sshrl.u32 s3, $0x3;
	[dreg:$0x3] =	wrdreg s6;
	(pc) =	sbr.rel .LBB2_1-.Ltmp0, $4  }
0xf: {  	s11 =	sadd.s32 $0x2000, s8;
	s12 =	sadd.s32 $0x4000, s8;
	s13 =	sadd.s32 $0x6000, s8  }
0x10: {  	s14 =	sadd.s32 $0x8000, s8;
	s0 =	sadd.s32 s3, s0;
	s3 =	ssub.s32 s7, s25  }
0x11: {  	s7 =	sadd.s32 $0x7000, s9;
	s25 =	sshrl.u32 s26, $0x3;
	s26 =	simm.s32 $0x1  }
0x12: {  	v0 =	vimm.f32 $0.0e+00;
	s9 =	sadd.s32 $0x5A600, s0;
	s10 =	smax.u32 s3, $0x1;
	s0 =	simm.s32 $0x7  }
.LBB2_6:
0x13: {  	[tilespmem:s24], [sflag:$0x4] =	stream.indirect.gather [hbm4b:s4+s18], $0x40, s3, s18, $0xb8;
	[tilespmem:$0x15E20] =	vst v63  }
0x14: {  	_ =	swait.ge [sflag:s26], $0x1400  }
0x15: {  	[sflag:s26] =	ssyncset.done $0x0  }
0x16: {  	s2 =	simm.s32 $0x4C90;
	[sflag:s26] =	ssyncadd.s32 $0xFFFFEC00  }
0x17: {  	[spmem:s1] =	stream.indirect.scatter.add.f32 [tilespmem:s19], [sflag:$0x5], $0x40, s2, s18, $0xb8;
	[tilespmem:$0x15E20] =	vst v63  }
0x18: {  	_ =	swait.ge [sflag:s28], $0x1400  }
0x19: {  	[sflag:s28] =	ssyncset.done $0x0  }
0x1a: {  	s6 =	simm.s32 $0x26C0;
	[sflag:s28] =	ssyncadd.s32 $0xFFFFEC00  }
0x1b: {  	[tilespmem:s19], [sflag:$0x1] =	stream.indirect.gather [hbm4b:s4+s18], $0x40, s6, s18, $0xb8;
	[tilespmem:$0x15E20] =	vst v63  }
.LBB2_10:
0x1c: {  	_ =	swait.ge [sflag:s29], $0x1400  }
0x1d: {  	[sflag:s29] =	ssyncset.done $0x0  }
0x1e: {  	s2 =	simm.s32 $0x4CE0;
	[sflag:s29] =	ssyncadd.s32 $0xFFFFEC00  }
0x1f: {  	[spmem:s1] =	stream.indirect.scatter.add.f32 [tilespmem:s20], [sflag:$0x6], $0x40, s2, s18, $0xb8;
	[tilespmem:$0x15E20] =	vst v63  }
0x20: {  	_ =	swait.ge [sflag:s30], $0x1400  }
0x21: {  	[sflag:s30] =	ssyncset.done $0x0  }
0x22: {  	[sflag:s30] =	ssyncadd.s32 $0xFFFFEC00  }
0x23: {  	_ =	swait.ge [sflag:s31], $0x1400  }
0x24: {  	[sflag:s31] =	ssyncset.done $0x0  }
0x25: {  	s3 =	simm.s32 $0x4D30;
	[sflag:s31] =	ssyncadd.s32 $0xFFFFEC00  }
0x26: {  	[spmem:s1] =	stream.indirect.scatter.add.f32 [tilespmem:s22], [sflag:$0x7], $0x40, s3, s18, $0xb8;
	[tilespmem:$0x15E20] =	vst v63  }
0x27: {  	_ =	swait.ge [sflag:s0], $0x1400  }
0x28: {  	[sflag:s0] =	ssyncset.done $0x0  }
0x29: {  	[sflag:s0] =	ssyncadd.s32 $0xFFFFEC00  }
0x2a: {  	_ =	swait.ge [sflag:s16], $0x1400  }
0x2b: {  	[sflag:s16] =	ssyncset.done $0x0  }
0x2c: {  	s6 =	simm.s32 $0x4D80;
	[sflag:s16] =	ssyncadd.s32 $0xFFFFEC00  }
0x2d: {  	[spmem:s1] =	stream.indirect.scatter.add.f32 [tilespmem:s24], [sflag:$0x8], $0x40, s6, s18, $0xb8;
	[tilespmem:$0x15E20] =	vst v63  }
0x2e: {  	_ =	swait.ge [sflag:s21], $0x1400  }
0x2f: {  	[sflag:s21] =	ssyncset.done $0x0  }
0x30: {  	[sflag:s21] =	ssyncadd.s32 $0xFFFFEC00  }
0x31: {  	_ =	swait.ge [sflag:s26], $0x1400  }
0x32: {  	[sflag:s26] =	ssyncset.done $0x0  }
0x33: {  	s3 =	simm.s32 $0x4DD0;
	[sflag:s26] =	ssyncadd.s32 $0xFFFFEC00  }
0x34: {  	[spmem:s1] =	stream.indirect.scatter.add.f32 [tilespmem:s19], [sflag:$0x9], $0x40, s3, s18, $0xb8;
	[tilespmem:$0x15E20] =	vst v63  }
0x35: {  	_ =	swait.ge [sflag:s15], $0x1400  }
0x36: {  	s23 =	sadd.s32 $0x1, s23;
	s6 =	stileid.u32;
	[sflag:s15] =	ssyncset.done $0x0  }
0x37: {  	p1 =	sne.s32 s23, s10;
	s2 =	sshll.u32 s6, $0x6;
	[sflag:s15] =	ssyncadd.s32 $0xFFFFEC00  }
.Ltmp1:
0x38: {  	s2 =	sor.u32 $0x1C09, s2;
	[bflag:$0x0] =	sbarrier.arrive $0xFFFF;
	(pc) =	sbr.rel @!p1 .LBB2_11-.Ltmp1, $4  }
0x39: {  	[hbm:s9], [sflag:s2] =	dma.local [spmem:s25], $0x1400  }
0x3a: {  	_ =	swait.ge [sflag:s15], $0x1400  }
0x3b: {  	[sflag:s15] =	ssyncset.done $0x0  }
0x3c: {  	[sflag:s15] =	ssyncadd.s32 $0xFFFFEC00  }
.LBB2_1:
0x3d: {  	s2 =	simm.s32 $0x0;
	s3 =	rddreg [dreg:$0x3]  }
0x3e: {  	[tilespmem:s2], [sflag:$0x9] =	stream.linear.gather [hbm4b:s3+s2], $0x2710, $0x38;
	[tilespmem:$0x15E20] =	vst v63  }
0x3f: {  	_ =	swait.ge [sflag:s15], $0x2710  }
0x40: {  	[sflag:s15] =	ssyncset.done $0x0  }
0x41: {  	s6 =	simm.s32 $0x2710;
	[sflag:s15] =	ssyncadd.s32 $0xFFFFD8F0  }
0x42: {  	[tilespmem:s6], [sflag:$0x9] =	stream.linear.gather [hbm4b:s7+s2], $0x2710, $0x38;
	[tilespmem:$0x15E20] =	vst v63  }
0x43: {  	_ =	swait.ge [sflag:s15], $0x2710  }
0x44: {  	[sflag:s15] =	ssyncset.done $0x0  }
0x45: {  	s3 =	simm.s32 $0x100;
	s2 =	simm.s32 $0x0;
	[sflag:s15] =	ssyncadd.s32 $0xFFFFD8F0  }
.LBB2_2:
0x46: {  	p1 =	sne.s32 s3, $0x7F00;
	[tilespmem:s2+$0x9E50] =	vst v0;
	s6 =	smov.u32 s3;
	s3 =	sadd.s32 $0x100, s3  }
.Ltmp2:
0x47: {  	[tilespmem:s2+$0x9E40] =	vst v0;
	(pc) =	sbr.rel @p1 .LBB2_2-.Ltmp2, $3  }
0x48: {  	[tilespmem:s2+$0x9E20] =	vst v0  }
0x49: {  	[tilespmem:s2+$0x9E30] =	vst v0;
	_ =	sdelay $0x1  }
0x4a: {  	s2 =	sshra.s32 s6, $0x2  }
0x4b: {  	[tilespmem:s2+$0x9E50] =	vst v0  }
0x4c: {  	[tilespmem:s2+$0x9E40] =	vst v0  }
0x4d: {  	[tilespmem:s2+$0x9E20] =	vst v0  }
0x4e: {  	[tilespmem:s2+$0x9E30] =	vst v0  }
0x4f: {  	[spmem:s8] =	stream.linear.scatter [tilespmem:s17], [sflag:$0x9], $0x2000, $0x38;
	[tilespmem:$0x15E20] =	vst v63  }
0x50: {  	_ =	swait.ge [sflag:s15], $0x2000  }
0x51: {  	[sflag:s15] =	ssyncset.done $0x0  }
0x52: {  	[sflag:s15] =	ssyncadd.s32 $0xFFFFE000  }
0x53: {  	[spmem:s11] =	stream.linear.scatter [tilespmem:s17], [sflag:$0x9], $0x2000, $0x38;
	[tilespmem:$0x15E20] =	vst v63  }
0x54: {  	_ =	swait.ge [sflag:s15], $0x2000  }
0x55: {  	[sflag:s15] =	ssyncset.done $0x0  }
0x56: {  	[sflag:s15] =	ssyncadd.s32 $0xFFFFE000  }
0x57: {  	[spmem:s12] =	stream.linear.scatter [tilespmem:s17], [sflag:$0x9], $0x2000, $0x38;
	[tilespmem:$0x15E20] =	vst v63  }
0x58: {  	_ =	swait.ge [sflag:s15], $0x2000  }
0x59: {  	[sflag:s15] =	ssyncset.done $0x0  }
0x5a: {  	[sflag:s15] =	ssyncadd.s32 $0xFFFFE000  }
0x5b: {  	[spmem:s13] =	stream.linear.scatter [tilespmem:s17], [sflag:$0x9], $0x2000, $0x38;
	[tilespmem:$0x15E20] =	vst v63  }
0x5c: {  	_ =	swait.ge [sflag:s15], $0x2000  }
0x5d: {  	[sflag:s15] =	ssyncset.done $0x0  }
0x5e: {  	[sflag:s15] =	ssyncadd.s32 $0xFFFFE000  }
0x5f: {  	[spmem:s14] =	stream.linear.scatter [tilespmem:s17], [sflag:$0x9], $0x2000, $0x38;
	[tilespmem:$0x15E20] =	vst v63  }
.Ltmp3:
0x60: {  	_ =	swait.ge [sflag:s15], $0x2000;
	(pc) =	sbr.rel @!p0 .LBB2_4-.Ltmp3, $4  }
0x61: {  	[sflag:s15] =	ssyncset.done $0x0  }
0x62: {  	[sflag:s15] =	ssyncadd.s32 $0xFFFFE000  }
0x63: {  	[bflag:$0x0] =	sbarrier.arrive $0xFFFF  }
0x64: {  	s2 =	simm.s32 $0x0  }
0x65: {  	[tilespmem:s19], [sflag:$0x1] =	stream.indirect.gather [hbm4b:s5+s18], $0x40, s2, s18, $0xb8;
	[tilespmem:$0x15E20] =	vst v63  }
0x66: {  	_ = 	snop  }
0x67: {  	[tilespmem:s20], [sflag:$0x2] =	stream.indirect.gather [hbm4b:s5+s18], $0x40, s18, s18, $0xb8;
	[tilespmem:$0x15E20] =	vst v63  }
0x68: {  	s6 =	simm.s32 $0xA0  }
0x69: {  	[tilespmem:s22], [sflag:$0x3] =	stream.indirect.gather [hbm4b:s5+s18], $0x40, s6, s18, $0xb8;
	[tilespmem:$0x15E20] =	vst v63  }
0x6a: {  	s3 =	simm.s32 $0xF0  }
0x6b: {  	[tilespmem:s24], [sflag:$0x4] =	stream.indirect.gather [hbm4b:s5+s18], $0x40, s3, s18, $0xb8;
	[tilespmem:$0x15E20] =	vst v63  }
0x6c: {  	_ =	swait.ge [sflag:s26], $0x1400  }
0x6d: {  	[sflag:s26] =	ssyncset.done $0x0  }
0x6e: {  	s6 =	simm.s32 $0x2710;
	[sflag:s26] =	ssyncadd.s32 $0xFFFFEC00  }
0x6f: {  	[spmem:s1] =	stream.indirect.scatter.add.f32 [tilespmem:s19], [sflag:$0x5], $0x40, s6, s18, $0xb8;
	[tilespmem:$0x15E20] =	vst v63  }
0x70: {  	_ =	swait.ge [sflag:s28], $0x1400  }
0x71: {  	[sflag:s28] =	ssyncset.done $0x0  }
0x72: {  	s3 =	simm.s32 $0x140;
	[sflag:s28] =	ssyncadd.s32 $0xFFFFEC00  }
0x73: {  	[tilespmem:s19], [sflag:$0x1] =	stream.indirect.gather [hbm4b:s5+s18], $0x40, s3, s18, $0xb8;
	[tilespmem:$0x15E20] =	vst v63  }
0x74: {  	_ =	swait.ge [sflag:s29], $0x1400  }
0x75: {  	[sflag:s29] =	ssyncset.done $0x0  }
0x76: {  	s6 =	simm.s32 $0x2760;
	[sflag:s29] =	ssyncadd.s32 $0xFFFFEC00  }
0x77: {  	[spmem:s1] =	stream.indirect.scatter.add.f32 [tilespmem:s20], [sflag:$0x6], $0x40, s6, s18, $0xb8;
	[tilespmem:$0x15E20] =	vst v63  }
0x78: {  	_ =	swait.ge [sflag:s30], $0x1400  }
0x79: {  	[sflag:s30] =	ssyncset.done $0x0  }
0x7a: {  	s3 =	simm.s32 $0x190;
	[sflag:s30] =	ssyncadd.s32 $0xFFFFEC00  }
0x7b: {  	[tilespmem:s20], [sflag:$0x2] =	stream.indirect.gather [hbm4b:s5+s18], $0x40, s3, s18, $0xb8;
	[tilespmem:$0x15E20] =	vst v63  }
0x7c: {  	_ =	swait.ge [sflag:s31], $0x1400  }
0x7d: {  	[sflag:s31] =	ssyncset.done $0x0  }
0x7e: {  	s6 =	simm.s32 $0x27B0;
	[sflag:s31] =	ssyncadd.s32 $0xFFFFEC00  }
0x7f: {  	[spmem:s1] =	stream.indirect.scatter.add.f32 [tilespmem:s22], [sflag:$0x7], $0x40, s6, s18, $0xb8;
	[tilespmem:$0x15E20] =	vst v63  }
0x80: {  	_ =	swait.ge [sflag:s0], $0x1400  }
0x81: {  	[sflag:s0] =	ssyncset.done $0x0  }
0x82: {  	s3 =	simm.s32 $0x1E0;
	[sflag:s0] =	ssyncadd.s32 $0xFFFFEC00  }
0x83: {  	[tilespmem:s22], [sflag:$0x3] =	stream.indirect.gather [hbm4b:s5+s18], $0x40, s3, s18, $0xb8;
	[tilespmem:$0x15E20] =	vst v63  }
0x84: {  	_ =	swait.ge [sflag:s16], $0x1400  }
0x85: {  	[sflag:s16] =	ssyncset.done $0x0  }
0x86: {  	s6 =	simm.s32 $0x2800;
	[sflag:s16] =	ssyncadd.s32 $0xFFFFEC00  }
0x87: {  	[spmem:s1] =	stream.indirect.scatter.add.f32 [tilespmem:s24], [sflag:$0x8], $0x40, s6, s18, $0xb8;
	[tilespmem:$0x15E20] =	vst v63  }
0x88: {  	_ =	swait.ge [sflag:s21], $0x1400  }
0x89: {  	[sflag:s21] =	ssyncset.done $0x0  }
0x8a: {  	s2 =	simm.s32 $0x500;
	s3 =	simm.s32 $0x230;
	[sflag:s21] =	ssyncadd.s32 $0xFFFFEC00  }
.LBB2_8:
0x8b: {  	[tilespmem:s24], [sflag:$0x4] =	stream.indirect.gather [hbm4b:s5+s18], $0x40, s3, s18, $0xb8;
	[tilespmem:$0x15E20] =	vst v63  }
0x8c: {  	s3 =	smov.u32 s2  }
0x8d: {  	p1 =	sne.s32 s2, $0x9100;
	s2 =	sadd.s32 $0x500, s2;
	_ =	swait.ge [sflag:s26], $0x1400  }
0x8e: {  	s3 =	sshra.s32 s3, $0x2;
	[sflag:s26] =	ssyncset.done $0x0  }
0x8f: {  	s6 =	sadd.s32 $0x2710, s3;
	[sflag:s26] =	ssyncadd.s32 $0xFFFFEC00  }
0x90: {  	[spmem:s1] =	stream.indirect.scatter.add.f32 [tilespmem:s19], [sflag:$0x5], $0x40, s6, s18, $0xb8;
	[tilespmem:$0x15E20] =	vst v63  }
0x91: {  	_ =	swait.ge [sflag:s28], $0x1400  }
0x92: {  	[sflag:s28] =	ssyncset.done $0x0  }
0x93: {  	s6 =	sadd.s32 $0x140, s3;
	[sflag:s28] =	ssyncadd.s32 $0xFFFFEC00  }
0x94: {  	[tilespmem:s19], [sflag:$0x1] =	stream.indirect.gather [hbm4b:s5+s18], $0x40, s6, s18, $0xb8;
	[tilespmem:$0x15E20] =	vst v63  }
0x95: {  	_ =	swait.ge [sflag:s29], $0x1400  }
0x96: {  	[sflag:s29] =	ssyncset.done $0x0  }
0x97: {  	s6 =	sadd.s32 $0x2760, s3;
	[sflag:s29] =	ssyncadd.s32 $0xFFFFEC00  }
0x98: {  	[spmem:s1] =	stream.indirect.scatter.add.f32 [tilespmem:s20], [sflag:$0x6], $0x40, s6, s18, $0xb8;
	[tilespmem:$0x15E20] =	vst v63  }
0x99: {  	_ =	swait.ge [sflag:s30], $0x1400  }
0x9a: {  	[sflag:s30] =	ssyncset.done $0x0  }
0x9b: {  	s6 =	sadd.s32 $0x190, s3;
	[sflag:s30] =	ssyncadd.s32 $0xFFFFEC00  }
0x9c: {  	[tilespmem:s20], [sflag:$0x2] =	stream.indirect.gather [hbm4b:s5+s18], $0x40, s6, s18, $0xb8;
	[tilespmem:$0x15E20] =	vst v63  }
0x9d: {  	_ =	swait.ge [sflag:s31], $0x1400  }
0x9e: {  	[sflag:s31] =	ssyncset.done $0x0  }
0x9f: {  	s6 =	sadd.s32 $0x27B0, s3;
	[sflag:s31] =	ssyncadd.s32 $0xFFFFEC00  }
0xa0: {  	[spmem:s1] =	stream.indirect.scatter.add.f32 [tilespmem:s22], [sflag:$0x7], $0x40, s6, s18, $0xb8;
	[tilespmem:$0x15E20] =	vst v63  }
0xa1: {  	_ =	swait.ge [sflag:s0], $0x1400  }
0xa2: {  	[sflag:s0] =	ssyncset.done $0x0  }
0xa3: {  	s6 =	sadd.s32 $0x1E0, s3;
	[sflag:s0] =	ssyncadd.s32 $0xFFFFEC00  }
0xa4: {  	[tilespmem:s22], [sflag:$0x3] =	stream.indirect.gather [hbm4b:s5+s18], $0x40, s6, s18, $0xb8;
	[tilespmem:$0x15E20] =	vst v63  }
0xa5: {  	_ =	swait.ge [sflag:s16], $0x1400  }
0xa6: {  	[sflag:s16] =	ssyncset.done $0x0  }
.Ltmp4:
0xa7: {  	s6 =	sadd.s32 $0x2800, s3;
	[sflag:s16] =	ssyncadd.s32 $0xFFFFEC00;
	(pc) =	sbr.rel @p1 .LBB2_8-.Ltmp4, $4  }
0xa8: {  	[spmem:s1] =	stream.indirect.scatter.add.f32 [tilespmem:s24], [sflag:$0x8], $0x40, s6, s18, $0xb8;
	[tilespmem:$0x15E20] =	vst v63  }
0xa9: {  	_ =	swait.ge [sflag:s21], $0x1400  }
0xaa: {  	[sflag:s21] =	ssyncset.done $0x0  }
0xab: {  	s3 =	sadd.s32 $0x230, s3;
	[sflag:s21] =	ssyncadd.s32 $0xFFFFEC00  }
0xac: {  	[tilespmem:s24], [sflag:$0x4] =	stream.indirect.gather [hbm4b:s5+s18], $0x40, s3, s18, $0xb8;
	[tilespmem:$0x15E20] =	vst v63  }
0xad: {  	_ =	swait.ge [sflag:s26], $0x1400  }
0xae: {  	[sflag:s26] =	ssyncset.done $0x0  }
0xaf: {  	s2 =	simm.s32 $0x4C90;
	[sflag:s26] =	ssyncadd.s32 $0xFFFFEC00  }
0xb0: {  	[spmem:s1] =	stream.indirect.scatter.add.f32 [tilespmem:s19], [sflag:$0x5], $0x40, s2, s18, $0xb8;
	[tilespmem:$0x15E20] =	vst v63  }
.Ltmp5:
0xb1: {  	_ = 	snop;
	(pc) =	sbr.rel .LBB2_10-.Ltmp5, $4  }
0xb2: {  	_ =	swait.ge [sflag:s28], $0x1400  }
0xb3: {  	[sflag:s28] =	ssyncset.done $0x0  }
0xb4: {  	s6 =	simm.s32 $0x26C0;
	[sflag:s28] =	ssyncadd.s32 $0xFFFFEC00  }
0xb5: {  	[tilespmem:s19], [sflag:$0x1] =	stream.indirect.gather [hbm4b:s5+s18], $0x40, s6, s18, $0xb8;
	[tilespmem:$0x15E20] =	vst v63  }
.LBB2_4:
0xb6: {  	[tilespmem:s19], [sflag:$0x1] =	stream.indirect.gather [hbm4b:s4+s18], $0x40, s2, s18, $0xb8;
	[tilespmem:$0x15E20] =	vst v63  }
0xb7: {  	_ = 	snop  }
0xb8: {  	[tilespmem:s20], [sflag:$0x2] =	stream.indirect.gather [hbm4b:s4+s18], $0x40, s18, s18, $0xb8;
	[tilespmem:$0x15E20] =	vst v63  }
0xb9: {  	s6 =	simm.s32 $0xA0  }
0xba: {  	[tilespmem:s22], [sflag:$0x3] =	stream.indirect.gather [hbm4b:s4+s18], $0x40, s6, s18, $0xb8;
	[tilespmem:$0x15E20] =	vst v63  }
0xbb: {  	s3 =	simm.s32 $0xF0  }
0xbc: {  	[tilespmem:s24], [sflag:$0x4] =	stream.indirect.gather [hbm4b:s4+s18], $0x40, s3, s18, $0xb8;
	[tilespmem:$0x15E20] =	vst v63  }
0xbd: {  	_ =	swait.ge [sflag:s26], $0x1400  }
0xbe: {  	[sflag:s26] =	ssyncset.done $0x0  }
0xbf: {  	s6 =	simm.s32 $0x2710;
	[sflag:s26] =	ssyncadd.s32 $0xFFFFEC00  }
0xc0: {  	[spmem:s1] =	stream.indirect.scatter.add.f32 [tilespmem:s19], [sflag:$0x5], $0x40, s6, s18, $0xb8;
	[tilespmem:$0x15E20] =	vst v63  }
0xc1: {  	_ =	swait.ge [sflag:s28], $0x1400  }
0xc2: {  	[sflag:s28] =	ssyncset.done $0x0  }
0xc3: {  	s3 =	simm.s32 $0x140;
	[sflag:s28] =	ssyncadd.s32 $0xFFFFEC00  }
0xc4: {  	[tilespmem:s19], [sflag:$0x1] =	stream.indirect.gather [hbm4b:s4+s18], $0x40, s3, s18, $0xb8;
	[tilespmem:$0x15E20] =	vst v63  }
0xc5: {  	_ =	swait.ge [sflag:s29], $0x1400  }
0xc6: {  	[sflag:s29] =	ssyncset.done $0x0  }
0xc7: {  	s6 =	simm.s32 $0x2760;
	[sflag:s29] =	ssyncadd.s32 $0xFFFFEC00  }
0xc8: {  	[spmem:s1] =	stream.indirect.scatter.add.f32 [tilespmem:s20], [sflag:$0x6], $0x40, s6, s18, $0xb8;
	[tilespmem:$0x15E20] =	vst v63  }
0xc9: {  	_ =	swait.ge [sflag:s30], $0x1400  }
0xca: {  	[sflag:s30] =	ssyncset.done $0x0  }
0xcb: {  	s3 =	simm.s32 $0x190;
	[sflag:s30] =	ssyncadd.s32 $0xFFFFEC00  }
0xcc: {  	[tilespmem:s20], [sflag:$0x2] =	stream.indirect.gather [hbm4b:s4+s18], $0x40, s3, s18, $0xb8;
	[tilespmem:$0x15E20] =	vst v63  }
0xcd: {  	_ =	swait.ge [sflag:s31], $0x1400  }
0xce: {  	[sflag:s31] =	ssyncset.done $0x0  }
0xcf: {  	s6 =	simm.s32 $0x27B0;
	[sflag:s31] =	ssyncadd.s32 $0xFFFFEC00  }
0xd0: {  	[spmem:s1] =	stream.indirect.scatter.add.f32 [tilespmem:s22], [sflag:$0x7], $0x40, s6, s18, $0xb8;
	[tilespmem:$0x15E20] =	vst v63  }
0xd1: {  	_ =	swait.ge [sflag:s0], $0x1400  }
0xd2: {  	[sflag:s0] =	ssyncset.done $0x0  }
0xd3: {  	s3 =	simm.s32 $0x1E0;
	[sflag:s0] =	ssyncadd.s32 $0xFFFFEC00  }
0xd4: {  	[tilespmem:s22], [sflag:$0x3] =	stream.indirect.gather [hbm4b:s4+s18], $0x40, s3, s18, $0xb8;
	[tilespmem:$0x15E20] =	vst v63  }
0xd5: {  	_ =	swait.ge [sflag:s16], $0x1400  }
0xd6: {  	[sflag:s16] =	ssyncset.done $0x0  }
0xd7: {  	s6 =	simm.s32 $0x2800;
	[sflag:s16] =	ssyncadd.s32 $0xFFFFEC00  }
0xd8: {  	[spmem:s1] =	stream.indirect.scatter.add.f32 [tilespmem:s24], [sflag:$0x8], $0x40, s6, s18, $0xb8;
	[tilespmem:$0x15E20] =	vst v63  }
0xd9: {  	_ =	swait.ge [sflag:s21], $0x1400  }
0xda: {  	[sflag:s21] =	ssyncset.done $0x0  }
0xdb: {  	s2 =	simm.s32 $0x500;
	s3 =	simm.s32 $0x230;
	[sflag:s21] =	ssyncadd.s32 $0xFFFFEC00  }
.LBB2_5:
0xdc: {  	[tilespmem:s24], [sflag:$0x4] =	stream.indirect.gather [hbm4b:s4+s18], $0x40, s3, s18, $0xb8;
	[tilespmem:$0x15E20] =	vst v63  }
0xdd: {  	s3 =	smov.u32 s2  }
0xde: {  	p1 =	sne.s32 s2, $0x9100;
	s2 =	sadd.s32 $0x500, s2;
	_ =	swait.ge [sflag:s26], $0x1400  }
0xdf: {  	s3 =	sshra.s32 s3, $0x2;
	[sflag:s26] =	ssyncset.done $0x0  }
0xe0: {  	s6 =	sadd.s32 $0x2710, s3;
	[sflag:s26] =	ssyncadd.s32 $0xFFFFEC00  }
0xe1: {  	[spmem:s1] =	stream.indirect.scatter.add.f32 [tilespmem:s19], [sflag:$0x5], $0x40, s6, s18, $0xb8;
	[tilespmem:$0x15E20] =	vst v63  }
0xe2: {  	_ =	swait.ge [sflag:s28], $0x1400  }
0xe3: {  	[sflag:s28] =	ssyncset.done $0x0  }
0xe4: {  	s6 =	sadd.s32 $0x140, s3;
	[sflag:s28] =	ssyncadd.s32 $0xFFFFEC00  }
0xe5: {  	[tilespmem:s19], [sflag:$0x1] =	stream.indirect.gather [hbm4b:s4+s18], $0x40, s6, s18, $0xb8;
	[tilespmem:$0x15E20] =	vst v63  }
0xe6: {  	_ =	swait.ge [sflag:s29], $0x1400  }
0xe7: {  	[sflag:s29] =	ssyncset.done $0x0  }
0xe8: {  	s6 =	sadd.s32 $0x2760, s3;
	[sflag:s29] =	ssyncadd.s32 $0xFFFFEC00  }
0xe9: {  	[spmem:s1] =	stream.indirect.scatter.add.f32 [tilespmem:s20], [sflag:$0x6], $0x40, s6, s18, $0xb8;
	[tilespmem:$0x15E20] =	vst v63  }
0xea: {  	_ =	swait.ge [sflag:s30], $0x1400  }
0xeb: {  	[sflag:s30] =	ssyncset.done $0x0  }
0xec: {  	s6 =	sadd.s32 $0x190, s3;
	[sflag:s30] =	ssyncadd.s32 $0xFFFFEC00  }
0xed: {  	[tilespmem:s20], [sflag:$0x2] =	stream.indirect.gather [hbm4b:s4+s18], $0x40, s6, s18, $0xb8;
	[tilespmem:$0x15E20] =	vst v63  }
0xee: {  	_ =	swait.ge [sflag:s31], $0x1400  }
0xef: {  	[sflag:s31] =	ssyncset.done $0x0  }
0xf0: {  	s6 =	sadd.s32 $0x27B0, s3;
	[sflag:s31] =	ssyncadd.s32 $0xFFFFEC00  }
0xf1: {  	[spmem:s1] =	stream.indirect.scatter.add.f32 [tilespmem:s22], [sflag:$0x7], $0x40, s6, s18, $0xb8;
	[tilespmem:$0x15E20] =	vst v63  }
0xf2: {  	_ =	swait.ge [sflag:s0], $0x1400  }
0xf3: {  	[sflag:s0] =	ssyncset.done $0x0  }
0xf4: {  	s6 =	sadd.s32 $0x1E0, s3;
	[sflag:s0] =	ssyncadd.s32 $0xFFFFEC00  }
0xf5: {  	[tilespmem:s22], [sflag:$0x3] =	stream.indirect.gather [hbm4b:s4+s18], $0x40, s6, s18, $0xb8;
	[tilespmem:$0x15E20] =	vst v63  }
0xf6: {  	_ =	swait.ge [sflag:s16], $0x1400  }
0xf7: {  	[sflag:s16] =	ssyncset.done $0x0  }
.Ltmp6:
0xf8: {  	s6 =	sadd.s32 $0x2800, s3;
	[sflag:s16] =	ssyncadd.s32 $0xFFFFEC00;
	(pc) =	sbr.rel @p1 .LBB2_5-.Ltmp6, $4  }
0xf9: {  	[spmem:s1] =	stream.indirect.scatter.add.f32 [tilespmem:s24], [sflag:$0x8], $0x40, s6, s18, $0xb8;
	[tilespmem:$0x15E20] =	vst v63  }
0xfa: {  	_ =	swait.ge [sflag:s21], $0x1400  }
0xfb: {  	[sflag:s21] =	ssyncset.done $0x0  }
0xfc: {  	s3 =	sadd.s32 $0x230, s3;
	[sflag:s21] =	ssyncadd.s32 $0xFFFFEC00  }
.Ltmp7:
0xfd: {  	_ = 	snop;
	(pc) =	sbr.rel .LBB2_6-.Ltmp7, $1  }
0xfe: {  	_ =	sdelay $0x3  }
.LBB2_11:
0xff: {  	_ =	sfence.sel $0x180000  }
0x100: {  	[bflag:$0x0] =	sbarrier.arrive $0xFFFF  }
0x101: {  	_ =	strace $0x9000004D  }
0x102: {  	s0 =	stileid.u32;
	[bflag:$0x2] =	sbarrier.arrive $0xFFFF  }
0x103: {  	p0 =	sne.s32 s0, $0x0;
	s0 =	rddreg [dreg:$0x2]  }
0x104: {  	s0 =	sadd.s32 @!p0 $0x100000, s0  }
0x105: {  	[sflag:s0] =	ssyncadd.tile.s32 @!p0 $0x1;
	_ =	shalt  }
.Lfunc_end2:
_tile_overlayer_lowered:
.L_overlay_start_2:
0x106: {  	(tag) =	ssettag $0x2  }
0x107: {  	s0 =	rddreg [dreg:$0x0];
	s2 =	stileid.u32  }
0x108: {  	s1 =	rddreg [dreg:$0x1];
	p0 =	sne.s32 s2, $0x0  }
0x109: {  	s3 =	rddreg [dreg:$0x2];
	[bflag:$0x3] =	sbarrier.arrive $0xFFFF;
	s2 =	simm.s32 @!p0 $0x1C09  }
0x10a: {  	[timem:s3], [sflag:s2] =	dma.local @!p0 [hbm:s0], s1  }
0x10b: {  	s0 =	simm.s32 @!p0 $0x9  }
0x10c: {  	_ =	swait.ge @!p0 [sflag:s0], s1  }
0x10d: {  	s1 =	ssub.s32 @!p0 $0x0, s1;
	[sflag:s0] =	ssyncset.done @!p0 $0x0  }
0x10e: {  	[sflag:s0] =	ssyncadd.s32 @!p0 s1  }
0x10f: {  	[bflag:$0x3] =	sbarrier.arrive $0xFFFF  }
0x110: {  	_ =	shalt  }

// kernel: kernel.19.cloned.1.call-start
scs
__scs_entry_jumppad:
0x0: {  	(pc) =	sbr.rel $0x88, $3  }
0x1: {  	(tag) =	ssettag $0x0;
	lr =	simm.s32 $0x1  }
0x2: {  	[smem:$0x3F9A] =	sst lr;
	_ =	strace $0xD0000000  }
0x3: {  	_ = 	snop  }
0x4: {  	_ = 	snop  }
0x5: {  	_ = 	snop  }
0x6: {  	_ = 	snop  }
0x7: {  	_ = 	snop  }
__scs_overlays_trampoline_lowered:
0x8: {  	[smem:$0x3FA9] =	sst s0  }
0x9: {  	[smem:$0x3FAA] =	sst s1  }
0xa: {  	[smem:$0x3FAB] =	sst s2  }
0xb: {  	[smem:$0x3FAC] =	sst s3  }
0xc: {  	[smem:$0x3FAD] =	sst s4  }
0xd: {  	[smem:$0x3FAE] =	sst s5  }
0xe: {  	[smem:$0x3FAF] =	sst s6  }
0xf: {  	[smem:$0x3FB0] =	sst s7  }
0x10: {  	[smem:$0x3FB1] =	sst s8  }
0x11: {  	[smem:$0x3FB2] =	sst s9;
	s0 =	simm.s32 @!p0 $0x0  }
0x12: {  	s1 =	sld [smem:$0x3F98];
	s0 =	simm.s32 @p0 $0x1  }
0x13: {  	[smem:$0x3FB3] =	sst s0;
	s0 =	simm.s32 @!p1 $0x0  }
0x14: {  	s2 =	sld [smem:$0x3F97];
	s0 =	simm.s32 @p1 $0x1  }
0x15: {  	[smem:$0x3FB4] =	sst s0;
	s0 =	simm.s32 @!p2 $0x0  }
0x16: {  	s3 =	sld [smem:$0x3FDB];
	s0 =	simm.s32 @p2 $0x1  }
0x17: {  	s4 =	simm.s32 $0x1BF5;
	[smem:$0x3FB6] =	sst s0  }
0x18: {  	s0 =	sld [smem:$0x3F99];
	_ =	swait.ge [sflag:s4], $0x0  }
0x19: {  	s7 =	sld [smem:$0x3F9A]  }
0x1a: {  	s8 =	sadd.s32 $0xFFFFE003, lr  }
0x1b: {  	s9 =	sadd.s32 $0xFFFFFEF7, lr;
	s5 =	simm.s32 $0xFFFFFFFF;
	p2 =	slt.u32 s8, $0xFFFFF086  }
0x1c: {  	p1 =	slt.u32 s9, $0xF7A;
	s5 =	simm.s32 @!p2 $0x0  }
0x1d: {  	s5 =	simm.s32 @p1 $0x1;
	p0 =	seq.s32 s7, s2  }
0x1e: {  	s7 =	smul.u32 @!p0 $0xF7A, s2;
	p2 =	seq.s32 @!p0 s5, $0x0  }
0x1f: {  	s9 =	smul.u32 $0xF7A, s1;
	s8 =	simm.s32 @!p0 $0x1BF5;
	p2 =	por !p2, p0  }
0x20: {  	[sflag:s8] =	ssyncset.s32 @!p0 $0xFFFFF086;
	s6 =	sadd.s32 @!p0 s3, s7;
	s7 =	simm.s32 @!p0 $0x108  }
0x21: {  	s3 =	sadd.s32 s3, s9;
	s6 =	sadd.s32 @!p0 $0x88, s6;
	s7 =	simm.s32 @p2 $0x1082  }
0x22: {  	[simem:s7], [sflag:s8] =	dma.local @!p0 [hbm:s6], $0xF7A  }
0x23: {  	s9 =	sor.u32 $0xD0000000, s2;
	s6 =	simm.s32 $0x108;
	_ =	swait.ge @!p0 [sflag:s8], $0x0  }
0x24: {  	s3 =	sadd.s32 $0x88, s3;
	s6 =	simm.s32 @!p1 $0x1082;
	[sflag:s4] =	ssyncset.s32 $0xFFFFF086  }
0x25: {  	[simem:s6], [sflag:s4] =	dma.local [hbm:s3], $0xF7A  }
0x26: {  	[smem:$0x3F9A] =	sst s1;
	(tag) =	ssettag s2;
	_ =	strace s9  }
0x27: {  	s1 =	sld [smem:$0x3FAA]  }
0x28: {  	s2 =	sld [smem:$0x3FAB]  }
0x29: {  	s4 =	sld [smem:$0x3FAD]  }
0x2a: {  	p0 =	seq.s32 s5, $0x0;
	s5 =	sld [smem:$0x3FAE]  }
0x2b: {  	s6 =	sld [smem:$0x3FAF]  }
0x2c: {  	s7 =	sld [smem:$0x3FB0]  }
0x2d: {  	s3 =	simm.s32 $0x108;
	s8 =	sld [smem:$0x3FB1]  }
0x2e: {  	s3 =	simm.s32 @!p0 $0x1082;
	s9 =	sld [smem:$0x3FB2]  }
0x2f: {  	lr =	sadd.s32 s0, s3;
	s0 =	sld [smem:$0x3FA9]  }
0x30: {  	s3 =	sld [smem:$0x3FAC]  }
0x31: {  	[smem:$0x3FB5] =	sst s10  }
0x32: {  	s10 =	sld [smem:$0x3FB3];
	_ =	sdelay $0x3  }
0x33: {  	p0 =	seq.s32 s10, $0x1;
	s10 =	sld [smem:$0x3FB5];
	_ =	sdelay $0x3  }
0x34: {  	[smem:$0x3FB5] =	sst s10  }
0x35: {  	s10 =	sld [smem:$0x3FB4];
	_ =	sdelay $0x3  }
0x36: {  	p1 =	seq.s32 s10, $0x1;
	s10 =	sld [smem:$0x3FB5];
	_ =	sdelay $0x3  }
0x37: {  	[smem:$0x3FB5] =	sst s10  }
0x38: {  	s10 =	sld [smem:$0x3FB6]  }
0x39: {  	_ = 	snop;
	(pc) =	sbr.ind lr, $3  }
0x3a: {  	_ = 	snop  }
0x3b: {  	_ = 	snop  }
0x3c: {  	p2 =	seq.s32 s10, $0x1;
	s10 =	sld [smem:$0x3FB5]  }
0x3d: {  	_ =	shalt  }
0x3e: {  	_ =	shalt  }
0x3f: {  	_ =	shalt  }
0x40: {  	_ =	shalt  }
0x41: {  	_ =	shalt  }
0x42: {  	_ =	shalt  }
0x43: {  	_ =	shalt  }
0x44: {  	_ =	shalt  }
0x45: {  	_ =	shalt  }
0x46: {  	_ =	shalt  }
0x47: {  	_ =	shalt  }
0x48: {  	_ =	shalt  }
0x49: {  	_ =	shalt  }
0x4a: {  	_ =	shalt  }
0x4b: {  	_ =	shalt  }
0x4c: {  	_ =	shalt  }
0x4d: {  	_ =	shalt  }
0x4e: {  	_ =	shalt  }
0x4f: {  	_ =	shalt  }
0x50: {  	_ =	shalt  }
0x51: {  	_ =	shalt  }
0x52: {  	_ =	shalt  }
0x53: {  	_ =	shalt  }
0x54: {  	_ =	shalt  }
0x55: {  	_ =	shalt  }
0x56: {  	_ =	shalt  }
0x57: {  	_ =	shalt  }
0x58: {  	_ =	shalt  }
0x59: {  	_ =	shalt  }
0x5a: {  	_ =	shalt  }
0x5b: {  	_ =	shalt  }
0x5c: {  	_ =	shalt  }
0x5d: {  	_ =	shalt  }
0x5e: {  	_ =	shalt  }
0x5f: {  	_ =	shalt  }
0x60: {  	_ =	shalt  }
0x61: {  	_ =	shalt  }
0x62: {  	_ =	shalt  }
0x63: {  	_ =	shalt  }
0x64: {  	_ =	shalt  }
0x65: {  	_ =	shalt  }
0x66: {  	_ =	shalt  }
0x67: {  	_ =	shalt  }
0x68: {  	_ =	shalt  }
0x69: {  	_ =	shalt  }
0x6a: {  	_ =	shalt  }
0x6b: {  	_ =	shalt  }
0x6c: {  	_ =	shalt  }
0x6d: {  	_ =	shalt  }
0x6e: {  	_ =	shalt  }
0x6f: {  	_ =	shalt  }
0x70: {  	_ =	shalt  }
0x71: {  	_ =	shalt  }
0x72: {  	_ =	shalt  }
0x73: {  	_ =	shalt  }
0x74: {  	_ =	shalt  }
0x75: {  	_ =	shalt  }
0x76: {  	_ =	shalt  }
0x77: {  	_ =	shalt  }
0x78: {  	_ =	shalt  }
0x79: {  	_ =	shalt  }
0x7a: {  	_ =	shalt  }
0x7b: {  	_ =	shalt  }
0x7c: {  	_ =	shalt  }
0x7d: {  	_ =	shalt  }
0x7e: {  	_ =	shalt  }
0x7f: {  	_ =	shalt  }
0x80: {  	_ =	shalt  }
0x81: {  	_ =	shalt  }
0x82: {  	_ =	shalt  }
0x83: {  	_ =	shalt  }
0x84: {  	_ =	shalt  }
0x85: {  	_ =	shalt  }
0x86: {  	_ =	shalt  }
0x87: {  	_ =	shalt  }
.Lfunc_end0:
.L_simem_size_0:
called_computation.3_lowered:
.L_overlay_start_0:
0x88: {  	s2 =	sld [smem:$0x3FD9]  }
0x89: {  	s3 =	sld [smem:$0x3FFE];
	_ =	sdelay $0x1  }
0x8a: {  	s1 =	srdreg.scid  }
0x8b: {  	s0 =	sand.u32 $0x1, s1  }
0x8c: {  	s16 =	sshll.u32 s0, $0xA;
	s2 =	sadd.s32 s3, s2  }
0x8d: {  	s2 =	sadd.s32 s2, s16  }
0x8e: {  	[smem:$0x3FC1] =	sst s2  }
0x8f: {  	_ = 	snop  }
0x90: {  	(tm) =	ssettm $0x1  }
0x91: {  	s17 =	sld [smem:$0x3FFB];
	_ =	sdelay $0x3  }
0x92: {  	_ =	strace s17  }
0x93: {  	s2 =	sld [smem:$0x3FFC];
	_ =	sdelay $0x3  }
0x94: {  	_ =	strace s2  }
0x95: {  	s2 =	sld [smem:$0x3FFD];
	_ =	sdelay $0x3  }
0x96: {  	_ =	strace s2  }
0x97: {  	_ =	strace $0x8FFFFFFF  }
0x98: {  	s18 =	sld [smem:$0x3FDB];
	_ =	sdelay $0x1  }
0x99: {  	s19 =	simm.s32 $_scs_section_size  }
0x9a: {  	s4 =	simm.s32 $_size__tile_overlayer_lowered;
	s5 =	simm.s32 $_tile_overlayer_lowered  }
0x9b: {  	s22 =	simm.s32 $0x1BFF;
	s21 =	sshll.u32 s5, $0x1;
	s2 =	sadd.s32 s19, s18  }
0x9c: {  	s6 =	simm.s32 $0x0;
	s20 =	sshll.u32 s4, $0x1;
	s4 =	sadd.s32 s21, s2  }
0x9d: {  	[timem:s6], [sflag:s22] =	dma.local [hbm:s4], s20  }
0x9e: {  	_ =	swait.ge [sflag:s22], s20  }
0x9f: {  	s3 =	ssub.s32 $0x0, s20;
	[sflag:s22] =	ssyncset.done $0x0  }
0xa0: {  	[sflag:s22] =	ssyncadd.s32 s3;
	_ =	sdelay $0x1  }
0xa1: {  	s23 =	simm.s32 $0x1B8B  }
0xa2: {  	_ =	swait.ge [sflag:s23], $0x1  }
0xa3: {  	[sflag:s23] =	ssyncset.done $0x0  }
0xa4: {  	s25 =	simm.s32 $0x1B8E;
	s24 =	sld [smem:$0x3FFE];
	[sflag:s23] =	ssyncadd.s32 $0xFFFFFFFF  }
0xa5: {  	s26 =	simm.s32 $execute0_lowered;
	[smem:$0x3FD2] =	sst s25  }
0xa6: {  	s4 =	sshll.u32 s26, $0x1;
	_ =	strace $0x8000004F;
	[dreg:$0x1] =	wrdreg $0xFFFFFFFF  }
0xa7: {  	s28 =	simm.s32 $_size_execute0_lowered;
	s2 =	sadd.s32 s2, s4;
	[dreg:$0x0] =	wrdreg $0x0  }
0xa8: {  	s4 =	sshll.u32 s28, $0x1;
	[dreg:$0x2] =	wrdreg s2  }
0xa9: {  	[dreg:$0x3] =	wrdreg s4  }
0xaa: {  	[dreg:$0x4] =	wrdreg $0xC0  }
0xab: {  	_ =	task [dreg:s6], $0x5FFFF  }
0xac: {  	[dreg:$0x1] =	wrdreg $0xFFFFFFFF  }
0xad: {  	[dreg:$0x0] =	wrdreg $0x60  }
0xae: {  	[dreg:$0x2] =	wrdreg s24  }
0xaf: {  	[dreg:$0x3] =	wrdreg $0x9  }
0xb0: {  	_ =	task.clear_ibuf [dreg:s6], $0x4FFFF;
	_ =	strace $0x9000004F  }
0xb1: {  	s29 =	simm.s32 $0x9;
	_ =	strace $0x80000051  }
0xb2: {  	_ =	swait.ge [sflag:s29], $0x1  }
0xb3: {  	[sflag:s29] =	ssyncadd.s32 $0xFFFFFFFF  }
0xb4: {  	_ =	strace $0x90000051  }
0xb5: {  	_ =	sfence  }
0xb6: {  	s30 =	sld [smem:$0x0];
	_ =	sdelay $0x2  }
0xb7: {  	s31 =	sshll.u32 s1, $0xD;
	s1 =	sshrl.u32 s1, $0x2  }
0xb8: {  	s3 =	sand.u32 $0x4000, s31;
	s1 =	sadd.s32 s1, s30  }
0xb9: {  	s0 =	sor.u32 s3, s0;
	s1 =	sshll.u32 s1, $0x11  }
0xba: {  	s0 =	sor.u32 s1, s0  }
0xbb: {  	s0 =	sadd.s32 $0x8F2B, s0  }
0xbc: {  	[sflag:s0] =	ssyncadd.remote.s32 $0x1  }
0xbd: {  	_ =	sfence.sel $0xFFFF  }
0xbe: {  	[dreg:$0x0] =	wrdreg $0xFFFFFFFF;
	(pc) =	sbr.abs _section_cstart, $3  }
0xbf: {  	[dreg:$0x1] =	wrdreg $0xFFFFFFFF  }
0xc0: {  	_ =	task.clear_ibuf [dreg:s6], $0x2FFFF;
	_ =	strace $0x9FFFFFFF  }
0xc1: {  	(tm) =	ssettm $0x7FFFFFFF  }
tec
execute0_lowered:
.L_overlay_start_1:
0x0: {  	(tag) =	ssettag $0x1  }
0x1: {  	s0 =	rddreg [dreg:$0x0];
	s1 =	srdreg.scid  }
0x2: {  	s2 =	simm.s32 $0x0;
	s5 =	stileid.u32;
	s8 =	simm.s32 $0x3  }
0x3: {  	s9 =	simm.s32 $0x400;
	s10 =	simm.s32 $0x80;
	s11 =	simm.s32 $0x800  }
0x4: {  	s12 =	simm.s32 $0x4800;
	s13 =	simm.s32 $0x8800;
	s15 =	simm.s32 $0xC800  }
0x5: {  	s16 =	simm.s32 $0x1;
	s18 =	simm.s32 $0x500;
	s19 =	simm.s32 $0x2  }
0x6: {  	s20 =	simm.s32 $0x180;
	s21 =	simm.s32 $0x580;
	s22 =	simm.s32 $0x200  }
0x7: {  	s23 =	simm.s32 $0x600;
	s24 =	simm.s32 $0x10800;
	s1 =	sand.u32 $0x1, s1  }
0x8: {  	s3 =	sshll.u32 s5, $0x8;
	s5 =	sshrl.u32 s5, $0x2;
	s4 =	sshll.u32 s1, $0x7  }
0x9: {  	[smem:$0x7FF] =	sst s2;
	s5 =	smul.u32 $0x1400, s5;
	s4 =	sor.u32 s4, s3  }
0xa: {  	s25 =	simm.s32 $0x0;
	_ =	strace $0x80000050;
	s6 =	sand.u32 $0x380, s4  }
0xb: {  	s1 =	ssub.s32 $0x2, s1;
	s3 =	sadd.s32 $0x2000, s0;
	s5 =	sor.u32 s5, s6  }
0xc: {  	s31 =	sshrl.u32 s1, $0x1;
	s29 =	sadd.s32 s4, s0;
	s30 =	sshrl.u32 s5, $0x3  }
0xd: {  	s1 =	ssub.s32 s1, s31;
	s4 =	sadd.s32 $0x82600, s29;
	s0 =	sadd.s32 s30, s0  }
0xe: {  	v0 =	vlaneseq.u32;
	s7 =	smax.u32 s1, $0x1;
	s5 =	sadd.s32 $0x83600, s29;
	s6 =	sadd.s32 $0x29200, s0  }
.LBB2_1:
0xf: {  	[tilespmem:s2], [sflag:$0x3] =	stream.linear.gather [hbm4b:s4+s2], $0x280, $0x38;
	[tilespmem:$0x10A80] =	vst v63  }
0x10: {  	_ =	swait.ge [sflag:s8], $0x280  }
0x11: {  	[sflag:s8] =	ssyncset.done $0x0  }
0x12: {  	[sflag:s8] =	ssyncadd.s32 $0xFFFFFD80  }
0x13: {  	[tilespmem:s9], [sflag:$0x3] =	stream.linear.gather [hbm4b:s5+s2], $0x280, $0x38;
	[tilespmem:$0x10A80] =	vst v63  }
0x14: {  	_ =	swait.ge [sflag:s8], $0x280  }
0x15: {  	[sflag:s8] =	ssyncset.done $0x0  }
0x16: {  	[sflag:s8] =	ssyncadd.s32 $0xFFFFFD80  }
0x17: {  	[tilespmem:s11], [sflag:$0x1] =	stream.indirect.gather [hbm4b:s3+s10], $0x80, s2, s10, $0xb8;
	[tilespmem:$0x10A80] =	vst v63  }
0x18: {  	_ = 	snop  }
0x19: {  	[tilespmem:s12], [sflag:$0x1] =	stream.indirect.gather [hbm4b:s3+s10], $0x80, s9, s10, $0xb8;
	[tilespmem:$0x10A80] =	vst v63  }
0x1a: {  	_ = 	snop  }
0x1b: {  	[tilespmem:s13], [sflag:$0x2] =	stream.indirect.gather [hbm4b:s3+s10], $0x80, s10, s10, $0xb8;
	[tilespmem:$0x10A80] =	vst v63  }
0x1c: {  	s0 =	simm.s32 $0x480  }
0x1d: {  	[tilespmem:s15], [sflag:$0x2] =	stream.indirect.gather [hbm4b:s3+s10], $0x80, s0, s10, $0xb8;
	[tilespmem:$0x10A80] =	vst v63  }
0x1e: {  	_ =	swait.ge [sflag:s16], $0x4000  }
0x1f: {  	[sflag:s16] =	ssyncset.done $0x0  }
0x20: {  	[sflag:s16] =	ssyncadd.s32 $0xFFFFC000  }
0x21: {  	_ =	swait.ge [sflag:s16], $0x4000  }
0x22: {  	s26 =	simm.s32 $0x840;
	[sflag:s16] =	ssyncset.done $0x0  }
0x23: {  	s28 =	simm.s32 $0x4840;
	s29 =	simm.s32 $0x0;
	[sflag:s16] =	ssyncadd.s32 $0xFFFFC000  }
.LBB2_2:
0x24: {  	v1 =	vld [tilespmem:s26+$0xFFFFFFC0]  }
0x25: {  	v2 =	vld [tilespmem:s28+$0xFFFFFFC0]  }
0x26: {  	v3 =	vld [tilespmem:s26+$0xFFFFFFD0]  }
0x27: {  	v4 =	vld [tilespmem:s28+$0xFFFFFFD0]  }
0x28: {  	v5 =	vld [tilespmem:s26+$0xFFFFFFE0]  }
0x29: {  	v6 =	vld [tilespmem:s28+$0xFFFFFFE0]  }
0x2a: {  	v7 =	vld [tilespmem:s26+$0xFFFFFFF0]  }
0x2b: {  	v8 =	vld [tilespmem:s28+$0xFFFFFFF0]  }
0x2c: {  	v9 =	vld [tilespmem:s26+$0x0]  }
0x2d: {  	v10 =	vld [tilespmem:s28+$0x0]  }
0x2e: {  	v11 =	vld [tilespmem:s26+$0x10]  }
0x2f: {  	v12 =	vld [tilespmem:s28+$0x10]  }
0x30: {  	v13 =	vld [tilespmem:s26+$0x20];
	v1 =	vmul.f32 v2, v1  }
0x31: {  	v14 =	vld [tilespmem:s28+$0x20]  }
0x32: {  	v15 =	vld [tilespmem:s28+$0x30];
	s14 =	sadd.s32 $0x80, s28;
	v3 =	vmul.f32 v4, v3;
	v1 =	vadd.f32 $0.0e+00, v1  }
0x33: {  	s0 =	sadd.s32 $0x80, s26;
	v16 =	vld [tilespmem:s14+$0xFFFFFFC0]  }
0x34: {  	v4 =	vld [tilespmem:s0+$0xFFFFFFC0];
	v1 =	vadd.f32 v3, v1;
	v3 =	vmul.f32 v6, v5  }
0x35: {  	v5 =	vld [tilespmem:s0+$0xFFFFFFD0]  }
0x36: {  	v6 =	vld [tilespmem:s14+$0xFFFFFFD0];
	v1 =	vadd.f32 v3, v1;
	v3 =	vmul.f32 v8, v7  }
0x37: {  	v2 =	vld [tilespmem:s26+$0x30]  }
0x38: {  	v7 =	vld [tilespmem:s0+$0xFFFFFFE0];
	v1 =	vadd.f32 v3, v1;
	v3 =	vmul.f32 v10, v9  }
0x39: {  	v4 =	vmul.f32 v16, v4;
	v8 =	vld [tilespmem:s14+$0xFFFFFFE0]  }
0x3a: {  	v1 =	vadd.f32 v3, v1;
	v3 =	vmul.f32 v12, v11  }
0x3b: {  	v4 =	vadd.f32 $0.0e+00, v4;
	v5 =	vmul.f32 v6, v5  }
0x3c: {  	v1 =	vadd.f32 v3, v1;
	v3 =	vmul.f32 v14, v13  }
0x3d: {  	v4 =	vadd.f32 v5, v4  }
0x3e: {  	v5 =	vmul.f32 v8, v7;
	v7 =	vmul.f32 v15, v2;
	v1 =	vadd.f32 v3, v1;
	_ =	sdelay $0x1  }
0x3f: {  	v9 =	vld [tilespmem:s0+$0xFFFFFFF0];
	v1 =	vadd.f32 v7, v1  }
0x40: {  	v10 =	vld [tilespmem:s14+$0xFFFFFFF0]  }
0x41: {  	v6 =	vld [tilespmem:s14+$0x0];
	(xrf2) =	vadd.scan.msk.f32 $0xffff, v1  }
0x42: {  	v11 =	vld [tilespmem:s0+$0x0]  }
0x43: {  	v63 =	vld [tilespmem:s0+$0x10]  }
0x44: {  	v8 =	vld [tilespmem:s14+$0x10]  }
0x45: {  	v4 =	vadd.f32 v5, v4;
	v9 =	vmul.f32 v10, v9;
	v5 =	vld [tilespmem:s14+$0x20]  }
0x46: {  	v3 =	vld [tilespmem:s0+$0x20]  }
0x47: {  	v2 =	vld [tilespmem:s0+$0x30];
	v7 =	vadd.f32 v9, v4;
	v9 =	vmul.f32 v6, v11  }
0x48: {  	s1 =	sadd.s32 $0x80, s0;
	v4 =	vld [tilespmem:s14+$0x30]  }
0x49: {  	s31 =	simm.s32 $0x1;
	v6 =	vld [tilespmem:s1+$0xFFFFFFC0];
	s14 =	sadd.s32 $0x80, s14;
	v8 =	vmul.f32 v8, v63;
	v7 =	vadd.f32 v9, v7  }
0x4a: {  	s30 =	simm.s32 $0x2;
	s17 =	simm.s32 $0x3;
	s0 =	simm.s32 $0x0;
	v1 =	vimm.f32 $0.0e+00;
	v9 =	vld [tilespmem:s14+$0xFFFFFFC0]  }
.LBB2_3:
0x4b: {  	p0 =	sne.s32 s17, $0xF;
	v10 =	vld [tilespmem:s1+$0xFFFFFFD0];
	v7 =	vadd.f32 v8, v7;
	v3 =	vmul.f32 v5, v3;
	v5, _, _ =	vpop (xrf2)  }
0x4c: {  	v11 =	vmov s0;
	s0 =	smov.u32 s31;
	s31 =	smov.u32 s30;
	s30 =	smov.u32 s17;
	v8 =	vld [tilespmem:s14+$0xFFFFFFD0];
	v5 =	vbroadcast v5, $0xF  }
0x4d: {  	vm0 =	veq.s32 v11, v0;
	v12 =	vld [tilespmem:s1+$0xFFFFFFE0];
	v3 =	vadd.f32 v3, v7;
	v2 =	vmul.f32 v4, v2  }
0x4e: {  	v4 =	vld [tilespmem:s14+$0xFFFFFFE0];
	v1 =	vsel vm0, v5, v1  }
0x4f: {  	v5 =	vmul.f32 v9, v6;
	v6 =	vld [tilespmem:s1+$0xFFFFFFF0];
	v2 =	vadd.f32 v2, v3  }
0x50: {  	v3 =	vld [tilespmem:s14+$0xFFFFFFF0]  }
0x51: {  	v5 =	vadd.f32 $0.0e+00, v5;
	v7 =	vmul.f32 v8, v10;
	v8 =	vld [tilespmem:s1+$0x0];
	(xrf2) =	vadd.scan.msk.f32 $0xffff, v2  }
0x52: {  	v2 =	vld [tilespmem:s14+$0x0]  }
0x53: {  	v5 =	vadd.f32 v7, v5;
	v4 =	vmul.f32 v4, v12;
	v9 =	vld [tilespmem:s1+$0x10]  }
0x54: {  	v10 =	vld [tilespmem:s14+$0x10]  }
0x55: {  	v4 =	vadd.f32 v4, v5;
	v6 =	vmul.f32 v3, v6;
	v3 =	vld [tilespmem:s1+$0x20]  }
.Ltmp0:
0x56: {  	v5 =	vld [tilespmem:s14+$0x20];
	(pc) =	sbr.rel @p0 .LBB2_3-.Ltmp0, $4  }
0x57: {  	v7 =	vadd.f32 v6, v4;
	v8 =	vmul.f32 v2, v8;
	v2 =	vld [tilespmem:s1+$0x30]  }
0x58: {  	s1 =	sadd.s32 $0x80, s1;
	v4 =	vld [tilespmem:s14+$0x30]  }
0x59: {  	s14 =	sadd.s32 $0x80, s14;
	v6 =	vld [tilespmem:s1+$0xFFFFFFC0];
	v7 =	vadd.f32 v8, v7;
	v8 =	vmul.f32 v10, v9  }
0x5a: {  	s17 =	sadd.s32 $0x1, s17;
	v9 =	vld [tilespmem:s14+$0xFFFFFFC0]  }
0x5b: {  	v10 =	vld [tilespmem:s1+$0xFFFFFFD0]  }
0x5c: {  	v11 =	vld [tilespmem:s14+$0xFFFFFFD0]  }
0x5d: {  	v12 =	vld [tilespmem:s1+$0xFFFFFFE0]  }
0x5e: {  	v13 =	vld [tilespmem:s14+$0xFFFFFFE0]  }
0x5f: {  	v47 =	vld [tilespmem:s1+$0xFFFFFFF0];
	v6 =	vmul.f32 v9, v6  }
0x60: {  	v14 =	vld [tilespmem:s14+$0xFFFFFFF0]  }
0x61: {  	v48 =	vld [tilespmem:s1+$0x0];
	v10 =	vmul.f32 v11, v10;
	v6 =	vadd.f32 $0.0e+00, v6  }
0x62: {  	v15 =	vld [tilespmem:s14+$0x0]  }
0x63: {  	v50 =	vld [tilespmem:s1+$0x10];
	v49 =	vmul.f32 v13, v12;
	v6 =	vadd.f32 v10, v6  }
0x64: {  	v51 =	vld [tilespmem:s14+$0x10]  }
0x65: {  	v52 =	vld [tilespmem:s1+$0x20];
	v9 =	vmul.f32 v14, v47;
	v6 =	vadd.f32 v49, v6  }
0x66: {  	v53 =	vld [tilespmem:s14+$0x20]  }
0x67: {  	v55 =	vld [tilespmem:s1+$0x30];
	v54 =	vmul.f32 v15, v48;
	v6 =	vadd.f32 v9, v6  }
0x68: {  	v56 =	vld [tilespmem:s14+$0x30]  }
0x69: {  	v57 =	vmul.f32 v51, v50;
	v6 =	vadd.f32 v54, v6  }
0x6a: {  	v7 =	vadd.f32 v8, v7;
	v3 =	vmul.f32 v5, v3  }
0x6b: {  	v59 =	vmul.f32 v53, v52;
	v58 =	vadd.f32 v57, v6  }
0x6c: {  	v3 =	vadd.f32 v3, v7;
	v2 =	vmul.f32 v4, v2  }
0x6d: {  	v61 =	vmul.f32 v56, v55;
	v60 =	vadd.f32 v59, v58  }
0x6e: {  	v2 =	vadd.f32 v2, v3  }
0x6f: {  	v3 =	vadd.f32 v61, v60  }
0x70: {  	(xrf2) =	vadd.scan.msk.f32 $0xffff, v2  }
0x71: {  	(xrf2) =	vadd.scan.msk.f32 $0xffff, v3;
	_ =	sdelay $0x4  }
0x72: {  	v2, _, _ =	vpop (xrf2)  }
0x73: {  	v2 =	vbroadcast v2, $0xF;
	v3 =	vmov s0  }
0x74: {  	vm0 =	veq.s32 v3, v0  }
0x75: {  	v1 =	vsel vm0, v2, v1;
	v2 =	vmov s31;
	s31 =	sshll.u32 s29, $0x4;
	s29 =	sadd.s32 $0x1, s29  }
0x76: {  	v62, _, _ =	vpop (xrf2);
	p0 =	sne.s32 s29, $0x8  }
.Ltmp1:
0x77: {  	v3 =	vbroadcast v62, $0xF;
	v63, _, _ =	vpop (xrf2);
	(pc) =	sbr.rel @p0 .LBB2_2-.Ltmp1, $4  }
0x78: {  	vm14 =	veq.s32 v2, v0;
	v2 =	vmov s30;
	v4 =	vbroadcast v63, $0xF  }
0x79: {  	v1 =	vsel vm14, v3, v1;
	vm15 =	veq.s32 v2, v0  }
0x7a: {  	s0 =	sand.u32 $0x3FFFFFF0, s31;
	v1 =	vsel vm15, v4, v1  }
0x7b: {  	s26 =	sadd.s32 $0x800, s26;
	s28 =	sadd.s32 $0x800, s28;
	[tilespmem:s0+$0x10800] =	vst v1  }
0x7c: {  	s0 =	simm.s32 $0x100  }
0x7d: {  	[tilespmem:s11], [sflag:$0x1] =	stream.indirect.gather [hbm4b:s3+s10], $0x80, s0, s10, $0xb8;
	[tilespmem:$0x10A80] =	vst v63  }
0x7e: {  	_ = 	snop  }
0x7f: {  	[tilespmem:s12], [sflag:$0x1] =	stream.indirect.gather [hbm4b:s3+s10], $0x80, s18, s10, $0xb8;
	[tilespmem:$0x10A80] =	vst v63  }
0x80: {  	_ =	swait.ge [sflag:s19], $0x4000  }
0x81: {  	[sflag:s19] =	ssyncset.done $0x0  }
0x82: {  	[sflag:s19] =	ssyncadd.s32 $0xFFFFC000  }
0x83: {  	_ =	swait.ge [sflag:s19], $0x4000  }
0x84: {  	s26 =	simm.s32 $0x0;
	[sflag:s19] =	ssyncset.done $0x0  }
0x85: {  	s28 =	simm.s32 $0x8840;
	s29 =	simm.s32 $0xC840;
	[sflag:s19] =	ssyncadd.s32 $0xFFFFC000  }
.LBB2_6:
0x86: {  	v1 =	vld [tilespmem:s28+$0xFFFFFFC0]  }
0x87: {  	v2 =	vld [tilespmem:s29+$0xFFFFFFC0]  }
0x88: {  	v3 =	vld [tilespmem:s28+$0xFFFFFFD0]  }
0x89: {  	v4 =	vld [tilespmem:s29+$0xFFFFFFD0]  }
0x8a: {  	v5 =	vld [tilespmem:s28+$0xFFFFFFE0]  }
0x8b: {  	v6 =	vld [tilespmem:s29+$0xFFFFFFE0]  }
0x8c: {  	v7 =	vld [tilespmem:s28+$0xFFFFFFF0]  }
0x8d: {  	v8 =	vld [tilespmem:s29+$0xFFFFFFF0]  }
0x8e: {  	v9 =	vld [tilespmem:s28+$0x0]  }
0x8f: {  	v10 =	vld [tilespmem:s29+$0x0]  }
0x90: {  	v11 =	vld [tilespmem:s28+$0x10]  }
0x91: {  	v12 =	vld [tilespmem:s29+$0x10]  }
0x92: {  	v13 =	vld [tilespmem:s28+$0x20];
	v1 =	vmul.f32 v2, v1  }
0x93: {  	v14 =	vld [tilespmem:s29+$0x20]  }
0x94: {  	v15 =	vld [tilespmem:s29+$0x30];
	s14 =	sadd.s32 $0x80, s29;
	v3 =	vmul.f32 v4, v3;
	v1 =	vadd.f32 $0.0e+00, v1  }
0x95: {  	s0 =	sadd.s32 $0x80, s28;
	v16 =	vld [tilespmem:s14+$0xFFFFFFC0]  }
0x96: {  	v4 =	vld [tilespmem:s0+$0xFFFFFFC0];
	v1 =	vadd.f32 v3, v1;
	v3 =	vmul.f32 v6, v5  }
0x97: {  	v5 =	vld [tilespmem:s0+$0xFFFFFFD0]  }
0x98: {  	v6 =	vld [tilespmem:s14+$0xFFFFFFD0];
	v1 =	vadd.f32 v3, v1;
	v3 =	vmul.f32 v8, v7  }
0x99: {  	v2 =	vld [tilespmem:s28+$0x30]  }
0x9a: {  	v7 =	vld [tilespmem:s0+$0xFFFFFFE0];
	v1 =	vadd.f32 v3, v1;
	v3 =	vmul.f32 v10, v9  }
0x9b: {  	v4 =	vmul.f32 v16, v4;
	v8 =	vld [tilespmem:s14+$0xFFFFFFE0]  }
0x9c: {  	v1 =	vadd.f32 v3, v1;
	v3 =	vmul.f32 v12, v11  }
0x9d: {  	v4 =	vadd.f32 $0.0e+00, v4;
	v5 =	vmul.f32 v6, v5  }
0x9e: {  	v1 =	vadd.f32 v3, v1;
	v3 =	vmul.f32 v14, v13  }
0x9f: {  	v4 =	vadd.f32 v5, v4  }
0xa0: {  	v5 =	vmul.f32 v8, v7;
	v7 =	vmul.f32 v15, v2;
	v1 =	vadd.f32 v3, v1;
	_ =	sdelay $0x1  }
0xa1: {  	v9 =	vld [tilespmem:s0+$0xFFFFFFF0];
	v1 =	vadd.f32 v7, v1  }
0xa2: {  	v10 =	vld [tilespmem:s14+$0xFFFFFFF0]  }
0xa3: {  	v6 =	vld [tilespmem:s14+$0x0];
	(xrf2) =	vadd.scan.msk.f32 $0xffff, v1  }
0xa4: {  	v11 =	vld [tilespmem:s0+$0x0]  }
0xa5: {  	v63 =	vld [tilespmem:s0+$0x10]  }
0xa6: {  	v8 =	vld [tilespmem:s14+$0x10]  }
0xa7: {  	v4 =	vadd.f32 v5, v4;
	v9 =	vmul.f32 v10, v9;
	v5 =	vld [tilespmem:s14+$0x20]  }
0xa8: {  	v3 =	vld [tilespmem:s0+$0x20]  }
0xa9: {  	v2 =	vld [tilespmem:s0+$0x30];
	v7 =	vadd.f32 v9, v4;
	v9 =	vmul.f32 v6, v11  }
0xaa: {  	s1 =	sadd.s32 $0x80, s0;
	v4 =	vld [tilespmem:s14+$0x30]  }
0xab: {  	s30 =	simm.s32 $0x1;
	v6 =	vld [tilespmem:s1+$0xFFFFFFC0];
	s14 =	sadd.s32 $0x80, s14;
	v8 =	vmul.f32 v8, v63;
	v7 =	vadd.f32 v9, v7  }
0xac: {  	s31 =	simm.s32 $0x2;
	s17 =	simm.s32 $0x3;
	s0 =	simm.s32 $0x0;
	v1 =	vimm.f32 $0.0e+00;
	v9 =	vld [tilespmem:s14+$0xFFFFFFC0]  }
.LBB2_7:
0xad: {  	p0 =	sne.s32 s17, $0xF;
	v10 =	vld [tilespmem:s1+$0xFFFFFFD0];
	v7 =	vadd.f32 v8, v7;
	v3 =	vmul.f32 v5, v3;
	v5, _, _ =	vpop (xrf2)  }
0xae: {  	v11 =	vmov s0;
	s0 =	smov.u32 s30;
	s30 =	smov.u32 s31;
	s31 =	smov.u32 s17;
	v8 =	vld [tilespmem:s14+$0xFFFFFFD0];
	v5 =	vbroadcast v5, $0xF  }
0xaf: {  	vm0 =	veq.s32 v11, v0;
	v12 =	vld [tilespmem:s1+$0xFFFFFFE0];
	v3 =	vadd.f32 v3, v7;
	v2 =	vmul.f32 v4, v2  }
0xb0: {  	v4 =	vld [tilespmem:s14+$0xFFFFFFE0];
	v1 =	vsel vm0, v5, v1  }
0xb1: {  	v5 =	vmul.f32 v9, v6;
	v6 =	vld [tilespmem:s1+$0xFFFFFFF0];
	v2 =	vadd.f32 v2, v3  }
0xb2: {  	v3 =	vld [tilespmem:s14+$0xFFFFFFF0]  }
0xb3: {  	v5 =	vadd.f32 $0.0e+00, v5;
	v7 =	vmul.f32 v8, v10;
	v8 =	vld [tilespmem:s1+$0x0];
	(xrf2) =	vadd.scan.msk.f32 $0xffff, v2  }
0xb4: {  	v2 =	vld [tilespmem:s14+$0x0]  }
0xb5: {  	v5 =	vadd.f32 v7, v5;
	v4 =	vmul.f32 v4, v12;
	v9 =	vld [tilespmem:s1+$0x10]  }
0xb6: {  	v10 =	vld [tilespmem:s14+$0x10]  }
0xb7: {  	v4 =	vadd.f32 v4, v5;
	v6 =	vmul.f32 v3, v6;
	v3 =	vld [tilespmem:s1+$0x20]  }
.Ltmp2:
0xb8: {  	v5 =	vld [tilespmem:s14+$0x20];
	(pc) =	sbr.rel @p0 .LBB2_7-.Ltmp2, $4  }
0xb9: {  	v7 =	vadd.f32 v6, v4;
	v8 =	vmul.f32 v2, v8;
	v2 =	vld [tilespmem:s1+$0x30]  }
0xba: {  	s1 =	sadd.s32 $0x80, s1;
	v4 =	vld [tilespmem:s14+$0x30]  }
0xbb: {  	s14 =	sadd.s32 $0x80, s14;
	v6 =	vld [tilespmem:s1+$0xFFFFFFC0];
	v7 =	vadd.f32 v8, v7;
	v8 =	vmul.f32 v10, v9  }
0xbc: {  	s17 =	sadd.s32 $0x1, s17;
	v9 =	vld [tilespmem:s14+$0xFFFFFFC0]  }
0xbd: {  	v10 =	vld [tilespmem:s1+$0xFFFFFFD0]  }
0xbe: {  	v11 =	vld [tilespmem:s14+$0xFFFFFFD0]  }
0xbf: {  	v12 =	vld [tilespmem:s1+$0xFFFFFFE0]  }
0xc0: {  	v13 =	vld [tilespmem:s14+$0xFFFFFFE0]  }
0xc1: {  	v47 =	vld [tilespmem:s1+$0xFFFFFFF0];
	v6 =	vmul.f32 v9, v6  }
0xc2: {  	v14 =	vld [tilespmem:s14+$0xFFFFFFF0]  }
0xc3: {  	v48 =	vld [tilespmem:s1+$0x0];
	v10 =	vmul.f32 v11, v10;
	v6 =	vadd.f32 $0.0e+00, v6  }
0xc4: {  	v15 =	vld [tilespmem:s14+$0x0]  }
0xc5: {  	v50 =	vld [tilespmem:s1+$0x10];
	v49 =	vmul.f32 v13, v12;
	v6 =	vadd.f32 v10, v6  }
0xc6: {  	v51 =	vld [tilespmem:s14+$0x10]  }
0xc7: {  	v52 =	vld [tilespmem:s1+$0x20];
	v9 =	vmul.f32 v14, v47;
	v6 =	vadd.f32 v49, v6  }
0xc8: {  	v53 =	vld [tilespmem:s14+$0x20]  }
0xc9: {  	v55 =	vld [tilespmem:s1+$0x30];
	v54 =	vmul.f32 v15, v48;
	v6 =	vadd.f32 v9, v6  }
0xca: {  	v56 =	vld [tilespmem:s14+$0x30]  }
0xcb: {  	v57 =	vmul.f32 v51, v50;
	v6 =	vadd.f32 v54, v6  }
0xcc: {  	v7 =	vadd.f32 v8, v7;
	v3 =	vmul.f32 v5, v3  }
0xcd: {  	v59 =	vmul.f32 v53, v52;
	v58 =	vadd.f32 v57, v6  }
0xce: {  	v3 =	vadd.f32 v3, v7;
	v2 =	vmul.f32 v4, v2  }
0xcf: {  	v61 =	vmul.f32 v56, v55;
	v60 =	vadd.f32 v59, v58  }
0xd0: {  	v2 =	vadd.f32 v2, v3  }
0xd1: {  	v3 =	vadd.f32 v61, v60  }
0xd2: {  	(xrf2) =	vadd.scan.msk.f32 $0xffff, v2  }
0xd3: {  	(xrf2) =	vadd.scan.msk.f32 $0xffff, v3;
	_ =	sdelay $0x3  }
0xd4: {  	v2, _, _ =	vpop (xrf2)  }
0xd5: {  	v2 =	vbroadcast v2, $0xF;
	v3 =	vmov s0  }
0xd6: {  	vm0 =	veq.s32 v3, v0  }
0xd7: {  	v1 =	vsel vm0, v2, v1;
	v2 =	vmov s30  }
0xd8: {  	vm14 =	veq.s32 v2, v0;
	v2 =	vmov s31;
	s31 =	sshll.u32 s26, $0x4;
	s26 =	sadd.s32 $0x1, s26  }
0xd9: {  	v62, _, _ =	vpop (xrf2);
	p0 =	sne.s32 s26, $0x8  }
.Ltmp3:
0xda: {  	v3 =	vbroadcast v62, $0xF;
	v63, _, _ =	vpop (xrf2);
	(pc) =	sbr.rel @p0 .LBB2_6-.Ltmp3, $4  }
0xdb: {  	v4 =	vbroadcast v63, $0xF  }
0xdc: {  	v1 =	vsel vm14, v3, v1;
	vm15 =	veq.s32 v2, v0  }
0xdd: {  	s0 =	sand.u32 $0x3FFFFFF0, s31;
	v1 =	vsel vm15, v4, v1  }
0xde: {  	s28 =	sadd.s32 $0x800, s28;
	s29 =	sadd.s32 $0x800, s29;
	[tilespmem:s0+$0x10880] =	vst v1  }
0xdf: {  	[tilespmem:s13], [sflag:$0x2] =	stream.indirect.gather [hbm4b:s3+s10], $0x80, s20, s10, $0xb8;
	[tilespmem:$0x10A80] =	vst v63  }
0xe0: {  	_ = 	snop  }
0xe1: {  	[tilespmem:s15], [sflag:$0x2] =	stream.indirect.gather [hbm4b:s3+s10], $0x80, s21, s10, $0xb8;
	[tilespmem:$0x10A80] =	vst v63  }
0xe2: {  	_ =	swait.ge [sflag:s16], $0x4000  }
0xe3: {  	[sflag:s16] =	ssyncset.done $0x0  }
0xe4: {  	[sflag:s16] =	ssyncadd.s32 $0xFFFFC000  }
0xe5: {  	_ =	swait.ge [sflag:s16], $0x4000  }
0xe6: {  	s26 =	simm.s32 $0x0;
	[sflag:s16] =	ssyncset.done $0x0  }
0xe7: {  	s28 =	simm.s32 $0x840;
	s29 =	simm.s32 $0x4840;
	[sflag:s16] =	ssyncadd.s32 $0xFFFFC000  }
.LBB2_10:
0xe8: {  	v1 =	vld [tilespmem:s28+$0xFFFFFFC0]  }
0xe9: {  	v2 =	vld [tilespmem:s29+$0xFFFFFFC0]  }
0xea: {  	v3 =	vld [tilespmem:s28+$0xFFFFFFD0]  }
0xeb: {  	v4 =	vld [tilespmem:s29+$0xFFFFFFD0]  }
0xec: {  	v5 =	vld [tilespmem:s28+$0xFFFFFFE0]  }
0xed: {  	v6 =	vld [tilespmem:s29+$0xFFFFFFE0]  }
0xee: {  	v7 =	vld [tilespmem:s28+$0xFFFFFFF0]  }
0xef: {  	v8 =	vld [tilespmem:s29+$0xFFFFFFF0]  }
0xf0: {  	v9 =	vld [tilespmem:s28+$0x0]  }
0xf1: {  	v10 =	vld [tilespmem:s29+$0x0]  }
0xf2: {  	v11 =	vld [tilespmem:s28+$0x10]  }
0xf3: {  	v12 =	vld [tilespmem:s29+$0x10]  }
0xf4: {  	v13 =	vld [tilespmem:s28+$0x20];
	v1 =	vmul.f32 v2, v1  }
0xf5: {  	v14 =	vld [tilespmem:s29+$0x20]  }
0xf6: {  	v15 =	vld [tilespmem:s29+$0x30];
	s14 =	sadd.s32 $0x80, s29;
	v3 =	vmul.f32 v4, v3;
	v1 =	vadd.f32 $0.0e+00, v1  }
0xf7: {  	s0 =	sadd.s32 $0x80, s28;
	v16 =	vld [tilespmem:s14+$0xFFFFFFC0]  }
0xf8: {  	v4 =	vld [tilespmem:s0+$0xFFFFFFC0];
	v1 =	vadd.f32 v3, v1;
	v3 =	vmul.f32 v6, v5  }
0xf9: {  	v5 =	vld [tilespmem:s0+$0xFFFFFFD0]  }
0xfa: {  	v6 =	vld [tilespmem:s14+$0xFFFFFFD0];
	v1 =	vadd.f32 v3, v1;
	v3 =	vmul.f32 v8, v7  }
0xfb: {  	v2 =	vld [tilespmem:s28+$0x30]  }
0xfc: {  	v7 =	vld [tilespmem:s0+$0xFFFFFFE0];
	v1 =	vadd.f32 v3, v1;
	v3 =	vmul.f32 v10, v9  }
0xfd: {  	v4 =	vmul.f32 v16, v4;
	v8 =	vld [tilespmem:s14+$0xFFFFFFE0]  }
0xfe: {  	v1 =	vadd.f32 v3, v1;
	v3 =	vmul.f32 v12, v11  }
0xff: {  	v4 =	vadd.f32 $0.0e+00, v4;
	v5 =	vmul.f32 v6, v5  }
0x100: {  	v1 =	vadd.f32 v3, v1;
	v3 =	vmul.f32 v14, v13  }
0x101: {  	v4 =	vadd.f32 v5, v4  }
0x102: {  	v5 =	vmul.f32 v8, v7;
	v7 =	vmul.f32 v15, v2;
	v1 =	vadd.f32 v3, v1;
	_ =	sdelay $0x1  }
0x103: {  	v9 =	vld [tilespmem:s0+$0xFFFFFFF0];
	v1 =	vadd.f32 v7, v1  }
0x104: {  	v10 =	vld [tilespmem:s14+$0xFFFFFFF0]  }
0x105: {  	v6 =	vld [tilespmem:s14+$0x0];
	(xrf2) =	vadd.scan.msk.f32 $0xffff, v1  }
0x106: {  	v11 =	vld [tilespmem:s0+$0x0]  }
0x107: {  	v63 =	vld [tilespmem:s0+$0x10]  }
0x108: {  	v8 =	vld [tilespmem:s14+$0x10]  }
0x109: {  	v4 =	vadd.f32 v5, v4;
	v9 =	vmul.f32 v10, v9;
	v5 =	vld [tilespmem:s14+$0x20]  }
0x10a: {  	v3 =	vld [tilespmem:s0+$0x20]  }
0x10b: {  	v2 =	vld [tilespmem:s0+$0x30];
	v7 =	vadd.f32 v9, v4;
	v9 =	vmul.f32 v6, v11  }
0x10c: {  	s1 =	sadd.s32 $0x80, s0;
	v4 =	vld [tilespmem:s14+$0x30]  }
0x10d: {  	s30 =	simm.s32 $0x1;
	v6 =	vld [tilespmem:s1+$0xFFFFFFC0];
	s14 =	sadd.s32 $0x80, s14;
	v8 =	vmul.f32 v8, v63;
	v7 =	vadd.f32 v9, v7  }
0x10e: {  	s31 =	simm.s32 $0x2;
	s17 =	simm.s32 $0x3;
	s0 =	simm.s32 $0x0;
	v1 =	vimm.f32 $0.0e+00;
	v9 =	vld [tilespmem:s14+$0xFFFFFFC0]  }
.LBB2_11:
0x10f: {  	p0 =	sne.s32 s17, $0xF;
	v10 =	vld [tilespmem:s1+$0xFFFFFFD0];
	v7 =	vadd.f32 v8, v7;
	v3 =	vmul.f32 v5, v3;
	v5, _, _ =	vpop (xrf2)  }
0x110: {  	v11 =	vmov s0;
	s0 =	smov.u32 s30;
	s30 =	smov.u32 s31;
	s31 =	smov.u32 s17;
	v8 =	vld [tilespmem:s14+$0xFFFFFFD0];
	v5 =	vbroadcast v5, $0xF  }
0x111: {  	vm0 =	veq.s32 v11, v0;
	v12 =	vld [tilespmem:s1+$0xFFFFFFE0];
	v3 =	vadd.f32 v3, v7;
	v2 =	vmul.f32 v4, v2  }
0x112: {  	v4 =	vld [tilespmem:s14+$0xFFFFFFE0];
	v1 =	vsel vm0, v5, v1  }
0x113: {  	v5 =	vmul.f32 v9, v6;
	v6 =	vld [tilespmem:s1+$0xFFFFFFF0];
	v2 =	vadd.f32 v2, v3  }
0x114: {  	v3 =	vld [tilespmem:s14+$0xFFFFFFF0]  }
0x115: {  	v5 =	vadd.f32 $0.0e+00, v5;
	v7 =	vmul.f32 v8, v10;
	v8 =	vld [tilespmem:s1+$0x0];
	(xrf2) =	vadd.scan.msk.f32 $0xffff, v2  }
0x116: {  	v2 =	vld [tilespmem:s14+$0x0]  }
0x117: {  	v5 =	vadd.f32 v7, v5;
	v4 =	vmul.f32 v4, v12;
	v9 =	vld [tilespmem:s1+$0x10]  }
0x118: {  	v10 =	vld [tilespmem:s14+$0x10]  }
0x119: {  	v4 =	vadd.f32 v4, v5;
	v6 =	vmul.f32 v3, v6;
	v3 =	vld [tilespmem:s1+$0x20]  }
.Ltmp4:
0x11a: {  	v5 =	vld [tilespmem:s14+$0x20];
	(pc) =	sbr.rel @p0 .LBB2_11-.Ltmp4, $4  }
0x11b: {  	v7 =	vadd.f32 v6, v4;
	v8 =	vmul.f32 v2, v8;
	v2 =	vld [tilespmem:s1+$0x30]  }
0x11c: {  	s1 =	sadd.s32 $0x80, s1;
	v4 =	vld [tilespmem:s14+$0x30]  }
0x11d: {  	s14 =	sadd.s32 $0x80, s14;
	v6 =	vld [tilespmem:s1+$0xFFFFFFC0];
	v7 =	vadd.f32 v8, v7;
	v8 =	vmul.f32 v10, v9  }
0x11e: {  	s17 =	sadd.s32 $0x1, s17;
	v9 =	vld [tilespmem:s14+$0xFFFFFFC0]  }
0x11f: {  	v10 =	vld [tilespmem:s1+$0xFFFFFFD0]  }
0x120: {  	v11 =	vld [tilespmem:s14+$0xFFFFFFD0]  }
0x121: {  	v12 =	vld [tilespmem:s1+$0xFFFFFFE0]  }
0x122: {  	v13 =	vld [tilespmem:s14+$0xFFFFFFE0]  }
0x123: {  	v47 =	vld [tilespmem:s1+$0xFFFFFFF0];
	v6 =	vmul.f32 v9, v6  }
0x124: {  	v14 =	vld [tilespmem:s14+$0xFFFFFFF0]  }
0x125: {  	v48 =	vld [tilespmem:s1+$0x0];
	v10 =	vmul.f32 v11, v10;
	v6 =	vadd.f32 $0.0e+00, v6  }
0x126: {  	v15 =	vld [tilespmem:s14+$0x0]  }
0x127: {  	v50 =	vld [tilespmem:s1+$0x10];
	v49 =	vmul.f32 v13, v12;
	v6 =	vadd.f32 v10, v6  }
0x128: {  	v51 =	vld [tilespmem:s14+$0x10]  }
0x129: {  	v52 =	vld [tilespmem:s1+$0x20];
	v9 =	vmul.f32 v14, v47;
	v6 =	vadd.f32 v49, v6  }
0x12a: {  	v53 =	vld [tilespmem:s14+$0x20]  }
0x12b: {  	v55 =	vld [tilespmem:s1+$0x30];
	v54 =	vmul.f32 v15, v48;
	v6 =	vadd.f32 v9, v6  }
0x12c: {  	v56 =	vld [tilespmem:s14+$0x30]  }
0x12d: {  	v57 =	vmul.f32 v51, v50;
	v6 =	vadd.f32 v54, v6  }
0x12e: {  	v7 =	vadd.f32 v8, v7;
	v3 =	vmul.f32 v5, v3  }
0x12f: {  	v59 =	vmul.f32 v53, v52;
	v58 =	vadd.f32 v57, v6  }
0x130: {  	v3 =	vadd.f32 v3, v7;
	v2 =	vmul.f32 v4, v2  }
0x131: {  	v61 =	vmul.f32 v56, v55;
	v60 =	vadd.f32 v59, v58  }
0x132: {  	v2 =	vadd.f32 v2, v3  }
0x133: {  	v3 =	vadd.f32 v61, v60  }
0x134: {  	(xrf2) =	vadd.scan.msk.f32 $0xffff, v2  }
0x135: {  	(xrf2) =	vadd.scan.msk.f32 $0xffff, v3;
	_ =	sdelay $0x3  }
0x136: {  	v2, _, _ =	vpop (xrf2)  }
0x137: {  	v2 =	vbroadcast v2, $0xF;
	v3 =	vmov s0  }
0x138: {  	vm0 =	veq.s32 v3, v0  }
0x139: {  	v1 =	vsel vm0, v2, v1;
	v2 =	vmov s30  }
0x13a: {  	vm14 =	veq.s32 v2, v0;
	v2 =	vmov s31;
	s31 =	sshll.u32 s26, $0x4;
	s26 =	sadd.s32 $0x1, s26  }
0x13b: {  	v62, _, _ =	vpop (xrf2);
	p0 =	sne.s32 s26, $0x8  }
.Ltmp5:
0x13c: {  	v3 =	vbroadcast v62, $0xF;
	v63, _, _ =	vpop (xrf2);
	(pc) =	sbr.rel @p0 .LBB2_10-.Ltmp5, $4  }
0x13d: {  	v4 =	vbroadcast v63, $0xF  }
0x13e: {  	v1 =	vsel vm14, v3, v1;
	vm15 =	veq.s32 v2, v0  }
0x13f: {  	s0 =	sand.u32 $0x3FFFFFF0, s31;
	v1 =	vsel vm15, v4, v1  }
0x140: {  	s28 =	sadd.s32 $0x800, s28;
	s29 =	sadd.s32 $0x800, s29;
	[tilespmem:s0+$0x10900] =	vst v1  }
0x141: {  	[tilespmem:s11], [sflag:$0x1] =	stream.indirect.gather [hbm4b:s3+s10], $0x80, s22, s10, $0xb8;
	[tilespmem:$0x10A80] =	vst v63  }
0x142: {  	_ = 	snop  }
0x143: {  	[tilespmem:s12], [sflag:$0x1] =	stream.indirect.gather [hbm4b:s3+s10], $0x80, s23, s10, $0xb8;
	[tilespmem:$0x10A80] =	vst v63  }
0x144: {  	_ =	swait.ge [sflag:s19], $0x4000  }
0x145: {  	[sflag:s19] =	ssyncset.done $0x0  }
0x146: {  	[sflag:s19] =	ssyncadd.s32 $0xFFFFC000  }
0x147: {  	_ =	swait.ge [sflag:s19], $0x4000  }
0x148: {  	s26 =	simm.s32 $0x0;
	[sflag:s19] =	ssyncset.done $0x0  }
0x149: {  	s28 =	simm.s32 $0x8840;
	s29 =	simm.s32 $0xC840;
	[sflag:s19] =	ssyncadd.s32 $0xFFFFC000  }
.LBB2_14:
0x14a: {  	v1 =	vld [tilespmem:s28+$0xFFFFFFC0]  }
0x14b: {  	v2 =	vld [tilespmem:s29+$0xFFFFFFC0]  }
0x14c: {  	v3 =	vld [tilespmem:s28+$0xFFFFFFD0]  }
0x14d: {  	v4 =	vld [tilespmem:s29+$0xFFFFFFD0]  }
0x14e: {  	v5 =	vld [tilespmem:s28+$0xFFFFFFE0]  }
0x14f: {  	v6 =	vld [tilespmem:s29+$0xFFFFFFE0]  }
0x150: {  	v7 =	vld [tilespmem:s28+$0xFFFFFFF0]  }
0x151: {  	v8 =	vld [tilespmem:s29+$0xFFFFFFF0]  }
0x152: {  	v9 =	vld [tilespmem:s28+$0x0]  }
0x153: {  	v10 =	vld [tilespmem:s29+$0x0]  }
0x154: {  	v11 =	vld [tilespmem:s28+$0x10]  }
0x155: {  	v12 =	vld [tilespmem:s29+$0x10]  }
0x156: {  	v13 =	vld [tilespmem:s28+$0x20];
	v1 =	vmul.f32 v2, v1  }
0x157: {  	v14 =	vld [tilespmem:s29+$0x20]  }
0x158: {  	v15 =	vld [tilespmem:s29+$0x30];
	s14 =	sadd.s32 $0x80, s29;
	v3 =	vmul.f32 v4, v3;
	v1 =	vadd.f32 $0.0e+00, v1  }
0x159: {  	s0 =	sadd.s32 $0x80, s28;
	v16 =	vld [tilespmem:s14+$0xFFFFFFC0]  }
0x15a: {  	v4 =	vld [tilespmem:s0+$0xFFFFFFC0];
	v1 =	vadd.f32 v3, v1;
	v3 =	vmul.f32 v6, v5  }
0x15b: {  	v5 =	vld [tilespmem:s0+$0xFFFFFFD0]  }
0x15c: {  	v6 =	vld [tilespmem:s14+$0xFFFFFFD0];
	v1 =	vadd.f32 v3, v1;
	v3 =	vmul.f32 v8, v7  }
0x15d: {  	v2 =	vld [tilespmem:s28+$0x30]  }
0x15e: {  	v7 =	vld [tilespmem:s0+$0xFFFFFFE0];
	v1 =	vadd.f32 v3, v1;
	v3 =	vmul.f32 v10, v9  }
0x15f: {  	v4 =	vmul.f32 v16, v4;
	v8 =	vld [tilespmem:s14+$0xFFFFFFE0]  }
0x160: {  	v1 =	vadd.f32 v3, v1;
	v3 =	vmul.f32 v12, v11  }
0x161: {  	v4 =	vadd.f32 $0.0e+00, v4;
	v5 =	vmul.f32 v6, v5  }
0x162: {  	v1 =	vadd.f32 v3, v1;
	v3 =	vmul.f32 v14, v13  }
0x163: {  	v4 =	vadd.f32 v5, v4  }
0x164: {  	v5 =	vmul.f32 v8, v7;
	v7 =	vmul.f32 v15, v2;
	v1 =	vadd.f32 v3, v1;
	_ =	sdelay $0x1  }
0x165: {  	v9 =	vld [tilespmem:s0+$0xFFFFFFF0];
	v1 =	vadd.f32 v7, v1  }
0x166: {  	v10 =	vld [tilespmem:s14+$0xFFFFFFF0]  }
0x167: {  	v6 =	vld [tilespmem:s14+$0x0];
	(xrf2) =	vadd.scan.msk.f32 $0xffff, v1  }
0x168: {  	v11 =	vld [tilespmem:s0+$0x0]  }
0x169: {  	v63 =	vld [tilespmem:s0+$0x10]  }
0x16a: {  	v8 =	vld [tilespmem:s14+$0x10]  }
0x16b: {  	v4 =	vadd.f32 v5, v4;
	v9 =	vmul.f32 v10, v9;
	v5 =	vld [tilespmem:s14+$0x20]  }
0x16c: {  	v3 =	vld [tilespmem:s0+$0x20]  }
0x16d: {  	v2 =	vld [tilespmem:s0+$0x30];
	v7 =	vadd.f32 v9, v4;
	v9 =	vmul.f32 v6, v11  }
0x16e: {  	s1 =	sadd.s32 $0x80, s0;
	v4 =	vld [tilespmem:s14+$0x30]  }
0x16f: {  	s30 =	simm.s32 $0x1;
	v6 =	vld [tilespmem:s1+$0xFFFFFFC0];
	s14 =	sadd.s32 $0x80, s14;
	v8 =	vmul.f32 v8, v63;
	v7 =	vadd.f32 v9, v7  }
0x170: {  	s31 =	simm.s32 $0x2;
	s17 =	simm.s32 $0x3;
	s0 =	simm.s32 $0x0;
	v1 =	vimm.f32 $0.0e+00;
	v9 =	vld [tilespmem:s14+$0xFFFFFFC0]  }
.LBB2_15:
0x171: {  	p0 =	sne.s32 s17, $0xF;
	v10 =	vld [tilespmem:s1+$0xFFFFFFD0];
	v7 =	vadd.f32 v8, v7;
	v3 =	vmul.f32 v5, v3;
	v5, _, _ =	vpop (xrf2)  }
0x172: {  	v11 =	vmov s0;
	s0 =	smov.u32 s30;
	s30 =	smov.u32 s31;
	s31 =	smov.u32 s17;
	v8 =	vld [tilespmem:s14+$0xFFFFFFD0];
	v5 =	vbroadcast v5, $0xF  }
0x173: {  	vm0 =	veq.s32 v11, v0;
	v12 =	vld [tilespmem:s1+$0xFFFFFFE0];
	v3 =	vadd.f32 v3, v7;
	v2 =	vmul.f32 v4, v2  }
0x174: {  	v4 =	vld [tilespmem:s14+$0xFFFFFFE0];
	v1 =	vsel vm0, v5, v1  }
0x175: {  	v5 =	vmul.f32 v9, v6;
	v6 =	vld [tilespmem:s1+$0xFFFFFFF0];
	v2 =	vadd.f32 v2, v3  }
0x176: {  	v3 =	vld [tilespmem:s14+$0xFFFFFFF0]  }
0x177: {  	v5 =	vadd.f32 $0.0e+00, v5;
	v7 =	vmul.f32 v8, v10;
	v8 =	vld [tilespmem:s1+$0x0];
	(xrf2) =	vadd.scan.msk.f32 $0xffff, v2  }
0x178: {  	v2 =	vld [tilespmem:s14+$0x0]  }
0x179: {  	v5 =	vadd.f32 v7, v5;
	v4 =	vmul.f32 v4, v12;
	v9 =	vld [tilespmem:s1+$0x10]  }
0x17a: {  	v10 =	vld [tilespmem:s14+$0x10]  }
0x17b: {  	v4 =	vadd.f32 v4, v5;
	v6 =	vmul.f32 v3, v6;
	v3 =	vld [tilespmem:s1+$0x20]  }
.Ltmp6:
0x17c: {  	v5 =	vld [tilespmem:s14+$0x20];
	(pc) =	sbr.rel @p0 .LBB2_15-.Ltmp6, $4  }
0x17d: {  	v7 =	vadd.f32 v6, v4;
	v8 =	vmul.f32 v2, v8;
	v2 =	vld [tilespmem:s1+$0x30]  }
0x17e: {  	s1 =	sadd.s32 $0x80, s1;
	v4 =	vld [tilespmem:s14+$0x30]  }
0x17f: {  	s14 =	sadd.s32 $0x80, s14;
	v6 =	vld [tilespmem:s1+$0xFFFFFFC0];
	v7 =	vadd.f32 v8, v7;
	v8 =	vmul.f32 v10, v9  }
0x180: {  	s17 =	sadd.s32 $0x1, s17;
	v9 =	vld [tilespmem:s14+$0xFFFFFFC0]  }
0x181: {  	v10 =	vld [tilespmem:s1+$0xFFFFFFD0]  }
0x182: {  	v11 =	vld [tilespmem:s14+$0xFFFFFFD0]  }
0x183: {  	v12 =	vld [tilespmem:s1+$0xFFFFFFE0]  }
0x184: {  	v13 =	vld [tilespmem:s14+$0xFFFFFFE0]  }
0x185: {  	v47 =	vld [tilespmem:s1+$0xFFFFFFF0];
	v6 =	vmul.f32 v9, v6  }
0x186: {  	v14 =	vld [tilespmem:s14+$0xFFFFFFF0]  }
0x187: {  	v48 =	vld [tilespmem:s1+$0x0];
	v10 =	vmul.f32 v11, v10;
	v6 =	vadd.f32 $0.0e+00, v6  }
0x188: {  	v15 =	vld [tilespmem:s14+$0x0]  }
0x189: {  	v50 =	vld [tilespmem:s1+$0x10];
	v49 =	vmul.f32 v13, v12;
	v6 =	vadd.f32 v10, v6  }
0x18a: {  	v51 =	vld [tilespmem:s14+$0x10]  }
0x18b: {  	v52 =	vld [tilespmem:s1+$0x20];
	v9 =	vmul.f32 v14, v47;
	v6 =	vadd.f32 v49, v6  }
0x18c: {  	v53 =	vld [tilespmem:s14+$0x20]  }
0x18d: {  	v55 =	vld [tilespmem:s1+$0x30];
	v54 =	vmul.f32 v15, v48;
	v6 =	vadd.f32 v9, v6  }
0x18e: {  	v56 =	vld [tilespmem:s14+$0x30]  }
0x18f: {  	v57 =	vmul.f32 v51, v50;
	v6 =	vadd.f32 v54, v6  }
0x190: {  	v7 =	vadd.f32 v8, v7;
	v3 =	vmul.f32 v5, v3  }
0x191: {  	v59 =	vmul.f32 v53, v52;
	v58 =	vadd.f32 v57, v6  }
0x192: {  	v3 =	vadd.f32 v3, v7;
	v2 =	vmul.f32 v4, v2  }
0x193: {  	v61 =	vmul.f32 v56, v55;
	v60 =	vadd.f32 v59, v58  }
0x194: {  	v2 =	vadd.f32 v2, v3  }
0x195: {  	v3 =	vadd.f32 v61, v60  }
0x196: {  	(xrf2) =	vadd.scan.msk.f32 $0xffff, v2  }
0x197: {  	(xrf2) =	vadd.scan.msk.f32 $0xffff, v3;
	_ =	sdelay $0x3  }
0x198: {  	v2, _, _ =	vpop (xrf2)  }
0x199: {  	v2 =	vbroadcast v2, $0xF;
	v3 =	vmov s0  }
0x19a: {  	vm0 =	veq.s32 v3, v0  }
0x19b: {  	v1 =	vsel vm0, v2, v1;
	v2 =	vmov s30  }
0x19c: {  	vm14 =	veq.s32 v2, v0;
	v2 =	vmov s31;
	s31 =	sshll.u32 s26, $0x4;
	s26 =	sadd.s32 $0x1, s26  }
0x19d: {  	v62, _, _ =	vpop (xrf2);
	p0 =	sne.s32 s26, $0x8  }
.Ltmp7:
0x19e: {  	v3 =	vbroadcast v62, $0xF;
	v63, _, _ =	vpop (xrf2);
	(pc) =	sbr.rel @p0 .LBB2_14-.Ltmp7, $4  }
0x19f: {  	v4 =	vbroadcast v63, $0xF  }
0x1a0: {  	v1 =	vsel vm14, v3, v1;
	vm15 =	veq.s32 v2, v0  }
0x1a1: {  	s0 =	sand.u32 $0x3FFFFFF0, s31;
	v1 =	vsel vm15, v4, v1  }
0x1a2: {  	s28 =	sadd.s32 $0x800, s28;
	s29 =	sadd.s32 $0x800, s29;
	[tilespmem:s0+$0x10980] =	vst v1  }
0x1a3: {  	_ =	swait.ge [sflag:s16], $0x4000  }
0x1a4: {  	[sflag:s16] =	ssyncset.done $0x0  }
0x1a5: {  	[sflag:s16] =	ssyncadd.s32 $0xFFFFC000  }
0x1a6: {  	_ =	swait.ge [sflag:s16], $0x4000  }
0x1a7: {  	s26 =	simm.s32 $0x0;
	[sflag:s16] =	ssyncset.done $0x0  }
0x1a8: {  	s28 =	simm.s32 $0x840;
	s29 =	simm.s32 $0x4840;
	[sflag:s16] =	ssyncadd.s32 $0xFFFFC000  }
.LBB2_18:
0x1a9: {  	v1 =	vld [tilespmem:s28+$0xFFFFFFC0]  }
0x1aa: {  	v2 =	vld [tilespmem:s29+$0xFFFFFFC0]  }
0x1ab: {  	v3 =	vld [tilespmem:s28+$0xFFFFFFD0]  }
0x1ac: {  	v4 =	vld [tilespmem:s29+$0xFFFFFFD0]  }
0x1ad: {  	v5 =	vld [tilespmem:s28+$0xFFFFFFE0]  }
0x1ae: {  	v6 =	vld [tilespmem:s29+$0xFFFFFFE0]  }
0x1af: {  	v7 =	vld [tilespmem:s28+$0xFFFFFFF0]  }
0x1b0: {  	v8 =	vld [tilespmem:s29+$0xFFFFFFF0]  }
0x1b1: {  	v9 =	vld [tilespmem:s28+$0x0]  }
0x1b2: {  	v10 =	vld [tilespmem:s29+$0x0]  }
0x1b3: {  	v11 =	vld [tilespmem:s28+$0x10]  }
0x1b4: {  	v12 =	vld [tilespmem:s29+$0x10]  }
0x1b5: {  	v13 =	vld [tilespmem:s28+$0x20];
	v1 =	vmul.f32 v2, v1  }
0x1b6: {  	v14 =	vld [tilespmem:s29+$0x20]  }
0x1b7: {  	v15 =	vld [tilespmem:s29+$0x30];
	s14 =	sadd.s32 $0x80, s29;
	v3 =	vmul.f32 v4, v3;
	v1 =	vadd.f32 $0.0e+00, v1  }
0x1b8: {  	s0 =	sadd.s32 $0x80, s28;
	v16 =	vld [tilespmem:s14+$0xFFFFFFC0]  }
0x1b9: {  	v4 =	vld [tilespmem:s0+$0xFFFFFFC0];
	v1 =	vadd.f32 v3, v1;
	v3 =	vmul.f32 v6, v5  }
0x1ba: {  	v5 =	vld [tilespmem:s0+$0xFFFFFFD0]  }
0x1bb: {  	v6 =	vld [tilespmem:s14+$0xFFFFFFD0];
	v1 =	vadd.f32 v3, v1;
	v3 =	vmul.f32 v8, v7  }
0x1bc: {  	v2 =	vld [tilespmem:s28+$0x30]  }
0x1bd: {  	v7 =	vld [tilespmem:s0+$0xFFFFFFE0];
	v1 =	vadd.f32 v3, v1;
	v3 =	vmul.f32 v10, v9  }
0x1be: {  	v4 =	vmul.f32 v16, v4;
	v8 =	vld [tilespmem:s14+$0xFFFFFFE0]  }
0x1bf: {  	v1 =	vadd.f32 v3, v1;
	v3 =	vmul.f32 v12, v11  }
0x1c0: {  	v4 =	vadd.f32 $0.0e+00, v4;
	v5 =	vmul.f32 v6, v5  }
0x1c1: {  	v1 =	vadd.f32 v3, v1;
	v3 =	vmul.f32 v14, v13  }
0x1c2: {  	v4 =	vadd.f32 v5, v4  }
0x1c3: {  	v5 =	vmul.f32 v8, v7;
	v7 =	vmul.f32 v15, v2;
	v1 =	vadd.f32 v3, v1;
	_ =	sdelay $0x1  }
0x1c4: {  	v9 =	vld [tilespmem:s0+$0xFFFFFFF0];
	v1 =	vadd.f32 v7, v1  }
0x1c5: {  	v10 =	vld [tilespmem:s14+$0xFFFFFFF0]  }
0x1c6: {  	v6 =	vld [tilespmem:s14+$0x0];
	(xrf2) =	vadd.scan.msk.f32 $0xffff, v1  }
0x1c7: {  	v11 =	vld [tilespmem:s0+$0x0]  }
0x1c8: {  	v63 =	vld [tilespmem:s0+$0x10]  }
0x1c9: {  	v8 =	vld [tilespmem:s14+$0x10]  }
0x1ca: {  	v4 =	vadd.f32 v5, v4;
	v9 =	vmul.f32 v10, v9;
	v5 =	vld [tilespmem:s14+$0x20]  }
0x1cb: {  	v3 =	vld [tilespmem:s0+$0x20]  }
0x1cc: {  	v2 =	vld [tilespmem:s0+$0x30];
	v7 =	vadd.f32 v9, v4;
	v9 =	vmul.f32 v6, v11  }
0x1cd: {  	s1 =	sadd.s32 $0x80, s0;
	v4 =	vld [tilespmem:s14+$0x30]  }
0x1ce: {  	s30 =	simm.s32 $0x1;
	v6 =	vld [tilespmem:s1+$0xFFFFFFC0];
	s14 =	sadd.s32 $0x80, s14;
	v8 =	vmul.f32 v8, v63;
	v7 =	vadd.f32 v9, v7  }
0x1cf: {  	s31 =	simm.s32 $0x2;
	s17 =	simm.s32 $0x3;
	s0 =	simm.s32 $0x0;
	v1 =	vimm.f32 $0.0e+00;
	v9 =	vld [tilespmem:s14+$0xFFFFFFC0]  }
.LBB2_19:
0x1d0: {  	p0 =	sne.s32 s17, $0xF;
	v10 =	vld [tilespmem:s1+$0xFFFFFFD0];
	v7 =	vadd.f32 v8, v7;
	v3 =	vmul.f32 v5, v3;
	v5, _, _ =	vpop (xrf2)  }
0x1d1: {  	v11 =	vmov s0;
	s0 =	smov.u32 s30;
	s30 =	smov.u32 s31;
	s31 =	smov.u32 s17;
	v8 =	vld [tilespmem:s14+$0xFFFFFFD0];
	v5 =	vbroadcast v5, $0xF  }
0x1d2: {  	vm0 =	veq.s32 v11, v0;
	v12 =	vld [tilespmem:s1+$0xFFFFFFE0];
	v3 =	vadd.f32 v3, v7;
	v2 =	vmul.f32 v4, v2  }
0x1d3: {  	v4 =	vld [tilespmem:s14+$0xFFFFFFE0];
	v1 =	vsel vm0, v5, v1  }
0x1d4: {  	v5 =	vmul.f32 v9, v6;
	v6 =	vld [tilespmem:s1+$0xFFFFFFF0];
	v2 =	vadd.f32 v2, v3  }
0x1d5: {  	v3 =	vld [tilespmem:s14+$0xFFFFFFF0]  }
0x1d6: {  	v5 =	vadd.f32 $0.0e+00, v5;
	v7 =	vmul.f32 v8, v10;
	v8 =	vld [tilespmem:s1+$0x0];
	(xrf2) =	vadd.scan.msk.f32 $0xffff, v2  }
0x1d7: {  	v2 =	vld [tilespmem:s14+$0x0]  }
0x1d8: {  	v5 =	vadd.f32 v7, v5;
	v4 =	vmul.f32 v4, v12;
	v9 =	vld [tilespmem:s1+$0x10]  }
0x1d9: {  	v10 =	vld [tilespmem:s14+$0x10]  }
0x1da: {  	v4 =	vadd.f32 v4, v5;
	v6 =	vmul.f32 v3, v6;
	v3 =	vld [tilespmem:s1+$0x20]  }
.Ltmp8:
0x1db: {  	v5 =	vld [tilespmem:s14+$0x20];
	(pc) =	sbr.rel @p0 .LBB2_19-.Ltmp8, $4  }
0x1dc: {  	v7 =	vadd.f32 v6, v4;
	v8 =	vmul.f32 v2, v8;
	v2 =	vld [tilespmem:s1+$0x30]  }
0x1dd: {  	s1 =	sadd.s32 $0x80, s1;
	v4 =	vld [tilespmem:s14+$0x30]  }
0x1de: {  	s14 =	sadd.s32 $0x80, s14;
	v6 =	vld [tilespmem:s1+$0xFFFFFFC0];
	v7 =	vadd.f32 v8, v7;
	v8 =	vmul.f32 v10, v9  }
0x1df: {  	s17 =	sadd.s32 $0x1, s17;
	v9 =	vld [tilespmem:s14+$0xFFFFFFC0]  }
0x1e0: {  	v10 =	vld [tilespmem:s1+$0xFFFFFFD0]  }
0x1e1: {  	v11 =	vld [tilespmem:s14+$0xFFFFFFD0]  }
0x1e2: {  	v12 =	vld [tilespmem:s1+$0xFFFFFFE0]  }
0x1e3: {  	v13 =	vld [tilespmem:s14+$0xFFFFFFE0]  }
0x1e4: {  	v47 =	vld [tilespmem:s1+$0xFFFFFFF0];
	v6 =	vmul.f32 v9, v6  }
0x1e5: {  	v14 =	vld [tilespmem:s14+$0xFFFFFFF0]  }
0x1e6: {  	v48 =	vld [tilespmem:s1+$0x0];
	v10 =	vmul.f32 v11, v10;
	v6 =	vadd.f32 $0.0e+00, v6  }
0x1e7: {  	v15 =	vld [tilespmem:s14+$0x0]  }
0x1e8: {  	v50 =	vld [tilespmem:s1+$0x10];
	v49 =	vmul.f32 v13, v12;
	v6 =	vadd.f32 v10, v6  }
0x1e9: {  	v51 =	vld [tilespmem:s14+$0x10]  }
0x1ea: {  	v52 =	vld [tilespmem:s1+$0x20];
	v9 =	vmul.f32 v14, v47;
	v6 =	vadd.f32 v49, v6  }
0x1eb: {  	v53 =	vld [tilespmem:s14+$0x20]  }
0x1ec: {  	v55 =	vld [tilespmem:s1+$0x30];
	v54 =	vmul.f32 v15, v48;
	v6 =	vadd.f32 v9, v6  }
0x1ed: {  	v56 =	vld [tilespmem:s14+$0x30]  }
0x1ee: {  	v57 =	vmul.f32 v51, v50;
	v6 =	vadd.f32 v54, v6  }
0x1ef: {  	v7 =	vadd.f32 v8, v7;
	v3 =	vmul.f32 v5, v3  }
0x1f0: {  	v59 =	vmul.f32 v53, v52;
	v58 =	vadd.f32 v57, v6  }
0x1f1: {  	v3 =	vadd.f32 v3, v7;
	v2 =	vmul.f32 v4, v2  }
0x1f2: {  	v61 =	vmul.f32 v56, v55;
	v60 =	vadd.f32 v59, v58  }
0x1f3: {  	v2 =	vadd.f32 v2, v3  }
0x1f4: {  	v3 =	vadd.f32 v61, v60  }
0x1f5: {  	(xrf2) =	vadd.scan.msk.f32 $0xffff, v2  }
0x1f6: {  	(xrf2) =	vadd.scan.msk.f32 $0xffff, v3;
	_ =	sdelay $0x3  }
0x1f7: {  	v2, _, _ =	vpop (xrf2)  }
0x1f8: {  	v2 =	vbroadcast v2, $0xF;
	v3 =	vmov s0  }
0x1f9: {  	vm0 =	veq.s32 v3, v0  }
0x1fa: {  	v1 =	vsel vm0, v2, v1;
	v2 =	vmov s30  }
0x1fb: {  	vm14 =	veq.s32 v2, v0;
	v2 =	vmov s31;
	s31 =	sshll.u32 s26, $0x4;
	s26 =	sadd.s32 $0x1, s26  }
0x1fc: {  	v62, _, _ =	vpop (xrf2);
	p0 =	sne.s32 s26, $0x8  }
.Ltmp9:
0x1fd: {  	v3 =	vbroadcast v62, $0xF;
	v63, _, _ =	vpop (xrf2);
	(pc) =	sbr.rel @p0 .LBB2_18-.Ltmp9, $4  }
0x1fe: {  	v4 =	vbroadcast v63, $0xF  }
0x1ff: {  	v1 =	vsel vm14, v3, v1;
	vm15 =	veq.s32 v2, v0  }
0x200: {  	s0 =	sand.u32 $0x3FFFFFF0, s31;
	v1 =	vsel vm15, v4, v1  }
0x201: {  	s28 =	sadd.s32 $0x800, s28;
	s29 =	sadd.s32 $0x800, s29;
	[tilespmem:s0+$0x10A00] =	vst v1  }
0x202: {  	s25 =	sadd.s32 $0x1, s25  }
0x203: {  	p0 =	sne.s32 s25, s7  }
.Ltmp10:
0x204: {  	_ = 	snop;
	(pc) =	sbr.rel @p0 .LBB2_1-.Ltmp10, $4  }
0x205: {  	[hbm4b:s6+s10] =	stream.strided.scatter [tilespmem:s24], [sflag:$0x3], $0x280, s9, s10, $0x38;
	[tilespmem:$0x10A80] =	vst v63  }
0x206: {  	_ =	swait.ge [sflag:s8], $0x280  }
0x207: {  	[sflag:s8] =	ssyncset.done $0x0  }
0x208: {  	[sflag:s8] =	ssyncadd.s32 $0xFFFFFD80  }
0x209: {  	_ =	sfence.sel $0x180000  }
0x20a: {  	[bflag:$0x0] =	sbarrier.arrive $0xFFFF  }
0x20b: {  	_ =	strace $0x90000050  }
0x20c: {  	s0 =	stileid.u32;
	[bflag:$0x2] =	sbarrier.arrive $0xFFFF  }
0x20d: {  	p0 =	sne.s32 s0, $0x0;
	s0 =	rddreg [dreg:$0x1]  }
0x20e: {  	s0 =	sadd.s32 @!p0 $0x100000, s0  }
0x20f: {  	[sflag:s0] =	ssyncadd.tile.s32 @!p0 $0x1;
	_ =	shalt  }
.Lfunc_end2:
_tile_overlayer_lowered:
.L_overlay_start_2:
0x210: {  	(tag) =	ssettag $0x2  }
0x211: {  	s0 =	rddreg [dreg:$0x0];
	s2 =	stileid.u32  }
0x212: {  	s1 =	rddreg [dreg:$0x1];
	p0 =	sne.s32 s2, $0x0  }
0x213: {  	s3 =	rddreg [dreg:$0x2];
	[bflag:$0x3] =	sbarrier.arrive $0xFFFF;
	s2 =	simm.s32 @!p0 $0x1C03  }
0x214: {  	[timem:s3], [sflag:s2] =	dma.local @!p0 [hbm:s0], s1  }
0x215: {  	s0 =	simm.s32 @!p0 $0x3  }
0x216: {  	_ =	swait.ge @!p0 [sflag:s0], s1  }
0x217: {  	s1 =	ssub.s32 @!p0 $0x0, s1;
	[sflag:s0] =	ssyncset.done @!p0 $0x0  }
0x218: {  	[sflag:s0] =	ssyncadd.s32 @!p0 s1  }
0x219: {  	[bflag:$0x3] =	sbarrier.arrive $0xFFFF  }
0x21a: {  	_ =	shalt  }

</sc_bundles>
